<compile_context>
chip_gen: v7x
topology: tpu7x:2x2x1
jax: 0.10.2.dev20260603
libtpu: 0.0.44.dev20260713+nightly
codegen_flags: <defaults>
</compile_context>

<pallas_src>
import functools

import jax
import jax.numpy as jnp
from jax import lax
from jax.experimental import pallas as pl
from jax.experimental.pallas import tpu as pltpu
from jax.experimental.pallas import tpu_sc as plsc

L = 16
NW = 32
D = 4


def _ceil_div(a, b):
    return -(-a // b)


@functools.lru_cache(maxsize=None)
def _build_sc_normalize(ncol, nb, nr, n_max, n_std):
    cpp = 32
    cl = _ceil_div(_ceil_div(nr, cpp), 128) * 128
    n_full = nr // cl
    tail0 = n_full * cl
    tail_l = nr - tail0
    assert tail_l > 0 and tail_l % L == 0 and tail0 % 128 == 0
    cpp = n_full + 1
    units = ncol * cpp
    assert units % NW == 0
    upw = units // NW
    assert upw >= D
    n_max_pad = _ceil_div(n_max, L) * L
    n_std_pad = _ceil_div(n_std, L) * L
    ncol_pad = _ceil_div(ncol, L) * L

    mesh = plsc.VectorSubcoreMesh(core_axis_name="c", subcore_axis_name="s")

    @functools.partial(
        pl.kernel,
        mesh=mesh,
        out_type=jax.ShapeDtypeStruct((ncol, nb, nr), jnp.float32),
        compiler_params=pltpu.CompilerParams(
            needs_layout_passes=False, use_tc_tiling_on_sc=True),
        scratch_types=[
            pltpu.VMEM((ncol_pad,), jnp.float32),
            pltpu.VMEM((ncol_pad,), jnp.float32),
            pltpu.VMEM((n_max_pad,), jnp.float32),
            pltpu.VMEM((n_std_pad,), jnp.float32),
            pltpu.VMEM((n_std_pad,), jnp.float32),
            pltpu.VMEM((n_max_pad,), jnp.int32),
            pltpu.VMEM((n_std_pad,), jnp.int32),
            pltpu.VMEM((D, nb, cl), jnp.float32),
            pltpu.VMEM((D, nb, cl), jnp.float32),
            pltpu.VMEM((D, nb, tail_l), jnp.float32),
            pltpu.VMEM((D, nb, tail_l), jnp.float32),
        ] + [pltpu.SemaphoreType.DMA] * (2 * D + 1),
    )
    def normalize(x_hbm, maxn_hbm, mu_hbm, sd_hbm, maxidx_hbm, stdidx_hbm,
                  out_hbm,
                  a_tab, b_tab, maxn_v, mu_v, sd_v, maxidx_v, stdidx_v,
                  in_bufs, out_bufs, in_tails, out_tails,
                  *sems):
        sem_in = sems[:D]
        sem_out = sems[D:2 * D]
        sem_p = sems[2 * D]
        wid = lax.axis_index("s") * 2 + lax.axis_index("c")
        iota = lax.broadcasted_iota(jnp.int32, (L,), 0)

        def unit(i):
            u = i * NW + wid
            return u // cpp, u % cpp

        def _in_copies(i, j):
            c, sub = unit(i)
            l0 = pl.multiple_of(
                jnp.clip(sub, 0, n_full - 1) * cl, 128)
            full = pltpu.make_async_copy(
                x_hbm.at[c, :, pl.ds(l0, cl)], in_bufs.at[j], sem_in[j])
            tail = pltpu.make_async_copy(
                x_hbm.at[c, :, pl.ds(tail0, tail_l)], in_tails.at[j],
                sem_in[j])
            return full, tail, sub

        def _out_copies(i, j):
            c, sub = unit(i)
            l0 = pl.multiple_of(
                jnp.clip(sub, 0, n_full - 1) * cl, 128)
            full = pltpu.make_async_copy(
                out_bufs.at[j], out_hbm.at[c, :, pl.ds(l0, cl)], sem_out[j])
            tail = pltpu.make_async_copy(
                out_tails.at[j], out_hbm.at[c, :, pl.ds(tail0, tail_l)],
                sem_out[j])
            return full, tail, sub

        def start_in(i, j):
            full, tail, sub = _in_copies(i, j)

            @pl.when(sub < n_full)
            def _():
                full.start()

            @pl.when(sub == n_full)
            def _():
                tail.start()

        def wait_in(i, j):
            full, tail, sub = _in_copies(i, j)

            @pl.when(sub < n_full)
            def _():
                full.wait()

            @pl.when(sub == n_full)
            def _():
                tail.wait()

        def start_out(i, j):
            full, tail, sub = _out_copies(i, j)

            @pl.when(sub < n_full)
            def _():
                full.start()

            @pl.when(sub == n_full)
            def _():
                tail.start()

        def wait_out(i, j):
            full, tail, sub = _out_copies(i, j)

            @pl.when(sub < n_full)
            def _():
                full.wait()

            @pl.when(sub == n_full)
            def _():
                tail.wait()

        def compute(i, j):
            c, sub = unit(i)
            c_vec = jnp.full((L,), 0, jnp.int32) + c
            av = plsc.load_gather(a_tab, [c_vec])
            bv = plsc.load_gather(b_tab, [c_vec])
            ib = in_bufs.at[j]
            ob = out_bufs.at[j]
            ibt = in_tails.at[j]
            obt = out_tails.at[j]

            @pl.when(sub < n_full)
            def _():
                def tbody(t, carry):
                    l0 = pl.multiple_of(t * 128, 128)
                    for s in range(nb):
                        for k in range(128 // L):
                            o = l0 + k * L
                            ob[s, pl.ds(o, L)] = ib[s, pl.ds(o, L)] * av + bv
                    return carry
                lax.fori_loop(0, cl // 128, tbody, 0)

            @pl.when(sub == n_full)
            def _():
                def vbody(t, carry):
                    o = pl.multiple_of(t * L, L)
                    for s in range(nb):
                        obt[s, pl.ds(o, L)] = ibt[s, pl.ds(o, L)] * av + bv
                    return carry
                lax.fori_loop(0, tail_l // L, vbody, 0)

        for j in range(D):
            start_in(j, j)

        stage = [
            pltpu.make_async_copy(maxn_hbm, maxn_v, sem_p),
            pltpu.make_async_copy(mu_hbm, mu_v, sem_p),
            pltpu.make_async_copy(sd_hbm, sd_v, sem_p),
            pltpu.make_async_copy(maxidx_hbm, maxidx_v, sem_p),
            pltpu.make_async_copy(stdidx_hbm, stdidx_v, sem_p),
        ]
        for cp in stage:
            cp.start()
        for cp in stage:
            cp.wait()

        ones = jnp.full((L,), 1.0, jnp.float32)
        zeros = jnp.full((L,), 0.0, jnp.float32)
        for k in range(ncol_pad // L):
            a_tab[pl.ds(k * L, L)] = ones
            b_tab[pl.ds(k * L, L)] = zeros
        for j in range(n_max_pad // L):
            idx = maxidx_v[pl.ds(j * L, L)]
            inv = ones / maxn_v[pl.ds(j * L, L)]
            m = (iota + j * L) < n_max
            plsc.store_scatter(a_tab, [idx], inv, mask=m)
        for j in range(n_std_pad // L):
            idx = stdidx_v[pl.ds(j * L, L)]
            inv = ones / sd_v[pl.ds(j * L, L)]
            mb = (zeros - mu_v[pl.ds(j * L, L)]) * inv
            m = (iota + j * L) < n_std
            plsc.store_scatter(a_tab, [idx], inv, mask=m)
            plsc.store_scatter(b_tab, [idx], mb, mask=m)

        def lbody(blk, carry):
            for j in range(D):
                u = blk * D + j

                @pl.when(u < upw)
                def _():
                    wait_in(u, j)

                    @pl.when(blk > 0)
                    def _():
                        wait_out(u - D, j)
                    compute(u, j)
                    start_out(u, j)

                    @pl.when(u + D < upw)
                    def _():
                        start_in(u + D, j)
            return carry

        lax.fori_loop(0, _ceil_div(upw, D), lbody, 0)
        for j in range(D):
            wait_out(((upw - 1 - j) // D) * D + j, j)

    return normalize


def kernel(x, max_norm, std_norm_mu, std_norm_sd, max_norm_idx, std_norm_idx):
    ncol = x.shape[-1]
    nb = x.shape[0]
    nr = x.shape[1]
    n_max = max_norm.shape[0]
    n_std = std_norm_idx.shape[0]
    n_max_pad = _ceil_div(n_max, L) * L
    n_std_pad = _ceil_div(n_std, L) * L

    def _pad(v, n_pad, fill, dtype):
        pad = jnp.full((n_pad - v.shape[0],), fill, dtype)
        return jnp.concatenate([v.astype(dtype), pad])

    maxn = _pad(max_norm, n_max_pad, 1.0, jnp.float32)
    mu = _pad(std_norm_mu, n_std_pad, 0.0, jnp.float32)
    sd = _pad(std_norm_sd, n_std_pad, 1.0, jnp.float32)
    maxidx = _pad(max_norm_idx, n_max_pad, 0, jnp.int32)
    stdidx = _pad(std_norm_idx, n_std_pad, 0, jnp.int32)
    fn = _build_sc_normalize(ncol, nb, nr, n_max, n_std)
    xt = jnp.transpose(x, (2, 0, 1))
    out_t = fn(xt, maxn, mu, sd, maxidx, stdidx)
    return jnp.transpose(out_t, (1, 2, 0))

# --- scband reference (transcript-rebuilt; emitter-appended) ---
"""Pipeline reference for scband-input-normalizer-75814762709640 (READ-ONLY COPY).

The authoritative reference and input builder live on the scoring server;
editing this copy changes nothing except your own understanding.
"""

import jax, jax.numpy as jnp
import numpy as np

DO_NOT_NORMALIZE = ['cos_latitude', 'cos_longitude', 'sin_latitude', 'sin_longitude', 'cos_julian_day', 'cos_local_time', 'sin_julian_day', 'sin_local_time', 'insolation', 'lsm']
MAX_NORMALIZE = ['blh', 'sdor', 'slor', 'z']


def _build_metadata():
    names = [f"v{i}" for i in range(84)] + MAX_NORMALIZE + DO_NOT_NORMALIZE
    name_to_index = {n: i for i, n in enumerate(names)}
    n = len(names)
    stats = {
        'maximum': np.arange(1, n + 1, dtype=np.float32),
        'mean': np.arange(n, dtype=np.float32),
        'stdev': np.arange(1, n + 1, dtype=np.float32),
    }
    return {'name_to_index': name_to_index, 'statistics_by_index': stats}


def setup_inputs(seed: int = 0) -> dict:
    key = jax.random.key(seed)
    md = _build_metadata()
    x = jax.random.normal(key, (2, 100000, 98), dtype=jnp.float32)
    max_idx = np.array(sorted(md['name_to_index'][v] for v in MAX_NORMALIZE), dtype=np.int32)
    std_idx = np.array(sorted(md['name_to_index'][v] for v in md['name_to_index'] if v not in DO_NOT_NORMALIZE and v not in MAX_NORMALIZE), dtype=np.int32)
    stats = md['statistics_by_index']
    return {
        'x': x,
        'max_norm': jnp.asarray(stats['maximum'][max_idx]),
        'std_norm_mu': jnp.asarray(stats['mean'][std_idx]),
        'std_norm_sd': jnp.asarray(stats['stdev'][std_idx]),
        'max_norm_idx': jnp.asarray(max_idx),
        'std_norm_idx': jnp.asarray(std_idx),
    }


def reference(x, max_norm, std_norm_mu, std_norm_sd, max_norm_idx, std_norm_idx):
    # x[..., max_idx] = x[..., max_idx] / max_norm  (in-place in torch -> functional .at in jax)
    x = x.at[..., max_norm_idx].set(x[..., max_norm_idx] / max_norm)
    # x[..., std_idx] = (x[..., std_idx] - mu) / sd
    x = x.at[..., std_norm_idx].set((x[..., std_norm_idx] - std_norm_mu) / std_norm_sd)
    return x

if __name__ == "__main__":
    import jax
    _d = setup_inputs()
    print(jax.jit(kernel)(*tuple(_d.values())))

</pallas_src>

<mosaic_0001>
#map = affine_map<(d0, d1) -> (0, 0, 0)>
#map1 = affine_map<(d0, d1) -> (0)>
module attributes {stable_mosaic.version = 14 : i64} {
  func.func @normalize(%arg0: i32, %arg1: i32, %arg2: memref<98x2x100000xf32, #tpu.memory_space<hbm>>, %arg3: memref<16xf32, #tpu.memory_space<hbm>>, %arg4: memref<96xf32, #tpu.memory_space<hbm>>, %arg5: memref<96xf32, #tpu.memory_space<hbm>>, %arg6: memref<16xi32, #tpu.memory_space<hbm>>, %arg7: memref<96xi32, #tpu.memory_space<hbm>>, %arg8: memref<98x2x100000xf32, #tpu.memory_space<hbm>>, %arg9: memref<112xf32, #tpu.memory_space<vmem>>, %arg10: memref<112xf32, #tpu.memory_space<vmem>>, %arg11: memref<16xf32, #tpu.memory_space<vmem>>, %arg12: memref<96xf32, #tpu.memory_space<vmem>>, %arg13: memref<96xf32, #tpu.memory_space<vmem>>, %arg14: memref<16xi32, #tpu.memory_space<vmem>>, %arg15: memref<96xi32, #tpu.memory_space<vmem>>, %arg16: memref<4x2x3200xf32, #tpu.memory_space<vmem>>, %arg17: memref<4x2x3200xf32, #tpu.memory_space<vmem>>, %arg18: memref<4x2x800xf32, #tpu.memory_space<vmem>>, %arg19: memref<4x2x800xf32, #tpu.memory_space<vmem>>, %arg20: memref<!tpu.dma_semaphore, #tpu.memory_space<semaphore_mem>>, %arg21: memref<!tpu.dma_semaphore, #tpu.memory_space<semaphore_mem>>, %arg22: memref<!tpu.dma_semaphore, #tpu.memory_space<semaphore_mem>>, %arg23: memref<!tpu.dma_semaphore, #tpu.memory_space<semaphore_mem>>, %arg24: memref<!tpu.dma_semaphore, #tpu.memory_space<semaphore_mem>>, %arg25: memref<!tpu.dma_semaphore, #tpu.memory_space<semaphore_mem>>, %arg26: memref<!tpu.dma_semaphore, #tpu.memory_space<semaphore_mem>>, %arg27: memref<!tpu.dma_semaphore, #tpu.memory_space<semaphore_mem>>, %arg28: memref<!tpu.dma_semaphore, #tpu.memory_space<semaphore_mem>>) attributes {dimension_semantics = [#tpu.dimension_semantics<core_parallel>, #tpu.dimension_semantics<subcore_parallel>], iteration_bounds = array<i64: 2, 16>, scalar_prefetch = 0 : i64, scratch_operands = 20 : i64, tpu.core_type = #tpu.core_type<sc_vector_subcore>, window_params = [{transform_indices = #map}, {transform_indices = #map1}, {transform_indices = #map1}, {transform_indices = #map1}, {transform_indices = #map1}, {transform_indices = #map1}, {transform_indices = #map}]} {
    %mul3A = arith.constant 2 : i32
    %mul3A_0 = arith.muli %arg1, %mul3A : i32
    %add3A = arith.addi %mul3A_0, %arg0 : i32
    %iota3A = tpu.iota {dimensions = array<i32: 0>} : vector<16xi32>
    %add3A_1 = arith.constant 0 : i32
    %add3A_2 = arith.addi %add3A_1, %add3A : i32
    %jit3A = arith.constant 32 : i32
    %div3A = arith.divsi %add3A_2, %jit3A : i32
    %sign3A = arith.constant 0 : i32
    %sign3A_3 = arith.cmpi sgt, %add3A_2, %sign3A : i32
    %sign3A_4 = arith.extui %sign3A_3 : i1 to i32
    %sign3A_5 = arith.constant 0 : i32
    %sign3A_6 = arith.cmpi slt, %add3A_2, %sign3A_5 : i32
    %sign3A_7 = arith.extui %sign3A_6 : i1 to i32
    %sign3A_8 = arith.subi %sign3A_4, %sign3A_7 : i32
    %sign3A_9 = arith.constant 0 : i32
    %sign3A_10 = arith.cmpi sgt, %jit3A, %sign3A_9 : i32
    %sign3A_11 = arith.extui %sign3A_10 : i1 to i32
    %sign3A_12 = arith.constant 0 : i32
    %sign3A_13 = arith.cmpi slt, %jit3A, %sign3A_12 : i32
    %sign3A_14 = arith.extui %sign3A_13 : i1 to i32
    %sign3A_15 = arith.subi %sign3A_11, %sign3A_14 : i32
    %ne3A = arith.cmpi ne, %sign3A_8, %sign3A_15 : i32
    %rem3A = arith.remsi %add3A_2, %jit3A : i32
    %ne3A_16 = arith.constant 0 : i32
    %ne3A_17 = arith.cmpi ne, %rem3A, %ne3A_16 : i32
    %and3A = arith.andi %ne3A, %ne3A_17 : i1
    %sub3A = arith.constant 1 : i32
    %sub3A_18 = arith.subi %div3A, %sub3A : i32
    %select_n3A = arith.select %and3A, %sub3A_18, %div3A : i32
    %jit3A_19 = arith.constant 32 : i32
    %eq3A = arith.constant 0 : i32
    %eq3A_20 = arith.cmpi eq, %jit3A_19, %eq3A : i32
    %jit3A_21 = arith.constant 1 : i32
    %select_n3A_22 = arith.select %eq3A_20, %jit3A_21, %jit3A_19 : i32
    %rem3A_23 = arith.remsi %add3A_2, %select_n3A_22 : i32
    %ne3A_24 = arith.constant 0 : i32
    %ne3A_25 = arith.cmpi ne, %rem3A_23, %ne3A_24 : i32
    %lt3A = arith.constant 0 : i32
    %lt3A_26 = arith.cmpi slt, %rem3A_23, %lt3A : i32
    %lt3A_27 = arith.constant 0 : i32
    %lt3A_28 = arith.cmpi slt, %select_n3A_22, %lt3A_27 : i32
    %ne3A_29 = arith.xori %lt3A_26, %lt3A_28 : i1
    %and3A_30 = arith.andi %ne3A_29, %ne3A_25 : i1
    %add3A_31 = arith.addi %rem3A_23, %select_n3A_22 : i32
    %select_n3A_32 = arith.select %and3A_30, %add3A_31, %rem3A_23 : i32
    %jit3A_33 = arith.constant 0 : i32
    %jit3A_34 = arith.constant 30 : i32
    %max3A = arith.maxsi %jit3A_33, %select_n3A_32 : i32
    %min3A = arith.minsi %jit3A_34, %max3A : i32
    %mul3A_35 = arith.constant 3200 : i32
    %mul3A_36 = arith.muli %min3A, %mul3A_35 : i32
    %multiple_of3A = tpu.assume_multiple %mul3A_36, 128 : i32
    %lt3A_37 = arith.constant 31 : i32
    %lt3A_38 = arith.cmpi slt, %select_n3A_32, %lt3A_37 : i32
    %convert_element_type3A = arith.extui %lt3A_38 : i1 to i32
    %cond3A = arith.constant 0 : i32
    %cond3A_39 = arith.constant 0 : i32
    %cond3A_40 = arith.cmpi ne, %convert_element_type3A, %cond3A_39 : i32
    scf.if %cond3A_40 {
      %dma_start3A = arith.constant 0 : i32
      %dma_start3A_609 = arith.constant 0 : i32
      %dma_start3A_610 = tpu.memref_slice %arg16[%cond3A, %dma_start3A, %dma_start3A_609] : memref<4x2x3200xf32, #tpu.memory_space<vmem>> -> memref<1x2x3200xf32, #tpu.memory_space<vmem>>
      %dma_start3A_611 = tpu.memref_squeeze %dma_start3A_610 : memref<1x2x3200xf32, #tpu.memory_space<vmem>> -> memref<2x3200xf32, #tpu.memory_space<vmem>>
      %dma_start3A_612 = arith.constant 0 : i32
      %dma_start3A_613 = tpu.memref_slice %arg2[%select_n3A, %dma_start3A_612, %multiple_of3A] : memref<98x2x100000xf32, #tpu.memory_space<hbm>> -> memref<1x2x3200xf32, #tpu.memory_space<hbm>>
      %dma_start3A_614 = tpu.memref_squeeze %dma_start3A_613 : memref<1x2x3200xf32, #tpu.memory_space<hbm>> -> memref<2x3200xf32, #tpu.memory_space<hbm>>
      %dma_start3A_615 = arith.constant 0 : i32
      %dma_start3A_616 = arith.constant 0 : i32
      %dma_start3A_617 = tpu.memref_slice %arg16[%cond3A, %dma_start3A_615, %dma_start3A_616] : memref<4x2x3200xf32, #tpu.memory_space<vmem>> -> memref<1x2x3200xf32, #tpu.memory_space<vmem>>
      %dma_start3A_618 = tpu.memref_squeeze %dma_start3A_617 : memref<1x2x3200xf32, #tpu.memory_space<vmem>> -> memref<2x3200xf32, #tpu.memory_space<vmem>>
      %dma_start3A_619 = arith.constant 0 : i32
      %dma_start3A_620 = tpu.memref_slice %arg2[%select_n3A, %dma_start3A_619, %multiple_of3A] : memref<98x2x100000xf32, #tpu.memory_space<hbm>> -> memref<1x2x3200xf32, #tpu.memory_space<hbm>>
      %dma_start3A_621 = tpu.memref_squeeze %dma_start3A_620 : memref<1x2x3200xf32, #tpu.memory_space<hbm>> -> memref<2x3200xf32, #tpu.memory_space<hbm>>
      tpu.enqueue_dma source(%dma_start3A_621 : memref<2x3200xf32, #tpu.memory_space<hbm>>) target(%dma_start3A_618 : memref<2x3200xf32, #tpu.memory_space<vmem>>) target_semaphore(%arg20 : memref<!tpu.dma_semaphore, #tpu.memory_space<semaphore_mem>>)
    } else {
    }
    %eq3A_41 = arith.constant 31 : i32
    %eq3A_42 = arith.cmpi eq, %select_n3A_32, %eq3A_41 : i32
    %convert_element_type3A_43 = arith.extui %eq3A_42 : i1 to i32
    %cond3A_44 = arith.constant 0 : i32
    %cond3A_45 = arith.constant 0 : i32
    %cond3A_46 = arith.cmpi ne, %convert_element_type3A_43, %cond3A_45 : i32
    scf.if %cond3A_46 {
      %dma_start3A = arith.constant 0 : i32
      %dma_start3A_609 = arith.constant 0 : i32
      %dma_start3A_610 = tpu.memref_slice %arg18[%cond3A_44, %dma_start3A, %dma_start3A_609] : memref<4x2x800xf32, #tpu.memory_space<vmem>> -> memref<1x2x800xf32, #tpu.memory_space<vmem>>
      %dma_start3A_611 = tpu.memref_squeeze %dma_start3A_610 : memref<1x2x800xf32, #tpu.memory_space<vmem>> -> memref<2x800xf32, #tpu.memory_space<vmem>>
      %dma_start3A_612 = arith.constant 0 : i32
      %dma_start3A_613 = arith.constant 99200 : i32
      %dma_start3A_614 = tpu.memref_slice %arg2[%select_n3A, %dma_start3A_612, %dma_start3A_613] : memref<98x2x100000xf32, #tpu.memory_space<hbm>> -> memref<1x2x800xf32, #tpu.memory_space<hbm>>
      %dma_start3A_615 = tpu.memref_squeeze %dma_start3A_614 : memref<1x2x800xf32, #tpu.memory_space<hbm>> -> memref<2x800xf32, #tpu.memory_space<hbm>>
      %dma_start3A_616 = arith.constant 0 : i32
      %dma_start3A_617 = arith.constant 0 : i32
      %dma_start3A_618 = tpu.memref_slice %arg18[%cond3A_44, %dma_start3A_616, %dma_start3A_617] : memref<4x2x800xf32, #tpu.memory_space<vmem>> -> memref<1x2x800xf32, #tpu.memory_space<vmem>>
      %dma_start3A_619 = tpu.memref_squeeze %dma_start3A_618 : memref<1x2x800xf32, #tpu.memory_space<vmem>> -> memref<2x800xf32, #tpu.memory_space<vmem>>
      %dma_start3A_620 = arith.constant 0 : i32
      %dma_start3A_621 = arith.constant 99200 : i32
      %dma_start3A_622 = tpu.memref_slice %arg2[%select_n3A, %dma_start3A_620, %dma_start3A_621] : memref<98x2x100000xf32, #tpu.memory_space<hbm>> -> memref<1x2x800xf32, #tpu.memory_space<hbm>>
      %dma_start3A_623 = tpu.memref_squeeze %dma_start3A_622 : memref<1x2x800xf32, #tpu.memory_space<hbm>> -> memref<2x800xf32, #tpu.memory_space<hbm>>
      tpu.enqueue_dma source(%dma_start3A_623 : memref<2x800xf32, #tpu.memory_space<hbm>>) target(%dma_start3A_619 : memref<2x800xf32, #tpu.memory_space<vmem>>) target_semaphore(%arg20 : memref<!tpu.dma_semaphore, #tpu.memory_space<semaphore_mem>>)
    } else {
    }
    %add3A_47 = arith.constant 32 : i32
    %add3A_48 = arith.addi %add3A_47, %add3A : i32
    %jit3A_49 = arith.constant 32 : i32
    %div3A_50 = arith.divsi %add3A_48, %jit3A_49 : i32
    %sign3A_51 = arith.constant 0 : i32
    %sign3A_52 = arith.cmpi sgt, %add3A_48, %sign3A_51 : i32
    %sign3A_53 = arith.extui %sign3A_52 : i1 to i32
    %sign3A_54 = arith.constant 0 : i32
    %sign3A_55 = arith.cmpi slt, %add3A_48, %sign3A_54 : i32
    %sign3A_56 = arith.extui %sign3A_55 : i1 to i32
    %sign3A_57 = arith.subi %sign3A_53, %sign3A_56 : i32
    %sign3A_58 = arith.constant 0 : i32
    %sign3A_59 = arith.cmpi sgt, %jit3A_49, %sign3A_58 : i32
    %sign3A_60 = arith.extui %sign3A_59 : i1 to i32
    %sign3A_61 = arith.constant 0 : i32
    %sign3A_62 = arith.cmpi slt, %jit3A_49, %sign3A_61 : i32
    %sign3A_63 = arith.extui %sign3A_62 : i1 to i32
    %sign3A_64 = arith.subi %sign3A_60, %sign3A_63 : i32
    %ne3A_65 = arith.cmpi ne, %sign3A_57, %sign3A_64 : i32
    %rem3A_66 = arith.remsi %add3A_48, %jit3A_49 : i32
    %ne3A_67 = arith.constant 0 : i32
    %ne3A_68 = arith.cmpi ne, %rem3A_66, %ne3A_67 : i32
    %and3A_69 = arith.andi %ne3A_65, %ne3A_68 : i1
    %sub3A_70 = arith.constant 1 : i32
    %sub3A_71 = arith.subi %div3A_50, %sub3A_70 : i32
    %select_n3A_72 = arith.select %and3A_69, %sub3A_71, %div3A_50 : i32
    %jit3A_73 = arith.constant 32 : i32
    %eq3A_74 = arith.constant 0 : i32
    %eq3A_75 = arith.cmpi eq, %jit3A_73, %eq3A_74 : i32
    %jit3A_76 = arith.constant 1 : i32
    %select_n3A_77 = arith.select %eq3A_75, %jit3A_76, %jit3A_73 : i32
    %rem3A_78 = arith.remsi %add3A_48, %select_n3A_77 : i32
    %ne3A_79 = arith.constant 0 : i32
    %ne3A_80 = arith.cmpi ne, %rem3A_78, %ne3A_79 : i32
    %lt3A_81 = arith.constant 0 : i32
    %lt3A_82 = arith.cmpi slt, %rem3A_78, %lt3A_81 : i32
    %lt3A_83 = arith.constant 0 : i32
    %lt3A_84 = arith.cmpi slt, %select_n3A_77, %lt3A_83 : i32
    %ne3A_85 = arith.xori %lt3A_82, %lt3A_84 : i1
    %and3A_86 = arith.andi %ne3A_85, %ne3A_80 : i1
    %add3A_87 = arith.addi %rem3A_78, %select_n3A_77 : i32
    %select_n3A_88 = arith.select %and3A_86, %add3A_87, %rem3A_78 : i32
    %jit3A_89 = arith.constant 0 : i32
    %jit3A_90 = arith.constant 30 : i32
    %max3A_91 = arith.maxsi %jit3A_89, %select_n3A_88 : i32
    %min3A_92 = arith.minsi %jit3A_90, %max3A_91 : i32
    %mul3A_93 = arith.constant 3200 : i32
    %mul3A_94 = arith.muli %min3A_92, %mul3A_93 : i32
    %multiple_of3A_95 = tpu.assume_multiple %mul3A_94, 128 : i32
    %lt3A_96 = arith.constant 31 : i32
    %lt3A_97 = arith.cmpi slt, %select_n3A_88, %lt3A_96 : i32
    %convert_element_type3A_98 = arith.extui %lt3A_97 : i1 to i32
    %cond3A_99 = arith.constant 1 : i32
    %cond3A_100 = arith.constant 0 : i32
    %cond3A_101 = arith.cmpi ne, %convert_element_type3A_98, %cond3A_100 : i32
    scf.if %cond3A_101 {
      %dma_start3A = arith.constant 0 : i32
      %dma_start3A_609 = arith.constant 0 : i32
      %dma_start3A_610 = tpu.memref_slice %arg16[%cond3A_99, %dma_start3A, %dma_start3A_609] : memref<4x2x3200xf32, #tpu.memory_space<vmem>> -> memref<1x2x3200xf32, #tpu.memory_space<vmem>>
      %dma_start3A_611 = tpu.memref_squeeze %dma_start3A_610 : memref<1x2x3200xf32, #tpu.memory_space<vmem>> -> memref<2x3200xf32, #tpu.memory_space<vmem>>
      %dma_start3A_612 = arith.constant 0 : i32
      %dma_start3A_613 = tpu.memref_slice %arg2[%select_n3A_72, %dma_start3A_612, %multiple_of3A_95] : memref<98x2x100000xf32, #tpu.memory_space<hbm>> -> memref<1x2x3200xf32, #tpu.memory_space<hbm>>
      %dma_start3A_614 = tpu.memref_squeeze %dma_start3A_613 : memref<1x2x3200xf32, #tpu.memory_space<hbm>> -> memref<2x3200xf32, #tpu.memory_space<hbm>>
      %dma_start3A_615 = arith.constant 0 : i32
      %dma_start3A_616 = arith.constant 0 : i32
      %dma_start3A_617 = tpu.memref_slice %arg16[%cond3A_99, %dma_start3A_615, %dma_start3A_616] : memref<4x2x3200xf32, #tpu.memory_space<vmem>> -> memref<1x2x3200xf32, #tpu.memory_space<vmem>>
      %dma_start3A_618 = tpu.memref_squeeze %dma_start3A_617 : memref<1x2x3200xf32, #tpu.memory_space<vmem>> -> memref<2x3200xf32, #tpu.memory_space<vmem>>
      %dma_start3A_619 = arith.constant 0 : i32
      %dma_start3A_620 = tpu.memref_slice %arg2[%select_n3A_72, %dma_start3A_619, %multiple_of3A_95] : memref<98x2x100000xf32, #tpu.memory_space<hbm>> -> memref<1x2x3200xf32, #tpu.memory_space<hbm>>
      %dma_start3A_621 = tpu.memref_squeeze %dma_start3A_620 : memref<1x2x3200xf32, #tpu.memory_space<hbm>> -> memref<2x3200xf32, #tpu.memory_space<hbm>>
      tpu.enqueue_dma source(%dma_start3A_621 : memref<2x3200xf32, #tpu.memory_space<hbm>>) target(%dma_start3A_618 : memref<2x3200xf32, #tpu.memory_space<vmem>>) target_semaphore(%arg21 : memref<!tpu.dma_semaphore, #tpu.memory_space<semaphore_mem>>)
    } else {
    }
    %eq3A_102 = arith.constant 31 : i32
    %eq3A_103 = arith.cmpi eq, %select_n3A_88, %eq3A_102 : i32
    %convert_element_type3A_104 = arith.extui %eq3A_103 : i1 to i32
    %cond3A_105 = arith.constant 1 : i32
    %cond3A_106 = arith.constant 0 : i32
    %cond3A_107 = arith.cmpi ne, %convert_element_type3A_104, %cond3A_106 : i32
    scf.if %cond3A_107 {
      %dma_start3A = arith.constant 0 : i32
      %dma_start3A_609 = arith.constant 0 : i32
      %dma_start3A_610 = tpu.memref_slice %arg18[%cond3A_105, %dma_start3A, %dma_start3A_609] : memref<4x2x800xf32, #tpu.memory_space<vmem>> -> memref<1x2x800xf32, #tpu.memory_space<vmem>>
      %dma_start3A_611 = tpu.memref_squeeze %dma_start3A_610 : memref<1x2x800xf32, #tpu.memory_space<vmem>> -> memref<2x800xf32, #tpu.memory_space<vmem>>
      %dma_start3A_612 = arith.constant 0 : i32
      %dma_start3A_613 = arith.constant 99200 : i32
      %dma_start3A_614 = tpu.memref_slice %arg2[%select_n3A_72, %dma_start3A_612, %dma_start3A_613] : memref<98x2x100000xf32, #tpu.memory_space<hbm>> -> memref<1x2x800xf32, #tpu.memory_space<hbm>>
      %dma_start3A_615 = tpu.memref_squeeze %dma_start3A_614 : memref<1x2x800xf32, #tpu.memory_space<hbm>> -> memref<2x800xf32, #tpu.memory_space<hbm>>
      %dma_start3A_616 = arith.constant 0 : i32
      %dma_start3A_617 = arith.constant 0 : i32
      %dma_start3A_618 = tpu.memref_slice %arg18[%cond3A_105, %dma_start3A_616, %dma_start3A_617] : memref<4x2x800xf32, #tpu.memory_space<vmem>> -> memref<1x2x800xf32, #tpu.memory_space<vmem>>
      %dma_start3A_619 = tpu.memref_squeeze %dma_start3A_618 : memref<1x2x800xf32, #tpu.memory_space<vmem>> -> memref<2x800xf32, #tpu.memory_space<vmem>>
      %dma_start3A_620 = arith.constant 0 : i32
      %dma_start3A_621 = arith.constant 99200 : i32
      %dma_start3A_622 = tpu.memref_slice %arg2[%select_n3A_72, %dma_start3A_620, %dma_start3A_621] : memref<98x2x100000xf32, #tpu.memory_space<hbm>> -> memref<1x2x800xf32, #tpu.memory_space<hbm>>
      %dma_start3A_623 = tpu.memref_squeeze %dma_start3A_622 : memref<1x2x800xf32, #tpu.memory_space<hbm>> -> memref<2x800xf32, #tpu.memory_space<hbm>>
      tpu.enqueue_dma source(%dma_start3A_623 : memref<2x800xf32, #tpu.memory_space<hbm>>) target(%dma_start3A_619 : memref<2x800xf32, #tpu.memory_space<vmem>>) target_semaphore(%arg21 : memref<!tpu.dma_semaphore, #tpu.memory_space<semaphore_mem>>)
    } else {
    }
    %add3A_108 = arith.constant 64 : i32
    %add3A_109 = arith.addi %add3A_108, %add3A : i32
    %jit3A_110 = arith.constant 32 : i32
    %div3A_111 = arith.divsi %add3A_109, %jit3A_110 : i32
    %sign3A_112 = arith.constant 0 : i32
    %sign3A_113 = arith.cmpi sgt, %add3A_109, %sign3A_112 : i32
    %sign3A_114 = arith.extui %sign3A_113 : i1 to i32
    %sign3A_115 = arith.constant 0 : i32
    %sign3A_116 = arith.cmpi slt, %add3A_109, %sign3A_115 : i32
    %sign3A_117 = arith.extui %sign3A_116 : i1 to i32
    %sign3A_118 = arith.subi %sign3A_114, %sign3A_117 : i32
    %sign3A_119 = arith.constant 0 : i32
    %sign3A_120 = arith.cmpi sgt, %jit3A_110, %sign3A_119 : i32
    %sign3A_121 = arith.extui %sign3A_120 : i1 to i32
    %sign3A_122 = arith.constant 0 : i32
    %sign3A_123 = arith.cmpi slt, %jit3A_110, %sign3A_122 : i32
    %sign3A_124 = arith.extui %sign3A_123 : i1 to i32
    %sign3A_125 = arith.subi %sign3A_121, %sign3A_124 : i32
    %ne3A_126 = arith.cmpi ne, %sign3A_118, %sign3A_125 : i32
    %rem3A_127 = arith.remsi %add3A_109, %jit3A_110 : i32
    %ne3A_128 = arith.constant 0 : i32
    %ne3A_129 = arith.cmpi ne, %rem3A_127, %ne3A_128 : i32
    %and3A_130 = arith.andi %ne3A_126, %ne3A_129 : i1
    %sub3A_131 = arith.constant 1 : i32
    %sub3A_132 = arith.subi %div3A_111, %sub3A_131 : i32
    %select_n3A_133 = arith.select %and3A_130, %sub3A_132, %div3A_111 : i32
    %jit3A_134 = arith.constant 32 : i32
    %eq3A_135 = arith.constant 0 : i32
    %eq3A_136 = arith.cmpi eq, %jit3A_134, %eq3A_135 : i32
    %jit3A_137 = arith.constant 1 : i32
    %select_n3A_138 = arith.select %eq3A_136, %jit3A_137, %jit3A_134 : i32
    %rem3A_139 = arith.remsi %add3A_109, %select_n3A_138 : i32
    %ne3A_140 = arith.constant 0 : i32
    %ne3A_141 = arith.cmpi ne, %rem3A_139, %ne3A_140 : i32
    %lt3A_142 = arith.constant 0 : i32
    %lt3A_143 = arith.cmpi slt, %rem3A_139, %lt3A_142 : i32
    %lt3A_144 = arith.constant 0 : i32
    %lt3A_145 = arith.cmpi slt, %select_n3A_138, %lt3A_144 : i32
    %ne3A_146 = arith.xori %lt3A_143, %lt3A_145 : i1
    %and3A_147 = arith.andi %ne3A_146, %ne3A_141 : i1
    %add3A_148 = arith.addi %rem3A_139, %select_n3A_138 : i32
    %select_n3A_149 = arith.select %and3A_147, %add3A_148, %rem3A_139 : i32
    %jit3A_150 = arith.constant 0 : i32
    %jit3A_151 = arith.constant 30 : i32
    %max3A_152 = arith.maxsi %jit3A_150, %select_n3A_149 : i32
    %min3A_153 = arith.minsi %jit3A_151, %max3A_152 : i32
    %mul3A_154 = arith.constant 3200 : i32
    %mul3A_155 = arith.muli %min3A_153, %mul3A_154 : i32
    %multiple_of3A_156 = tpu.assume_multiple %mul3A_155, 128 : i32
    %lt3A_157 = arith.constant 31 : i32
    %lt3A_158 = arith.cmpi slt, %select_n3A_149, %lt3A_157 : i32
    %convert_element_type3A_159 = arith.extui %lt3A_158 : i1 to i32
    %cond3A_160 = arith.constant 2 : i32
    %cond3A_161 = arith.constant 0 : i32
    %cond3A_162 = arith.cmpi ne, %convert_element_type3A_159, %cond3A_161 : i32
    scf.if %cond3A_162 {
      %dma_start3A = arith.constant 0 : i32
      %dma_start3A_609 = arith.constant 0 : i32
      %dma_start3A_610 = tpu.memref_slice %arg16[%cond3A_160, %dma_start3A, %dma_start3A_609] : memref<4x2x3200xf32, #tpu.memory_space<vmem>> -> memref<1x2x3200xf32, #tpu.memory_space<vmem>>
      %dma_start3A_611 = tpu.memref_squeeze %dma_start3A_610 : memref<1x2x3200xf32, #tpu.memory_space<vmem>> -> memref<2x3200xf32, #tpu.memory_space<vmem>>
      %dma_start3A_612 = arith.constant 0 : i32
      %dma_start3A_613 = tpu.memref_slice %arg2[%select_n3A_133, %dma_start3A_612, %multiple_of3A_156] : memref<98x2x100000xf32, #tpu.memory_space<hbm>> -> memref<1x2x3200xf32, #tpu.memory_space<hbm>>
      %dma_start3A_614 = tpu.memref_squeeze %dma_start3A_613 : memref<1x2x3200xf32, #tpu.memory_space<hbm>> -> memref<2x3200xf32, #tpu.memory_space<hbm>>
      %dma_start3A_615 = arith.constant 0 : i32
      %dma_start3A_616 = arith.constant 0 : i32
      %dma_start3A_617 = tpu.memref_slice %arg16[%cond3A_160, %dma_start3A_615, %dma_start3A_616] : memref<4x2x3200xf32, #tpu.memory_space<vmem>> -> memref<1x2x3200xf32, #tpu.memory_space<vmem>>
      %dma_start3A_618 = tpu.memref_squeeze %dma_start3A_617 : memref<1x2x3200xf32, #tpu.memory_space<vmem>> -> memref<2x3200xf32, #tpu.memory_space<vmem>>
      %dma_start3A_619 = arith.constant 0 : i32
      %dma_start3A_620 = tpu.memref_slice %arg2[%select_n3A_133, %dma_start3A_619, %multiple_of3A_156] : memref<98x2x100000xf32, #tpu.memory_space<hbm>> -> memref<1x2x3200xf32, #tpu.memory_space<hbm>>
      %dma_start3A_621 = tpu.memref_squeeze %dma_start3A_620 : memref<1x2x3200xf32, #tpu.memory_space<hbm>> -> memref<2x3200xf32, #tpu.memory_space<hbm>>
      tpu.enqueue_dma source(%dma_start3A_621 : memref<2x3200xf32, #tpu.memory_space<hbm>>) target(%dma_start3A_618 : memref<2x3200xf32, #tpu.memory_space<vmem>>) target_semaphore(%arg22 : memref<!tpu.dma_semaphore, #tpu.memory_space<semaphore_mem>>)
    } else {
    }
    %eq3A_163 = arith.constant 31 : i32
    %eq3A_164 = arith.cmpi eq, %select_n3A_149, %eq3A_163 : i32
    %convert_element_type3A_165 = arith.extui %eq3A_164 : i1 to i32
    %cond3A_166 = arith.constant 2 : i32
    %cond3A_167 = arith.constant 0 : i32
    %cond3A_168 = arith.cmpi ne, %convert_element_type3A_165, %cond3A_167 : i32
    scf.if %cond3A_168 {
      %dma_start3A = arith.constant 0 : i32
      %dma_start3A_609 = arith.constant 0 : i32
      %dma_start3A_610 = tpu.memref_slice %arg18[%cond3A_166, %dma_start3A, %dma_start3A_609] : memref<4x2x800xf32, #tpu.memory_space<vmem>> -> memref<1x2x800xf32, #tpu.memory_space<vmem>>
      %dma_start3A_611 = tpu.memref_squeeze %dma_start3A_610 : memref<1x2x800xf32, #tpu.memory_space<vmem>> -> memref<2x800xf32, #tpu.memory_space<vmem>>
      %dma_start3A_612 = arith.constant 0 : i32
      %dma_start3A_613 = arith.constant 99200 : i32
      %dma_start3A_614 = tpu.memref_slice %arg2[%select_n3A_133, %dma_start3A_612, %dma_start3A_613] : memref<98x2x100000xf32, #tpu.memory_space<hbm>> -> memref<1x2x800xf32, #tpu.memory_space<hbm>>
      %dma_start3A_615 = tpu.memref_squeeze %dma_start3A_614 : memref<1x2x800xf32, #tpu.memory_space<hbm>> -> memref<2x800xf32, #tpu.memory_space<hbm>>
      %dma_start3A_616 = arith.constant 0 : i32
      %dma_start3A_617 = arith.constant 0 : i32
      %dma_start3A_618 = tpu.memref_slice %arg18[%cond3A_166, %dma_start3A_616, %dma_start3A_617] : memref<4x2x800xf32, #tpu.memory_space<vmem>> -> memref<1x2x800xf32, #tpu.memory_space<vmem>>
      %dma_start3A_619 = tpu.memref_squeeze %dma_start3A_618 : memref<1x2x800xf32, #tpu.memory_space<vmem>> -> memref<2x800xf32, #tpu.memory_space<vmem>>
      %dma_start3A_620 = arith.constant 0 : i32
      %dma_start3A_621 = arith.constant 99200 : i32
      %dma_start3A_622 = tpu.memref_slice %arg2[%select_n3A_133, %dma_start3A_620, %dma_start3A_621] : memref<98x2x100000xf32, #tpu.memory_space<hbm>> -> memref<1x2x800xf32, #tpu.memory_space<hbm>>
      %dma_start3A_623 = tpu.memref_squeeze %dma_start3A_622 : memref<1x2x800xf32, #tpu.memory_space<hbm>> -> memref<2x800xf32, #tpu.memory_space<hbm>>
      tpu.enqueue_dma source(%dma_start3A_623 : memref<2x800xf32, #tpu.memory_space<hbm>>) target(%dma_start3A_619 : memref<2x800xf32, #tpu.memory_space<vmem>>) target_semaphore(%arg22 : memref<!tpu.dma_semaphore, #tpu.memory_space<semaphore_mem>>)
    } else {
    }
    %add3A_169 = arith.constant 96 : i32
    %add3A_170 = arith.addi %add3A_169, %add3A : i32
    %jit3A_171 = arith.constant 32 : i32
    %div3A_172 = arith.divsi %add3A_170, %jit3A_171 : i32
    %sign3A_173 = arith.constant 0 : i32
    %sign3A_174 = arith.cmpi sgt, %add3A_170, %sign3A_173 : i32
    %sign3A_175 = arith.extui %sign3A_174 : i1 to i32
    %sign3A_176 = arith.constant 0 : i32
    %sign3A_177 = arith.cmpi slt, %add3A_170, %sign3A_176 : i32
    %sign3A_178 = arith.extui %sign3A_177 : i1 to i32
    %sign3A_179 = arith.subi %sign3A_175, %sign3A_178 : i32
    %sign3A_180 = arith.constant 0 : i32
    %sign3A_181 = arith.cmpi sgt, %jit3A_171, %sign3A_180 : i32
    %sign3A_182 = arith.extui %sign3A_181 : i1 to i32
    %sign3A_183 = arith.constant 0 : i32
    %sign3A_184 = arith.cmpi slt, %jit3A_171, %sign3A_183 : i32
    %sign3A_185 = arith.extui %sign3A_184 : i1 to i32
    %sign3A_186 = arith.subi %sign3A_182, %sign3A_185 : i32
    %ne3A_187 = arith.cmpi ne, %sign3A_179, %sign3A_186 : i32
    %rem3A_188 = arith.remsi %add3A_170, %jit3A_171 : i32
    %ne3A_189 = arith.constant 0 : i32
    %ne3A_190 = arith.cmpi ne, %rem3A_188, %ne3A_189 : i32
    %and3A_191 = arith.andi %ne3A_187, %ne3A_190 : i1
    %sub3A_192 = arith.constant 1 : i32
    %sub3A_193 = arith.subi %div3A_172, %sub3A_192 : i32
    %select_n3A_194 = arith.select %and3A_191, %sub3A_193, %div3A_172 : i32
    %jit3A_195 = arith.constant 32 : i32
    %eq3A_196 = arith.constant 0 : i32
    %eq3A_197 = arith.cmpi eq, %jit3A_195, %eq3A_196 : i32
    %jit3A_198 = arith.constant 1 : i32
    %select_n3A_199 = arith.select %eq3A_197, %jit3A_198, %jit3A_195 : i32
    %rem3A_200 = arith.remsi %add3A_170, %select_n3A_199 : i32
    %ne3A_201 = arith.constant 0 : i32
    %ne3A_202 = arith.cmpi ne, %rem3A_200, %ne3A_201 : i32
    %lt3A_203 = arith.constant 0 : i32
    %lt3A_204 = arith.cmpi slt, %rem3A_200, %lt3A_203 : i32
    %lt3A_205 = arith.constant 0 : i32
    %lt3A_206 = arith.cmpi slt, %select_n3A_199, %lt3A_205 : i32
    %ne3A_207 = arith.xori %lt3A_204, %lt3A_206 : i1
    %and3A_208 = arith.andi %ne3A_207, %ne3A_202 : i1
    %add3A_209 = arith.addi %rem3A_200, %select_n3A_199 : i32
    %select_n3A_210 = arith.select %and3A_208, %add3A_209, %rem3A_200 : i32
    %jit3A_211 = arith.constant 0 : i32
    %jit3A_212 = arith.constant 30 : i32
    %max3A_213 = arith.maxsi %jit3A_211, %select_n3A_210 : i32
    %min3A_214 = arith.minsi %jit3A_212, %max3A_213 : i32
    %mul3A_215 = arith.constant 3200 : i32
    %mul3A_216 = arith.muli %min3A_214, %mul3A_215 : i32
    %multiple_of3A_217 = tpu.assume_multiple %mul3A_216, 128 : i32
    %lt3A_218 = arith.constant 31 : i32
    %lt3A_219 = arith.cmpi slt, %select_n3A_210, %lt3A_218 : i32
    %convert_element_type3A_220 = arith.extui %lt3A_219 : i1 to i32
    %cond3A_221 = arith.constant 3 : i32
    %cond3A_222 = arith.constant 0 : i32
    %cond3A_223 = arith.cmpi ne, %convert_element_type3A_220, %cond3A_222 : i32
    scf.if %cond3A_223 {
      %dma_start3A = arith.constant 0 : i32
      %dma_start3A_609 = arith.constant 0 : i32
      %dma_start3A_610 = tpu.memref_slice %arg16[%cond3A_221, %dma_start3A, %dma_start3A_609] : memref<4x2x3200xf32, #tpu.memory_space<vmem>> -> memref<1x2x3200xf32, #tpu.memory_space<vmem>>
      %dma_start3A_611 = tpu.memref_squeeze %dma_start3A_610 : memref<1x2x3200xf32, #tpu.memory_space<vmem>> -> memref<2x3200xf32, #tpu.memory_space<vmem>>
      %dma_start3A_612 = arith.constant 0 : i32
      %dma_start3A_613 = tpu.memref_slice %arg2[%select_n3A_194, %dma_start3A_612, %multiple_of3A_217] : memref<98x2x100000xf32, #tpu.memory_space<hbm>> -> memref<1x2x3200xf32, #tpu.memory_space<hbm>>
      %dma_start3A_614 = tpu.memref_squeeze %dma_start3A_613 : memref<1x2x3200xf32, #tpu.memory_space<hbm>> -> memref<2x3200xf32, #tpu.memory_space<hbm>>
      %dma_start3A_615 = arith.constant 0 : i32
      %dma_start3A_616 = arith.constant 0 : i32
      %dma_start3A_617 = tpu.memref_slice %arg16[%cond3A_221, %dma_start3A_615, %dma_start3A_616] : memref<4x2x3200xf32, #tpu.memory_space<vmem>> -> memref<1x2x3200xf32, #tpu.memory_space<vmem>>
      %dma_start3A_618 = tpu.memref_squeeze %dma_start3A_617 : memref<1x2x3200xf32, #tpu.memory_space<vmem>> -> memref<2x3200xf32, #tpu.memory_space<vmem>>
      %dma_start3A_619 = arith.constant 0 : i32
      %dma_start3A_620 = tpu.memref_slice %arg2[%select_n3A_194, %dma_start3A_619, %multiple_of3A_217] : memref<98x2x100000xf32, #tpu.memory_space<hbm>> -> memref<1x2x3200xf32, #tpu.memory_space<hbm>>
      %dma_start3A_621 = tpu.memref_squeeze %dma_start3A_620 : memref<1x2x3200xf32, #tpu.memory_space<hbm>> -> memref<2x3200xf32, #tpu.memory_space<hbm>>
      tpu.enqueue_dma source(%dma_start3A_621 : memref<2x3200xf32, #tpu.memory_space<hbm>>) target(%dma_start3A_618 : memref<2x3200xf32, #tpu.memory_space<vmem>>) target_semaphore(%arg23 : memref<!tpu.dma_semaphore, #tpu.memory_space<semaphore_mem>>)
    } else {
    }
    %eq3A_224 = arith.constant 31 : i32
    %eq3A_225 = arith.cmpi eq, %select_n3A_210, %eq3A_224 : i32
    %convert_element_type3A_226 = arith.extui %eq3A_225 : i1 to i32
    %cond3A_227 = arith.constant 3 : i32
    %cond3A_228 = arith.constant 0 : i32
    %cond3A_229 = arith.cmpi ne, %convert_element_type3A_226, %cond3A_228 : i32
    scf.if %cond3A_229 {
      %dma_start3A = arith.constant 0 : i32
      %dma_start3A_609 = arith.constant 0 : i32
      %dma_start3A_610 = tpu.memref_slice %arg18[%cond3A_227, %dma_start3A, %dma_start3A_609] : memref<4x2x800xf32, #tpu.memory_space<vmem>> -> memref<1x2x800xf32, #tpu.memory_space<vmem>>
      %dma_start3A_611 = tpu.memref_squeeze %dma_start3A_610 : memref<1x2x800xf32, #tpu.memory_space<vmem>> -> memref<2x800xf32, #tpu.memory_space<vmem>>
      %dma_start3A_612 = arith.constant 0 : i32
      %dma_start3A_613 = arith.constant 99200 : i32
      %dma_start3A_614 = tpu.memref_slice %arg2[%select_n3A_194, %dma_start3A_612, %dma_start3A_613] : memref<98x2x100000xf32, #tpu.memory_space<hbm>> -> memref<1x2x800xf32, #tpu.memory_space<hbm>>
      %dma_start3A_615 = tpu.memref_squeeze %dma_start3A_614 : memref<1x2x800xf32, #tpu.memory_space<hbm>> -> memref<2x800xf32, #tpu.memory_space<hbm>>
      %dma_start3A_616 = arith.constant 0 : i32
      %dma_start3A_617 = arith.constant 0 : i32
      %dma_start3A_618 = tpu.memref_slice %arg18[%cond3A_227, %dma_start3A_616, %dma_start3A_617] : memref<4x2x800xf32, #tpu.memory_space<vmem>> -> memref<1x2x800xf32, #tpu.memory_space<vmem>>
      %dma_start3A_619 = tpu.memref_squeeze %dma_start3A_618 : memref<1x2x800xf32, #tpu.memory_space<vmem>> -> memref<2x800xf32, #tpu.memory_space<vmem>>
      %dma_start3A_620 = arith.constant 0 : i32
      %dma_start3A_621 = arith.constant 99200 : i32
      %dma_start3A_622 = tpu.memref_slice %arg2[%select_n3A_194, %dma_start3A_620, %dma_start3A_621] : memref<98x2x100000xf32, #tpu.memory_space<hbm>> -> memref<1x2x800xf32, #tpu.memory_space<hbm>>
      %dma_start3A_623 = tpu.memref_squeeze %dma_start3A_622 : memref<1x2x800xf32, #tpu.memory_space<hbm>> -> memref<2x800xf32, #tpu.memory_space<hbm>>
      tpu.enqueue_dma source(%dma_start3A_623 : memref<2x800xf32, #tpu.memory_space<hbm>>) target(%dma_start3A_619 : memref<2x800xf32, #tpu.memory_space<vmem>>) target_semaphore(%arg23 : memref<!tpu.dma_semaphore, #tpu.memory_space<semaphore_mem>>)
    } else {
    }
    tpu.enqueue_dma source(%arg3 : memref<16xf32, #tpu.memory_space<hbm>>) target(%arg11 : memref<16xf32, #tpu.memory_space<vmem>>) target_semaphore(%arg28 : memref<!tpu.dma_semaphore, #tpu.memory_space<semaphore_mem>>)
    tpu.enqueue_dma source(%arg4 : memref<96xf32, #tpu.memory_space<hbm>>) target(%arg12 : memref<96xf32, #tpu.memory_space<vmem>>) target_semaphore(%arg28 : memref<!tpu.dma_semaphore, #tpu.memory_space<semaphore_mem>>)
    tpu.enqueue_dma source(%arg5 : memref<96xf32, #tpu.memory_space<hbm>>) target(%arg13 : memref<96xf32, #tpu.memory_space<vmem>>) target_semaphore(%arg28 : memref<!tpu.dma_semaphore, #tpu.memory_space<semaphore_mem>>)
    tpu.enqueue_dma source(%arg6 : memref<16xi32, #tpu.memory_space<hbm>>) target(%arg14 : memref<16xi32, #tpu.memory_space<vmem>>) target_semaphore(%arg28 : memref<!tpu.dma_semaphore, #tpu.memory_space<semaphore_mem>>)
    tpu.enqueue_dma source(%arg7 : memref<96xi32, #tpu.memory_space<hbm>>) target(%arg15 : memref<96xi32, #tpu.memory_space<vmem>>) target_semaphore(%arg28 : memref<!tpu.dma_semaphore, #tpu.memory_space<semaphore_mem>>)
    tpu.wait_dma2 semaphore(%arg28 : memref<!tpu.dma_semaphore, #tpu.memory_space<semaphore_mem>>) src(%arg3 : memref<16xf32, #tpu.memory_space<hbm>>) dst(%arg11 : memref<16xf32, #tpu.memory_space<vmem>>)
    tpu.wait_dma2 semaphore(%arg28 : memref<!tpu.dma_semaphore, #tpu.memory_space<semaphore_mem>>) src(%arg4 : memref<96xf32, #tpu.memory_space<hbm>>) dst(%arg12 : memref<96xf32, #tpu.memory_space<vmem>>)
    tpu.wait_dma2 semaphore(%arg28 : memref<!tpu.dma_semaphore, #tpu.memory_space<semaphore_mem>>) src(%arg5 : memref<96xf32, #tpu.memory_space<hbm>>) dst(%arg13 : memref<96xf32, #tpu.memory_space<vmem>>)
    tpu.wait_dma2 semaphore(%arg28 : memref<!tpu.dma_semaphore, #tpu.memory_space<semaphore_mem>>) src(%arg6 : memref<16xi32, #tpu.memory_space<hbm>>) dst(%arg14 : memref<16xi32, #tpu.memory_space<vmem>>)
    tpu.wait_dma2 semaphore(%arg28 : memref<!tpu.dma_semaphore, #tpu.memory_space<semaphore_mem>>) src(%arg7 : memref<96xi32, #tpu.memory_space<hbm>>) dst(%arg15 : memref<96xi32, #tpu.memory_space<vmem>>)
    %broadcast_in_dim3A = arith.constant 1.000000e+00 : f32
    %broadcast_in_dim3A_230 = vector.broadcast %broadcast_in_dim3A : f32 to vector<16xf32>
    %broadcast_in_dim3A_231 = arith.constant 0.000000e+00 : f32
    %broadcast_in_dim3A_232 = vector.broadcast %broadcast_in_dim3A_231 : f32 to vector<16xf32>
    %swap3A = arith.constant 0 : index
    %swap3A_233 = tpu.vector_load %arg9[%swap3A] {strides = array<i32>} : memref<112xf32, #tpu.memory_space<vmem>>, vector<16xf32>,
    tpu.vector_store %arg9[%swap3A], %broadcast_in_dim3A_230 {strides = array<i32>} : memref<112xf32, #tpu.memory_space<vmem>>, vector<16xf32>,
    %swap3A_234 = arith.constant 0 : index
    %swap3A_235 = tpu.vector_load %arg10[%swap3A_234] {strides = array<i32>} : memref<112xf32, #tpu.memory_space<vmem>>, vector<16xf32>,
    tpu.vector_store %arg10[%swap3A_234], %broadcast_in_dim3A_232 {strides = array<i32>} : memref<112xf32, #tpu.memory_space<vmem>>, vector<16xf32>,
    %swap3A_236 = arith.constant 16 : index
    %swap3A_237 = tpu.vector_load %arg9[%swap3A_236] {strides = array<i32>} : memref<112xf32, #tpu.memory_space<vmem>>, vector<16xf32>,
    tpu.vector_store %arg9[%swap3A_236], %broadcast_in_dim3A_230 {strides = array<i32>} : memref<112xf32, #tpu.memory_space<vmem>>, vector<16xf32>,
    %swap3A_238 = arith.constant 16 : index
    %swap3A_239 = tpu.vector_load %arg10[%swap3A_238] {strides = array<i32>} : memref<112xf32, #tpu.memory_space<vmem>>, vector<16xf32>,
    tpu.vector_store %arg10[%swap3A_238], %broadcast_in_dim3A_232 {strides = array<i32>} : memref<112xf32, #tpu.memory_space<vmem>>, vector<16xf32>,
    %swap3A_240 = arith.constant 32 : index
    %swap3A_241 = tpu.vector_load %arg9[%swap3A_240] {strides = array<i32>} : memref<112xf32, #tpu.memory_space<vmem>>, vector<16xf32>,
    tpu.vector_store %arg9[%swap3A_240], %broadcast_in_dim3A_230 {strides = array<i32>} : memref<112xf32, #tpu.memory_space<vmem>>, vector<16xf32>,
    %swap3A_242 = arith.constant 32 : index
    %swap3A_243 = tpu.vector_load %arg10[%swap3A_242] {strides = array<i32>} : memref<112xf32, #tpu.memory_space<vmem>>, vector<16xf32>,
    tpu.vector_store %arg10[%swap3A_242], %broadcast_in_dim3A_232 {strides = array<i32>} : memref<112xf32, #tpu.memory_space<vmem>>, vector<16xf32>,
    %swap3A_244 = arith.constant 48 : index
    %swap3A_245 = tpu.vector_load %arg9[%swap3A_244] {strides = array<i32>} : memref<112xf32, #tpu.memory_space<vmem>>, vector<16xf32>,
    tpu.vector_store %arg9[%swap3A_244], %broadcast_in_dim3A_230 {strides = array<i32>} : memref<112xf32, #tpu.memory_space<vmem>>, vector<16xf32>,
    %swap3A_246 = arith.constant 48 : index
    %swap3A_247 = tpu.vector_load %arg10[%swap3A_246] {strides = array<i32>} : memref<112xf32, #tpu.memory_space<vmem>>, vector<16xf32>,
    tpu.vector_store %arg10[%swap3A_246], %broadcast_in_dim3A_232 {strides = array<i32>} : memref<112xf32, #tpu.memory_space<vmem>>, vector<16xf32>,
    %swap3A_248 = arith.constant 64 : index
    %swap3A_249 = tpu.vector_load %arg9[%swap3A_248] {strides = array<i32>} : memref<112xf32, #tpu.memory_space<vmem>>, vector<16xf32>,
    tpu.vector_store %arg9[%swap3A_248], %broadcast_in_dim3A_230 {strides = array<i32>} : memref<112xf32, #tpu.memory_space<vmem>>, vector<16xf32>,
    %swap3A_250 = arith.constant 64 : index
    %swap3A_251 = tpu.vector_load %arg10[%swap3A_250] {strides = array<i32>} : memref<112xf32, #tpu.memory_space<vmem>>, vector<16xf32>,
    tpu.vector_store %arg10[%swap3A_250], %broadcast_in_dim3A_232 {strides = array<i32>} : memref<112xf32, #tpu.memory_space<vmem>>, vector<16xf32>,
    %swap3A_252 = arith.constant 80 : index
    %swap3A_253 = tpu.vector_load %arg9[%swap3A_252] {strides = array<i32>} : memref<112xf32, #tpu.memory_space<vmem>>, vector<16xf32>,
    tpu.vector_store %arg9[%swap3A_252], %broadcast_in_dim3A_230 {strides = array<i32>} : memref<112xf32, #tpu.memory_space<vmem>>, vector<16xf32>,
    %swap3A_254 = arith.constant 80 : index
    %swap3A_255 = tpu.vector_load %arg10[%swap3A_254] {strides = array<i32>} : memref<112xf32, #tpu.memory_space<vmem>>, vector<16xf32>,
    tpu.vector_store %arg10[%swap3A_254], %broadcast_in_dim3A_232 {strides = array<i32>} : memref<112xf32, #tpu.memory_space<vmem>>, vector<16xf32>,
    %swap3A_256 = arith.constant 96 : index
    %swap3A_257 = tpu.vector_load %arg9[%swap3A_256] {strides = array<i32>} : memref<112xf32, #tpu.memory_space<vmem>>, vector<16xf32>,
    tpu.vector_store %arg9[%swap3A_256], %broadcast_in_dim3A_230 {strides = array<i32>} : memref<112xf32, #tpu.memory_space<vmem>>, vector<16xf32>,
    %swap3A_258 = arith.constant 96 : index
    %swap3A_259 = tpu.vector_load %arg10[%swap3A_258] {strides = array<i32>} : memref<112xf32, #tpu.memory_space<vmem>>, vector<16xf32>,
    tpu.vector_store %arg10[%swap3A_258], %broadcast_in_dim3A_232 {strides = array<i32>} : memref<112xf32, #tpu.memory_space<vmem>>, vector<16xf32>,
    %get3A = arith.constant 0 : index
    %get3A_260 = tpu.vector_load %arg14[%get3A] {strides = array<i32>} : memref<16xi32, #tpu.memory_space<vmem>>, vector<16xi32>,
    %get3A_261 = arith.constant 0 : index
    %get3A_262 = tpu.vector_load %arg11[%get3A_261] {strides = array<i32>} : memref<16xf32, #tpu.memory_space<vmem>>, vector<16xf32>,
    %div3A_263 = arith.divf %broadcast_in_dim3A_230, %get3A_262 : vector<16xf32>
    %add3A_264 = arith.constant 0 : i32
    %add3A_265 = vector.broadcast %add3A_264 : i32 to vector<16xi32>
    %add3A_266 = arith.addi %iota3A, %add3A_265 : vector<16xi32>
    %lt3A_267 = arith.constant 4 : i32
    %lt3A_268 = vector.broadcast %lt3A_267 : i32 to vector<16xi32>
    %lt3A_269 = arith.cmpi slt, %add3A_266, %lt3A_268 : vector<16xi32>
    tpu.vector_store_idx %arg9[%get3A_260], %div3A_263 masked %lt3A_269 : memref<112xf32, #tpu.memory_space<vmem>>[vector<16xi32>], vector<16xf32>, vector<16xi1>
    %get3A_270 = arith.constant 0 : index
    %get3A_271 = tpu.vector_load %arg15[%get3A_270] {strides = array<i32>} : memref<96xi32, #tpu.memory_space<vmem>>, vector<16xi32>,
    %get3A_272 = arith.constant 0 : index
    %get3A_273 = tpu.vector_load %arg13[%get3A_272] {strides = array<i32>} : memref<96xf32, #tpu.memory_space<vmem>>, vector<16xf32>,
    %div3A_274 = arith.divf %broadcast_in_dim3A_230, %get3A_273 : vector<16xf32>
    %get3A_275 = arith.constant 0 : index
    %get3A_276 = tpu.vector_load %arg12[%get3A_275] {strides = array<i32>} : memref<96xf32, #tpu.memory_space<vmem>>, vector<16xf32>,
    %sub3A_277 = arith.subf %broadcast_in_dim3A_232, %get3A_276 : vector<16xf32>
    %mul3A_278 = arith.mulf %sub3A_277, %div3A_274 : vector<16xf32>
    %add3A_279 = arith.constant 0 : i32
    %add3A_280 = vector.broadcast %add3A_279 : i32 to vector<16xi32>
    %add3A_281 = arith.addi %iota3A, %add3A_280 : vector<16xi32>
    %lt3A_282 = arith.constant 84 : i32
    %lt3A_283 = vector.broadcast %lt3A_282 : i32 to vector<16xi32>
    %lt3A_284 = arith.cmpi slt, %add3A_281, %lt3A_283 : vector<16xi32>
    tpu.vector_store_idx %arg9[%get3A_271], %div3A_274 masked %lt3A_284 : memref<112xf32, #tpu.memory_space<vmem>>[vector<16xi32>], vector<16xf32>, vector<16xi1>
    tpu.vector_store_idx %arg10[%get3A_271], %mul3A_278 masked %lt3A_284 : memref<112xf32, #tpu.memory_space<vmem>>[vector<16xi32>], vector<16xf32>, vector<16xi1>
    %get3A_285 = arith.constant 16 : index
    %get3A_286 = tpu.vector_load %arg15[%get3A_285] {strides = array<i32>} : memref<96xi32, #tpu.memory_space<vmem>>, vector<16xi32>,
    %get3A_287 = arith.constant 16 : index
    %get3A_288 = tpu.vector_load %arg13[%get3A_287] {strides = array<i32>} : memref<96xf32, #tpu.memory_space<vmem>>, vector<16xf32>,
    %div3A_289 = arith.divf %broadcast_in_dim3A_230, %get3A_288 : vector<16xf32>
    %get3A_290 = arith.constant 16 : index
    %get3A_291 = tpu.vector_load %arg12[%get3A_290] {strides = array<i32>} : memref<96xf32, #tpu.memory_space<vmem>>, vector<16xf32>,
    %sub3A_292 = arith.subf %broadcast_in_dim3A_232, %get3A_291 : vector<16xf32>
    %mul3A_293 = arith.mulf %sub3A_292, %div3A_289 : vector<16xf32>
    %add3A_294 = arith.constant 16 : i32
    %add3A_295 = vector.broadcast %add3A_294 : i32 to vector<16xi32>
    %add3A_296 = arith.addi %iota3A, %add3A_295 : vector<16xi32>
    %lt3A_297 = arith.constant 84 : i32
    %lt3A_298 = vector.broadcast %lt3A_297 : i32 to vector<16xi32>
    %lt3A_299 = arith.cmpi slt, %add3A_296, %lt3A_298 : vector<16xi32>
    tpu.vector_store_idx %arg9[%get3A_286], %div3A_289 masked %lt3A_299 : memref<112xf32, #tpu.memory_space<vmem>>[vector<16xi32>], vector<16xf32>, vector<16xi1>
    tpu.vector_store_idx %arg10[%get3A_286], %mul3A_293 masked %lt3A_299 : memref<112xf32, #tpu.memory_space<vmem>>[vector<16xi32>], vector<16xf32>, vector<16xi1>
    %get3A_300 = arith.constant 32 : index
    %get3A_301 = tpu.vector_load %arg15[%get3A_300] {strides = array<i32>} : memref<96xi32, #tpu.memory_space<vmem>>, vector<16xi32>,
    %get3A_302 = arith.constant 32 : index
    %get3A_303 = tpu.vector_load %arg13[%get3A_302] {strides = array<i32>} : memref<96xf32, #tpu.memory_space<vmem>>, vector<16xf32>,
    %div3A_304 = arith.divf %broadcast_in_dim3A_230, %get3A_303 : vector<16xf32>
    %get3A_305 = arith.constant 32 : index
    %get3A_306 = tpu.vector_load %arg12[%get3A_305] {strides = array<i32>} : memref<96xf32, #tpu.memory_space<vmem>>, vector<16xf32>,
    %sub3A_307 = arith.subf %broadcast_in_dim3A_232, %get3A_306 : vector<16xf32>
    %mul3A_308 = arith.mulf %sub3A_307, %div3A_304 : vector<16xf32>
    %add3A_309 = arith.constant 32 : i32
    %add3A_310 = vector.broadcast %add3A_309 : i32 to vector<16xi32>
    %add3A_311 = arith.addi %iota3A, %add3A_310 : vector<16xi32>
    %lt3A_312 = arith.constant 84 : i32
    %lt3A_313 = vector.broadcast %lt3A_312 : i32 to vector<16xi32>
    %lt3A_314 = arith.cmpi slt, %add3A_311, %lt3A_313 : vector<16xi32>
    tpu.vector_store_idx %arg9[%get3A_301], %div3A_304 masked %lt3A_314 : memref<112xf32, #tpu.memory_space<vmem>>[vector<16xi32>], vector<16xf32>, vector<16xi1>
    tpu.vector_store_idx %arg10[%get3A_301], %mul3A_308 masked %lt3A_314 : memref<112xf32, #tpu.memory_space<vmem>>[vector<16xi32>], vector<16xf32>, vector<16xi1>
    %get3A_315 = arith.constant 48 : index
    %get3A_316 = tpu.vector_load %arg15[%get3A_315] {strides = array<i32>} : memref<96xi32, #tpu.memory_space<vmem>>, vector<16xi32>,
    %get3A_317 = arith.constant 48 : index
    %get3A_318 = tpu.vector_load %arg13[%get3A_317] {strides = array<i32>} : memref<96xf32, #tpu.memory_space<vmem>>, vector<16xf32>,
    %div3A_319 = arith.divf %broadcast_in_dim3A_230, %get3A_318 : vector<16xf32>
    %get3A_320 = arith.constant 48 : index
    %get3A_321 = tpu.vector_load %arg12[%get3A_320] {strides = array<i32>} : memref<96xf32, #tpu.memory_space<vmem>>, vector<16xf32>,
    %sub3A_322 = arith.subf %broadcast_in_dim3A_232, %get3A_321 : vector<16xf32>
    %mul3A_323 = arith.mulf %sub3A_322, %div3A_319 : vector<16xf32>
    %add3A_324 = arith.constant 48 : i32
    %add3A_325 = vector.broadcast %add3A_324 : i32 to vector<16xi32>
    %add3A_326 = arith.addi %iota3A, %add3A_325 : vector<16xi32>
    %lt3A_327 = arith.constant 84 : i32
    %lt3A_328 = vector.broadcast %lt3A_327 : i32 to vector<16xi32>
    %lt3A_329 = arith.cmpi slt, %add3A_326, %lt3A_328 : vector<16xi32>
    tpu.vector_store_idx %arg9[%get3A_316], %div3A_319 masked %lt3A_329 : memref<112xf32, #tpu.memory_space<vmem>>[vector<16xi32>], vector<16xf32>, vector<16xi1>
    tpu.vector_store_idx %arg10[%get3A_316], %mul3A_323 masked %lt3A_329 : memref<112xf32, #tpu.memory_space<vmem>>[vector<16xi32>], vector<16xf32>, vector<16xi1>
    %get3A_330 = arith.constant 64 : index
    %get3A_331 = tpu.vector_load %arg15[%get3A_330] {strides = array<i32>} : memref<96xi32, #tpu.memory_space<vmem>>, vector<16xi32>,
    %get3A_332 = arith.constant 64 : index
    %get3A_333 = tpu.vector_load %arg13[%get3A_332] {strides = array<i32>} : memref<96xf32, #tpu.memory_space<vmem>>, vector<16xf32>,
    %div3A_334 = arith.divf %broadcast_in_dim3A_230, %get3A_333 : vector<16xf32>
    %get3A_335 = arith.constant 64 : index
    %get3A_336 = tpu.vector_load %arg12[%get3A_335] {strides = array<i32>} : memref<96xf32, #tpu.memory_space<vmem>>, vector<16xf32>,
    %sub3A_337 = arith.subf %broadcast_in_dim3A_232, %get3A_336 : vector<16xf32>
    %mul3A_338 = arith.mulf %sub3A_337, %div3A_334 : vector<16xf32>
    %add3A_339 = arith.constant 64 : i32
    %add3A_340 = vector.broadcast %add3A_339 : i32 to vector<16xi32>
    %add3A_341 = arith.addi %iota3A, %add3A_340 : vector<16xi32>
    %lt3A_342 = arith.constant 84 : i32
    %lt3A_343 = vector.broadcast %lt3A_342 : i32 to vector<16xi32>
    %lt3A_344 = arith.cmpi slt, %add3A_341, %lt3A_343 : vector<16xi32>
    tpu.vector_store_idx %arg9[%get3A_331], %div3A_334 masked %lt3A_344 : memref<112xf32, #tpu.memory_space<vmem>>[vector<16xi32>], vector<16xf32>, vector<16xi1>
    tpu.vector_store_idx %arg10[%get3A_331], %mul3A_338 masked %lt3A_344 : memref<112xf32, #tpu.memory_space<vmem>>[vector<16xi32>], vector<16xf32>, vector<16xi1>
    %get3A_345 = arith.constant 80 : index
    %get3A_346 = tpu.vector_load %arg15[%get3A_345] {strides = array<i32>} : memref<96xi32, #tpu.memory_space<vmem>>, vector<16xi32>,
    %get3A_347 = arith.constant 80 : index
    %get3A_348 = tpu.vector_load %arg13[%get3A_347] {strides = array<i32>} : memref<96xf32, #tpu.memory_space<vmem>>, vector<16xf32>,
    %div3A_349 = arith.divf %broadcast_in_dim3A_230, %get3A_348 : vector<16xf32>
    %get3A_350 = arith.constant 80 : index
    %get3A_351 = tpu.vector_load %arg12[%get3A_350] {strides = array<i32>} : memref<96xf32, #tpu.memory_space<vmem>>, vector<16xf32>,
    %sub3A_352 = arith.subf %broadcast_in_dim3A_232, %get3A_351 : vector<16xf32>
    %mul3A_353 = arith.mulf %sub3A_352, %div3A_349 : vector<16xf32>
    %add3A_354 = arith.constant 80 : i32
    %add3A_355 = vector.broadcast %add3A_354 : i32 to vector<16xi32>
    %add3A_356 = arith.addi %iota3A, %add3A_355 : vector<16xi32>
    %lt3A_357 = arith.constant 84 : i32
    %lt3A_358 = vector.broadcast %lt3A_357 : i32 to vector<16xi32>
    %lt3A_359 = arith.cmpi slt, %add3A_356, %lt3A_358 : vector<16xi32>
    tpu.vector_store_idx %arg9[%get3A_346], %div3A_349 masked %lt3A_359 : memref<112xf32, #tpu.memory_space<vmem>>[vector<16xi32>], vector<16xf32>, vector<16xi1>
    tpu.vector_store_idx %arg10[%get3A_346], %mul3A_353 masked %lt3A_359 : memref<112xf32, #tpu.memory_space<vmem>>[vector<16xi32>], vector<16xf32>, vector<16xi1>
    %scan3A = arith.constant 0 : i32
    %scan3A_360 = arith.constant 0 : i32
    %scan3A_361 = arith.constant 25 : i32
    %scan3A_362 = arith.addi %scan3A_360, %scan3A_361 : i32
    %scan3A_363 = arith.constant 1 : i32
    scf.for %scan3A_609 = %scan3A_360 to %scan3A_362 step %scan3A_363  : i32 {
      %mul3A_610 = arith.constant 4 : i32
      %mul3A_611 = arith.muli %scan3A_609, %mul3A_610 : i32
      %add3A_612 = arith.constant 0 : i32
      %add3A_613 = arith.addi %mul3A_611, %add3A_612 : i32
      %lt3A_614 = arith.constant 98 : i32
      %lt3A_615 = arith.cmpi slt, %add3A_613, %lt3A_614 : i32
      %convert_element_type3A_616 = arith.extui %lt3A_615 : i1 to i32
      %cond3A_617 = arith.constant 0 : i32
      %cond3A_618 = arith.cmpi ne, %convert_element_type3A_616, %cond3A_617 : i32
      scf.if %cond3A_618 {
        %mul3A_646 = arith.constant 32 : i32
        %mul3A_647 = arith.muli %add3A_613, %mul3A_646 : i32
        %add3A_648 = arith.addi %mul3A_647, %add3A : i32
        %jit3A_649 = arith.constant 32 : i32
        %div3A_650 = arith.divsi %add3A_648, %jit3A_649 : i32
        %sign3A_651 = arith.constant 0 : i32
        %sign3A_652 = arith.cmpi sgt, %add3A_648, %sign3A_651 : i32
        %sign3A_653 = arith.extui %sign3A_652 : i1 to i32
        %sign3A_654 = arith.constant 0 : i32
        %sign3A_655 = arith.cmpi slt, %add3A_648, %sign3A_654 : i32
        %sign3A_656 = arith.extui %sign3A_655 : i1 to i32
        %sign3A_657 = arith.subi %sign3A_653, %sign3A_656 : i32
        %sign3A_658 = arith.constant 0 : i32
        %sign3A_659 = arith.cmpi sgt, %jit3A_649, %sign3A_658 : i32
        %sign3A_660 = arith.extui %sign3A_659 : i1 to i32
        %sign3A_661 = arith.constant 0 : i32
        %sign3A_662 = arith.cmpi slt, %jit3A_649, %sign3A_661 : i32
        %sign3A_663 = arith.extui %sign3A_662 : i1 to i32
        %sign3A_664 = arith.subi %sign3A_660, %sign3A_663 : i32
        %ne3A_665 = arith.cmpi ne, %sign3A_657, %sign3A_664 : i32
        %rem3A_666 = arith.remsi %add3A_648, %jit3A_649 : i32
        %ne3A_667 = arith.constant 0 : i32
        %ne3A_668 = arith.cmpi ne, %rem3A_666, %ne3A_667 : i32
        %and3A_669 = arith.andi %ne3A_665, %ne3A_668 : i1
        %sub3A_670 = arith.constant 1 : i32
        %sub3A_671 = arith.subi %div3A_650, %sub3A_670 : i32
        %select_n3A_672 = arith.select %and3A_669, %sub3A_671, %div3A_650 : i32
        %jit3A_673 = arith.constant 32 : i32
        %eq3A_674 = arith.constant 0 : i32
        %eq3A_675 = arith.cmpi eq, %jit3A_673, %eq3A_674 : i32
        %jit3A_676 = arith.constant 1 : i32
        %select_n3A_677 = arith.select %eq3A_675, %jit3A_676, %jit3A_673 : i32
        %rem3A_678 = arith.remsi %add3A_648, %select_n3A_677 : i32
        %ne3A_679 = arith.constant 0 : i32
        %ne3A_680 = arith.cmpi ne, %rem3A_678, %ne3A_679 : i32
        %lt3A_681 = arith.constant 0 : i32
        %lt3A_682 = arith.cmpi slt, %rem3A_678, %lt3A_681 : i32
        %lt3A_683 = arith.constant 0 : i32
        %lt3A_684 = arith.cmpi slt, %select_n3A_677, %lt3A_683 : i32
        %ne3A_685 = arith.xori %lt3A_682, %lt3A_684 : i1
        %and3A_686 = arith.andi %ne3A_685, %ne3A_680 : i1
        %add3A_687 = arith.addi %rem3A_678, %select_n3A_677 : i32
        %select_n3A_688 = arith.select %and3A_686, %add3A_687, %rem3A_678 : i32
        %jit3A_689 = arith.constant 0 : i32
        %jit3A_690 = arith.constant 30 : i32
        %max3A_691 = arith.maxsi %jit3A_689, %select_n3A_688 : i32
        %min3A_692 = arith.minsi %jit3A_690, %max3A_691 : i32
        %mul3A_693 = arith.constant 3200 : i32
        %mul3A_694 = arith.muli %min3A_692, %mul3A_693 : i32
        %multiple_of3A_695 = tpu.assume_multiple %mul3A_694, 128 : i32
        %lt3A_696 = arith.constant 31 : i32
        %lt3A_697 = arith.cmpi slt, %select_n3A_688, %lt3A_696 : i32
        %convert_element_type3A_698 = arith.extui %lt3A_697 : i1 to i32
        %cond3A_699 = arith.constant 0 : i32
        %cond3A_700 = arith.constant 0 : i32
        %cond3A_701 = arith.cmpi ne, %convert_element_type3A_698, %cond3A_700 : i32
        scf.if %cond3A_701 {
          %dma_wait3A = arith.constant 0 : i32
          %dma_wait3A_843 = arith.constant 0 : i32
          %dma_wait3A_844 = tpu.memref_slice %arg16[%cond3A_699, %dma_wait3A, %dma_wait3A_843] : memref<4x2x3200xf32, #tpu.memory_space<vmem>> -> memref<1x2x3200xf32, #tpu.memory_space<vmem>>
          %dma_wait3A_845 = tpu.memref_squeeze %dma_wait3A_844 : memref<1x2x3200xf32, #tpu.memory_space<vmem>> -> memref<2x3200xf32, #tpu.memory_space<vmem>>
          %dma_wait3A_846 = arith.constant 0 : i32
          %dma_wait3A_847 = tpu.memref_slice %arg2[%select_n3A_672, %dma_wait3A_846, %multiple_of3A_695] : memref<98x2x100000xf32, #tpu.memory_space<hbm>> -> memref<1x2x3200xf32, #tpu.memory_space<hbm>>
          %dma_wait3A_848 = tpu.memref_squeeze %dma_wait3A_847 : memref<1x2x3200xf32, #tpu.memory_space<hbm>> -> memref<2x3200xf32, #tpu.memory_space<hbm>>
          %dma_wait3A_849 = arith.constant 0 : i32
          %dma_wait3A_850 = arith.constant 0 : i32
          %dma_wait3A_851 = tpu.memref_slice %arg16[%cond3A_699, %dma_wait3A_849, %dma_wait3A_850] : memref<4x2x3200xf32, #tpu.memory_space<vmem>> -> memref<1x2x3200xf32, #tpu.memory_space<vmem>>
          %dma_wait3A_852 = tpu.memref_squeeze %dma_wait3A_851 : memref<1x2x3200xf32, #tpu.memory_space<vmem>> -> memref<2x3200xf32, #tpu.memory_space<vmem>>
          %dma_wait3A_853 = arith.constant 0 : i32
          %dma_wait3A_854 = tpu.memref_slice %arg2[%select_n3A_672, %dma_wait3A_853, %multiple_of3A_695] : memref<98x2x100000xf32, #tpu.memory_space<hbm>> -> memref<1x2x3200xf32, #tpu.memory_space<hbm>>
          %dma_wait3A_855 = tpu.memref_squeeze %dma_wait3A_854 : memref<1x2x3200xf32, #tpu.memory_space<hbm>> -> memref<2x3200xf32, #tpu.memory_space<hbm>>
          tpu.wait_dma2 semaphore(%arg20 : memref<!tpu.dma_semaphore, #tpu.memory_space<semaphore_mem>>) src(%dma_wait3A_855 : memref<2x3200xf32, #tpu.memory_space<hbm>>) dst(%dma_wait3A_852 : memref<2x3200xf32, #tpu.memory_space<vmem>>)
        } else {
        }
        %eq3A_702 = arith.constant 31 : i32
        %eq3A_703 = arith.cmpi eq, %select_n3A_688, %eq3A_702 : i32
        %convert_element_type3A_704 = arith.extui %eq3A_703 : i1 to i32
        %cond3A_705 = arith.constant 0 : i32
        %cond3A_706 = arith.constant 0 : i32
        %cond3A_707 = arith.cmpi ne, %convert_element_type3A_704, %cond3A_706 : i32
        scf.if %cond3A_707 {
          %dma_wait3A = arith.constant 0 : i32
          %dma_wait3A_843 = arith.constant 0 : i32
          %dma_wait3A_844 = tpu.memref_slice %arg18[%cond3A_705, %dma_wait3A, %dma_wait3A_843] : memref<4x2x800xf32, #tpu.memory_space<vmem>> -> memref<1x2x800xf32, #tpu.memory_space<vmem>>
          %dma_wait3A_845 = tpu.memref_squeeze %dma_wait3A_844 : memref<1x2x800xf32, #tpu.memory_space<vmem>> -> memref<2x800xf32, #tpu.memory_space<vmem>>
          %dma_wait3A_846 = arith.constant 0 : i32
          %dma_wait3A_847 = arith.constant 99200 : i32
          %dma_wait3A_848 = tpu.memref_slice %arg2[%select_n3A_672, %dma_wait3A_846, %dma_wait3A_847] : memref<98x2x100000xf32, #tpu.memory_space<hbm>> -> memref<1x2x800xf32, #tpu.memory_space<hbm>>
          %dma_wait3A_849 = tpu.memref_squeeze %dma_wait3A_848 : memref<1x2x800xf32, #tpu.memory_space<hbm>> -> memref<2x800xf32, #tpu.memory_space<hbm>>
          %dma_wait3A_850 = arith.constant 0 : i32
          %dma_wait3A_851 = arith.constant 0 : i32
          %dma_wait3A_852 = tpu.memref_slice %arg18[%cond3A_705, %dma_wait3A_850, %dma_wait3A_851] : memref<4x2x800xf32, #tpu.memory_space<vmem>> -> memref<1x2x800xf32, #tpu.memory_space<vmem>>
          %dma_wait3A_853 = tpu.memref_squeeze %dma_wait3A_852 : memref<1x2x800xf32, #tpu.memory_space<vmem>> -> memref<2x800xf32, #tpu.memory_space<vmem>>
          %dma_wait3A_854 = arith.constant 0 : i32
          %dma_wait3A_855 = arith.constant 99200 : i32
          %dma_wait3A_856 = tpu.memref_slice %arg2[%select_n3A_672, %dma_wait3A_854, %dma_wait3A_855] : memref<98x2x100000xf32, #tpu.memory_space<hbm>> -> memref<1x2x800xf32, #tpu.memory_space<hbm>>
          %dma_wait3A_857 = tpu.memref_squeeze %dma_wait3A_856 : memref<1x2x800xf32, #tpu.memory_space<hbm>> -> memref<2x800xf32, #tpu.memory_space<hbm>>
          tpu.wait_dma2 semaphore(%arg20 : memref<!tpu.dma_semaphore, #tpu.memory_space<semaphore_mem>>) src(%dma_wait3A_857 : memref<2x800xf32, #tpu.memory_space<hbm>>) dst(%dma_wait3A_853 : memref<2x800xf32, #tpu.memory_space<vmem>>)
        } else {
        }
        %gt3A = arith.constant 0 : i32
        %gt3A_708 = arith.cmpi sgt, %scan3A_609, %gt3A : i32
        %convert_element_type3A_709 = arith.extui %gt3A_708 : i1 to i32
        %cond3A_710 = arith.constant 0 : i32
        %cond3A_711 = arith.cmpi ne, %convert_element_type3A_709, %cond3A_710 : i32
        scf.if %cond3A_711 {
          %sub3A_843 = arith.constant 4 : i32
          %sub3A_844 = arith.subi %add3A_613, %sub3A_843 : i32
          %mul3A_845 = arith.constant 32 : i32
          %mul3A_846 = arith.muli %sub3A_844, %mul3A_845 : i32
          %add3A_847 = arith.addi %mul3A_846, %add3A : i32
          %jit3A_848 = arith.constant 32 : i32
          %div3A_849 = arith.divsi %add3A_847, %jit3A_848 : i32
          %sign3A_850 = arith.constant 0 : i32
          %sign3A_851 = arith.cmpi sgt, %add3A_847, %sign3A_850 : i32
          %sign3A_852 = arith.extui %sign3A_851 : i1 to i32
          %sign3A_853 = arith.constant 0 : i32
          %sign3A_854 = arith.cmpi slt, %add3A_847, %sign3A_853 : i32
          %sign3A_855 = arith.extui %sign3A_854 : i1 to i32
          %sign3A_856 = arith.subi %sign3A_852, %sign3A_855 : i32
          %sign3A_857 = arith.constant 0 : i32
          %sign3A_858 = arith.cmpi sgt, %jit3A_848, %sign3A_857 : i32
          %sign3A_859 = arith.extui %sign3A_858 : i1 to i32
          %sign3A_860 = arith.constant 0 : i32
          %sign3A_861 = arith.cmpi slt, %jit3A_848, %sign3A_860 : i32
          %sign3A_862 = arith.extui %sign3A_861 : i1 to i32
          %sign3A_863 = arith.subi %sign3A_859, %sign3A_862 : i32
          %ne3A_864 = arith.cmpi ne, %sign3A_856, %sign3A_863 : i32
          %rem3A_865 = arith.remsi %add3A_847, %jit3A_848 : i32
          %ne3A_866 = arith.constant 0 : i32
          %ne3A_867 = arith.cmpi ne, %rem3A_865, %ne3A_866 : i32
          %and3A_868 = arith.andi %ne3A_864, %ne3A_867 : i1
          %sub3A_869 = arith.constant 1 : i32
          %sub3A_870 = arith.subi %div3A_849, %sub3A_869 : i32
          %select_n3A_871 = arith.select %and3A_868, %sub3A_870, %div3A_849 : i32
          %jit3A_872 = arith.constant 32 : i32
          %eq3A_873 = arith.constant 0 : i32
          %eq3A_874 = arith.cmpi eq, %jit3A_872, %eq3A_873 : i32
          %jit3A_875 = arith.constant 1 : i32
          %select_n3A_876 = arith.select %eq3A_874, %jit3A_875, %jit3A_872 : i32
          %rem3A_877 = arith.remsi %add3A_847, %select_n3A_876 : i32
          %ne3A_878 = arith.constant 0 : i32
          %ne3A_879 = arith.cmpi ne, %rem3A_877, %ne3A_878 : i32
          %lt3A_880 = arith.constant 0 : i32
          %lt3A_881 = arith.cmpi slt, %rem3A_877, %lt3A_880 : i32
          %lt3A_882 = arith.constant 0 : i32
          %lt3A_883 = arith.cmpi slt, %select_n3A_876, %lt3A_882 : i32
          %ne3A_884 = arith.xori %lt3A_881, %lt3A_883 : i1
          %and3A_885 = arith.andi %ne3A_884, %ne3A_879 : i1
          %add3A_886 = arith.addi %rem3A_877, %select_n3A_876 : i32
          %select_n3A_887 = arith.select %and3A_885, %add3A_886, %rem3A_877 : i32
          %jit3A_888 = arith.constant 0 : i32
          %jit3A_889 = arith.constant 30 : i32
          %max3A_890 = arith.maxsi %jit3A_888, %select_n3A_887 : i32
          %min3A_891 = arith.minsi %jit3A_889, %max3A_890 : i32
          %mul3A_892 = arith.constant 3200 : i32
          %mul3A_893 = arith.muli %min3A_891, %mul3A_892 : i32
          %multiple_of3A_894 = tpu.assume_multiple %mul3A_893, 128 : i32
          %lt3A_895 = arith.constant 31 : i32
          %lt3A_896 = arith.cmpi slt, %select_n3A_887, %lt3A_895 : i32
          %convert_element_type3A_897 = arith.extui %lt3A_896 : i1 to i32
          %cond3A_898 = arith.constant 0 : i32
          %cond3A_899 = arith.constant 0 : i32
          %cond3A_900 = arith.cmpi ne, %convert_element_type3A_897, %cond3A_899 : i32
          scf.if %cond3A_900 {
            %dma_wait3A = arith.constant 0 : i32
            %dma_wait3A_907 = arith.constant 0 : i32
            %dma_wait3A_908 = tpu.memref_slice %arg17[%cond3A_898, %dma_wait3A, %dma_wait3A_907] : memref<4x2x3200xf32, #tpu.memory_space<vmem>> -> memref<1x2x3200xf32, #tpu.memory_space<vmem>>
            %dma_wait3A_909 = tpu.memref_squeeze %dma_wait3A_908 : memref<1x2x3200xf32, #tpu.memory_space<vmem>> -> memref<2x3200xf32, #tpu.memory_space<vmem>>
            %dma_wait3A_910 = arith.constant 0 : i32
            %dma_wait3A_911 = tpu.memref_slice %arg8[%select_n3A_871, %dma_wait3A_910, %multiple_of3A_894] : memref<98x2x100000xf32, #tpu.memory_space<hbm>> -> memref<1x2x3200xf32, #tpu.memory_space<hbm>>
            %dma_wait3A_912 = tpu.memref_squeeze %dma_wait3A_911 : memref<1x2x3200xf32, #tpu.memory_space<hbm>> -> memref<2x3200xf32, #tpu.memory_space<hbm>>
            %dma_wait3A_913 = arith.constant 0 : i32
            %dma_wait3A_914 = tpu.memref_slice %arg8[%select_n3A_871, %dma_wait3A_913, %multiple_of3A_894] : memref<98x2x100000xf32, #tpu.memory_space<hbm>> -> memref<1x2x3200xf32, #tpu.memory_space<hbm>>
            %dma_wait3A_915 = tpu.memref_squeeze %dma_wait3A_914 : memref<1x2x3200xf32, #tpu.memory_space<hbm>> -> memref<2x3200xf32, #tpu.memory_space<hbm>>
            %dma_wait3A_916 = arith.constant 0 : i32
            %dma_wait3A_917 = arith.constant 0 : i32
            %dma_wait3A_918 = tpu.memref_slice %arg17[%cond3A_898, %dma_wait3A_916, %dma_wait3A_917] : memref<4x2x3200xf32, #tpu.memory_space<vmem>> -> memref<1x2x3200xf32, #tpu.memory_space<vmem>>
            %dma_wait3A_919 = tpu.memref_squeeze %dma_wait3A_918 : memref<1x2x3200xf32, #tpu.memory_space<vmem>> -> memref<2x3200xf32, #tpu.memory_space<vmem>>
            tpu.wait_dma2 semaphore(%arg24 : memref<!tpu.dma_semaphore, #tpu.memory_space<semaphore_mem>>) src(%dma_wait3A_919 : memref<2x3200xf32, #tpu.memory_space<vmem>>) dst(%dma_wait3A_915 : memref<2x3200xf32, #tpu.memory_space<hbm>>)
          } else {
          }
          %eq3A_901 = arith.constant 31 : i32
          %eq3A_902 = arith.cmpi eq, %select_n3A_887, %eq3A_901 : i32
          %convert_element_type3A_903 = arith.extui %eq3A_902 : i1 to i32
          %cond3A_904 = arith.constant 0 : i32
          %cond3A_905 = arith.constant 0 : i32
          %cond3A_906 = arith.cmpi ne, %convert_element_type3A_903, %cond3A_905 : i32
          scf.if %cond3A_906 {
            %dma_wait3A = arith.constant 0 : i32
            %dma_wait3A_907 = arith.constant 0 : i32
            %dma_wait3A_908 = tpu.memref_slice %arg19[%cond3A_904, %dma_wait3A, %dma_wait3A_907] : memref<4x2x800xf32, #tpu.memory_space<vmem>> -> memref<1x2x800xf32, #tpu.memory_space<vmem>>
            %dma_wait3A_909 = tpu.memref_squeeze %dma_wait3A_908 : memref<1x2x800xf32, #tpu.memory_space<vmem>> -> memref<2x800xf32, #tpu.memory_space<vmem>>
            %dma_wait3A_910 = arith.constant 0 : i32
            %dma_wait3A_911 = arith.constant 99200 : i32
            %dma_wait3A_912 = tpu.memref_slice %arg8[%select_n3A_871, %dma_wait3A_910, %dma_wait3A_911] : memref<98x2x100000xf32, #tpu.memory_space<hbm>> -> memref<1x2x800xf32, #tpu.memory_space<hbm>>
            %dma_wait3A_913 = tpu.memref_squeeze %dma_wait3A_912 : memref<1x2x800xf32, #tpu.memory_space<hbm>> -> memref<2x800xf32, #tpu.memory_space<hbm>>
            %dma_wait3A_914 = arith.constant 0 : i32
            %dma_wait3A_915 = arith.constant 99200 : i32
            %dma_wait3A_916 = tpu.memref_slice %arg8[%select_n3A_871, %dma_wait3A_914, %dma_wait3A_915] : memref<98x2x100000xf32, #tpu.memory_space<hbm>> -> memref<1x2x800xf32, #tpu.memory_space<hbm>>
            %dma_wait3A_917 = tpu.memref_squeeze %dma_wait3A_916 : memref<1x2x800xf32, #tpu.memory_space<hbm>> -> memref<2x800xf32, #tpu.memory_space<hbm>>
            %dma_wait3A_918 = arith.constant 0 : i32
            %dma_wait3A_919 = arith.constant 0 : i32
            %dma_wait3A_920 = tpu.memref_slice %arg19[%cond3A_904, %dma_wait3A_918, %dma_wait3A_919] : memref<4x2x800xf32, #tpu.memory_space<vmem>> -> memref<1x2x800xf32, #tpu.memory_space<vmem>>
            %dma_wait3A_921 = tpu.memref_squeeze %dma_wait3A_920 : memref<1x2x800xf32, #tpu.memory_space<vmem>> -> memref<2x800xf32, #tpu.memory_space<vmem>>
            tpu.wait_dma2 semaphore(%arg24 : memref<!tpu.dma_semaphore, #tpu.memory_space<semaphore_mem>>) src(%dma_wait3A_921 : memref<2x800xf32, #tpu.memory_space<vmem>>) dst(%dma_wait3A_917 : memref<2x800xf32, #tpu.memory_space<hbm>>)
          } else {
          }
        } else {
        }
        %mul3A_712 = arith.constant 32 : i32
        %mul3A_713 = arith.muli %add3A_613, %mul3A_712 : i32
        %add3A_714 = arith.addi %mul3A_713, %add3A : i32
        %jit3A_715 = arith.constant 32 : i32
        %div3A_716 = arith.divsi %add3A_714, %jit3A_715 : i32
        %sign3A_717 = arith.constant 0 : i32
        %sign3A_718 = arith.cmpi sgt, %add3A_714, %sign3A_717 : i32
        %sign3A_719 = arith.extui %sign3A_718 : i1 to i32
        %sign3A_720 = arith.constant 0 : i32
        %sign3A_721 = arith.cmpi slt, %add3A_714, %sign3A_720 : i32
        %sign3A_722 = arith.extui %sign3A_721 : i1 to i32
        %sign3A_723 = arith.subi %sign3A_719, %sign3A_722 : i32
        %sign3A_724 = arith.constant 0 : i32
        %sign3A_725 = arith.cmpi sgt, %jit3A_715, %sign3A_724 : i32
        %sign3A_726 = arith.extui %sign3A_725 : i1 to i32
        %sign3A_727 = arith.constant 0 : i32
        %sign3A_728 = arith.cmpi slt, %jit3A_715, %sign3A_727 : i32
        %sign3A_729 = arith.extui %sign3A_728 : i1 to i32
        %sign3A_730 = arith.subi %sign3A_726, %sign3A_729 : i32
        %ne3A_731 = arith.cmpi ne, %sign3A_723, %sign3A_730 : i32
        %rem3A_732 = arith.remsi %add3A_714, %jit3A_715 : i32
        %ne3A_733 = arith.constant 0 : i32
        %ne3A_734 = arith.cmpi ne, %rem3A_732, %ne3A_733 : i32
        %and3A_735 = arith.andi %ne3A_731, %ne3A_734 : i1
        %sub3A_736 = arith.constant 1 : i32
        %sub3A_737 = arith.subi %div3A_716, %sub3A_736 : i32
        %select_n3A_738 = arith.select %and3A_735, %sub3A_737, %div3A_716 : i32
        %jit3A_739 = arith.constant 32 : i32
        %eq3A_740 = arith.constant 0 : i32
        %eq3A_741 = arith.cmpi eq, %jit3A_739, %eq3A_740 : i32
        %jit3A_742 = arith.constant 1 : i32
        %select_n3A_743 = arith.select %eq3A_741, %jit3A_742, %jit3A_739 : i32
        %rem3A_744 = arith.remsi %add3A_714, %select_n3A_743 : i32
        %ne3A_745 = arith.constant 0 : i32
        %ne3A_746 = arith.cmpi ne, %rem3A_744, %ne3A_745 : i32
        %lt3A_747 = arith.constant 0 : i32
        %lt3A_748 = arith.cmpi slt, %rem3A_744, %lt3A_747 : i32
        %lt3A_749 = arith.constant 0 : i32
        %lt3A_750 = arith.cmpi slt, %select_n3A_743, %lt3A_749 : i32
        %ne3A_751 = arith.xori %lt3A_748, %lt3A_750 : i1
        %and3A_752 = arith.andi %ne3A_751, %ne3A_746 : i1
        %add3A_753 = arith.addi %rem3A_744, %select_n3A_743 : i32
        %select_n3A_754 = arith.select %and3A_752, %add3A_753, %rem3A_744 : i32
        %broadcast_in_dim3A_755 = arith.constant 0 : i32
        %broadcast_in_dim3A_756 = vector.broadcast %broadcast_in_dim3A_755 : i32 to vector<16xi32>
        %add3A_757 = vector.broadcast %select_n3A_738 : i32 to vector<16xi32>
        %add3A_758 = arith.addi %broadcast_in_dim3A_756, %add3A_757 : vector<16xi32>
        %gather3A = tpu.vector_load_idx %arg9[%add3A_758] : memref<112xf32, #tpu.memory_space<vmem>>[vector<16xi32>], vector<16xf32>,
        %gather3A_759 = tpu.vector_load_idx %arg10[%add3A_758] : memref<112xf32, #tpu.memory_space<vmem>>[vector<16xi32>], vector<16xf32>,
        %lt3A_760 = arith.constant 31 : i32
        %lt3A_761 = arith.cmpi slt, %select_n3A_754, %lt3A_760 : i32
        %convert_element_type3A_762 = arith.extui %lt3A_761 : i1 to i32
        %cond3A_763 = arith.constant 0 : i32
        %cond3A_764 = arith.constant 0 : i32
        %cond3A_765 = arith.constant 0 : i32
        %cond3A_766 = arith.cmpi ne, %convert_element_type3A_762, %cond3A_765 : i32
        scf.if %cond3A_766 {
          %scan3A_843 = arith.constant 0 : i32
          %scan3A_844 = arith.constant 0 : i32
          %scan3A_845 = arith.constant 25 : i32
          %scan3A_846 = arith.addi %scan3A_844, %scan3A_845 : i32
          %scan3A_847 = arith.constant 1 : i32
          scf.for %scan3A_849 = %scan3A_844 to %scan3A_846 step %scan3A_847  : i32 {
            %mul3A_850 = arith.constant 128 : i32
            %mul3A_851 = arith.muli %scan3A_849, %mul3A_850 : i32
            %multiple_of3A_852 = tpu.assume_multiple %mul3A_851, 128 : i32
            %add3A_853 = arith.constant 0 : i32
            %add3A_854 = arith.addi %multiple_of3A_852, %add3A_853 : i32
            %get3A_855 = arith.constant 0 : i32
            %get3A_856 = arith.constant 0 : i32
            %get3A_857 = arith.constant 0 : i32
            %get3A_858 = tpu.memref_slice %arg16[%cond3A_763, %get3A_856, %get3A_857] : memref<4x2x3200xf32, #tpu.memory_space<vmem>> -> memref<1x2x3200xf32, #tpu.memory_space<vmem>>
            %get3A_859 = tpu.memref_squeeze %get3A_858 : memref<1x2x3200xf32, #tpu.memory_space<vmem>> -> memref<2x3200xf32, #tpu.memory_space<vmem>>
            %get3A_860 = arith.index_cast %get3A_855 : i32 to index
            %get3A_861 = arith.index_cast %add3A_854 : i32 to index
            %get3A_862 = tpu.vector_load %get3A_859[%get3A_860, %get3A_861] {strides = array<i32>} : memref<2x3200xf32, #tpu.memory_space<vmem>>, vector<16xf32>,
            %mul3A_863 = arith.mulf %get3A_862, %gather3A : vector<16xf32>
            %add3A_864 = arith.addf %mul3A_863, %gather3A_759 : vector<16xf32>
            %swap3A_865 = arith.constant 0 : i32
            %swap3A_866 = arith.constant 0 : i32
            %swap3A_867 = arith.constant 0 : i32
            %swap3A_868 = tpu.memref_slice %arg17[%cond3A_764, %swap3A_866, %swap3A_867] : memref<4x2x3200xf32, #tpu.memory_space<vmem>> -> memref<1x2x3200xf32, #tpu.memory_space<vmem>>
            %swap3A_869 = tpu.memref_squeeze %swap3A_868 : memref<1x2x3200xf32, #tpu.memory_space<vmem>> -> memref<2x3200xf32, #tpu.memory_space<vmem>>
            %swap3A_870 = arith.index_cast %swap3A_865 : i32 to index
            %swap3A_871 = arith.index_cast %add3A_854 : i32 to index
            %swap3A_872 = tpu.vector_load %swap3A_869[%swap3A_870, %swap3A_871] {strides = array<i32>} : memref<2x3200xf32, #tpu.memory_space<vmem>>, vector<16xf32>,
            tpu.vector_store %swap3A_869[%swap3A_870, %swap3A_871], %add3A_864 {strides = array<i32>} : memref<2x3200xf32, #tpu.memory_space<vmem>>, vector<16xf32>,
            %add3A_873 = arith.constant 16 : i32
            %add3A_874 = arith.addi %multiple_of3A_852, %add3A_873 : i32
            %get3A_875 = arith.constant 0 : i32
            %get3A_876 = arith.constant 0 : i32
            %get3A_877 = arith.constant 0 : i32
            %get3A_878 = tpu.memref_slice %arg16[%cond3A_763, %get3A_876, %get3A_877] : memref<4x2x3200xf32, #tpu.memory_space<vmem>> -> memref<1x2x3200xf32, #tpu.memory_space<vmem>>
            %get3A_879 = tpu.memref_squeeze %get3A_878 : memref<1x2x3200xf32, #tpu.memory_space<vmem>> -> memref<2x3200xf32, #tpu.memory_space<vmem>>
            %get3A_880 = arith.index_cast %get3A_875 : i32 to index
            %get3A_881 = arith.index_cast %add3A_874 : i32 to index
            %get3A_882 = tpu.vector_load %get3A_879[%get3A_880, %get3A_881] {strides = array<i32>} : memref<2x3200xf32, #tpu.memory_space<vmem>>, vector<16xf32>,
            %mul3A_883 = arith.mulf %get3A_882, %gather3A : vector<16xf32>
            %add3A_884 = arith.addf %mul3A_883, %gather3A_759 : vector<16xf32>
            %swap3A_885 = arith.constant 0 : i32
            %swap3A_886 = arith.constant 0 : i32
            %swap3A_887 = arith.constant 0 : i32
            %swap3A_888 = tpu.memref_slice %arg17[%cond3A_764, %swap3A_886, %swap3A_887] : memref<4x2x3200xf32, #tpu.memory_space<vmem>> -> memref<1x2x3200xf32, #tpu.memory_space<vmem>>
            %swap3A_889 = tpu.memref_squeeze %swap3A_888 : memref<1x2x3200xf32, #tpu.memory_space<vmem>> -> memref<2x3200xf32, #tpu.memory_space<vmem>>
            %swap3A_890 = arith.index_cast %swap3A_885 : i32 to index
            %swap3A_891 = arith.index_cast %add3A_874 : i32 to index
            %swap3A_892 = tpu.vector_load %swap3A_889[%swap3A_890, %swap3A_891] {strides = array<i32>} : memref<2x3200xf32, #tpu.memory_space<vmem>>, vector<16xf32>,
            tpu.vector_store %swap3A_889[%swap3A_890, %swap3A_891], %add3A_884 {strides = array<i32>} : memref<2x3200xf32, #tpu.memory_space<vmem>>, vector<16xf32>,
            %add3A_893 = arith.constant 32 : i32
            %add3A_894 = arith.addi %multiple_of3A_852, %add3A_893 : i32
            %get3A_895 = arith.constant 0 : i32
            %get3A_896 = arith.constant 0 : i32
            %get3A_897 = arith.constant 0 : i32
            %get3A_898 = tpu.memref_slice %arg16[%cond3A_763, %get3A_896, %get3A_897] : memref<4x2x3200xf32, #tpu.memory_space<vmem>> -> memref<1x2x3200xf32, #tpu.memory_space<vmem>>
            %get3A_899 = tpu.memref_squeeze %get3A_898 : memref<1x2x3200xf32, #tpu.memory_space<vmem>> -> memref<2x3200xf32, #tpu.memory_space<vmem>>
            %get3A_900 = arith.index_cast %get3A_895 : i32 to index
            %get3A_901 = arith.index_cast %add3A_894 : i32 to index
            %get3A_902 = tpu.vector_load %get3A_899[%get3A_900, %get3A_901] {strides = array<i32>} : memref<2x3200xf32, #tpu.memory_space<vmem>>, vector<16xf32>,
            %mul3A_903 = arith.mulf %get3A_902, %gather3A : vector<16xf32>
            %add3A_904 = arith.addf %mul3A_903, %gather3A_759 : vector<16xf32>
            %swap3A_905 = arith.constant 0 : i32
            %swap3A_906 = arith.constant 0 : i32
            %swap3A_907 = arith.constant 0 : i32
            %swap3A_908 = tpu.memref_slice %arg17[%cond3A_764, %swap3A_906, %swap3A_907] : memref<4x2x3200xf32, #tpu.memory_space<vmem>> -> memref<1x2x3200xf32, #tpu.memory_space<vmem>>
            %swap3A_909 = tpu.memref_squeeze %swap3A_908 : memref<1x2x3200xf32, #tpu.memory_space<vmem>> -> memref<2x3200xf32, #tpu.memory_space<vmem>>
            %swap3A_910 = arith.index_cast %swap3A_905 : i32 to index
            %swap3A_911 = arith.index_cast %add3A_894 : i32 to index
            %swap3A_912 = tpu.vector_load %swap3A_909[%swap3A_910, %swap3A_911] {strides = array<i32>} : memref<2x3200xf32, #tpu.memory_space<vmem>>, vector<16xf32>,
            tpu.vector_store %swap3A_909[%swap3A_910, %swap3A_911], %add3A_904 {strides = array<i32>} : memref<2x3200xf32, #tpu.memory_space<vmem>>, vector<16xf32>,
            %add3A_913 = arith.constant 48 : i32
            %add3A_914 = arith.addi %multiple_of3A_852, %add3A_913 : i32
            %get3A_915 = arith.constant 0 : i32
            %get3A_916 = arith.constant 0 : i32
            %get3A_917 = arith.constant 0 : i32
            %get3A_918 = tpu.memref_slice %arg16[%cond3A_763, %get3A_916, %get3A_917] : memref<4x2x3200xf32, #tpu.memory_space<vmem>> -> memref<1x2x3200xf32, #tpu.memory_space<vmem>>
            %get3A_919 = tpu.memref_squeeze %get3A_918 : memref<1x2x3200xf32, #tpu.memory_space<vmem>> -> memref<2x3200xf32, #tpu.memory_space<vmem>>
            %get3A_920 = arith.index_cast %get3A_915 : i32 to index
            %get3A_921 = arith.index_cast %add3A_914 : i32 to index
            %get3A_922 = tpu.vector_load %get3A_919[%get3A_920, %get3A_921] {strides = array<i32>} : memref<2x3200xf32, #tpu.memory_space<vmem>>, vector<16xf32>,
            %mul3A_923 = arith.mulf %get3A_922, %gather3A : vector<16xf32>
            %add3A_924 = arith.addf %mul3A_923, %gather3A_759 : vector<16xf32>
            %swap3A_925 = arith.constant 0 : i32
            %swap3A_926 = arith.constant 0 : i32
            %swap3A_927 = arith.constant 0 : i32
            %swap3A_928 = tpu.memref_slice %arg17[%cond3A_764, %swap3A_926, %swap3A_927] : memref<4x2x3200xf32, #tpu.memory_space<vmem>> -> memref<1x2x3200xf32, #tpu.memory_space<vmem>>
            %swap3A_929 = tpu.memref_squeeze %swap3A_928 : memref<1x2x3200xf32, #tpu.memory_space<vmem>> -> memref<2x3200xf32, #tpu.memory_space<vmem>>
            %swap3A_930 = arith.index_cast %swap3A_925 : i32 to index
            %swap3A_931 = arith.index_cast %add3A_914 : i32 to index
            %swap3A_932 = tpu.vector_load %swap3A_929[%swap3A_930, %swap3A_931] {strides = array<i32>} : memref<2x3200xf32, #tpu.memory_space<vmem>>, vector<16xf32>,
            tpu.vector_store %swap3A_929[%swap3A_930, %swap3A_931], %add3A_924 {strides = array<i32>} : memref<2x3200xf32, #tpu.memory_space<vmem>>, vector<16xf32>,
            %add3A_933 = arith.constant 64 : i32
            %add3A_934 = arith.addi %multiple_of3A_852, %add3A_933 : i32
            %get3A_935 = arith.constant 0 : i32
            %get3A_936 = arith.constant 0 : i32
            %get3A_937 = arith.constant 0 : i32
            %get3A_938 = tpu.memref_slice %arg16[%cond3A_763, %get3A_936, %get3A_937] : memref<4x2x3200xf32, #tpu.memory_space<vmem>> -> memref<1x2x3200xf32, #tpu.memory_space<vmem>>
            %get3A_939 = tpu.memref_squeeze %get3A_938 : memref<1x2x3200xf32, #tpu.memory_space<vmem>> -> memref<2x3200xf32, #tpu.memory_space<vmem>>
            %get3A_940 = arith.index_cast %get3A_935 : i32 to index
            %get3A_941 = arith.index_cast %add3A_934 : i32 to index
            %get3A_942 = tpu.vector_load %get3A_939[%get3A_940, %get3A_941] {strides = array<i32>} : memref<2x3200xf32, #tpu.memory_space<vmem>>, vector<16xf32>,
            %mul3A_943 = arith.mulf %get3A_942, %gather3A : vector<16xf32>
            %add3A_944 = arith.addf %mul3A_943, %gather3A_759 : vector<16xf32>
            %swap3A_945 = arith.constant 0 : i32
            %swap3A_946 = arith.constant 0 : i32
            %swap3A_947 = arith.constant 0 : i32
            %swap3A_948 = tpu.memref_slice %arg17[%cond3A_764, %swap3A_946, %swap3A_947] : memref<4x2x3200xf32, #tpu.memory_space<vmem>> -> memref<1x2x3200xf32, #tpu.memory_space<vmem>>
            %swap3A_949 = tpu.memref_squeeze %swap3A_948 : memref<1x2x3200xf32, #tpu.memory_space<vmem>> -> memref<2x3200xf32, #tpu.memory_space<vmem>>
            %swap3A_950 = arith.index_cast %swap3A_945 : i32 to index
            %swap3A_951 = arith.index_cast %add3A_934 : i32 to index
            %swap3A_952 = tpu.vector_load %swap3A_949[%swap3A_950, %swap3A_951] {strides = array<i32>} : memref<2x3200xf32, #tpu.memory_space<vmem>>, vector<16xf32>,
            tpu.vector_store %swap3A_949[%swap3A_950, %swap3A_951], %add3A_944 {strides = array<i32>} : memref<2x3200xf32, #tpu.memory_space<vmem>>, vector<16xf32>,
            %add3A_953 = arith.constant 80 : i32
            %add3A_954 = arith.addi %multiple_of3A_852, %add3A_953 : i32
            %get3A_955 = arith.constant 0 : i32
            %get3A_956 = arith.constant 0 : i32
            %get3A_957 = arith.constant 0 : i32
            %get3A_958 = tpu.memref_slice %arg16[%cond3A_763, %get3A_956, %get3A_957] : memref<4x2x3200xf32, #tpu.memory_space<vmem>> -> memref<1x2x3200xf32, #tpu.memory_space<vmem>>
            %get3A_959 = tpu.memref_squeeze %get3A_958 : memref<1x2x3200xf32, #tpu.memory_space<vmem>> -> memref<2x3200xf32, #tpu.memory_space<vmem>>
            %get3A_960 = arith.index_cast %get3A_955 : i32 to index
            %get3A_961 = arith.index_cast %add3A_954 : i32 to index
            %get3A_962 = tpu.vector_load %get3A_959[%get3A_960, %get3A_961] {strides = array<i32>} : memref<2x3200xf32, #tpu.memory_space<vmem>>, vector<16xf32>,
            %mul3A_963 = arith.mulf %get3A_962, %gather3A : vector<16xf32>
            %add3A_964 = arith.addf %mul3A_963, %gather3A_759 : vector<16xf32>
            %swap3A_965 = arith.constant 0 : i32
            %swap3A_966 = arith.constant 0 : i32
            %swap3A_967 = arith.constant 0 : i32
            %swap3A_968 = tpu.memref_slice %arg17[%cond3A_764, %swap3A_966, %swap3A_967] : memref<4x2x3200xf32, #tpu.memory_space<vmem>> -> memref<1x2x3200xf32, #tpu.memory_space<vmem>>
            %swap3A_969 = tpu.memref_squeeze %swap3A_968 : memref<1x2x3200xf32, #tpu.memory_space<vmem>> -> memref<2x3200xf32, #tpu.memory_space<vmem>>
            %swap3A_970 = arith.index_cast %swap3A_965 : i32 to index
            %swap3A_971 = arith.index_cast %add3A_954 : i32 to index
            %swap3A_972 = tpu.vector_load %swap3A_969[%swap3A_970, %swap3A_971] {strides = array<i32>} : memref<2x3200xf32, #tpu.memory_space<vmem>>, vector<16xf32>,
            tpu.vector_store %swap3A_969[%swap3A_970, %swap3A_971], %add3A_964 {strides = array<i32>} : memref<2x3200xf32, #tpu.memory_space<vmem>>, vector<16xf32>,
            %add3A_973 = arith.constant 96 : i32
            %add3A_974 = arith.addi %multiple_of3A_852, %add3A_973 : i32
            %get3A_975 = arith.constant 0 : i32
            %get3A_976 = arith.constant 0 : i32
            %get3A_977 = arith.constant 0 : i32
            %get3A_978 = tpu.memref_slice %arg16[%cond3A_763, %get3A_976, %get3A_977] : memref<4x2x3200xf32, #tpu.memory_space<vmem>> -> memref<1x2x3200xf32, #tpu.memory_space<vmem>>
            %get3A_979 = tpu.memref_squeeze %get3A_978 : memref<1x2x3200xf32, #tpu.memory_space<vmem>> -> memref<2x3200xf32, #tpu.memory_space<vmem>>
            %get3A_980 = arith.index_cast %get3A_975 : i32 to index
            %get3A_981 = arith.index_cast %add3A_974 : i32 to index
            %get3A_982 = tpu.vector_load %get3A_979[%get3A_980, %get3A_981] {strides = array<i32>} : memref<2x3200xf32, #tpu.memory_space<vmem>>, vector<16xf32>,
            %mul3A_983 = arith.mulf %get3A_982, %gather3A : vector<16xf32>
            %add3A_984 = arith.addf %mul3A_983, %gather3A_759 : vector<16xf32>
            %swap3A_985 = arith.constant 0 : i32
            %swap3A_986 = arith.constant 0 : i32
            %swap3A_987 = arith.constant 0 : i32
            %swap3A_988 = tpu.memref_slice %arg17[%cond3A_764, %swap3A_986, %swap3A_987] : memref<4x2x3200xf32, #tpu.memory_space<vmem>> -> memref<1x2x3200xf32, #tpu.memory_space<vmem>>
            %swap3A_989 = tpu.memref_squeeze %swap3A_988 : memref<1x2x3200xf32, #tpu.memory_space<vmem>> -> memref<2x3200xf32, #tpu.memory_space<vmem>>
            %swap3A_990 = arith.index_cast %swap3A_985 : i32 to index
            %swap3A_991 = arith.index_cast %add3A_974 : i32 to index
            %swap3A_992 = tpu.vector_load %swap3A_989[%swap3A_990, %swap3A_991] {strides = array<i32>} : memref<2x3200xf32, #tpu.memory_space<vmem>>, vector<16xf32>,
            tpu.vector_store %swap3A_989[%swap3A_990, %swap3A_991], %add3A_984 {strides = array<i32>} : memref<2x3200xf32, #tpu.memory_space<vmem>>, vector<16xf32>,
            %add3A_993 = arith.constant 112 : i32
            %add3A_994 = arith.addi %multiple_of3A_852, %add3A_993 : i32
            %get3A_995 = arith.constant 0 : i32
            %get3A_996 = arith.constant 0 : i32
            %get3A_997 = arith.constant 0 : i32
            %get3A_998 = tpu.memref_slice %arg16[%cond3A_763, %get3A_996, %get3A_997] : memref<4x2x3200xf32, #tpu.memory_space<vmem>> -> memref<1x2x3200xf32, #tpu.memory_space<vmem>>
            %get3A_999 = tpu.memref_squeeze %get3A_998 : memref<1x2x3200xf32, #tpu.memory_space<vmem>> -> memref<2x3200xf32, #tpu.memory_space<vmem>>
            %get3A_1000 = arith.index_cast %get3A_995 : i32 to index
            %get3A_1001 = arith.index_cast %add3A_994 : i32 to index
            %get3A_1002 = tpu.vector_load %get3A_999[%get3A_1000, %get3A_1001] {strides = array<i32>} : memref<2x3200xf32, #tpu.memory_space<vmem>>, vector<16xf32>,
            %mul3A_1003 = arith.mulf %get3A_1002, %gather3A : vector<16xf32>
            %add3A_1004 = arith.addf %mul3A_1003, %gather3A_759 : vector<16xf32>
            %swap3A_1005 = arith.constant 0 : i32
            %swap3A_1006 = arith.constant 0 : i32
            %swap3A_1007 = arith.constant 0 : i32
            %swap3A_1008 = tpu.memref_slice %arg17[%cond3A_764, %swap3A_1006, %swap3A_1007] : memref<4x2x3200xf32, #tpu.memory_space<vmem>> -> memref<1x2x3200xf32, #tpu.memory_space<vmem>>
            %swap3A_1009 = tpu.memref_squeeze %swap3A_1008 : memref<1x2x3200xf32, #tpu.memory_space<vmem>> -> memref<2x3200xf32, #tpu.memory_space<vmem>>
            %swap3A_1010 = arith.index_cast %swap3A_1005 : i32 to index
            %swap3A_1011 = arith.index_cast %add3A_994 : i32 to index
            %swap3A_1012 = tpu.vector_load %swap3A_1009[%swap3A_1010, %swap3A_1011] {strides = array<i32>} : memref<2x3200xf32, #tpu.memory_space<vmem>>, vector<16xf32>,
            tpu.vector_store %swap3A_1009[%swap3A_1010, %swap3A_1011], %add3A_1004 {strides = array<i32>} : memref<2x3200xf32, #tpu.memory_space<vmem>>, vector<16xf32>,
            %add3A_1013 = arith.constant 0 : i32
            %add3A_1014 = arith.addi %multiple_of3A_852, %add3A_1013 : i32
            %get3A_1015 = arith.constant 1 : i32
            %get3A_1016 = arith.constant 0 : i32
            %get3A_1017 = arith.constant 0 : i32
            %get3A_1018 = tpu.memref_slice %arg16[%cond3A_763, %get3A_1016, %get3A_1017] : memref<4x2x3200xf32, #tpu.memory_space<vmem>> -> memref<1x2x3200xf32, #tpu.memory_space<vmem>>
            %get3A_1019 = tpu.memref_squeeze %get3A_1018 : memref<1x2x3200xf32, #tpu.memory_space<vmem>> -> memref<2x3200xf32, #tpu.memory_space<vmem>>
            %get3A_1020 = arith.index_cast %get3A_1015 : i32 to index
            %get3A_1021 = arith.index_cast %add3A_1014 : i32 to index
            %get3A_1022 = tpu.vector_load %get3A_1019[%get3A_1020, %get3A_1021] {strides = array<i32>} : memref<2x3200xf32, #tpu.memory_space<vmem>>, vector<16xf32>,
            %mul3A_1023 = arith.mulf %get3A_1022, %gather3A : vector<16xf32>
            %add3A_1024 = arith.addf %mul3A_1023, %gather3A_759 : vector<16xf32>
            %swap3A_1025 = arith.constant 1 : i32
            %swap3A_1026 = arith.constant 0 : i32
            %swap3A_1027 = arith.constant 0 : i32
            %swap3A_1028 = tpu.memref_slice %arg17[%cond3A_764, %swap3A_1026, %swap3A_1027] : memref<4x2x3200xf32, #tpu.memory_space<vmem>> -> memref<1x2x3200xf32, #tpu.memory_space<vmem>>
            %swap3A_1029 = tpu.memref_squeeze %swap3A_1028 : memref<1x2x3200xf32, #tpu.memory_space<vmem>> -> memref<2x3200xf32, #tpu.memory_space<vmem>>
            %swap3A_1030 = arith.index_cast %swap3A_1025 : i32 to index
            %swap3A_1031 = arith.index_cast %add3A_1014 : i32 to index
            %swap3A_1032 = tpu.vector_load %swap3A_1029[%swap3A_1030, %swap3A_1031] {strides = array<i32>} : memref<2x3200xf32, #tpu.memory_space<vmem>>, vector<16xf32>,
            tpu.vector_store %swap3A_1029[%swap3A_1030, %swap3A_1031], %add3A_1024 {strides = array<i32>} : memref<2x3200xf32, #tpu.memory_space<vmem>>, vector<16xf32>,
            %add3A_1033 = arith.constant 16 : i32
            %add3A_1034 = arith.addi %multiple_of3A_852, %add3A_1033 : i32
            %get3A_1035 = arith.constant 1 : i32
            %get3A_1036 = arith.constant 0 : i32
            %get3A_1037 = arith.constant 0 : i32
            %get3A_1038 = tpu.memref_slice %arg16[%cond3A_763, %get3A_1036, %get3A_1037] : memref<4x2x3200xf32, #tpu.memory_space<vmem>> -> memref<1x2x3200xf32, #tpu.memory_space<vmem>>
            %get3A_1039 = tpu.memref_squeeze %get3A_1038 : memref<1x2x3200xf32, #tpu.memory_space<vmem>> -> memref<2x3200xf32, #tpu.memory_space<vmem>>
            %get3A_1040 = arith.index_cast %get3A_1035 : i32 to index
            %get3A_1041 = arith.index_cast %add3A_1034 : i32 to index
            %get3A_1042 = tpu.vector_load %get3A_1039[%get3A_1040, %get3A_1041] {strides = array<i32>} : memref<2x3200xf32, #tpu.memory_space<vmem>>, vector<16xf32>,
            %mul3A_1043 = arith.mulf %get3A_1042, %gather3A : vector<16xf32>
            %add3A_1044 = arith.addf %mul3A_1043, %gather3A_759 : vector<16xf32>
            %swap3A_1045 = arith.constant 1 : i32
            %swap3A_1046 = arith.constant 0 : i32
            %swap3A_1047 = arith.constant 0 : i32
            %swap3A_1048 = tpu.memref_slice %arg17[%cond3A_764, %swap3A_1046, %swap3A_1047] : memref<4x2x3200xf32, #tpu.memory_space<vmem>> -> memref<1x2x3200xf32, #tpu.memory_space<vmem>>
            %swap3A_1049 = tpu.memref_squeeze %swap3A_1048 : memref<1x2x3200xf32, #tpu.memory_space<vmem>> -> memref<2x3200xf32, #tpu.memory_space<vmem>>
            %swap3A_1050 = arith.index_cast %swap3A_1045 : i32 to index
            %swap3A_1051 = arith.index_cast %add3A_1034 : i32 to index
            %swap3A_1052 = tpu.vector_load %swap3A_1049[%swap3A_1050, %swap3A_1051] {strides = array<i32>} : memref<2x3200xf32, #tpu.memory_space<vmem>>, vector<16xf32>,
            tpu.vector_store %swap3A_1049[%swap3A_1050, %swap3A_1051], %add3A_1044 {strides = array<i32>} : memref<2x3200xf32, #tpu.memory_space<vmem>>, vector<16xf32>,
            %add3A_1053 = arith.constant 32 : i32
            %add3A_1054 = arith.addi %multiple_of3A_852, %add3A_1053 : i32
            %get3A_1055 = arith.constant 1 : i32
            %get3A_1056 = arith.constant 0 : i32
            %get3A_1057 = arith.constant 0 : i32
            %get3A_1058 = tpu.memref_slice %arg16[%cond3A_763, %get3A_1056, %get3A_1057] : memref<4x2x3200xf32, #tpu.memory_space<vmem>> -> memref<1x2x3200xf32, #tpu.memory_space<vmem>>
            %get3A_1059 = tpu.memref_squeeze %get3A_1058 : memref<1x2x3200xf32, #tpu.memory_space<vmem>> -> memref<2x3200xf32, #tpu.memory_space<vmem>>
            %get3A_1060 = arith.index_cast %get3A_1055 : i32 to index
            %get3A_1061 = arith.index_cast %add3A_1054 : i32 to index
            %get3A_1062 = tpu.vector_load %get3A_1059[%get3A_1060, %get3A_1061] {strides = array<i32>} : memref<2x3200xf32, #tpu.memory_space<vmem>>, vector<16xf32>,
            %mul3A_1063 = arith.mulf %get3A_1062, %gather3A : vector<16xf32>
            %add3A_1064 = arith.addf %mul3A_1063, %gather3A_759 : vector<16xf32>
            %swap3A_1065 = arith.constant 1 : i32
            %swap3A_1066 = arith.constant 0 : i32
            %swap3A_1067 = arith.constant 0 : i32
            %swap3A_1068 = tpu.memref_slice %arg17[%cond3A_764, %swap3A_1066, %swap3A_1067] : memref<4x2x3200xf32, #tpu.memory_space<vmem>> -> memref<1x2x3200xf32, #tpu.memory_space<vmem>>
            %swap3A_1069 = tpu.memref_squeeze %swap3A_1068 : memref<1x2x3200xf32, #tpu.memory_space<vmem>> -> memref<2x3200xf32, #tpu.memory_space<vmem>>
            %swap3A_1070 = arith.index_cast %swap3A_1065 : i32 to index
            %swap3A_1071 = arith.index_cast %add3A_1054 : i32 to index
            %swap3A_1072 = tpu.vector_load %swap3A_1069[%swap3A_1070, %swap3A_1071] {strides = array<i32>} : memref<2x3200xf32, #tpu.memory_space<vmem>>, vector<16xf32>,
            tpu.vector_store %swap3A_1069[%swap3A_1070, %swap3A_1071], %add3A_1064 {strides = array<i32>} : memref<2x3200xf32, #tpu.memory_space<vmem>>, vector<16xf32>,
            %add3A_1073 = arith.constant 48 : i32
            %add3A_1074 = arith.addi %multiple_of3A_852, %add3A_1073 : i32
            %get3A_1075 = arith.constant 1 : i32
            %get3A_1076 = arith.constant 0 : i32
            %get3A_1077 = arith.constant 0 : i32
            %get3A_1078 = tpu.memref_slice %arg16[%cond3A_763, %get3A_1076, %get3A_1077] : memref<4x2x3200xf32, #tpu.memory_space<vmem>> -> memref<1x2x3200xf32, #tpu.memory_space<vmem>>
            %get3A_1079 = tpu.memref_squeeze %get3A_1078 : memref<1x2x3200xf32, #tpu.memory_space<vmem>> -> memref<2x3200xf32, #tpu.memory_space<vmem>>
            %get3A_1080 = arith.index_cast %get3A_1075 : i32 to index
            %get3A_1081 = arith.index_cast %add3A_1074 : i32 to index
            %get3A_1082 = tpu.vector_load %get3A_1079[%get3A_1080, %get3A_1081] {strides = array<i32>} : memref<2x3200xf32, #tpu.memory_space<vmem>>, vector<16xf32>,
            %mul3A_1083 = arith.mulf %get3A_1082, %gather3A : vector<16xf32>
            %add3A_1084 = arith.addf %mul3A_1083, %gather3A_759 : vector<16xf32>
            %swap3A_1085 = arith.constant 1 : i32
            %swap3A_1086 = arith.constant 0 : i32
            %swap3A_1087 = arith.constant 0 : i32
            %swap3A_1088 = tpu.memref_slice %arg17[%cond3A_764, %swap3A_1086, %swap3A_1087] : memref<4x2x3200xf32, #tpu.memory_space<vmem>> -> memref<1x2x3200xf32, #tpu.memory_space<vmem>>
            %swap3A_1089 = tpu.memref_squeeze %swap3A_1088 : memref<1x2x3200xf32, #tpu.memory_space<vmem>> -> memref<2x3200xf32, #tpu.memory_space<vmem>>
            %swap3A_1090 = arith.index_cast %swap3A_1085 : i32 to index
            %swap3A_1091 = arith.index_cast %add3A_1074 : i32 to index
            %swap3A_1092 = tpu.vector_load %swap3A_1089[%swap3A_1090, %swap3A_1091] {strides = array<i32>} : memref<2x3200xf32, #tpu.memory_space<vmem>>, vector<16xf32>,
            tpu.vector_store %swap3A_1089[%swap3A_1090, %swap3A_1091], %add3A_1084 {strides = array<i32>} : memref<2x3200xf32, #tpu.memory_space<vmem>>, vector<16xf32>,
            %add3A_1093 = arith.constant 64 : i32
            %add3A_1094 = arith.addi %multiple_of3A_852, %add3A_1093 : i32
            %get3A_1095 = arith.constant 1 : i32
            %get3A_1096 = arith.constant 0 : i32
            %get3A_1097 = arith.constant 0 : i32
            %get3A_1098 = tpu.memref_slice %arg16[%cond3A_763, %get3A_1096, %get3A_1097] : memref<4x2x3200xf32, #tpu.memory_space<vmem>> -> memref<1x2x3200xf32, #tpu.memory_space<vmem>>
            %get3A_1099 = tpu.memref_squeeze %get3A_1098 : memref<1x2x3200xf32, #tpu.memory_space<vmem>> -> memref<2x3200xf32, #tpu.memory_space<vmem>>
            %get3A_1100 = arith.index_cast %get3A_1095 : i32 to index
            %get3A_1101 = arith.index_cast %add3A_1094 : i32 to index
            %get3A_1102 = tpu.vector_load %get3A_1099[%get3A_1100, %get3A_1101] {strides = array<i32>} : memref<2x3200xf32, #tpu.memory_space<vmem>>, vector<16xf32>,
            %mul3A_1103 = arith.mulf %get3A_1102, %gather3A : vector<16xf32>
            %add3A_1104 = arith.addf %mul3A_1103, %gather3A_759 : vector<16xf32>
            %swap3A_1105 = arith.constant 1 : i32
            %swap3A_1106 = arith.constant 0 : i32
            %swap3A_1107 = arith.constant 0 : i32
            %swap3A_1108 = tpu.memref_slice %arg17[%cond3A_764, %swap3A_1106, %swap3A_1107] : memref<4x2x3200xf32, #tpu.memory_space<vmem>> -> memref<1x2x3200xf32, #tpu.memory_space<vmem>>
            %swap3A_1109 = tpu.memref_squeeze %swap3A_1108 : memref<1x2x3200xf32, #tpu.memory_space<vmem>> -> memref<2x3200xf32, #tpu.memory_space<vmem>>
            %swap3A_1110 = arith.index_cast %swap3A_1105 : i32 to index
            %swap3A_1111 = arith.index_cast %add3A_1094 : i32 to index
            %swap3A_1112 = tpu.vector_load %swap3A_1109[%swap3A_1110, %swap3A_1111] {strides = array<i32>} : memref<2x3200xf32, #tpu.memory_space<vmem>>, vector<16xf32>,
            tpu.vector_store %swap3A_1109[%swap3A_1110, %swap3A_1111], %add3A_1104 {strides = array<i32>} : memref<2x3200xf32, #tpu.memory_space<vmem>>, vector<16xf32>,
            %add3A_1113 = arith.constant 80 : i32
            %add3A_1114 = arith.addi %multiple_of3A_852, %add3A_1113 : i32
            %get3A_1115 = arith.constant 1 : i32
            %get3A_1116 = arith.constant 0 : i32
            %get3A_1117 = arith.constant 0 : i32
            %get3A_1118 = tpu.memref_slice %arg16[%cond3A_763, %get3A_1116, %get3A_1117] : memref<4x2x3200xf32, #tpu.memory_space<vmem>> -> memref<1x2x3200xf32, #tpu.memory_space<vmem>>
            %get3A_1119 = tpu.memref_squeeze %get3A_1118 : memref<1x2x3200xf32, #tpu.memory_space<vmem>> -> memref<2x3200xf32, #tpu.memory_space<vmem>>
            %get3A_1120 = arith.index_cast %get3A_1115 : i32 to index
            %get3A_1121 = arith.index_cast %add3A_1114 : i32 to index
            %get3A_1122 = tpu.vector_load %get3A_1119[%get3A_1120, %get3A_1121] {strides = array<i32>} : memref<2x3200xf32, #tpu.memory_space<vmem>>, vector<16xf32>,
            %mul3A_1123 = arith.mulf %get3A_1122, %gather3A : vector<16xf32>
            %add3A_1124 = arith.addf %mul3A_1123, %gather3A_759 : vector<16xf32>
            %swap3A_1125 = arith.constant 1 : i32
            %swap3A_1126 = arith.constant 0 : i32
            %swap3A_1127 = arith.constant 0 : i32
            %swap3A_1128 = tpu.memref_slice %arg17[%cond3A_764, %swap3A_1126, %swap3A_1127] : memref<4x2x3200xf32, #tpu.memory_space<vmem>> -> memref<1x2x3200xf32, #tpu.memory_space<vmem>>
            %swap3A_1129 = tpu.memref_squeeze %swap3A_1128 : memref<1x2x3200xf32, #tpu.memory_space<vmem>> -> memref<2x3200xf32, #tpu.memory_space<vmem>>
            %swap3A_1130 = arith.index_cast %swap3A_1125 : i32 to index
            %swap3A_1131 = arith.index_cast %add3A_1114 : i32 to index
            %swap3A_1132 = tpu.vector_load %swap3A_1129[%swap3A_1130, %swap3A_1131] {strides = array<i32>} : memref<2x3200xf32, #tpu.memory_space<vmem>>, vector<16xf32>,
            tpu.vector_store %swap3A_1129[%swap3A_1130, %swap3A_1131], %add3A_1124 {strides = array<i32>} : memref<2x3200xf32, #tpu.memory_space<vmem>>, vector<16xf32>,
            %add3A_1133 = arith.constant 96 : i32
            %add3A_1134 = arith.addi %multiple_of3A_852, %add3A_1133 : i32
            %get3A_1135 = arith.constant 1 : i32
            %get3A_1136 = arith.constant 0 : i32
            %get3A_1137 = arith.constant 0 : i32
            %get3A_1138 = tpu.memref_slice %arg16[%cond3A_763, %get3A_1136, %get3A_1137] : memref<4x2x3200xf32, #tpu.memory_space<vmem>> -> memref<1x2x3200xf32, #tpu.memory_space<vmem>>
            %get3A_1139 = tpu.memref_squeeze %get3A_1138 : memref<1x2x3200xf32, #tpu.memory_space<vmem>> -> memref<2x3200xf32, #tpu.memory_space<vmem>>
            %get3A_1140 = arith.index_cast %get3A_1135 : i32 to index
            %get3A_1141 = arith.index_cast %add3A_1134 : i32 to index
            %get3A_1142 = tpu.vector_load %get3A_1139[%get3A_1140, %get3A_1141] {strides = array<i32>} : memref<2x3200xf32, #tpu.memory_space<vmem>>, vector<16xf32>,
            %mul3A_1143 = arith.mulf %get3A_1142, %gather3A : vector<16xf32>
            %add3A_1144 = arith.addf %mul3A_1143, %gather3A_759 : vector<16xf32>
            %swap3A_1145 = arith.constant 1 : i32
            %swap3A_1146 = arith.constant 0 : i32
            %swap3A_1147 = arith.constant 0 : i32
            %swap3A_1148 = tpu.memref_slice %arg17[%cond3A_764, %swap3A_1146, %swap3A_1147] : memref<4x2x3200xf32, #tpu.memory_space<vmem>> -> memref<1x2x3200xf32, #tpu.memory_space<vmem>>
            %swap3A_1149 = tpu.memref_squeeze %swap3A_1148 : memref<1x2x3200xf32, #tpu.memory_space<vmem>> -> memref<2x3200xf32, #tpu.memory_space<vmem>>
            %swap3A_1150 = arith.index_cast %swap3A_1145 : i32 to index
            %swap3A_1151 = arith.index_cast %add3A_1134 : i32 to index
            %swap3A_1152 = tpu.vector_load %swap3A_1149[%swap3A_1150, %swap3A_1151] {strides = array<i32>} : memref<2x3200xf32, #tpu.memory_space<vmem>>, vector<16xf32>,
            tpu.vector_store %swap3A_1149[%swap3A_1150, %swap3A_1151], %add3A_1144 {strides = array<i32>} : memref<2x3200xf32, #tpu.memory_space<vmem>>, vector<16xf32>,
            %add3A_1153 = arith.constant 112 : i32
            %add3A_1154 = arith.addi %multiple_of3A_852, %add3A_1153 : i32
            %get3A_1155 = arith.constant 1 : i32
            %get3A_1156 = arith.constant 0 : i32
            %get3A_1157 = arith.constant 0 : i32
            %get3A_1158 = tpu.memref_slice %arg16[%cond3A_763, %get3A_1156, %get3A_1157] : memref<4x2x3200xf32, #tpu.memory_space<vmem>> -> memref<1x2x3200xf32, #tpu.memory_space<vmem>>
            %get3A_1159 = tpu.memref_squeeze %get3A_1158 : memref<1x2x3200xf32, #tpu.memory_space<vmem>> -> memref<2x3200xf32, #tpu.memory_space<vmem>>
            %get3A_1160 = arith.index_cast %get3A_1155 : i32 to index
            %get3A_1161 = arith.index_cast %add3A_1154 : i32 to index
            %get3A_1162 = tpu.vector_load %get3A_1159[%get3A_1160, %get3A_1161] {strides = array<i32>} : memref<2x3200xf32, #tpu.memory_space<vmem>>, vector<16xf32>,
            %mul3A_1163 = arith.mulf %get3A_1162, %gather3A : vector<16xf32>
            %add3A_1164 = arith.addf %mul3A_1163, %gather3A_759 : vector<16xf32>
            %swap3A_1165 = arith.constant 1 : i32
            %swap3A_1166 = arith.constant 0 : i32
            %swap3A_1167 = arith.constant 0 : i32
            %swap3A_1168 = tpu.memref_slice %arg17[%cond3A_764, %swap3A_1166, %swap3A_1167] : memref<4x2x3200xf32, #tpu.memory_space<vmem>> -> memref<1x2x3200xf32, #tpu.memory_space<vmem>>
            %swap3A_1169 = tpu.memref_squeeze %swap3A_1168 : memref<1x2x3200xf32, #tpu.memory_space<vmem>> -> memref<2x3200xf32, #tpu.memory_space<vmem>>
            %swap3A_1170 = arith.index_cast %swap3A_1165 : i32 to index
            %swap3A_1171 = arith.index_cast %add3A_1154 : i32 to index
            %swap3A_1172 = tpu.vector_load %swap3A_1169[%swap3A_1170, %swap3A_1171] {strides = array<i32>} : memref<2x3200xf32, #tpu.memory_space<vmem>>, vector<16xf32>,
            tpu.vector_store %swap3A_1169[%swap3A_1170, %swap3A_1171], %add3A_1164 {strides = array<i32>} : memref<2x3200xf32, #tpu.memory_space<vmem>>, vector<16xf32>,
          }
          %scan3A_848 = arith.constant 25 : i32
        } else {
        }
        %eq3A_767 = arith.constant 31 : i32
        %eq3A_768 = arith.cmpi eq, %select_n3A_754, %eq3A_767 : i32
        %convert_element_type3A_769 = arith.extui %eq3A_768 : i1 to i32
        %cond3A_770 = arith.constant 0 : i32
        %cond3A_771 = arith.constant 0 : i32
        %cond3A_772 = arith.constant 0 : i32
        %cond3A_773 = arith.cmpi ne, %convert_element_type3A_769, %cond3A_772 : i32
        scf.if %cond3A_773 {
          %scan3A_843 = arith.constant 0 : i32
          %scan3A_844 = arith.constant 0 : i32
          %scan3A_845 = arith.constant 50 : i32
          %scan3A_846 = arith.addi %scan3A_844, %scan3A_845 : i32
          %scan3A_847 = arith.constant 1 : i32
          scf.for %scan3A_849 = %scan3A_844 to %scan3A_846 step %scan3A_847  : i32 {
            %mul3A_850 = arith.constant 16 : i32
            %mul3A_851 = arith.muli %scan3A_849, %mul3A_850 : i32
            %multiple_of3A_852 = tpu.assume_multiple %mul3A_851, 16 : i32
            %get3A_853 = arith.constant 0 : i32
            %get3A_854 = arith.constant 0 : i32
            %get3A_855 = arith.constant 0 : i32
            %get3A_856 = tpu.memref_slice %arg18[%cond3A_770, %get3A_854, %get3A_855] : memref<4x2x800xf32, #tpu.memory_space<vmem>> -> memref<1x2x800xf32, #tpu.memory_space<vmem>>
            %get3A_857 = tpu.memref_squeeze %get3A_856 : memref<1x2x800xf32, #tpu.memory_space<vmem>> -> memref<2x800xf32, #tpu.memory_space<vmem>>
            %get3A_858 = arith.index_cast %get3A_853 : i32 to index
            %get3A_859 = arith.index_cast %multiple_of3A_852 : i32 to index
            %get3A_860 = tpu.vector_load %get3A_857[%get3A_858, %get3A_859] {strides = array<i32>} : memref<2x800xf32, #tpu.memory_space<vmem>>, vector<16xf32>,
            %mul3A_861 = arith.mulf %get3A_860, %gather3A : vector<16xf32>
            %add3A_862 = arith.addf %mul3A_861, %gather3A_759 : vector<16xf32>
            %swap3A_863 = arith.constant 0 : i32
            %swap3A_864 = arith.constant 0 : i32
            %swap3A_865 = arith.constant 0 : i32
            %swap3A_866 = tpu.memref_slice %arg19[%cond3A_771, %swap3A_864, %swap3A_865] : memref<4x2x800xf32, #tpu.memory_space<vmem>> -> memref<1x2x800xf32, #tpu.memory_space<vmem>>
            %swap3A_867 = tpu.memref_squeeze %swap3A_866 : memref<1x2x800xf32, #tpu.memory_space<vmem>> -> memref<2x800xf32, #tpu.memory_space<vmem>>
            %swap3A_868 = arith.index_cast %swap3A_863 : i32 to index
            %swap3A_869 = arith.index_cast %multiple_of3A_852 : i32 to index
            %swap3A_870 = tpu.vector_load %swap3A_867[%swap3A_868, %swap3A_869] {strides = array<i32>} : memref<2x800xf32, #tpu.memory_space<vmem>>, vector<16xf32>,
            tpu.vector_store %swap3A_867[%swap3A_868, %swap3A_869], %add3A_862 {strides = array<i32>} : memref<2x800xf32, #tpu.memory_space<vmem>>, vector<16xf32>,
            %get3A_871 = arith.constant 1 : i32
            %get3A_872 = arith.constant 0 : i32
            %get3A_873 = arith.constant 0 : i32
            %get3A_874 = tpu.memref_slice %arg18[%cond3A_770, %get3A_872, %get3A_873] : memref<4x2x800xf32, #tpu.memory_space<vmem>> -> memref<1x2x800xf32, #tpu.memory_space<vmem>>
            %get3A_875 = tpu.memref_squeeze %get3A_874 : memref<1x2x800xf32, #tpu.memory_space<vmem>> -> memref<2x800xf32, #tpu.memory_space<vmem>>
            %get3A_876 = arith.index_cast %get3A_871 : i32 to index
            %get3A_877 = arith.index_cast %multiple_of3A_852 : i32 to index
            %get3A_878 = tpu.vector_load %get3A_875[%get3A_876, %get3A_877] {strides = array<i32>} : memref<2x800xf32, #tpu.memory_space<vmem>>, vector<16xf32>,
            %mul3A_879 = arith.mulf %get3A_878, %gather3A : vector<16xf32>
            %add3A_880 = arith.addf %mul3A_879, %gather3A_759 : vector<16xf32>
            %swap3A_881 = arith.constant 1 : i32
            %swap3A_882 = arith.constant 0 : i32
            %swap3A_883 = arith.constant 0 : i32
            %swap3A_884 = tpu.memref_slice %arg19[%cond3A_771, %swap3A_882, %swap3A_883] : memref<4x2x800xf32, #tpu.memory_space<vmem>> -> memref<1x2x800xf32, #tpu.memory_space<vmem>>
            %swap3A_885 = tpu.memref_squeeze %swap3A_884 : memref<1x2x800xf32, #tpu.memory_space<vmem>> -> memref<2x800xf32, #tpu.memory_space<vmem>>
            %swap3A_886 = arith.index_cast %swap3A_881 : i32 to index
            %swap3A_887 = arith.index_cast %multiple_of3A_852 : i32 to index
            %swap3A_888 = tpu.vector_load %swap3A_885[%swap3A_886, %swap3A_887] {strides = array<i32>} : memref<2x800xf32, #tpu.memory_space<vmem>>, vector<16xf32>,
            tpu.vector_store %swap3A_885[%swap3A_886, %swap3A_887], %add3A_880 {strides = array<i32>} : memref<2x800xf32, #tpu.memory_space<vmem>>, vector<16xf32>,
          }
          %scan3A_848 = arith.constant 50 : i32
        } else {
        }
        %mul3A_774 = arith.constant 32 : i32
        %mul3A_775 = arith.muli %add3A_613, %mul3A_774 : i32
        %add3A_776 = arith.addi %mul3A_775, %add3A : i32
        %jit3A_777 = arith.constant 32 : i32
        %div3A_778 = arith.divsi %add3A_776, %jit3A_777 : i32
        %sign3A_779 = arith.constant 0 : i32
        %sign3A_780 = arith.cmpi sgt, %add3A_776, %sign3A_779 : i32
        %sign3A_781 = arith.extui %sign3A_780 : i1 to i32
        %sign3A_782 = arith.constant 0 : i32
        %sign3A_783 = arith.cmpi slt, %add3A_776, %sign3A_782 : i32
        %sign3A_784 = arith.extui %sign3A_783 : i1 to i32
        %sign3A_785 = arith.subi %sign3A_781, %sign3A_784 : i32
        %sign3A_786 = arith.constant 0 : i32
        %sign3A_787 = arith.cmpi sgt, %jit3A_777, %sign3A_786 : i32
        %sign3A_788 = arith.extui %sign3A_787 : i1 to i32
        %sign3A_789 = arith.constant 0 : i32
        %sign3A_790 = arith.cmpi slt, %jit3A_777, %sign3A_789 : i32
        %sign3A_791 = arith.extui %sign3A_790 : i1 to i32
        %sign3A_792 = arith.subi %sign3A_788, %sign3A_791 : i32
        %ne3A_793 = arith.cmpi ne, %sign3A_785, %sign3A_792 : i32
        %rem3A_794 = arith.remsi %add3A_776, %jit3A_777 : i32
        %ne3A_795 = arith.constant 0 : i32
        %ne3A_796 = arith.cmpi ne, %rem3A_794, %ne3A_795 : i32
        %and3A_797 = arith.andi %ne3A_793, %ne3A_796 : i1
        %sub3A_798 = arith.constant 1 : i32
        %sub3A_799 = arith.subi %div3A_778, %sub3A_798 : i32
        %select_n3A_800 = arith.select %and3A_797, %sub3A_799, %div3A_778 : i32
        %jit3A_801 = arith.constant 32 : i32
        %eq3A_802 = arith.constant 0 : i32
        %eq3A_803 = arith.cmpi eq, %jit3A_801, %eq3A_802 : i32
        %jit3A_804 = arith.constant 1 : i32
        %select_n3A_805 = arith.select %eq3A_803, %jit3A_804, %jit3A_801 : i32
        %rem3A_806 = arith.remsi %add3A_776, %select_n3A_805 : i32
        %ne3A_807 = arith.constant 0 : i32
        %ne3A_808 = arith.cmpi ne, %rem3A_806, %ne3A_807 : i32
        %lt3A_809 = arith.constant 0 : i32
        %lt3A_810 = arith.cmpi slt, %rem3A_806, %lt3A_809 : i32
        %lt3A_811 = arith.constant 0 : i32
        %lt3A_812 = arith.cmpi slt, %select_n3A_805, %lt3A_811 : i32
        %ne3A_813 = arith.xori %lt3A_810, %lt3A_812 : i1
        %and3A_814 = arith.andi %ne3A_813, %ne3A_808 : i1
        %add3A_815 = arith.addi %rem3A_806, %select_n3A_805 : i32
        %select_n3A_816 = arith.select %and3A_814, %add3A_815, %rem3A_806 : i32
        %jit3A_817 = arith.constant 0 : i32
        %jit3A_818 = arith.constant 30 : i32
        %max3A_819 = arith.maxsi %jit3A_817, %select_n3A_816 : i32
        %min3A_820 = arith.minsi %jit3A_818, %max3A_819 : i32
        %mul3A_821 = arith.constant 3200 : i32
        %mul3A_822 = arith.muli %min3A_820, %mul3A_821 : i32
        %multiple_of3A_823 = tpu.assume_multiple %mul3A_822, 128 : i32
        %lt3A_824 = arith.constant 31 : i32
        %lt3A_825 = arith.cmpi slt, %select_n3A_816, %lt3A_824 : i32
        %convert_element_type3A_826 = arith.extui %lt3A_825 : i1 to i32
        %cond3A_827 = arith.constant 0 : i32
        %cond3A_828 = arith.constant 0 : i32
        %cond3A_829 = arith.cmpi ne, %convert_element_type3A_826, %cond3A_828 : i32
        scf.if %cond3A_829 {
          %dma_start3A = arith.constant 0 : i32
          %dma_start3A_843 = arith.constant 0 : i32
          %dma_start3A_844 = tpu.memref_slice %arg17[%cond3A_827, %dma_start3A, %dma_start3A_843] : memref<4x2x3200xf32, #tpu.memory_space<vmem>> -> memref<1x2x3200xf32, #tpu.memory_space<vmem>>
          %dma_start3A_845 = tpu.memref_squeeze %dma_start3A_844 : memref<1x2x3200xf32, #tpu.memory_space<vmem>> -> memref<2x3200xf32, #tpu.memory_space<vmem>>
          %dma_start3A_846 = arith.constant 0 : i32
          %dma_start3A_847 = tpu.memref_slice %arg8[%select_n3A_800, %dma_start3A_846, %multiple_of3A_823] : memref<98x2x100000xf32, #tpu.memory_space<hbm>> -> memref<1x2x3200xf32, #tpu.memory_space<hbm>>
          %dma_start3A_848 = tpu.memref_squeeze %dma_start3A_847 : memref<1x2x3200xf32, #tpu.memory_space<hbm>> -> memref<2x3200xf32, #tpu.memory_space<hbm>>
          %dma_start3A_849 = arith.constant 0 : i32
          %dma_start3A_850 = tpu.memref_slice %arg8[%select_n3A_800, %dma_start3A_849, %multiple_of3A_823] : memref<98x2x100000xf32, #tpu.memory_space<hbm>> -> memref<1x2x3200xf32, #tpu.memory_space<hbm>>
          %dma_start3A_851 = tpu.memref_squeeze %dma_start3A_850 : memref<1x2x3200xf32, #tpu.memory_space<hbm>> -> memref<2x3200xf32, #tpu.memory_space<hbm>>
          %dma_start3A_852 = arith.constant 0 : i32
          %dma_start3A_853 = arith.constant 0 : i32
          %dma_start3A_854 = tpu.memref_slice %arg17[%cond3A_827, %dma_start3A_852, %dma_start3A_853] : memref<4x2x3200xf32, #tpu.memory_space<vmem>> -> memref<1x2x3200xf32, #tpu.memory_space<vmem>>
          %dma_start3A_855 = tpu.memref_squeeze %dma_start3A_854 : memref<1x2x3200xf32, #tpu.memory_space<vmem>> -> memref<2x3200xf32, #tpu.memory_space<vmem>>
          tpu.enqueue_dma source(%dma_start3A_855 : memref<2x3200xf32, #tpu.memory_space<vmem>>) target(%dma_start3A_851 : memref<2x3200xf32, #tpu.memory_space<hbm>>) target_semaphore(%arg24 : memref<!tpu.dma_semaphore, #tpu.memory_space<semaphore_mem>>)
        } else {
        }
        %eq3A_830 = arith.constant 31 : i32
        %eq3A_831 = arith.cmpi eq, %select_n3A_816, %eq3A_830 : i32
        %convert_element_type3A_832 = arith.extui %eq3A_831 : i1 to i32
        %cond3A_833 = arith.constant 0 : i32
        %cond3A_834 = arith.constant 0 : i32
        %cond3A_835 = arith.cmpi ne, %convert_element_type3A_832, %cond3A_834 : i32
        scf.if %cond3A_835 {
          %dma_start3A = arith.constant 0 : i32
          %dma_start3A_843 = arith.constant 0 : i32
          %dma_start3A_844 = tpu.memref_slice %arg19[%cond3A_833, %dma_start3A, %dma_start3A_843] : memref<4x2x800xf32, #tpu.memory_space<vmem>> -> memref<1x2x800xf32, #tpu.memory_space<vmem>>
          %dma_start3A_845 = tpu.memref_squeeze %dma_start3A_844 : memref<1x2x800xf32, #tpu.memory_space<vmem>> -> memref<2x800xf32, #tpu.memory_space<vmem>>
          %dma_start3A_846 = arith.constant 0 : i32
          %dma_start3A_847 = arith.constant 99200 : i32
          %dma_start3A_848 = tpu.memref_slice %arg8[%select_n3A_800, %dma_start3A_846, %dma_start3A_847] : memref<98x2x100000xf32, #tpu.memory_space<hbm>> -> memref<1x2x800xf32, #tpu.memory_space<hbm>>
          %dma_start3A_849 = tpu.memref_squeeze %dma_start3A_848 : memref<1x2x800xf32, #tpu.memory_space<hbm>> -> memref<2x800xf32, #tpu.memory_space<hbm>>
          %dma_start3A_850 = arith.constant 0 : i32
          %dma_start3A_851 = arith.constant 99200 : i32
          %dma_start3A_852 = tpu.memref_slice %arg8[%select_n3A_800, %dma_start3A_850, %dma_start3A_851] : memref<98x2x100000xf32, #tpu.memory_space<hbm>> -> memref<1x2x800xf32, #tpu.memory_space<hbm>>
          %dma_start3A_853 = tpu.memref_squeeze %dma_start3A_852 : memref<1x2x800xf32, #tpu.memory_space<hbm>> -> memref<2x800xf32, #tpu.memory_space<hbm>>
          %dma_start3A_854 = arith.constant 0 : i32
          %dma_start3A_855 = arith.constant 0 : i32
          %dma_start3A_856 = tpu.memref_slice %arg19[%cond3A_833, %dma_start3A_854, %dma_start3A_855] : memref<4x2x800xf32, #tpu.memory_space<vmem>> -> memref<1x2x800xf32, #tpu.memory_space<vmem>>
          %dma_start3A_857 = tpu.memref_squeeze %dma_start3A_856 : memref<1x2x800xf32, #tpu.memory_space<vmem>> -> memref<2x800xf32, #tpu.memory_space<vmem>>
          tpu.enqueue_dma source(%dma_start3A_857 : memref<2x800xf32, #tpu.memory_space<vmem>>) target(%dma_start3A_853 : memref<2x800xf32, #tpu.memory_space<hbm>>) target_semaphore(%arg24 : memref<!tpu.dma_semaphore, #tpu.memory_space<semaphore_mem>>)
        } else {
        }
        %add3A_836 = arith.constant 4 : i32
        %add3A_837 = arith.addi %add3A_613, %add3A_836 : i32
        %lt3A_838 = arith.constant 98 : i32
        %lt3A_839 = arith.cmpi slt, %add3A_837, %lt3A_838 : i32
        %convert_element_type3A_840 = arith.extui %lt3A_839 : i1 to i32
        %cond3A_841 = arith.constant 0 : i32
        %cond3A_842 = arith.cmpi ne, %convert_element_type3A_840, %cond3A_841 : i32
        scf.if %cond3A_842 {
          %add3A_843 = arith.constant 4 : i32
          %add3A_844 = arith.addi %add3A_613, %add3A_843 : i32
          %mul3A_845 = arith.constant 32 : i32
          %mul3A_846 = arith.muli %add3A_844, %mul3A_845 : i32
          %add3A_847 = arith.addi %mul3A_846, %add3A : i32
          %jit3A_848 = arith.constant 32 : i32
          %div3A_849 = arith.divsi %add3A_847, %jit3A_848 : i32
          %sign3A_850 = arith.constant 0 : i32
          %sign3A_851 = arith.cmpi sgt, %add3A_847, %sign3A_850 : i32
          %sign3A_852 = arith.extui %sign3A_851 : i1 to i32
          %sign3A_853 = arith.constant 0 : i32
          %sign3A_854 = arith.cmpi slt, %add3A_847, %sign3A_853 : i32
          %sign3A_855 = arith.extui %sign3A_854 : i1 to i32
          %sign3A_856 = arith.subi %sign3A_852, %sign3A_855 : i32
          %sign3A_857 = arith.constant 0 : i32
          %sign3A_858 = arith.cmpi sgt, %jit3A_848, %sign3A_857 : i32
          %sign3A_859 = arith.extui %sign3A_858 : i1 to i32
          %sign3A_860 = arith.constant 0 : i32
          %sign3A_861 = arith.cmpi slt, %jit3A_848, %sign3A_860 : i32
          %sign3A_862 = arith.extui %sign3A_861 : i1 to i32
          %sign3A_863 = arith.subi %sign3A_859, %sign3A_862 : i32
          %ne3A_864 = arith.cmpi ne, %sign3A_856, %sign3A_863 : i32
          %rem3A_865 = arith.remsi %add3A_847, %jit3A_848 : i32
          %ne3A_866 = arith.constant 0 : i32
          %ne3A_867 = arith.cmpi ne, %rem3A_865, %ne3A_866 : i32
          %and3A_868 = arith.andi %ne3A_864, %ne3A_867 : i1
          %sub3A_869 = arith.constant 1 : i32
          %sub3A_870 = arith.subi %div3A_849, %sub3A_869 : i32
          %select_n3A_871 = arith.select %and3A_868, %sub3A_870, %div3A_849 : i32
          %jit3A_872 = arith.constant 32 : i32
          %eq3A_873 = arith.constant 0 : i32
          %eq3A_874 = arith.cmpi eq, %jit3A_872, %eq3A_873 : i32
          %jit3A_875 = arith.constant 1 : i32
          %select_n3A_876 = arith.select %eq3A_874, %jit3A_875, %jit3A_872 : i32
          %rem3A_877 = arith.remsi %add3A_847, %select_n3A_876 : i32
          %ne3A_878 = arith.constant 0 : i32
          %ne3A_879 = arith.cmpi ne, %rem3A_877, %ne3A_878 : i32
          %lt3A_880 = arith.constant 0 : i32
          %lt3A_881 = arith.cmpi slt, %rem3A_877, %lt3A_880 : i32
          %lt3A_882 = arith.constant 0 : i32
          %lt3A_883 = arith.cmpi slt, %select_n3A_876, %lt3A_882 : i32
          %ne3A_884 = arith.xori %lt3A_881, %lt3A_883 : i1
          %and3A_885 = arith.andi %ne3A_884, %ne3A_879 : i1
          %add3A_886 = arith.addi %rem3A_877, %select_n3A_876 : i32
          %select_n3A_887 = arith.select %and3A_885, %add3A_886, %rem3A_877 : i32
          %jit3A_888 = arith.constant 0 : i32
          %jit3A_889 = arith.constant 30 : i32
          %max3A_890 = arith.maxsi %jit3A_888, %select_n3A_887 : i32
          %min3A_891 = arith.minsi %jit3A_889, %max3A_890 : i32
          %mul3A_892 = arith.constant 3200 : i32
          %mul3A_893 = arith.muli %min3A_891, %mul3A_892 : i32
          %multiple_of3A_894 = tpu.assume_multiple %mul3A_893, 128 : i32
          %lt3A_895 = arith.constant 31 : i32
          %lt3A_896 = arith.cmpi slt, %select_n3A_887, %lt3A_895 : i32
          %convert_element_type3A_897 = arith.extui %lt3A_896 : i1 to i32
          %cond3A_898 = arith.constant 0 : i32
          %cond3A_899 = arith.constant 0 : i32
          %cond3A_900 = arith.cmpi ne, %convert_element_type3A_897, %cond3A_899 : i32
          scf.if %cond3A_900 {
            %dma_start3A = arith.constant 0 : i32
            %dma_start3A_907 = arith.constant 0 : i32
            %dma_start3A_908 = tpu.memref_slice %arg16[%cond3A_898, %dma_start3A, %dma_start3A_907] : memref<4x2x3200xf32, #tpu.memory_space<vmem>> -> memref<1x2x3200xf32, #tpu.memory_space<vmem>>
            %dma_start3A_909 = tpu.memref_squeeze %dma_start3A_908 : memref<1x2x3200xf32, #tpu.memory_space<vmem>> -> memref<2x3200xf32, #tpu.memory_space<vmem>>
            %dma_start3A_910 = arith.constant 0 : i32
            %dma_start3A_911 = tpu.memref_slice %arg2[%select_n3A_871, %dma_start3A_910, %multiple_of3A_894] : memref<98x2x100000xf32, #tpu.memory_space<hbm>> -> memref<1x2x3200xf32, #tpu.memory_space<hbm>>
            %dma_start3A_912 = tpu.memref_squeeze %dma_start3A_911 : memref<1x2x3200xf32, #tpu.memory_space<hbm>> -> memref<2x3200xf32, #tpu.memory_space<hbm>>
            %dma_start3A_913 = arith.constant 0 : i32
            %dma_start3A_914 = arith.constant 0 : i32
            %dma_start3A_915 = tpu.memref_slice %arg16[%cond3A_898, %dma_start3A_913, %dma_start3A_914] : memref<4x2x3200xf32, #tpu.memory_space<vmem>> -> memref<1x2x3200xf32, #tpu.memory_space<vmem>>
            %dma_start3A_916 = tpu.memref_squeeze %dma_start3A_915 : memref<1x2x3200xf32, #tpu.memory_space<vmem>> -> memref<2x3200xf32, #tpu.memory_space<vmem>>
            %dma_start3A_917 = arith.constant 0 : i32
            %dma_start3A_918 = tpu.memref_slice %arg2[%select_n3A_871, %dma_start3A_917, %multiple_of3A_894] : memref<98x2x100000xf32, #tpu.memory_space<hbm>> -> memref<1x2x3200xf32, #tpu.memory_space<hbm>>
            %dma_start3A_919 = tpu.memref_squeeze %dma_start3A_918 : memref<1x2x3200xf32, #tpu.memory_space<hbm>> -> memref<2x3200xf32, #tpu.memory_space<hbm>>
            tpu.enqueue_dma source(%dma_start3A_919 : memref<2x3200xf32, #tpu.memory_space<hbm>>) target(%dma_start3A_916 : memref<2x3200xf32, #tpu.memory_space<vmem>>) target_semaphore(%arg20 : memref<!tpu.dma_semaphore, #tpu.memory_space<semaphore_mem>>)
          } else {
          }
          %eq3A_901 = arith.constant 31 : i32
          %eq3A_902 = arith.cmpi eq, %select_n3A_887, %eq3A_901 : i32
          %convert_element_type3A_903 = arith.extui %eq3A_902 : i1 to i32
          %cond3A_904 = arith.constant 0 : i32
          %cond3A_905 = arith.constant 0 : i32
          %cond3A_906 = arith.cmpi ne, %convert_element_type3A_903, %cond3A_905 : i32
          scf.if %cond3A_906 {
            %dma_start3A = arith.constant 0 : i32
            %dma_start3A_907 = arith.constant 0 : i32
            %dma_start3A_908 = tpu.memref_slice %arg18[%cond3A_904, %dma_start3A, %dma_start3A_907] : memref<4x2x800xf32, #tpu.memory_space<vmem>> -> memref<1x2x800xf32, #tpu.memory_space<vmem>>
            %dma_start3A_909 = tpu.memref_squeeze %dma_start3A_908 : memref<1x2x800xf32, #tpu.memory_space<vmem>> -> memref<2x800xf32, #tpu.memory_space<vmem>>
            %dma_start3A_910 = arith.constant 0 : i32
            %dma_start3A_911 = arith.constant 99200 : i32
            %dma_start3A_912 = tpu.memref_slice %arg2[%select_n3A_871, %dma_start3A_910, %dma_start3A_911] : memref<98x2x100000xf32, #tpu.memory_space<hbm>> -> memref<1x2x800xf32, #tpu.memory_space<hbm>>
            %dma_start3A_913 = tpu.memref_squeeze %dma_start3A_912 : memref<1x2x800xf32, #tpu.memory_space<hbm>> -> memref<2x800xf32, #tpu.memory_space<hbm>>
            %dma_start3A_914 = arith.constant 0 : i32
            %dma_start3A_915 = arith.constant 0 : i32
            %dma_start3A_916 = tpu.memref_slice %arg18[%cond3A_904, %dma_start3A_914, %dma_start3A_915] : memref<4x2x800xf32, #tpu.memory_space<vmem>> -> memref<1x2x800xf32, #tpu.memory_space<vmem>>
            %dma_start3A_917 = tpu.memref_squeeze %dma_start3A_916 : memref<1x2x800xf32, #tpu.memory_space<vmem>> -> memref<2x800xf32, #tpu.memory_space<vmem>>
            %dma_start3A_918 = arith.constant 0 : i32
            %dma_start3A_919 = arith.constant 99200 : i32
            %dma_start3A_920 = tpu.memref_slice %arg2[%select_n3A_871, %dma_start3A_918, %dma_start3A_919] : memref<98x2x100000xf32, #tpu.memory_space<hbm>> -> memref<1x2x800xf32, #tpu.memory_space<hbm>>
            %dma_start3A_921 = tpu.memref_squeeze %dma_start3A_920 : memref<1x2x800xf32, #tpu.memory_space<hbm>> -> memref<2x800xf32, #tpu.memory_space<hbm>>
            tpu.enqueue_dma source(%dma_start3A_921 : memref<2x800xf32, #tpu.memory_space<hbm>>) target(%dma_start3A_917 : memref<2x800xf32, #tpu.memory_space<vmem>>) target_semaphore(%arg20 : memref<!tpu.dma_semaphore, #tpu.memory_space<semaphore_mem>>)
          } else {
          }
        } else {
        }
      } else {
      }
      %mul3A_619 = arith.constant 4 : i32
      %mul3A_620 = arith.muli %scan3A_609, %mul3A_619 : i32
      %add3A_621 = arith.constant 1 : i32
      %add3A_622 = arith.addi %mul3A_620, %add3A_621 : i32
      %lt3A_623 = arith.constant 98 : i32
      %lt3A_624 = arith.cmpi slt, %add3A_622, %lt3A_623 : i32
      %convert_element_type3A_625 = arith.extui %lt3A_624 : i1 to i32
      %cond3A_626 = arith.constant 0 : i32
      %cond3A_627 = arith.cmpi ne, %convert_element_type3A_625, %cond3A_626 : i32
      scf.if %cond3A_627 {
        %mul3A_646 = arith.constant 32 : i32
        %mul3A_647 = arith.muli %add3A_622, %mul3A_646 : i32
        %add3A_648 = arith.addi %mul3A_647, %add3A : i32
        %jit3A_649 = arith.constant 32 : i32
        %div3A_650 = arith.divsi %add3A_648, %jit3A_649 : i32
        %sign3A_651 = arith.constant 0 : i32
        %sign3A_652 = arith.cmpi sgt, %add3A_648, %sign3A_651 : i32
        %sign3A_653 = arith.extui %sign3A_652 : i1 to i32
        %sign3A_654 = arith.constant 0 : i32
        %sign3A_655 = arith.cmpi slt, %add3A_648, %sign3A_654 : i32
        %sign3A_656 = arith.extui %sign3A_655 : i1 to i32
        %sign3A_657 = arith.subi %sign3A_653, %sign3A_656 : i32
        %sign3A_658 = arith.constant 0 : i32
        %sign3A_659 = arith.cmpi sgt, %jit3A_649, %sign3A_658 : i32
        %sign3A_660 = arith.extui %sign3A_659 : i1 to i32
        %sign3A_661 = arith.constant 0 : i32
        %sign3A_662 = arith.cmpi slt, %jit3A_649, %sign3A_661 : i32
        %sign3A_663 = arith.extui %sign3A_662 : i1 to i32
        %sign3A_664 = arith.subi %sign3A_660, %sign3A_663 : i32
        %ne3A_665 = arith.cmpi ne, %sign3A_657, %sign3A_664 : i32
        %rem3A_666 = arith.remsi %add3A_648, %jit3A_649 : i32
        %ne3A_667 = arith.constant 0 : i32
        %ne3A_668 = arith.cmpi ne, %rem3A_666, %ne3A_667 : i32
        %and3A_669 = arith.andi %ne3A_665, %ne3A_668 : i1
        %sub3A_670 = arith.constant 1 : i32
        %sub3A_671 = arith.subi %div3A_650, %sub3A_670 : i32
        %select_n3A_672 = arith.select %and3A_669, %sub3A_671, %div3A_650 : i32
        %jit3A_673 = arith.constant 32 : i32
        %eq3A_674 = arith.constant 0 : i32
        %eq3A_675 = arith.cmpi eq, %jit3A_673, %eq3A_674 : i32
        %jit3A_676 = arith.constant 1 : i32
        %select_n3A_677 = arith.select %eq3A_675, %jit3A_676, %jit3A_673 : i32
        %rem3A_678 = arith.remsi %add3A_648, %select_n3A_677 : i32
        %ne3A_679 = arith.constant 0 : i32
        %ne3A_680 = arith.cmpi ne, %rem3A_678, %ne3A_679 : i32
        %lt3A_681 = arith.constant 0 : i32
        %lt3A_682 = arith.cmpi slt, %rem3A_678, %lt3A_681 : i32
        %lt3A_683 = arith.constant 0 : i32
        %lt3A_684 = arith.cmpi slt, %select_n3A_677, %lt3A_683 : i32
        %ne3A_685 = arith.xori %lt3A_682, %lt3A_684 : i1
        %and3A_686 = arith.andi %ne3A_685, %ne3A_680 : i1
        %add3A_687 = arith.addi %rem3A_678, %select_n3A_677 : i32
        %select_n3A_688 = arith.select %and3A_686, %add3A_687, %rem3A_678 : i32
        %jit3A_689 = arith.constant 0 : i32
        %jit3A_690 = arith.constant 30 : i32
        %max3A_691 = arith.maxsi %jit3A_689, %select_n3A_688 : i32
        %min3A_692 = arith.minsi %jit3A_690, %max3A_691 : i32
        %mul3A_693 = arith.constant 3200 : i32
        %mul3A_694 = arith.muli %min3A_692, %mul3A_693 : i32
        %multiple_of3A_695 = tpu.assume_multiple %mul3A_694, 128 : i32
        %lt3A_696 = arith.constant 31 : i32
        %lt3A_697 = arith.cmpi slt, %select_n3A_688, %lt3A_696 : i32
        %convert_element_type3A_698 = arith.extui %lt3A_697 : i1 to i32
        %cond3A_699 = arith.constant 1 : i32
        %cond3A_700 = arith.constant 0 : i32
        %cond3A_701 = arith.cmpi ne, %convert_element_type3A_698, %cond3A_700 : i32
        scf.if %cond3A_701 {
          %dma_wait3A = arith.constant 0 : i32
          %dma_wait3A_843 = arith.constant 0 : i32
          %dma_wait3A_844 = tpu.memref_slice %arg16[%cond3A_699, %dma_wait3A, %dma_wait3A_843] : memref<4x2x3200xf32, #tpu.memory_space<vmem>> -> memref<1x2x3200xf32, #tpu.memory_space<vmem>>
          %dma_wait3A_845 = tpu.memref_squeeze %dma_wait3A_844 : memref<1x2x3200xf32, #tpu.memory_space<vmem>> -> memref<2x3200xf32, #tpu.memory_space<vmem>>
          %dma_wait3A_846 = arith.constant 0 : i32
          %dma_wait3A_847 = tpu.memref_slice %arg2[%select_n3A_672, %dma_wait3A_846, %multiple_of3A_695] : memref<98x2x100000xf32, #tpu.memory_space<hbm>> -> memref<1x2x3200xf32, #tpu.memory_space<hbm>>
          %dma_wait3A_848 = tpu.memref_squeeze %dma_wait3A_847 : memref<1x2x3200xf32, #tpu.memory_space<hbm>> -> memref<2x3200xf32, #tpu.memory_space<hbm>>
          %dma_wait3A_849 = arith.constant 0 : i32
          %dma_wait3A_850 = arith.constant 0 : i32
          %dma_wait3A_851 = tpu.memref_slice %arg16[%cond3A_699, %dma_wait3A_849, %dma_wait3A_850] : memref<4x2x3200xf32, #tpu.memory_space<vmem>> -> memref<1x2x3200xf32, #tpu.memory_space<vmem>>
          %dma_wait3A_852 = tpu.memref_squeeze %dma_wait3A_851 : memref<1x2x3200xf32, #tpu.memory_space<vmem>> -> memref<2x3200xf32, #tpu.memory_space<vmem>>
          %dma_wait3A_853 = arith.constant 0 : i32
          %dma_wait3A_854 = tpu.memref_slice %arg2[%select_n3A_672, %dma_wait3A_853, %multiple_of3A_695] : memref<98x2x100000xf32, #tpu.memory_space<hbm>> -> memref<1x2x3200xf32, #tpu.memory_space<hbm>>
          %dma_wait3A_855 = tpu.memref_squeeze %dma_wait3A_854 : memref<1x2x3200xf32, #tpu.memory_space<hbm>> -> memref<2x3200xf32, #tpu.memory_space<hbm>>
          tpu.wait_dma2 semaphore(%arg21 : memref<!tpu.dma_semaphore, #tpu.memory_space<semaphore_mem>>) src(%dma_wait3A_855 : memref<2x3200xf32, #tpu.memory_space<hbm>>) dst(%dma_wait3A_852 : memref<2x3200xf32, #tpu.memory_space<vmem>>)
        } else {
        }
        %eq3A_702 = arith.constant 31 : i32
        %eq3A_703 = arith.cmpi eq, %select_n3A_688, %eq3A_702 : i32
        %convert_element_type3A_704 = arith.extui %eq3A_703 : i1 to i32
        %cond3A_705 = arith.constant 1 : i32
        %cond3A_706 = arith.constant 0 : i32
        %cond3A_707 = arith.cmpi ne, %convert_element_type3A_704, %cond3A_706 : i32
        scf.if %cond3A_707 {
          %dma_wait3A = arith.constant 0 : i32
          %dma_wait3A_843 = arith.constant 0 : i32
          %dma_wait3A_844 = tpu.memref_slice %arg18[%cond3A_705, %dma_wait3A, %dma_wait3A_843] : memref<4x2x800xf32, #tpu.memory_space<vmem>> -> memref<1x2x800xf32, #tpu.memory_space<vmem>>
          %dma_wait3A_845 = tpu.memref_squeeze %dma_wait3A_844 : memref<1x2x800xf32, #tpu.memory_space<vmem>> -> memref<2x800xf32, #tpu.memory_space<vmem>>
          %dma_wait3A_846 = arith.constant 0 : i32
          %dma_wait3A_847 = arith.constant 99200 : i32
          %dma_wait3A_848 = tpu.memref_slice %arg2[%select_n3A_672, %dma_wait3A_846, %dma_wait3A_847] : memref<98x2x100000xf32, #tpu.memory_space<hbm>> -> memref<1x2x800xf32, #tpu.memory_space<hbm>>
          %dma_wait3A_849 = tpu.memref_squeeze %dma_wait3A_848 : memref<1x2x800xf32, #tpu.memory_space<hbm>> -> memref<2x800xf32, #tpu.memory_space<hbm>>
          %dma_wait3A_850 = arith.constant 0 : i32
          %dma_wait3A_851 = arith.constant 0 : i32
          %dma_wait3A_852 = tpu.memref_slice %arg18[%cond3A_705, %dma_wait3A_850, %dma_wait3A_851] : memref<4x2x800xf32, #tpu.memory_space<vmem>> -> memref<1x2x800xf32, #tpu.memory_space<vmem>>
          %dma_wait3A_853 = tpu.memref_squeeze %dma_wait3A_852 : memref<1x2x800xf32, #tpu.memory_space<vmem>> -> memref<2x800xf32, #tpu.memory_space<vmem>>
          %dma_wait3A_854 = arith.constant 0 : i32
          %dma_wait3A_855 = arith.constant 99200 : i32
          %dma_wait3A_856 = tpu.memref_slice %arg2[%select_n3A_672, %dma_wait3A_854, %dma_wait3A_855] : memref<98x2x100000xf32, #tpu.memory_space<hbm>> -> memref<1x2x800xf32, #tpu.memory_space<hbm>>
          %dma_wait3A_857 = tpu.memref_squeeze %dma_wait3A_856 : memref<1x2x800xf32, #tpu.memory_space<hbm>> -> memref<2x800xf32, #tpu.memory_space<hbm>>
          tpu.wait_dma2 semaphore(%arg21 : memref<!tpu.dma_semaphore, #tpu.memory_space<semaphore_mem>>) src(%dma_wait3A_857 : memref<2x800xf32, #tpu.memory_space<hbm>>) dst(%dma_wait3A_853 : memref<2x800xf32, #tpu.memory_space<vmem>>)
        } else {
        }
        %gt3A = arith.constant 0 : i32
        %gt3A_708 = arith.cmpi sgt, %scan3A_609, %gt3A : i32
        %convert_element_type3A_709 = arith.extui %gt3A_708 : i1 to i32
        %cond3A_710 = arith.constant 0 : i32
        %cond3A_711 = arith.cmpi ne, %convert_element_type3A_709, %cond3A_710 : i32
        scf.if %cond3A_711 {
          %sub3A_843 = arith.constant 4 : i32
          %sub3A_844 = arith.subi %add3A_622, %sub3A_843 : i32
          %mul3A_845 = arith.constant 32 : i32
          %mul3A_846 = arith.muli %sub3A_844, %mul3A_845 : i32
          %add3A_847 = arith.addi %mul3A_846, %add3A : i32
          %jit3A_848 = arith.constant 32 : i32
          %div3A_849 = arith.divsi %add3A_847, %jit3A_848 : i32
          %sign3A_850 = arith.constant 0 : i32
          %sign3A_851 = arith.cmpi sgt, %add3A_847, %sign3A_850 : i32
          %sign3A_852 = arith.extui %sign3A_851 : i1 to i32
          %sign3A_853 = arith.constant 0 : i32
          %sign3A_854 = arith.cmpi slt, %add3A_847, %sign3A_853 : i32
          %sign3A_855 = arith.extui %sign3A_854 : i1 to i32
          %sign3A_856 = arith.subi %sign3A_852, %sign3A_855 : i32
          %sign3A_857 = arith.constant 0 : i32
          %sign3A_858 = arith.cmpi sgt, %jit3A_848, %sign3A_857 : i32
          %sign3A_859 = arith.extui %sign3A_858 : i1 to i32
          %sign3A_860 = arith.constant 0 : i32
          %sign3A_861 = arith.cmpi slt, %jit3A_848, %sign3A_860 : i32
          %sign3A_862 = arith.extui %sign3A_861 : i1 to i32
          %sign3A_863 = arith.subi %sign3A_859, %sign3A_862 : i32
          %ne3A_864 = arith.cmpi ne, %sign3A_856, %sign3A_863 : i32
          %rem3A_865 = arith.remsi %add3A_847, %jit3A_848 : i32
          %ne3A_866 = arith.constant 0 : i32
          %ne3A_867 = arith.cmpi ne, %rem3A_865, %ne3A_866 : i32
          %and3A_868 = arith.andi %ne3A_864, %ne3A_867 : i1
          %sub3A_869 = arith.constant 1 : i32
          %sub3A_870 = arith.subi %div3A_849, %sub3A_869 : i32
          %select_n3A_871 = arith.select %and3A_868, %sub3A_870, %div3A_849 : i32
          %jit3A_872 = arith.constant 32 : i32
          %eq3A_873 = arith.constant 0 : i32
          %eq3A_874 = arith.cmpi eq, %jit3A_872, %eq3A_873 : i32
          %jit3A_875 = arith.constant 1 : i32
          %select_n3A_876 = arith.select %eq3A_874, %jit3A_875, %jit3A_872 : i32
          %rem3A_877 = arith.remsi %add3A_847, %select_n3A_876 : i32
          %ne3A_878 = arith.constant 0 : i32
          %ne3A_879 = arith.cmpi ne, %rem3A_877, %ne3A_878 : i32
          %lt3A_880 = arith.constant 0 : i32
          %lt3A_881 = arith.cmpi slt, %rem3A_877, %lt3A_880 : i32
          %lt3A_882 = arith.constant 0 : i32
          %lt3A_883 = arith.cmpi slt, %select_n3A_876, %lt3A_882 : i32
          %ne3A_884 = arith.xori %lt3A_881, %lt3A_883 : i1
          %and3A_885 = arith.andi %ne3A_884, %ne3A_879 : i1
          %add3A_886 = arith.addi %rem3A_877, %select_n3A_876 : i32
          %select_n3A_887 = arith.select %and3A_885, %add3A_886, %rem3A_877 : i32
          %jit3A_888 = arith.constant 0 : i32
          %jit3A_889 = arith.constant 30 : i32
          %max3A_890 = arith.maxsi %jit3A_888, %select_n3A_887 : i32
          %min3A_891 = arith.minsi %jit3A_889, %max3A_890 : i32
          %mul3A_892 = arith.constant 3200 : i32
          %mul3A_893 = arith.muli %min3A_891, %mul3A_892 : i32
          %multiple_of3A_894 = tpu.assume_multiple %mul3A_893, 128 : i32
          %lt3A_895 = arith.constant 31 : i32
          %lt3A_896 = arith.cmpi slt, %select_n3A_887, %lt3A_895 : i32
          %convert_element_type3A_897 = arith.extui %lt3A_896 : i1 to i32
          %cond3A_898 = arith.constant 1 : i32
          %cond3A_899 = arith.constant 0 : i32
          %cond3A_900 = arith.cmpi ne, %convert_element_type3A_897, %cond3A_899 : i32
          scf.if %cond3A_900 {
            %dma_wait3A = arith.constant 0 : i32
            %dma_wait3A_907 = arith.constant 0 : i32
            %dma_wait3A_908 = tpu.memref_slice %arg17[%cond3A_898, %dma_wait3A, %dma_wait3A_907] : memref<4x2x3200xf32, #tpu.memory_space<vmem>> -> memref<1x2x3200xf32, #tpu.memory_space<vmem>>
            %dma_wait3A_909 = tpu.memref_squeeze %dma_wait3A_908 : memref<1x2x3200xf32, #tpu.memory_space<vmem>> -> memref<2x3200xf32, #tpu.memory_space<vmem>>
            %dma_wait3A_910 = arith.constant 0 : i32
            %dma_wait3A_911 = tpu.memref_slice %arg8[%select_n3A_871, %dma_wait3A_910, %multiple_of3A_894] : memref<98x2x100000xf32, #tpu.memory_space<hbm>> -> memref<1x2x3200xf32, #tpu.memory_space<hbm>>
            %dma_wait3A_912 = tpu.memref_squeeze %dma_wait3A_911 : memref<1x2x3200xf32, #tpu.memory_space<hbm>> -> memref<2x3200xf32, #tpu.memory_space<hbm>>
            %dma_wait3A_913 = arith.constant 0 : i32
            %dma_wait3A_914 = tpu.memref_slice %arg8[%select_n3A_871, %dma_wait3A_913, %multiple_of3A_894] : memref<98x2x100000xf32, #tpu.memory_space<hbm>> -> memref<1x2x3200xf32, #tpu.memory_space<hbm>>
            %dma_wait3A_915 = tpu.memref_squeeze %dma_wait3A_914 : memref<1x2x3200xf32, #tpu.memory_space<hbm>> -> memref<2x3200xf32, #tpu.memory_space<hbm>>
            %dma_wait3A_916 = arith.constant 0 : i32
            %dma_wait3A_917 = arith.constant 0 : i32
            %dma_wait3A_918 = tpu.memref_slice %arg17[%cond3A_898, %dma_wait3A_916, %dma_wait3A_917] : memref<4x2x3200xf32, #tpu.memory_space<vmem>> -> memref<1x2x3200xf32, #tpu.memory_space<vmem>>
            %dma_wait3A_919 = tpu.memref_squeeze %dma_wait3A_918 : memref<1x2x3200xf32, #tpu.memory_space<vmem>> -> memref<2x3200xf32, #tpu.memory_space<vmem>>
            tpu.wait_dma2 semaphore(%arg25 : memref<!tpu.dma_semaphore, #tpu.memory_space<semaphore_mem>>) src(%dma_wait3A_919 : memref<2x3200xf32, #tpu.memory_space<vmem>>) dst(%dma_wait3A_915 : memref<2x3200xf32, #tpu.memory_space<hbm>>)
          } else {
          }
          %eq3A_901 = arith.constant 31 : i32
          %eq3A_902 = arith.cmpi eq, %select_n3A_887, %eq3A_901 : i32
          %convert_element_type3A_903 = arith.extui %eq3A_902 : i1 to i32
          %cond3A_904 = arith.constant 1 : i32
          %cond3A_905 = arith.constant 0 : i32
          %cond3A_906 = arith.cmpi ne, %convert_element_type3A_903, %cond3A_905 : i32
          scf.if %cond3A_906 {
            %dma_wait3A = arith.constant 0 : i32
            %dma_wait3A_907 = arith.constant 0 : i32
            %dma_wait3A_908 = tpu.memref_slice %arg19[%cond3A_904, %dma_wait3A, %dma_wait3A_907] : memref<4x2x800xf32, #tpu.memory_space<vmem>> -> memref<1x2x800xf32, #tpu.memory_space<vmem>>
            %dma_wait3A_909 = tpu.memref_squeeze %dma_wait3A_908 : memref<1x2x800xf32, #tpu.memory_space<vmem>> -> memref<2x800xf32, #tpu.memory_space<vmem>>
            %dma_wait3A_910 = arith.constant 0 : i32
            %dma_wait3A_911 = arith.constant 99200 : i32
            %dma_wait3A_912 = tpu.memref_slice %arg8[%select_n3A_871, %dma_wait3A_910, %dma_wait3A_911] : memref<98x2x100000xf32, #tpu.memory_space<hbm>> -> memref<1x2x800xf32, #tpu.memory_space<hbm>>
            %dma_wait3A_913 = tpu.memref_squeeze %dma_wait3A_912 : memref<1x2x800xf32, #tpu.memory_space<hbm>> -> memref<2x800xf32, #tpu.memory_space<hbm>>
            %dma_wait3A_914 = arith.constant 0 : i32
            %dma_wait3A_915 = arith.constant 99200 : i32
            %dma_wait3A_916 = tpu.memref_slice %arg8[%select_n3A_871, %dma_wait3A_914, %dma_wait3A_915] : memref<98x2x100000xf32, #tpu.memory_space<hbm>> -> memref<1x2x800xf32, #tpu.memory_space<hbm>>
            %dma_wait3A_917 = tpu.memref_squeeze %dma_wait3A_916 : memref<1x2x800xf32, #tpu.memory_space<hbm>> -> memref<2x800xf32, #tpu.memory_space<hbm>>
            %dma_wait3A_918 = arith.constant 0 : i32
            %dma_wait3A_919 = arith.constant 0 : i32
            %dma_wait3A_920 = tpu.memref_slice %arg19[%cond3A_904, %dma_wait3A_918, %dma_wait3A_919] : memref<4x2x800xf32, #tpu.memory_space<vmem>> -> memref<1x2x800xf32, #tpu.memory_space<vmem>>
            %dma_wait3A_921 = tpu.memref_squeeze %dma_wait3A_920 : memref<1x2x800xf32, #tpu.memory_space<vmem>> -> memref<2x800xf32, #tpu.memory_space<vmem>>
            tpu.wait_dma2 semaphore(%arg25 : memref<!tpu.dma_semaphore, #tpu.memory_space<semaphore_mem>>) src(%dma_wait3A_921 : memref<2x800xf32, #tpu.memory_space<vmem>>) dst(%dma_wait3A_917 : memref<2x800xf32, #tpu.memory_space<hbm>>)
          } else {
          }
        } else {
        }
        %mul3A_712 = arith.constant 32 : i32
        %mul3A_713 = arith.muli %add3A_622, %mul3A_712 : i32
        %add3A_714 = arith.addi %mul3A_713, %add3A : i32
        %jit3A_715 = arith.constant 32 : i32
        %div3A_716 = arith.divsi %add3A_714, %jit3A_715 : i32
        %sign3A_717 = arith.constant 0 : i32
        %sign3A_718 = arith.cmpi sgt, %add3A_714, %sign3A_717 : i32
        %sign3A_719 = arith.extui %sign3A_718 : i1 to i32
        %sign3A_720 = arith.constant 0 : i32
        %sign3A_721 = arith.cmpi slt, %add3A_714, %sign3A_720 : i32
        %sign3A_722 = arith.extui %sign3A_721 : i1 to i32
        %sign3A_723 = arith.subi %sign3A_719, %sign3A_722 : i32
        %sign3A_724 = arith.constant 0 : i32
        %sign3A_725 = arith.cmpi sgt, %jit3A_715, %sign3A_724 : i32
        %sign3A_726 = arith.extui %sign3A_725 : i1 to i32
        %sign3A_727 = arith.constant 0 : i32
        %sign3A_728 = arith.cmpi slt, %jit3A_715, %sign3A_727 : i32
        %sign3A_729 = arith.extui %sign3A_728 : i1 to i32
        %sign3A_730 = arith.subi %sign3A_726, %sign3A_729 : i32
        %ne3A_731 = arith.cmpi ne, %sign3A_723, %sign3A_730 : i32
        %rem3A_732 = arith.remsi %add3A_714, %jit3A_715 : i32
        %ne3A_733 = arith.constant 0 : i32
        %ne3A_734 = arith.cmpi ne, %rem3A_732, %ne3A_733 : i32
        %and3A_735 = arith.andi %ne3A_731, %ne3A_734 : i1
        %sub3A_736 = arith.constant 1 : i32
        %sub3A_737 = arith.subi %div3A_716, %sub3A_736 : i32
        %select_n3A_738 = arith.select %and3A_735, %sub3A_737, %div3A_716 : i32
        %jit3A_739 = arith.constant 32 : i32
        %eq3A_740 = arith.constant 0 : i32
        %eq3A_741 = arith.cmpi eq, %jit3A_739, %eq3A_740 : i32
        %jit3A_742 = arith.constant 1 : i32
        %select_n3A_743 = arith.select %eq3A_741, %jit3A_742, %jit3A_739 : i32
        %rem3A_744 = arith.remsi %add3A_714, %select_n3A_743 : i32
        %ne3A_745 = arith.constant 0 : i32
        %ne3A_746 = arith.cmpi ne, %rem3A_744, %ne3A_745 : i32
        %lt3A_747 = arith.constant 0 : i32
        %lt3A_748 = arith.cmpi slt, %rem3A_744, %lt3A_747 : i32
        %lt3A_749 = arith.constant 0 : i32
        %lt3A_750 = arith.cmpi slt, %select_n3A_743, %lt3A_749 : i32
        %ne3A_751 = arith.xori %lt3A_748, %lt3A_750 : i1
        %and3A_752 = arith.andi %ne3A_751, %ne3A_746 : i1
        %add3A_753 = arith.addi %rem3A_744, %select_n3A_743 : i32
        %select_n3A_754 = arith.select %and3A_752, %add3A_753, %rem3A_744 : i32
        %broadcast_in_dim3A_755 = arith.constant 0 : i32
        %broadcast_in_dim3A_756 = vector.broadcast %broadcast_in_dim3A_755 : i32 to vector<16xi32>
        %add3A_757 = vector.broadcast %select_n3A_738 : i32 to vector<16xi32>
        %add3A_758 = arith.addi %broadcast_in_dim3A_756, %add3A_757 : vector<16xi32>
        %gather3A = tpu.vector_load_idx %arg9[%add3A_758] : memref<112xf32, #tpu.memory_space<vmem>>[vector<16xi32>], vector<16xf32>,
        %gather3A_759 = tpu.vector_load_idx %arg10[%add3A_758] : memref<112xf32, #tpu.memory_space<vmem>>[vector<16xi32>], vector<16xf32>,
        %lt3A_760 = arith.constant 31 : i32
        %lt3A_761 = arith.cmpi slt, %select_n3A_754, %lt3A_760 : i32
        %convert_element_type3A_762 = arith.extui %lt3A_761 : i1 to i32
        %cond3A_763 = arith.constant 1 : i32
        %cond3A_764 = arith.constant 1 : i32
        %cond3A_765 = arith.constant 0 : i32
        %cond3A_766 = arith.cmpi ne, %convert_element_type3A_762, %cond3A_765 : i32
        scf.if %cond3A_766 {
          %scan3A_843 = arith.constant 0 : i32
          %scan3A_844 = arith.constant 0 : i32
          %scan3A_845 = arith.constant 25 : i32
          %scan3A_846 = arith.addi %scan3A_844, %scan3A_845 : i32
          %scan3A_847 = arith.constant 1 : i32
          scf.for %scan3A_849 = %scan3A_844 to %scan3A_846 step %scan3A_847  : i32 {
            %mul3A_850 = arith.constant 128 : i32
            %mul3A_851 = arith.muli %scan3A_849, %mul3A_850 : i32
            %multiple_of3A_852 = tpu.assume_multiple %mul3A_851, 128 : i32
            %add3A_853 = arith.constant 0 : i32
            %add3A_854 = arith.addi %multiple_of3A_852, %add3A_853 : i32
            %get3A_855 = arith.constant 0 : i32
            %get3A_856 = arith.constant 0 : i32
            %get3A_857 = arith.constant 0 : i32
            %get3A_858 = tpu.memref_slice %arg16[%cond3A_763, %get3A_856, %get3A_857] : memref<4x2x3200xf32, #tpu.memory_space<vmem>> -> memref<1x2x3200xf32, #tpu.memory_space<vmem>>
            %get3A_859 = tpu.memref_squeeze %get3A_858 : memref<1x2x3200xf32, #tpu.memory_space<vmem>> -> memref<2x3200xf32, #tpu.memory_space<vmem>>
            %get3A_860 = arith.index_cast %get3A_855 : i32 to index
            %get3A_861 = arith.index_cast %add3A_854 : i32 to index
            %get3A_862 = tpu.vector_load %get3A_859[%get3A_860, %get3A_861] {strides = array<i32>} : memref<2x3200xf32, #tpu.memory_space<vmem>>, vector<16xf32>,
            %mul3A_863 = arith.mulf %get3A_862, %gather3A : vector<16xf32>
            %add3A_864 = arith.addf %mul3A_863, %gather3A_759 : vector<16xf32>
            %swap3A_865 = arith.constant 0 : i32
            %swap3A_866 = arith.constant 0 : i32
            %swap3A_867 = arith.constant 0 : i32
            %swap3A_868 = tpu.memref_slice %arg17[%cond3A_764, %swap3A_866, %swap3A_867] : memref<4x2x3200xf32, #tpu.memory_space<vmem>> -> memref<1x2x3200xf32, #tpu.memory_space<vmem>>
            %swap3A_869 = tpu.memref_squeeze %swap3A_868 : memref<1x2x3200xf32, #tpu.memory_space<vmem>> -> memref<2x3200xf32, #tpu.memory_space<vmem>>
            %swap3A_870 = arith.index_cast %swap3A_865 : i32 to index
            %swap3A_871 = arith.index_cast %add3A_854 : i32 to index
            %swap3A_872 = tpu.vector_load %swap3A_869[%swap3A_870, %swap3A_871] {strides = array<i32>} : memref<2x3200xf32, #tpu.memory_space<vmem>>, vector<16xf32>,
            tpu.vector_store %swap3A_869[%swap3A_870, %swap3A_871], %add3A_864 {strides = array<i32>} : memref<2x3200xf32, #tpu.memory_space<vmem>>, vector<16xf32>,
            %add3A_873 = arith.constant 16 : i32
            %add3A_874 = arith.addi %multiple_of3A_852, %add3A_873 : i32
            %get3A_875 = arith.constant 0 : i32
            %get3A_876 = arith.constant 0 : i32
            %get3A_877 = arith.constant 0 : i32
            %get3A_878 = tpu.memref_slice %arg16[%cond3A_763, %get3A_876, %get3A_877] : memref<4x2x3200xf32, #tpu.memory_space<vmem>> -> memref<1x2x3200xf32, #tpu.memory_space<vmem>>
            %get3A_879 = tpu.memref_squeeze %get3A_878 : memref<1x2x3200xf32, #tpu.memory_space<vmem>> -> memref<2x3200xf32, #tpu.memory_space<vmem>>
            %get3A_880 = arith.index_cast %get3A_875 : i32 to index
            %get3A_881 = arith.index_cast %add3A_874 : i32 to index
            %get3A_882 = tpu.vector_load %get3A_879[%get3A_880, %get3A_881] {strides = array<i32>} : memref<2x3200xf32, #tpu.memory_space<vmem>>, vector<16xf32>,
            %mul3A_883 = arith.mulf %get3A_882, %gather3A : vector<16xf32>
            %add3A_884 = arith.addf %mul3A_883, %gather3A_759 : vector<16xf32>
            %swap3A_885 = arith.constant 0 : i32
            %swap3A_886 = arith.constant 0 : i32
            %swap3A_887 = arith.constant 0 : i32
            %swap3A_888 = tpu.memref_slice %arg17[%cond3A_764, %swap3A_886, %swap3A_887] : memref<4x2x3200xf32, #tpu.memory_space<vmem>> -> memref<1x2x3200xf32, #tpu.memory_space<vmem>>
            %swap3A_889 = tpu.memref_squeeze %swap3A_888 : memref<1x2x3200xf32, #tpu.memory_space<vmem>> -> memref<2x3200xf32, #tpu.memory_space<vmem>>
            %swap3A_890 = arith.index_cast %swap3A_885 : i32 to index
            %swap3A_891 = arith.index_cast %add3A_874 : i32 to index
            %swap3A_892 = tpu.vector_load %swap3A_889[%swap3A_890, %swap3A_891] {strides = array<i32>} : memref<2x3200xf32, #tpu.memory_space<vmem>>, vector<16xf32>,
            tpu.vector_store %swap3A_889[%swap3A_890, %swap3A_891], %add3A_884 {strides = array<i32>} : memref<2x3200xf32, #tpu.memory_space<vmem>>, vector<16xf32>,
            %add3A_893 = arith.constant 32 : i32
            %add3A_894 = arith.addi %multiple_of3A_852, %add3A_893 : i32
            %get3A_895 = arith.constant 0 : i32
            %get3A_896 = arith.constant 0 : i32
            %get3A_897 = arith.constant 0 : i32
            %get3A_898 = tpu.memref_slice %arg16[%cond3A_763, %get3A_896, %get3A_897] : memref<4x2x3200xf32, #tpu.memory_space<vmem>> -> memref<1x2x3200xf32, #tpu.memory_space<vmem>>
            %get3A_899 = tpu.memref_squeeze %get3A_898 : memref<1x2x3200xf32, #tpu.memory_space<vmem>> -> memref<2x3200xf32, #tpu.memory_space<vmem>>
            %get3A_900 = arith.index_cast %get3A_895 : i32 to index
            %get3A_901 = arith.index_cast %add3A_894 : i32 to index
            %get3A_902 = tpu.vector_load %get3A_899[%get3A_900, %get3A_901] {strides = array<i32>} : memref<2x3200xf32, #tpu.memory_space<vmem>>, vector<16xf32>,
            %mul3A_903 = arith.mulf %get3A_902, %gather3A : vector<16xf32>
            %add3A_904 = arith.addf %mul3A_903, %gather3A_759 : vector<16xf32>
            %swap3A_905 = arith.constant 0 : i32
            %swap3A_906 = arith.constant 0 : i32
            %swap3A_907 = arith.constant 0 : i32
            %swap3A_908 = tpu.memref_slice %arg17[%cond3A_764, %swap3A_906, %swap3A_907] : memref<4x2x3200xf32, #tpu.memory_space<vmem>> -> memref<1x2x3200xf32, #tpu.memory_space<vmem>>
            %swap3A_909 = tpu.memref_squeeze %swap3A_908 : memref<1x2x3200xf32, #tpu.memory_space<vmem>> -> memref<2x3200xf32, #tpu.memory_space<vmem>>
            %swap3A_910 = arith.index_cast %swap3A_905 : i32 to index
            %swap3A_911 = arith.index_cast %add3A_894 : i32 to index
            %swap3A_912 = tpu.vector_load %swap3A_909[%swap3A_910, %swap3A_911] {strides = array<i32>} : memref<2x3200xf32, #tpu.memory_space<vmem>>, vector<16xf32>,
            tpu.vector_store %swap3A_909[%swap3A_910, %swap3A_911], %add3A_904 {strides = array<i32>} : memref<2x3200xf32, #tpu.memory_space<vmem>>, vector<16xf32>,
            %add3A_913 = arith.constant 48 : i32
            %add3A_914 = arith.addi %multiple_of3A_852, %add3A_913 : i32
            %get3A_915 = arith.constant 0 : i32
            %get3A_916 = arith.constant 0 : i32
            %get3A_917 = arith.constant 0 : i32
            %get3A_918 = tpu.memref_slice %arg16[%cond3A_763, %get3A_916, %get3A_917] : memref<4x2x3200xf32, #tpu.memory_space<vmem>> -> memref<1x2x3200xf32, #tpu.memory_space<vmem>>
            %get3A_919 = tpu.memref_squeeze %get3A_918 : memref<1x2x3200xf32, #tpu.memory_space<vmem>> -> memref<2x3200xf32, #tpu.memory_space<vmem>>
            %get3A_920 = arith.index_cast %get3A_915 : i32 to index
            %get3A_921 = arith.index_cast %add3A_914 : i32 to index
            %get3A_922 = tpu.vector_load %get3A_919[%get3A_920, %get3A_921] {strides = array<i32>} : memref<2x3200xf32, #tpu.memory_space<vmem>>, vector<16xf32>,
            %mul3A_923 = arith.mulf %get3A_922, %gather3A : vector<16xf32>
            %add3A_924 = arith.addf %mul3A_923, %gather3A_759 : vector<16xf32>
            %swap3A_925 = arith.constant 0 : i32
            %swap3A_926 = arith.constant 0 : i32
            %swap3A_927 = arith.constant 0 : i32
            %swap3A_928 = tpu.memref_slice %arg17[%cond3A_764, %swap3A_926, %swap3A_927] : memref<4x2x3200xf32, #tpu.memory_space<vmem>> -> memref<1x2x3200xf32, #tpu.memory_space<vmem>>
            %swap3A_929 = tpu.memref_squeeze %swap3A_928 : memref<1x2x3200xf32, #tpu.memory_space<vmem>> -> memref<2x3200xf32, #tpu.memory_space<vmem>>
            %swap3A_930 = arith.index_cast %swap3A_925 : i32 to index
            %swap3A_931 = arith.index_cast %add3A_914 : i32 to index
            %swap3A_932 = tpu.vector_load %swap3A_929[%swap3A_930, %swap3A_931] {strides = array<i32>} : memref<2x3200xf32, #tpu.memory_space<vmem>>, vector<16xf32>,
            tpu.vector_store %swap3A_929[%swap3A_930, %swap3A_931], %add3A_924 {strides = array<i32>} : memref<2x3200xf32, #tpu.memory_space<vmem>>, vector<16xf32>,
            %add3A_933 = arith.constant 64 : i32
            %add3A_934 = arith.addi %multiple_of3A_852, %add3A_933 : i32
            %get3A_935 = arith.constant 0 : i32
            %get3A_936 = arith.constant 0 : i32
            %get3A_937 = arith.constant 0 : i32
            %get3A_938 = tpu.memref_slice %arg16[%cond3A_763, %get3A_936, %get3A_937] : memref<4x2x3200xf32, #tpu.memory_space<vmem>> -> memref<1x2x3200xf32, #tpu.memory_space<vmem>>
            %get3A_939 = tpu.memref_squeeze %get3A_938 : memref<1x2x3200xf32, #tpu.memory_space<vmem>> -> memref<2x3200xf32, #tpu.memory_space<vmem>>
            %get3A_940 = arith.index_cast %get3A_935 : i32 to index
            %get3A_941 = arith.index_cast %add3A_934 : i32 to index
            %get3A_942 = tpu.vector_load %get3A_939[%get3A_940, %get3A_941] {strides = array<i32>} : memref<2x3200xf32, #tpu.memory_space<vmem>>, vector<16xf32>,
            %mul3A_943 = arith.mulf %get3A_942, %gather3A : vector<16xf32>
            %add3A_944 = arith.addf %mul3A_943, %gather3A_759 : vector<16xf32>
            %swap3A_945 = arith.constant 0 : i32
            %swap3A_946 = arith.constant 0 : i32
            %swap3A_947 = arith.constant 0 : i32
            %swap3A_948 = tpu.memref_slice %arg17[%cond3A_764, %swap3A_946, %swap3A_947] : memref<4x2x3200xf32, #tpu.memory_space<vmem>> -> memref<1x2x3200xf32, #tpu.memory_space<vmem>>
            %swap3A_949 = tpu.memref_squeeze %swap3A_948 : memref<1x2x3200xf32, #tpu.memory_space<vmem>> -> memref<2x3200xf32, #tpu.memory_space<vmem>>
            %swap3A_950 = arith.index_cast %swap3A_945 : i32 to index
            %swap3A_951 = arith.index_cast %add3A_934 : i32 to index
            %swap3A_952 = tpu.vector_load %swap3A_949[%swap3A_950, %swap3A_951] {strides = array<i32>} : memref<2x3200xf32, #tpu.memory_space<vmem>>, vector<16xf32>,
            tpu.vector_store %swap3A_949[%swap3A_950, %swap3A_951], %add3A_944 {strides = array<i32>} : memref<2x3200xf32, #tpu.memory_space<vmem>>, vector<16xf32>,
            %add3A_953 = arith.constant 80 : i32
            %add3A_954 = arith.addi %multiple_of3A_852, %add3A_953 : i32
            %get3A_955 = arith.constant 0 : i32
            %get3A_956 = arith.constant 0 : i32
            %get3A_957 = arith.constant 0 : i32
            %get3A_958 = tpu.memref_slice %arg16[%cond3A_763, %get3A_956, %get3A_957] : memref<4x2x3200xf32, #tpu.memory_space<vmem>> -> memref<1x2x3200xf32, #tpu.memory_space<vmem>>
            %get3A_959 = tpu.memref_squeeze %get3A_958 : memref<1x2x3200xf32, #tpu.memory_space<vmem>> -> memref<2x3200xf32, #tpu.memory_space<vmem>>
            %get3A_960 = arith.index_cast %get3A_955 : i32 to index
            %get3A_961 = arith.index_cast %add3A_954 : i32 to index
            %get3A_962 = tpu.vector_load %get3A_959[%get3A_960, %get3A_961] {strides = array<i32>} : memref<2x3200xf32, #tpu.memory_space<vmem>>, vector<16xf32>,
            %mul3A_963 = arith.mulf %get3A_962, %gather3A : vector<16xf32>
            %add3A_964 = arith.addf %mul3A_963, %gather3A_759 : vector<16xf32>
            %swap3A_965 = arith.constant 0 : i32
            %swap3A_966 = arith.constant 0 : i32
            %swap3A_967 = arith.constant 0 : i32
            %swap3A_968 = tpu.memref_slice %arg17[%cond3A_764, %swap3A_966, %swap3A_967] : memref<4x2x3200xf32, #tpu.memory_space<vmem>> -> memref<1x2x3200xf32, #tpu.memory_space<vmem>>
            %swap3A_969 = tpu.memref_squeeze %swap3A_968 : memref<1x2x3200xf32, #tpu.memory_space<vmem>> -> memref<2x3200xf32, #tpu.memory_space<vmem>>
            %swap3A_970 = arith.index_cast %swap3A_965 : i32 to index
            %swap3A_971 = arith.index_cast %add3A_954 : i32 to index
            %swap3A_972 = tpu.vector_load %swap3A_969[%swap3A_970, %swap3A_971] {strides = array<i32>} : memref<2x3200xf32, #tpu.memory_space<vmem>>, vector<16xf32>,
            tpu.vector_store %swap3A_969[%swap3A_970, %swap3A_971], %add3A_964 {strides = array<i32>} : memref<2x3200xf32, #tpu.memory_space<vmem>>, vector<16xf32>,
            %add3A_973 = arith.constant 96 : i32
            %add3A_974 = arith.addi %multiple_of3A_852, %add3A_973 : i32
            %get3A_975 = arith.constant 0 : i32
            %get3A_976 = arith.constant 0 : i32
            %get3A_977 = arith.constant 0 : i32
            %get3A_978 = tpu.memref_slice %arg16[%cond3A_763, %get3A_976, %get3A_977] : memref<4x2x3200xf32, #tpu.memory_space<vmem>> -> memref<1x2x3200xf32, #tpu.memory_space<vmem>>
            %get3A_979 = tpu.memref_squeeze %get3A_978 : memref<1x2x3200xf32, #tpu.memory_space<vmem>> -> memref<2x3200xf32, #tpu.memory_space<vmem>>
            %get3A_980 = arith.index_cast %get3A_975 : i32 to index
            %get3A_981 = arith.index_cast %add3A_974 : i32 to index
            %get3A_982 = tpu.vector_load %get3A_979[%get3A_980, %get3A_981] {strides = array<i32>} : memref<2x3200xf32, #tpu.memory_space<vmem>>, vector<16xf32>,
            %mul3A_983 = arith.mulf %get3A_982, %gather3A : vector<16xf32>
            %add3A_984 = arith.addf %mul3A_983, %gather3A_759 : vector<16xf32>
            %swap3A_985 = arith.constant 0 : i32
            %swap3A_986 = arith.constant 0 : i32
            %swap3A_987 = arith.constant 0 : i32
            %swap3A_988 = tpu.memref_slice %arg17[%cond3A_764, %swap3A_986, %swap3A_987] : memref<4x2x3200xf32, #tpu.memory_space<vmem>> -> memref<1x2x3200xf32, #tpu.memory_space<vmem>>
            %swap3A_989 = tpu.memref_squeeze %swap3A_988 : memref<1x2x3200xf32, #tpu.memory_space<vmem>> -> memref<2x3200xf32, #tpu.memory_space<vmem>>
            %swap3A_990 = arith.index_cast %swap3A_985 : i32 to index
            %swap3A_991 = arith.index_cast %add3A_974 : i32 to index
            %swap3A_992 = tpu.vector_load %swap3A_989[%swap3A_990, %swap3A_991] {strides = array<i32>} : memref<2x3200xf32, #tpu.memory_space<vmem>>, vector<16xf32>,
            tpu.vector_store %swap3A_989[%swap3A_990, %swap3A_991], %add3A_984 {strides = array<i32>} : memref<2x3200xf32, #tpu.memory_space<vmem>>, vector<16xf32>,
            %add3A_993 = arith.constant 112 : i32
            %add3A_994 = arith.addi %multiple_of3A_852, %add3A_993 : i32
            %get3A_995 = arith.constant 0 : i32
            %get3A_996 = arith.constant 0 : i32
            %get3A_997 = arith.constant 0 : i32
            %get3A_998 = tpu.memref_slice %arg16[%cond3A_763, %get3A_996, %get3A_997] : memref<4x2x3200xf32, #tpu.memory_space<vmem>> -> memref<1x2x3200xf32, #tpu.memory_space<vmem>>
            %get3A_999 = tpu.memref_squeeze %get3A_998 : memref<1x2x3200xf32, #tpu.memory_space<vmem>> -> memref<2x3200xf32, #tpu.memory_space<vmem>>
            %get3A_1000 = arith.index_cast %get3A_995 : i32 to index
            %get3A_1001 = arith.index_cast %add3A_994 : i32 to index
            %get3A_1002 = tpu.vector_load %get3A_999[%get3A_1000, %get3A_1001] {strides = array<i32>} : memref<2x3200xf32, #tpu.memory_space<vmem>>, vector<16xf32>,
            %mul3A_1003 = arith.mulf %get3A_1002, %gather3A : vector<16xf32>
            %add3A_1004 = arith.addf %mul3A_1003, %gather3A_759 : vector<16xf32>
            %swap3A_1005 = arith.constant 0 : i32
            %swap3A_1006 = arith.constant 0 : i32
            %swap3A_1007 = arith.constant 0 : i32
            %swap3A_1008 = tpu.memref_slice %arg17[%cond3A_764, %swap3A_1006, %swap3A_1007] : memref<4x2x3200xf32, #tpu.memory_space<vmem>> -> memref<1x2x3200xf32, #tpu.memory_space<vmem>>
            %swap3A_1009 = tpu.memref_squeeze %swap3A_1008 : memref<1x2x3200xf32, #tpu.memory_space<vmem>> -> memref<2x3200xf32, #tpu.memory_space<vmem>>
            %swap3A_1010 = arith.index_cast %swap3A_1005 : i32 to index
            %swap3A_1011 = arith.index_cast %add3A_994 : i32 to index
            %swap3A_1012 = tpu.vector_load %swap3A_1009[%swap3A_1010, %swap3A_1011] {strides = array<i32>} : memref<2x3200xf32, #tpu.memory_space<vmem>>, vector<16xf32>,
            tpu.vector_store %swap3A_1009[%swap3A_1010, %swap3A_1011], %add3A_1004 {strides = array<i32>} : memref<2x3200xf32, #tpu.memory_space<vmem>>, vector<16xf32>,
            %add3A_1013 = arith.constant 0 : i32
            %add3A_1014 = arith.addi %multiple_of3A_852, %add3A_1013 : i32
            %get3A_1015 = arith.constant 1 : i32
            %get3A_1016 = arith.constant 0 : i32
            %get3A_1017 = arith.constant 0 : i32
            %get3A_1018 = tpu.memref_slice %arg16[%cond3A_763, %get3A_1016, %get3A_1017] : memref<4x2x3200xf32, #tpu.memory_space<vmem>> -> memref<1x2x3200xf32, #tpu.memory_space<vmem>>
            %get3A_1019 = tpu.memref_squeeze %get3A_1018 : memref<1x2x3200xf32, #tpu.memory_space<vmem>> -> memref<2x3200xf32, #tpu.memory_space<vmem>>
            %get3A_1020 = arith.index_cast %get3A_1015 : i32 to index
            %get3A_1021 = arith.index_cast %add3A_1014 : i32 to index
            %get3A_1022 = tpu.vector_load %get3A_1019[%get3A_1020, %get3A_1021] {strides = array<i32>} : memref<2x3200xf32, #tpu.memory_space<vmem>>, vector<16xf32>,
            %mul3A_1023 = arith.mulf %get3A_1022, %gather3A : vector<16xf32>
            %add3A_1024 = arith.addf %mul3A_1023, %gather3A_759 : vector<16xf32>
            %swap3A_1025 = arith.constant 1 : i32
            %swap3A_1026 = arith.constant 0 : i32
            %swap3A_1027 = arith.constant 0 : i32
            %swap3A_1028 = tpu.memref_slice %arg17[%cond3A_764, %swap3A_1026, %swap3A_1027] : memref<4x2x3200xf32, #tpu.memory_space<vmem>> -> memref<1x2x3200xf32, #tpu.memory_space<vmem>>
            %swap3A_1029 = tpu.memref_squeeze %swap3A_1028 : memref<1x2x3200xf32, #tpu.memory_space<vmem>> -> memref<2x3200xf32, #tpu.memory_space<vmem>>
            %swap3A_1030 = arith.index_cast %swap3A_1025 : i32 to index
            %swap3A_1031 = arith.index_cast %add3A_1014 : i32 to index
            %swap3A_1032 = tpu.vector_load %swap3A_1029[%swap3A_1030, %swap3A_1031] {strides = array<i32>} : memref<2x3200xf32, #tpu.memory_space<vmem>>, vector<16xf32>,
            tpu.vector_store %swap3A_1029[%swap3A_1030, %swap3A_1031], %add3A_1024 {strides = array<i32>} : memref<2x3200xf32, #tpu.memory_space<vmem>>, vector<16xf32>,
            %add3A_1033 = arith.constant 16 : i32
            %add3A_1034 = arith.addi %multiple_of3A_852, %add3A_1033 : i32
            %get3A_1035 = arith.constant 1 : i32
            %get3A_1036 = arith.constant 0 : i32
            %get3A_1037 = arith.constant 0 : i32
            %get3A_1038 = tpu.memref_slice %arg16[%cond3A_763, %get3A_1036, %get3A_1037] : memref<4x2x3200xf32, #tpu.memory_space<vmem>> -> memref<1x2x3200xf32, #tpu.memory_space<vmem>>
            %get3A_1039 = tpu.memref_squeeze %get3A_1038 : memref<1x2x3200xf32, #tpu.memory_space<vmem>> -> memref<2x3200xf32, #tpu.memory_space<vmem>>
            %get3A_1040 = arith.index_cast %get3A_1035 : i32 to index
            %get3A_1041 = arith.index_cast %add3A_1034 : i32 to index
            %get3A_1042 = tpu.vector_load %get3A_1039[%get3A_1040, %get3A_1041] {strides = array<i32>} : memref<2x3200xf32, #tpu.memory_space<vmem>>, vector<16xf32>,
            %mul3A_1043 = arith.mulf %get3A_1042, %gather3A : vector<16xf32>
            %add3A_1044 = arith.addf %mul3A_1043, %gather3A_759 : vector<16xf32>
            %swap3A_1045 = arith.constant 1 : i32
            %swap3A_1046 = arith.constant 0 : i32
            %swap3A_1047 = arith.constant 0 : i32
            %swap3A_1048 = tpu.memref_slice %arg17[%cond3A_764, %swap3A_1046, %swap3A_1047] : memref<4x2x3200xf32, #tpu.memory_space<vmem>> -> memref<1x2x3200xf32, #tpu.memory_space<vmem>>
            %swap3A_1049 = tpu.memref_squeeze %swap3A_1048 : memref<1x2x3200xf32, #tpu.memory_space<vmem>> -> memref<2x3200xf32, #tpu.memory_space<vmem>>
            %swap3A_1050 = arith.index_cast %swap3A_1045 : i32 to index
            %swap3A_1051 = arith.index_cast %add3A_1034 : i32 to index
            %swap3A_1052 = tpu.vector_load %swap3A_1049[%swap3A_1050, %swap3A_1051] {strides = array<i32>} : memref<2x3200xf32, #tpu.memory_space<vmem>>, vector<16xf32>,
            tpu.vector_store %swap3A_1049[%swap3A_1050, %swap3A_1051], %add3A_1044 {strides = array<i32>} : memref<2x3200xf32, #tpu.memory_space<vmem>>, vector<16xf32>,
            %add3A_1053 = arith.constant 32 : i32
            %add3A_1054 = arith.addi %multiple_of3A_852, %add3A_1053 : i32
            %get3A_1055 = arith.constant 1 : i32
            %get3A_1056 = arith.constant 0 : i32
            %get3A_1057 = arith.constant 0 : i32
            %get3A_1058 = tpu.memref_slice %arg16[%cond3A_763, %get3A_1056, %get3A_1057] : memref<4x2x3200xf32, #tpu.memory_space<vmem>> -> memref<1x2x3200xf32, #tpu.memory_space<vmem>>
            %get3A_1059 = tpu.memref_squeeze %get3A_1058 : memref<1x2x3200xf32, #tpu.memory_space<vmem>> -> memref<2x3200xf32, #tpu.memory_space<vmem>>
            %get3A_1060 = arith.index_cast %get3A_1055 : i32 to index
            %get3A_1061 = arith.index_cast %add3A_1054 : i32 to index
            %get3A_1062 = tpu.vector_load %get3A_1059[%get3A_1060, %get3A_1061] {strides = array<i32>} : memref<2x3200xf32, #tpu.memory_space<vmem>>, vector<16xf32>,
            %mul3A_1063 = arith.mulf %get3A_1062, %gather3A : vector<16xf32>
            %add3A_1064 = arith.addf %mul3A_1063, %gather3A_759 : vector<16xf32>
            %swap3A_1065 = arith.constant 1 : i32
            %swap3A_1066 = arith.constant 0 : i32
            %swap3A_1067 = arith.constant 0 : i32
            %swap3A_1068 = tpu.memref_slice %arg17[%cond3A_764, %swap3A_1066, %swap3A_1067] : memref<4x2x3200xf32, #tpu.memory_space<vmem>> -> memref<1x2x3200xf32, #tpu.memory_space<vmem>>
            %swap3A_1069 = tpu.memref_squeeze %swap3A_1068 : memref<1x2x3200xf32, #tpu.memory_space<vmem>> -> memref<2x3200xf32, #tpu.memory_space<vmem>>
            %swap3A_1070 = arith.index_cast %swap3A_1065 : i32 to index
            %swap3A_1071 = arith.index_cast %add3A_1054 : i32 to index
            %swap3A_1072 = tpu.vector_load %swap3A_1069[%swap3A_1070, %swap3A_1071] {strides = array<i32>} : memref<2x3200xf32, #tpu.memory_space<vmem>>, vector<16xf32>,
            tpu.vector_store %swap3A_1069[%swap3A_1070, %swap3A_1071], %add3A_1064 {strides = array<i32>} : memref<2x3200xf32, #tpu.memory_space<vmem>>, vector<16xf32>,
            %add3A_1073 = arith.constant 48 : i32
            %add3A_1074 = arith.addi %multiple_of3A_852, %add3A_1073 : i32
            %get3A_1075 = arith.constant 1 : i32
            %get3A_1076 = arith.constant 0 : i32
            %get3A_1077 = arith.constant 0 : i32
            %get3A_1078 = tpu.memref_slice %arg16[%cond3A_763, %get3A_1076, %get3A_1077] : memref<4x2x3200xf32, #tpu.memory_space<vmem>> -> memref<1x2x3200xf32, #tpu.memory_space<vmem>>
            %get3A_1079 = tpu.memref_squeeze %get3A_1078 : memref<1x2x3200xf32, #tpu.memory_space<vmem>> -> memref<2x3200xf32, #tpu.memory_space<vmem>>
            %get3A_1080 = arith.index_cast %get3A_1075 : i32 to index
            %get3A_1081 = arith.index_cast %add3A_1074 : i32 to index
            %get3A_1082 = tpu.vector_load %get3A_1079[%get3A_1080, %get3A_1081] {strides = array<i32>} : memref<2x3200xf32, #tpu.memory_space<vmem>>, vector<16xf32>,
            %mul3A_1083 = arith.mulf %get3A_1082, %gather3A : vector<16xf32>
            %add3A_1084 = arith.addf %mul3A_1083, %gather3A_759 : vector<16xf32>
            %swap3A_1085 = arith.constant 1 : i32
            %swap3A_1086 = arith.constant 0 : i32
            %swap3A_1087 = arith.constant 0 : i32
            %swap3A_1088 = tpu.memref_slice %arg17[%cond3A_764, %swap3A_1086, %swap3A_1087] : memref<4x2x3200xf32, #tpu.memory_space<vmem>> -> memref<1x2x3200xf32, #tpu.memory_space<vmem>>
            %swap3A_1089 = tpu.memref_squeeze %swap3A_1088 : memref<1x2x3200xf32, #tpu.memory_space<vmem>> -> memref<2x3200xf32, #tpu.memory_space<vmem>>
            %swap3A_1090 = arith.index_cast %swap3A_1085 : i32 to index
            %swap3A_1091 = arith.index_cast %add3A_1074 : i32 to index
            %swap3A_1092 = tpu.vector_load %swap3A_1089[%swap3A_1090, %swap3A_1091] {strides = array<i32>} : memref<2x3200xf32, #tpu.memory_space<vmem>>, vector<16xf32>,
            tpu.vector_store %swap3A_1089[%swap3A_1090, %swap3A_1091], %add3A_1084 {strides = array<i32>} : memref<2x3200xf32, #tpu.memory_space<vmem>>, vector<16xf32>,
            %add3A_1093 = arith.constant 64 : i32
            %add3A_1094 = arith.addi %multiple_of3A_852, %add3A_1093 : i32
            %get3A_1095 = arith.constant 1 : i32
            %get3A_1096 = arith.constant 0 : i32
            %get3A_1097 = arith.constant 0 : i32
            %get3A_1098 = tpu.memref_slice %arg16[%cond3A_763, %get3A_1096, %get3A_1097] : memref<4x2x3200xf32, #tpu.memory_space<vmem>> -> memref<1x2x3200xf32, #tpu.memory_space<vmem>>
            %get3A_1099 = tpu.memref_squeeze %get3A_1098 : memref<1x2x3200xf32, #tpu.memory_space<vmem>> -> memref<2x3200xf32, #tpu.memory_space<vmem>>
            %get3A_1100 = arith.index_cast %get3A_1095 : i32 to index
            %get3A_1101 = arith.index_cast %add3A_1094 : i32 to index
            %get3A_1102 = tpu.vector_load %get3A_1099[%get3A_1100, %get3A_1101] {strides = array<i32>} : memref<2x3200xf32, #tpu.memory_space<vmem>>, vector<16xf32>,
            %mul3A_1103 = arith.mulf %get3A_1102, %gather3A : vector<16xf32>
            %add3A_1104 = arith.addf %mul3A_1103, %gather3A_759 : vector<16xf32>
            %swap3A_1105 = arith.constant 1 : i32
            %swap3A_1106 = arith.constant 0 : i32
            %swap3A_1107 = arith.constant 0 : i32
            %swap3A_1108 = tpu.memref_slice %arg17[%cond3A_764, %swap3A_1106, %swap3A_1107] : memref<4x2x3200xf32, #tpu.memory_space<vmem>> -> memref<1x2x3200xf32, #tpu.memory_space<vmem>>
            %swap3A_1109 = tpu.memref_squeeze %swap3A_1108 : memref<1x2x3200xf32, #tpu.memory_space<vmem>> -> memref<2x3200xf32, #tpu.memory_space<vmem>>
            %swap3A_1110 = arith.index_cast %swap3A_1105 : i32 to index
            %swap3A_1111 = arith.index_cast %add3A_1094 : i32 to index
            %swap3A_1112 = tpu.vector_load %swap3A_1109[%swap3A_1110, %swap3A_1111] {strides = array<i32>} : memref<2x3200xf32, #tpu.memory_space<vmem>>, vector<16xf32>,
            tpu.vector_store %swap3A_1109[%swap3A_1110, %swap3A_1111], %add3A_1104 {strides = array<i32>} : memref<2x3200xf32, #tpu.memory_space<vmem>>, vector<16xf32>,
            %add3A_1113 = arith.constant 80 : i32
            %add3A_1114 = arith.addi %multiple_of3A_852, %add3A_1113 : i32
            %get3A_1115 = arith.constant 1 : i32
            %get3A_1116 = arith.constant 0 : i32
            %get3A_1117 = arith.constant 0 : i32
            %get3A_1118 = tpu.memref_slice %arg16[%cond3A_763, %get3A_1116, %get3A_1117] : memref<4x2x3200xf32, #tpu.memory_space<vmem>> -> memref<1x2x3200xf32, #tpu.memory_space<vmem>>
            %get3A_1119 = tpu.memref_squeeze %get3A_1118 : memref<1x2x3200xf32, #tpu.memory_space<vmem>> -> memref<2x3200xf32, #tpu.memory_space<vmem>>
            %get3A_1120 = arith.index_cast %get3A_1115 : i32 to index
            %get3A_1121 = arith.index_cast %add3A_1114 : i32 to index
            %get3A_1122 = tpu.vector_load %get3A_1119[%get3A_1120, %get3A_1121] {strides = array<i32>} : memref<2x3200xf32, #tpu.memory_space<vmem>>, vector<16xf32>,
            %mul3A_1123 = arith.mulf %get3A_1122, %gather3A : vector<16xf32>
            %add3A_1124 = arith.addf %mul3A_1123, %gather3A_759 : vector<16xf32>
            %swap3A_1125 = arith.constant 1 : i32
            %swap3A_1126 = arith.constant 0 : i32
            %swap3A_1127 = arith.constant 0 : i32
            %swap3A_1128 = tpu.memref_slice %arg17[%cond3A_764, %swap3A_1126, %swap3A_1127] : memref<4x2x3200xf32, #tpu.memory_space<vmem>> -> memref<1x2x3200xf32, #tpu.memory_space<vmem>>
            %swap3A_1129 = tpu.memref_squeeze %swap3A_1128 : memref<1x2x3200xf32, #tpu.memory_space<vmem>> -> memref<2x3200xf32, #tpu.memory_space<vmem>>
            %swap3A_1130 = arith.index_cast %swap3A_1125 : i32 to index
            %swap3A_1131 = arith.index_cast %add3A_1114 : i32 to index
            %swap3A_1132 = tpu.vector_load %swap3A_1129[%swap3A_1130, %swap3A_1131] {strides = array<i32>} : memref<2x3200xf32, #tpu.memory_space<vmem>>, vector<16xf32>,
            tpu.vector_store %swap3A_1129[%swap3A_1130, %swap3A_1131], %add3A_1124 {strides = array<i32>} : memref<2x3200xf32, #tpu.memory_space<vmem>>, vector<16xf32>,
            %add3A_1133 = arith.constant 96 : i32
            %add3A_1134 = arith.addi %multiple_of3A_852, %add3A_1133 : i32
            %get3A_1135 = arith.constant 1 : i32
            %get3A_1136 = arith.constant 0 : i32
            %get3A_1137 = arith.constant 0 : i32
            %get3A_1138 = tpu.memref_slice %arg16[%cond3A_763, %get3A_1136, %get3A_1137] : memref<4x2x3200xf32, #tpu.memory_space<vmem>> -> memref<1x2x3200xf32, #tpu.memory_space<vmem>>
            %get3A_1139 = tpu.memref_squeeze %get3A_1138 : memref<1x2x3200xf32, #tpu.memory_space<vmem>> -> memref<2x3200xf32, #tpu.memory_space<vmem>>
            %get3A_1140 = arith.index_cast %get3A_1135 : i32 to index
            %get3A_1141 = arith.index_cast %add3A_1134 : i32 to index
            %get3A_1142 = tpu.vector_load %get3A_1139[%get3A_1140, %get3A_1141] {strides = array<i32>} : memref<2x3200xf32, #tpu.memory_space<vmem>>, vector<16xf32>,
            %mul3A_1143 = arith.mulf %get3A_1142, %gather3A : vector<16xf32>
            %add3A_1144 = arith.addf %mul3A_1143, %gather3A_759 : vector<16xf32>
            %swap3A_1145 = arith.constant 1 : i32
            %swap3A_1146 = arith.constant 0 : i32
            %swap3A_1147 = arith.constant 0 : i32
            %swap3A_1148 = tpu.memref_slice %arg17[%cond3A_764, %swap3A_1146, %swap3A_1147] : memref<4x2x3200xf32, #tpu.memory_space<vmem>> -> memref<1x2x3200xf32, #tpu.memory_space<vmem>>
            %swap3A_1149 = tpu.memref_squeeze %swap3A_1148 : memref<1x2x3200xf32, #tpu.memory_space<vmem>> -> memref<2x3200xf32, #tpu.memory_space<vmem>>
            %swap3A_1150 = arith.index_cast %swap3A_1145 : i32 to index
            %swap3A_1151 = arith.index_cast %add3A_1134 : i32 to index
            %swap3A_1152 = tpu.vector_load %swap3A_1149[%swap3A_1150, %swap3A_1151] {strides = array<i32>} : memref<2x3200xf32, #tpu.memory_space<vmem>>, vector<16xf32>,
            tpu.vector_store %swap3A_1149[%swap3A_1150, %swap3A_1151], %add3A_1144 {strides = array<i32>} : memref<2x3200xf32, #tpu.memory_space<vmem>>, vector<16xf32>,
            %add3A_1153 = arith.constant 112 : i32
            %add3A_1154 = arith.addi %multiple_of3A_852, %add3A_1153 : i32
            %get3A_1155 = arith.constant 1 : i32
            %get3A_1156 = arith.constant 0 : i32
            %get3A_1157 = arith.constant 0 : i32
            %get3A_1158 = tpu.memref_slice %arg16[%cond3A_763, %get3A_1156, %get3A_1157] : memref<4x2x3200xf32, #tpu.memory_space<vmem>> -> memref<1x2x3200xf32, #tpu.memory_space<vmem>>
            %get3A_1159 = tpu.memref_squeeze %get3A_1158 : memref<1x2x3200xf32, #tpu.memory_space<vmem>> -> memref<2x3200xf32, #tpu.memory_space<vmem>>
            %get3A_1160 = arith.index_cast %get3A_1155 : i32 to index
            %get3A_1161 = arith.index_cast %add3A_1154 : i32 to index
            %get3A_1162 = tpu.vector_load %get3A_1159[%get3A_1160, %get3A_1161] {strides = array<i32>} : memref<2x3200xf32, #tpu.memory_space<vmem>>, vector<16xf32>,
            %mul3A_1163 = arith.mulf %get3A_1162, %gather3A : vector<16xf32>
            %add3A_1164 = arith.addf %mul3A_1163, %gather3A_759 : vector<16xf32>
            %swap3A_1165 = arith.constant 1 : i32
            %swap3A_1166 = arith.constant 0 : i32
            %swap3A_1167 = arith.constant 0 : i32
            %swap3A_1168 = tpu.memref_slice %arg17[%cond3A_764, %swap3A_1166, %swap3A_1167] : memref<4x2x3200xf32, #tpu.memory_space<vmem>> -> memref<1x2x3200xf32, #tpu.memory_space<vmem>>
            %swap3A_1169 = tpu.memref_squeeze %swap3A_1168 : memref<1x2x3200xf32, #tpu.memory_space<vmem>> -> memref<2x3200xf32, #tpu.memory_space<vmem>>
            %swap3A_1170 = arith.index_cast %swap3A_1165 : i32 to index
            %swap3A_1171 = arith.index_cast %add3A_1154 : i32 to index
            %swap3A_1172 = tpu.vector_load %swap3A_1169[%swap3A_1170, %swap3A_1171] {strides = array<i32>} : memref<2x3200xf32, #tpu.memory_space<vmem>>, vector<16xf32>,
            tpu.vector_store %swap3A_1169[%swap3A_1170, %swap3A_1171], %add3A_1164 {strides = array<i32>} : memref<2x3200xf32, #tpu.memory_space<vmem>>, vector<16xf32>,
          }
          %scan3A_848 = arith.constant 25 : i32
        } else {
        }
        %eq3A_767 = arith.constant 31 : i32
        %eq3A_768 = arith.cmpi eq, %select_n3A_754, %eq3A_767 : i32
        %convert_element_type3A_769 = arith.extui %eq3A_768 : i1 to i32
        %cond3A_770 = arith.constant 1 : i32
        %cond3A_771 = arith.constant 1 : i32
        %cond3A_772 = arith.constant 0 : i32
        %cond3A_773 = arith.cmpi ne, %convert_element_type3A_769, %cond3A_772 : i32
        scf.if %cond3A_773 {
          %scan3A_843 = arith.constant 0 : i32
          %scan3A_844 = arith.constant 0 : i32
          %scan3A_845 = arith.constant 50 : i32
          %scan3A_846 = arith.addi %scan3A_844, %scan3A_845 : i32
          %scan3A_847 = arith.constant 1 : i32
          scf.for %scan3A_849 = %scan3A_844 to %scan3A_846 step %scan3A_847  : i32 {
            %mul3A_850 = arith.constant 16 : i32
            %mul3A_851 = arith.muli %scan3A_849, %mul3A_850 : i32
            %multiple_of3A_852 = tpu.assume_multiple %mul3A_851, 16 : i32
            %get3A_853 = arith.constant 0 : i32
            %get3A_854 = arith.constant 0 : i32
            %get3A_855 = arith.constant 0 : i32
            %get3A_856 = tpu.memref_slice %arg18[%cond3A_770, %get3A_854, %get3A_855] : memref<4x2x800xf32, #tpu.memory_space<vmem>> -> memref<1x2x800xf32, #tpu.memory_space<vmem>>
            %get3A_857 = tpu.memref_squeeze %get3A_856 : memref<1x2x800xf32, #tpu.memory_space<vmem>> -> memref<2x800xf32, #tpu.memory_space<vmem>>
            %get3A_858 = arith.index_cast %get3A_853 : i32 to index
            %get3A_859 = arith.index_cast %multiple_of3A_852 : i32 to index
            %get3A_860 = tpu.vector_load %get3A_857[%get3A_858, %get3A_859] {strides = array<i32>} : memref<2x800xf32, #tpu.memory_space<vmem>>, vector<16xf32>,
            %mul3A_861 = arith.mulf %get3A_860, %gather3A : vector<16xf32>
            %add3A_862 = arith.addf %mul3A_861, %gather3A_759 : vector<16xf32>
            %swap3A_863 = arith.constant 0 : i32
            %swap3A_864 = arith.constant 0 : i32
            %swap3A_865 = arith.constant 0 : i32
            %swap3A_866 = tpu.memref_slice %arg19[%cond3A_771, %swap3A_864, %swap3A_865] : memref<4x2x800xf32, #tpu.memory_space<vmem>> -> memref<1x2x800xf32, #tpu.memory_space<vmem>>
            %swap3A_867 = tpu.memref_squeeze %swap3A_866 : memref<1x2x800xf32, #tpu.memory_space<vmem>> -> memref<2x800xf32, #tpu.memory_space<vmem>>
            %swap3A_868 = arith.index_cast %swap3A_863 : i32 to index
            %swap3A_869 = arith.index_cast %multiple_of3A_852 : i32 to index
            %swap3A_870 = tpu.vector_load %swap3A_867[%swap3A_868, %swap3A_869] {strides = array<i32>} : memref<2x800xf32, #tpu.memory_space<vmem>>, vector<16xf32>,
            tpu.vector_store %swap3A_867[%swap3A_868, %swap3A_869], %add3A_862 {strides = array<i32>} : memref<2x800xf32, #tpu.memory_space<vmem>>, vector<16xf32>,
            %get3A_871 = arith.constant 1 : i32
            %get3A_872 = arith.constant 0 : i32
            %get3A_873 = arith.constant 0 : i32
            %get3A_874 = tpu.memref_slice %arg18[%cond3A_770, %get3A_872, %get3A_873] : memref<4x2x800xf32, #tpu.memory_space<vmem>> -> memref<1x2x800xf32, #tpu.memory_space<vmem>>
            %get3A_875 = tpu.memref_squeeze %get3A_874 : memref<1x2x800xf32, #tpu.memory_space<vmem>> -> memref<2x800xf32, #tpu.memory_space<vmem>>
            %get3A_876 = arith.index_cast %get3A_871 : i32 to index
            %get3A_877 = arith.index_cast %multiple_of3A_852 : i32 to index
            %get3A_878 = tpu.vector_load %get3A_875[%get3A_876, %get3A_877] {strides = array<i32>} : memref<2x800xf32, #tpu.memory_space<vmem>>, vector<16xf32>,
            %mul3A_879 = arith.mulf %get3A_878, %gather3A : vector<16xf32>
            %add3A_880 = arith.addf %mul3A_879, %gather3A_759 : vector<16xf32>
            %swap3A_881 = arith.constant 1 : i32
            %swap3A_882 = arith.constant 0 : i32
            %swap3A_883 = arith.constant 0 : i32
            %swap3A_884 = tpu.memref_slice %arg19[%cond3A_771, %swap3A_882, %swap3A_883] : memref<4x2x800xf32, #tpu.memory_space<vmem>> -> memref<1x2x800xf32, #tpu.memory_space<vmem>>
            %swap3A_885 = tpu.memref_squeeze %swap3A_884 : memref<1x2x800xf32, #tpu.memory_space<vmem>> -> memref<2x800xf32, #tpu.memory_space<vmem>>
            %swap3A_886 = arith.index_cast %swap3A_881 : i32 to index
            %swap3A_887 = arith.index_cast %multiple_of3A_852 : i32 to index
            %swap3A_888 = tpu.vector_load %swap3A_885[%swap3A_886, %swap3A_887] {strides = array<i32>} : memref<2x800xf32, #tpu.memory_space<vmem>>, vector<16xf32>,
            tpu.vector_store %swap3A_885[%swap3A_886, %swap3A_887], %add3A_880 {strides = array<i32>} : memref<2x800xf32, #tpu.memory_space<vmem>>, vector<16xf32>,
          }
          %scan3A_848 = arith.constant 50 : i32
        } else {
        }
        %mul3A_774 = arith.constant 32 : i32
        %mul3A_775 = arith.muli %add3A_622, %mul3A_774 : i32
        %add3A_776 = arith.addi %mul3A_775, %add3A : i32
        %jit3A_777 = arith.constant 32 : i32
        %div3A_778 = arith.divsi %add3A_776, %jit3A_777 : i32
        %sign3A_779 = arith.constant 0 : i32
        %sign3A_780 = arith.cmpi sgt, %add3A_776, %sign3A_779 : i32
        %sign3A_781 = arith.extui %sign3A_780 : i1 to i32
        %sign3A_782 = arith.constant 0 : i32
        %sign3A_783 = arith.cmpi slt, %add3A_776, %sign3A_782 : i32
        %sign3A_784 = arith.extui %sign3A_783 : i1 to i32
        %sign3A_785 = arith.subi %sign3A_781, %sign3A_784 : i32
        %sign3A_786 = arith.constant 0 : i32
        %sign3A_787 = arith.cmpi sgt, %jit3A_777, %sign3A_786 : i32
        %sign3A_788 = arith.extui %sign3A_787 : i1 to i32
        %sign3A_789 = arith.constant 0 : i32
        %sign3A_790 = arith.cmpi slt, %jit3A_777, %sign3A_789 : i32
        %sign3A_791 = arith.extui %sign3A_790 : i1 to i32
        %sign3A_792 = arith.subi %sign3A_788, %sign3A_791 : i32
        %ne3A_793 = arith.cmpi ne, %sign3A_785, %sign3A_792 : i32
        %rem3A_794 = arith.remsi %add3A_776, %jit3A_777 : i32
        %ne3A_795 = arith.constant 0 : i32
        %ne3A_796 = arith.cmpi ne, %rem3A_794, %ne3A_795 : i32
        %and3A_797 = arith.andi %ne3A_793, %ne3A_796 : i1
        %sub3A_798 = arith.constant 1 : i32
        %sub3A_799 = arith.subi %div3A_778, %sub3A_798 : i32
        %select_n3A_800 = arith.select %and3A_797, %sub3A_799, %div3A_778 : i32
        %jit3A_801 = arith.constant 32 : i32
        %eq3A_802 = arith.constant 0 : i32
        %eq3A_803 = arith.cmpi eq, %jit3A_801, %eq3A_802 : i32
        %jit3A_804 = arith.constant 1 : i32
        %select_n3A_805 = arith.select %eq3A_803, %jit3A_804, %jit3A_801 : i32
        %rem3A_806 = arith.remsi %add3A_776, %select_n3A_805 : i32
        %ne3A_807 = arith.constant 0 : i32
        %ne3A_808 = arith.cmpi ne, %rem3A_806, %ne3A_807 : i32
        %lt3A_809 = arith.constant 0 : i32
        %lt3A_810 = arith.cmpi slt, %rem3A_806, %lt3A_809 : i32
        %lt3A_811 = arith.constant 0 : i32
        %lt3A_812 = arith.cmpi slt, %select_n3A_805, %lt3A_811 : i32
        %ne3A_813 = arith.xori %lt3A_810, %lt3A_812 : i1
        %and3A_814 = arith.andi %ne3A_813, %ne3A_808 : i1
        %add3A_815 = arith.addi %rem3A_806, %select_n3A_805 : i32
        %select_n3A_816 = arith.select %and3A_814, %add3A_815, %rem3A_806 : i32
        %jit3A_817 = arith.constant 0 : i32
        %jit3A_818 = arith.constant 30 : i32
        %max3A_819 = arith.maxsi %jit3A_817, %select_n3A_816 : i32
        %min3A_820 = arith.minsi %jit3A_818, %max3A_819 : i32
        %mul3A_821 = arith.constant 3200 : i32
        %mul3A_822 = arith.muli %min3A_820, %mul3A_821 : i32
        %multiple_of3A_823 = tpu.assume_multiple %mul3A_822, 128 : i32
        %lt3A_824 = arith.constant 31 : i32
        %lt3A_825 = arith.cmpi slt, %select_n3A_816, %lt3A_824 : i32
        %convert_element_type3A_826 = arith.extui %lt3A_825 : i1 to i32
        %cond3A_827 = arith.constant 1 : i32
        %cond3A_828 = arith.constant 0 : i32
        %cond3A_829 = arith.cmpi ne, %convert_element_type3A_826, %cond3A_828 : i32
        scf.if %cond3A_829 {
          %dma_start3A = arith.constant 0 : i32
          %dma_start3A_843 = arith.constant 0 : i32
          %dma_start3A_844 = tpu.memref_slice %arg17[%cond3A_827, %dma_start3A, %dma_start3A_843] : memref<4x2x3200xf32, #tpu.memory_space<vmem>> -> memref<1x2x3200xf32, #tpu.memory_space<vmem>>
          %dma_start3A_845 = tpu.memref_squeeze %dma_start3A_844 : memref<1x2x3200xf32, #tpu.memory_space<vmem>> -> memref<2x3200xf32, #tpu.memory_space<vmem>>
          %dma_start3A_846 = arith.constant 0 : i32
          %dma_start3A_847 = tpu.memref_slice %arg8[%select_n3A_800, %dma_start3A_846, %multiple_of3A_823] : memref<98x2x100000xf32, #tpu.memory_space<hbm>> -> memref<1x2x3200xf32, #tpu.memory_space<hbm>>
          %dma_start3A_848 = tpu.memref_squeeze %dma_start3A_847 : memref<1x2x3200xf32, #tpu.memory_space<hbm>> -> memref<2x3200xf32, #tpu.memory_space<hbm>>
          %dma_start3A_849 = arith.constant 0 : i32
          %dma_start3A_850 = tpu.memref_slice %arg8[%select_n3A_800, %dma_start3A_849, %multiple_of3A_823] : memref<98x2x100000xf32, #tpu.memory_space<hbm>> -> memref<1x2x3200xf32, #tpu.memory_space<hbm>>
          %dma_start3A_851 = tpu.memref_squeeze %dma_start3A_850 : memref<1x2x3200xf32, #tpu.memory_space<hbm>> -> memref<2x3200xf32, #tpu.memory_space<hbm>>
          %dma_start3A_852 = arith.constant 0 : i32
          %dma_start3A_853 = arith.constant 0 : i32
          %dma_start3A_854 = tpu.memref_slice %arg17[%cond3A_827, %dma_start3A_852, %dma_start3A_853] : memref<4x2x3200xf32, #tpu.memory_space<vmem>> -> memref<1x2x3200xf32, #tpu.memory_space<vmem>>
          %dma_start3A_855 = tpu.memref_squeeze %dma_start3A_854 : memref<1x2x3200xf32, #tpu.memory_space<vmem>> -> memref<2x3200xf32, #tpu.memory_space<vmem>>
          tpu.enqueue_dma source(%dma_start3A_855 : memref<2x3200xf32, #tpu.memory_space<vmem>>) target(%dma_start3A_851 : memref<2x3200xf32, #tpu.memory_space<hbm>>) target_semaphore(%arg25 : memref<!tpu.dma_semaphore, #tpu.memory_space<semaphore_mem>>)
        } else {
        }
        %eq3A_830 = arith.constant 31 : i32
        %eq3A_831 = arith.cmpi eq, %select_n3A_816, %eq3A_830 : i32
        %convert_element_type3A_832 = arith.extui %eq3A_831 : i1 to i32
        %cond3A_833 = arith.constant 1 : i32
        %cond3A_834 = arith.constant 0 : i32
        %cond3A_835 = arith.cmpi ne, %convert_element_type3A_832, %cond3A_834 : i32
        scf.if %cond3A_835 {
          %dma_start3A = arith.constant 0 : i32
          %dma_start3A_843 = arith.constant 0 : i32
          %dma_start3A_844 = tpu.memref_slice %arg19[%cond3A_833, %dma_start3A, %dma_start3A_843] : memref<4x2x800xf32, #tpu.memory_space<vmem>> -> memref<1x2x800xf32, #tpu.memory_space<vmem>>
          %dma_start3A_845 = tpu.memref_squeeze %dma_start3A_844 : memref<1x2x800xf32, #tpu.memory_space<vmem>> -> memref<2x800xf32, #tpu.memory_space<vmem>>
          %dma_start3A_846 = arith.constant 0 : i32
          %dma_start3A_847 = arith.constant 99200 : i32
          %dma_start3A_848 = tpu.memref_slice %arg8[%select_n3A_800, %dma_start3A_846, %dma_start3A_847] : memref<98x2x100000xf32, #tpu.memory_space<hbm>> -> memref<1x2x800xf32, #tpu.memory_space<hbm>>
          %dma_start3A_849 = tpu.memref_squeeze %dma_start3A_848 : memref<1x2x800xf32, #tpu.memory_space<hbm>> -> memref<2x800xf32, #tpu.memory_space<hbm>>
          %dma_start3A_850 = arith.constant 0 : i32
          %dma_start3A_851 = arith.constant 99200 : i32
          %dma_start3A_852 = tpu.memref_slice %arg8[%select_n3A_800, %dma_start3A_850, %dma_start3A_851] : memref<98x2x100000xf32, #tpu.memory_space<hbm>> -> memref<1x2x800xf32, #tpu.memory_space<hbm>>
          %dma_start3A_853 = tpu.memref_squeeze %dma_start3A_852 : memref<1x2x800xf32, #tpu.memory_space<hbm>> -> memref<2x800xf32, #tpu.memory_space<hbm>>
          %dma_start3A_854 = arith.constant 0 : i32
          %dma_start3A_855 = arith.constant 0 : i32
          %dma_start3A_856 = tpu.memref_slice %arg19[%cond3A_833, %dma_start3A_854, %dma_start3A_855] : memref<4x2x800xf32, #tpu.memory_space<vmem>> -> memref<1x2x800xf32, #tpu.memory_space<vmem>>
          %dma_start3A_857 = tpu.memref_squeeze %dma_start3A_856 : memref<1x2x800xf32, #tpu.memory_space<vmem>> -> memref<2x800xf32, #tpu.memory_space<vmem>>
          tpu.enqueue_dma source(%dma_start3A_857 : memref<2x800xf32, #tpu.memory_space<vmem>>) target(%dma_start3A_853 : memref<2x800xf32, #tpu.memory_space<hbm>>) target_semaphore(%arg25 : memref<!tpu.dma_semaphore, #tpu.memory_space<semaphore_mem>>)
        } else {
        }
        %add3A_836 = arith.constant 4 : i32
        %add3A_837 = arith.addi %add3A_622, %add3A_836 : i32
        %lt3A_838 = arith.constant 98 : i32
        %lt3A_839 = arith.cmpi slt, %add3A_837, %lt3A_838 : i32
        %convert_element_type3A_840 = arith.extui %lt3A_839 : i1 to i32
        %cond3A_841 = arith.constant 0 : i32
        %cond3A_842 = arith.cmpi ne, %convert_element_type3A_840, %cond3A_841 : i32
        scf.if %cond3A_842 {
          %add3A_843 = arith.constant 4 : i32
          %add3A_844 = arith.addi %add3A_622, %add3A_843 : i32
          %mul3A_845 = arith.constant 32 : i32
          %mul3A_846 = arith.muli %add3A_844, %mul3A_845 : i32
          %add3A_847 = arith.addi %mul3A_846, %add3A : i32
          %jit3A_848 = arith.constant 32 : i32
          %div3A_849 = arith.divsi %add3A_847, %jit3A_848 : i32
          %sign3A_850 = arith.constant 0 : i32
          %sign3A_851 = arith.cmpi sgt, %add3A_847, %sign3A_850 : i32
          %sign3A_852 = arith.extui %sign3A_851 : i1 to i32
          %sign3A_853 = arith.constant 0 : i32
          %sign3A_854 = arith.cmpi slt, %add3A_847, %sign3A_853 : i32
          %sign3A_855 = arith.extui %sign3A_854 : i1 to i32
          %sign3A_856 = arith.subi %sign3A_852, %sign3A_855 : i32
          %sign3A_857 = arith.constant 0 : i32
          %sign3A_858 = arith.cmpi sgt, %jit3A_848, %sign3A_857 : i32
          %sign3A_859 = arith.extui %sign3A_858 : i1 to i32
          %sign3A_860 = arith.constant 0 : i32
          %sign3A_861 = arith.cmpi slt, %jit3A_848, %sign3A_860 : i32
          %sign3A_862 = arith.extui %sign3A_861 : i1 to i32
          %sign3A_863 = arith.subi %sign3A_859, %sign3A_862 : i32
          %ne3A_864 = arith.cmpi ne, %sign3A_856, %sign3A_863 : i32
          %rem3A_865 = arith.remsi %add3A_847, %jit3A_848 : i32
          %ne3A_866 = arith.constant 0 : i32
          %ne3A_867 = arith.cmpi ne, %rem3A_865, %ne3A_866 : i32
          %and3A_868 = arith.andi %ne3A_864, %ne3A_867 : i1
          %sub3A_869 = arith.constant 1 : i32
          %sub3A_870 = arith.subi %div3A_849, %sub3A_869 : i32
          %select_n3A_871 = arith.select %and3A_868, %sub3A_870, %div3A_849 : i32
          %jit3A_872 = arith.constant 32 : i32
          %eq3A_873 = arith.constant 0 : i32
          %eq3A_874 = arith.cmpi eq, %jit3A_872, %eq3A_873 : i32
          %jit3A_875 = arith.constant 1 : i32
          %select_n3A_876 = arith.select %eq3A_874, %jit3A_875, %jit3A_872 : i32
          %rem3A_877 = arith.remsi %add3A_847, %select_n3A_876 : i32
          %ne3A_878 = arith.constant 0 : i32
          %ne3A_879 = arith.cmpi ne, %rem3A_877, %ne3A_878 : i32
          %lt3A_880 = arith.constant 0 : i32
          %lt3A_881 = arith.cmpi slt, %rem3A_877, %lt3A_880 : i32
          %lt3A_882 = arith.constant 0 : i32
          %lt3A_883 = arith.cmpi slt, %select_n3A_876, %lt3A_882 : i32
          %ne3A_884 = arith.xori %lt3A_881, %lt3A_883 : i1
          %and3A_885 = arith.andi %ne3A_884, %ne3A_879 : i1
          %add3A_886 = arith.addi %rem3A_877, %select_n3A_876 : i32
          %select_n3A_887 = arith.select %and3A_885, %add3A_886, %rem3A_877 : i32
          %jit3A_888 = arith.constant 0 : i32
          %jit3A_889 = arith.constant 30 : i32
          %max3A_890 = arith.maxsi %jit3A_888, %select_n3A_887 : i32
          %min3A_891 = arith.minsi %jit3A_889, %max3A_890 : i32
          %mul3A_892 = arith.constant 3200 : i32
          %mul3A_893 = arith.muli %min3A_891, %mul3A_892 : i32
          %multiple_of3A_894 = tpu.assume_multiple %mul3A_893, 128 : i32
          %lt3A_895 = arith.constant 31 : i32
          %lt3A_896 = arith.cmpi slt, %select_n3A_887, %lt3A_895 : i32
          %convert_element_type3A_897 = arith.extui %lt3A_896 : i1 to i32
          %cond3A_898 = arith.constant 1 : i32
          %cond3A_899 = arith.constant 0 : i32
          %cond3A_900 = arith.cmpi ne, %convert_element_type3A_897, %cond3A_899 : i32
          scf.if %cond3A_900 {
            %dma_start3A = arith.constant 0 : i32
            %dma_start3A_907 = arith.constant 0 : i32
            %dma_start3A_908 = tpu.memref_slice %arg16[%cond3A_898, %dma_start3A, %dma_start3A_907] : memref<4x2x3200xf32, #tpu.memory_space<vmem>> -> memref<1x2x3200xf32, #tpu.memory_space<vmem>>
            %dma_start3A_909 = tpu.memref_squeeze %dma_start3A_908 : memref<1x2x3200xf32, #tpu.memory_space<vmem>> -> memref<2x3200xf32, #tpu.memory_space<vmem>>
            %dma_start3A_910 = arith.constant 0 : i32
            %dma_start3A_911 = tpu.memref_slice %arg2[%select_n3A_871, %dma_start3A_910, %multiple_of3A_894] : memref<98x2x100000xf32, #tpu.memory_space<hbm>> -> memref<1x2x3200xf32, #tpu.memory_space<hbm>>
            %dma_start3A_912 = tpu.memref_squeeze %dma_start3A_911 : memref<1x2x3200xf32, #tpu.memory_space<hbm>> -> memref<2x3200xf32, #tpu.memory_space<hbm>>
            %dma_start3A_913 = arith.constant 0 : i32
            %dma_start3A_914 = arith.constant 0 : i32
            %dma_start3A_915 = tpu.memref_slice %arg16[%cond3A_898, %dma_start3A_913, %dma_start3A_914] : memref<4x2x3200xf32, #tpu.memory_space<vmem>> -> memref<1x2x3200xf32, #tpu.memory_space<vmem>>
            %dma_start3A_916 = tpu.memref_squeeze %dma_start3A_915 : memref<1x2x3200xf32, #tpu.memory_space<vmem>> -> memref<2x3200xf32, #tpu.memory_space<vmem>>
            %dma_start3A_917 = arith.constant 0 : i32
            %dma_start3A_918 = tpu.memref_slice %arg2[%select_n3A_871, %dma_start3A_917, %multiple_of3A_894] : memref<98x2x100000xf32, #tpu.memory_space<hbm>> -> memref<1x2x3200xf32, #tpu.memory_space<hbm>>
            %dma_start3A_919 = tpu.memref_squeeze %dma_start3A_918 : memref<1x2x3200xf32, #tpu.memory_space<hbm>> -> memref<2x3200xf32, #tpu.memory_space<hbm>>
            tpu.enqueue_dma source(%dma_start3A_919 : memref<2x3200xf32, #tpu.memory_space<hbm>>) target(%dma_start3A_916 : memref<2x3200xf32, #tpu.memory_space<vmem>>) target_semaphore(%arg21 : memref<!tpu.dma_semaphore, #tpu.memory_space<semaphore_mem>>)
          } else {
          }
          %eq3A_901 = arith.constant 31 : i32
          %eq3A_902 = arith.cmpi eq, %select_n3A_887, %eq3A_901 : i32
          %convert_element_type3A_903 = arith.extui %eq3A_902 : i1 to i32
          %cond3A_904 = arith.constant 1 : i32
          %cond3A_905 = arith.constant 0 : i32
          %cond3A_906 = arith.cmpi ne, %convert_element_type3A_903, %cond3A_905 : i32
          scf.if %cond3A_906 {
            %dma_start3A = arith.constant 0 : i32
            %dma_start3A_907 = arith.constant 0 : i32
            %dma_start3A_908 = tpu.memref_slice %arg18[%cond3A_904, %dma_start3A, %dma_start3A_907] : memref<4x2x800xf32, #tpu.memory_space<vmem>> -> memref<1x2x800xf32, #tpu.memory_space<vmem>>
            %dma_start3A_909 = tpu.memref_squeeze %dma_start3A_908 : memref<1x2x800xf32, #tpu.memory_space<vmem>> -> memref<2x800xf32, #tpu.memory_space<vmem>>
            %dma_start3A_910 = arith.constant 0 : i32
            %dma_start3A_911 = arith.constant 99200 : i32
            %dma_start3A_912 = tpu.memref_slice %arg2[%select_n3A_871, %dma_start3A_910, %dma_start3A_911] : memref<98x2x100000xf32, #tpu.memory_space<hbm>> -> memref<1x2x800xf32, #tpu.memory_space<hbm>>
            %dma_start3A_913 = tpu.memref_squeeze %dma_start3A_912 : memref<1x2x800xf32, #tpu.memory_space<hbm>> -> memref<2x800xf32, #tpu.memory_space<hbm>>
            %dma_start3A_914 = arith.constant 0 : i32
            %dma_start3A_915 = arith.constant 0 : i32
            %dma_start3A_916 = tpu.memref_slice %arg18[%cond3A_904, %dma_start3A_914, %dma_start3A_915] : memref<4x2x800xf32, #tpu.memory_space<vmem>> -> memref<1x2x800xf32, #tpu.memory_space<vmem>>
            %dma_start3A_917 = tpu.memref_squeeze %dma_start3A_916 : memref<1x2x800xf32, #tpu.memory_space<vmem>> -> memref<2x800xf32, #tpu.memory_space<vmem>>
            %dma_start3A_918 = arith.constant 0 : i32
            %dma_start3A_919 = arith.constant 99200 : i32
            %dma_start3A_920 = tpu.memref_slice %arg2[%select_n3A_871, %dma_start3A_918, %dma_start3A_919] : memref<98x2x100000xf32, #tpu.memory_space<hbm>> -> memref<1x2x800xf32, #tpu.memory_space<hbm>>
            %dma_start3A_921 = tpu.memref_squeeze %dma_start3A_920 : memref<1x2x800xf32, #tpu.memory_space<hbm>> -> memref<2x800xf32, #tpu.memory_space<hbm>>
            tpu.enqueue_dma source(%dma_start3A_921 : memref<2x800xf32, #tpu.memory_space<hbm>>) target(%dma_start3A_917 : memref<2x800xf32, #tpu.memory_space<vmem>>) target_semaphore(%arg21 : memref<!tpu.dma_semaphore, #tpu.memory_space<semaphore_mem>>)
          } else {
          }
        } else {
        }
      } else {
      }
      %mul3A_628 = arith.constant 4 : i32
      %mul3A_629 = arith.muli %scan3A_609, %mul3A_628 : i32
      %add3A_630 = arith.constant 2 : i32
      %add3A_631 = arith.addi %mul3A_629, %add3A_630 : i32
      %lt3A_632 = arith.constant 98 : i32
      %lt3A_633 = arith.cmpi slt, %add3A_631, %lt3A_632 : i32
      %convert_element_type3A_634 = arith.extui %lt3A_633 : i1 to i32
      %cond3A_635 = arith.constant 0 : i32
      %cond3A_636 = arith.cmpi ne, %convert_element_type3A_634, %cond3A_635 : i32
      scf.if %cond3A_636 {
        %mul3A_646 = arith.constant 32 : i32
        %mul3A_647 = arith.muli %add3A_631, %mul3A_646 : i32
        %add3A_648 = arith.addi %mul3A_647, %add3A : i32
        %jit3A_649 = arith.constant 32 : i32
        %div3A_650 = arith.divsi %add3A_648, %jit3A_649 : i32
        %sign3A_651 = arith.constant 0 : i32
        %sign3A_652 = arith.cmpi sgt, %add3A_648, %sign3A_651 : i32
        %sign3A_653 = arith.extui %sign3A_652 : i1 to i32
        %sign3A_654 = arith.constant 0 : i32
        %sign3A_655 = arith.cmpi slt, %add3A_648, %sign3A_654 : i32
        %sign3A_656 = arith.extui %sign3A_655 : i1 to i32
        %sign3A_657 = arith.subi %sign3A_653, %sign3A_656 : i32
        %sign3A_658 = arith.constant 0 : i32
        %sign3A_659 = arith.cmpi sgt, %jit3A_649, %sign3A_658 : i32
        %sign3A_660 = arith.extui %sign3A_659 : i1 to i32
        %sign3A_661 = arith.constant 0 : i32
        %sign3A_662 = arith.cmpi slt, %jit3A_649, %sign3A_661 : i32
        %sign3A_663 = arith.extui %sign3A_662 : i1 to i32
        %sign3A_664 = arith.subi %sign3A_660, %sign3A_663 : i32
        %ne3A_665 = arith.cmpi ne, %sign3A_657, %sign3A_664 : i32
        %rem3A_666 = arith.remsi %add3A_648, %jit3A_649 : i32
        %ne3A_667 = arith.constant 0 : i32
        %ne3A_668 = arith.cmpi ne, %rem3A_666, %ne3A_667 : i32
        %and3A_669 = arith.andi %ne3A_665, %ne3A_668 : i1
        %sub3A_670 = arith.constant 1 : i32
        %sub3A_671 = arith.subi %div3A_650, %sub3A_670 : i32
        %select_n3A_672 = arith.select %and3A_669, %sub3A_671, %div3A_650 : i32
        %jit3A_673 = arith.constant 32 : i32
        %eq3A_674 = arith.constant 0 : i32
        %eq3A_675 = arith.cmpi eq, %jit3A_673, %eq3A_674 : i32
        %jit3A_676 = arith.constant 1 : i32
        %select_n3A_677 = arith.select %eq3A_675, %jit3A_676, %jit3A_673 : i32
        %rem3A_678 = arith.remsi %add3A_648, %select_n3A_677 : i32
        %ne3A_679 = arith.constant 0 : i32
        %ne3A_680 = arith.cmpi ne, %rem3A_678, %ne3A_679 : i32
        %lt3A_681 = arith.constant 0 : i32
        %lt3A_682 = arith.cmpi slt, %rem3A_678, %lt3A_681 : i32
        %lt3A_683 = arith.constant 0 : i32
        %lt3A_684 = arith.cmpi slt, %select_n3A_677, %lt3A_683 : i32
        %ne3A_685 = arith.xori %lt3A_682, %lt3A_684 : i1
        %and3A_686 = arith.andi %ne3A_685, %ne3A_680 : i1
        %add3A_687 = arith.addi %rem3A_678, %select_n3A_677 : i32
        %select_n3A_688 = arith.select %and3A_686, %add3A_687, %rem3A_678 : i32
        %jit3A_689 = arith.constant 0 : i32
        %jit3A_690 = arith.constant 30 : i32
        %max3A_691 = arith.maxsi %jit3A_689, %select_n3A_688 : i32
        %min3A_692 = arith.minsi %jit3A_690, %max3A_691 : i32
        %mul3A_693 = arith.constant 3200 : i32
        %mul3A_694 = arith.muli %min3A_692, %mul3A_693 : i32
        %multiple_of3A_695 = tpu.assume_multiple %mul3A_694, 128 : i32
        %lt3A_696 = arith.constant 31 : i32
        %lt3A_697 = arith.cmpi slt, %select_n3A_688, %lt3A_696 : i32
        %convert_element_type3A_698 = arith.extui %lt3A_697 : i1 to i32
        %cond3A_699 = arith.constant 2 : i32
        %cond3A_700 = arith.constant 0 : i32
        %cond3A_701 = arith.cmpi ne, %convert_element_type3A_698, %cond3A_700 : i32
        scf.if %cond3A_701 {
          %dma_wait3A = arith.constant 0 : i32
          %dma_wait3A_843 = arith.constant 0 : i32
          %dma_wait3A_844 = tpu.memref_slice %arg16[%cond3A_699, %dma_wait3A, %dma_wait3A_843] : memref<4x2x3200xf32, #tpu.memory_space<vmem>> -> memref<1x2x3200xf32, #tpu.memory_space<vmem>>
          %dma_wait3A_845 = tpu.memref_squeeze %dma_wait3A_844 : memref<1x2x3200xf32, #tpu.memory_space<vmem>> -> memref<2x3200xf32, #tpu.memory_space<vmem>>
          %dma_wait3A_846 = arith.constant 0 : i32
          %dma_wait3A_847 = tpu.memref_slice %arg2[%select_n3A_672, %dma_wait3A_846, %multiple_of3A_695] : memref<98x2x100000xf32, #tpu.memory_space<hbm>> -> memref<1x2x3200xf32, #tpu.memory_space<hbm>>
          %dma_wait3A_848 = tpu.memref_squeeze %dma_wait3A_847 : memref<1x2x3200xf32, #tpu.memory_space<hbm>> -> memref<2x3200xf32, #tpu.memory_space<hbm>>
          %dma_wait3A_849 = arith.constant 0 : i32
          %dma_wait3A_850 = arith.constant 0 : i32
          %dma_wait3A_851 = tpu.memref_slice %arg16[%cond3A_699, %dma_wait3A_849, %dma_wait3A_850] : memref<4x2x3200xf32, #tpu.memory_space<vmem>> -> memref<1x2x3200xf32, #tpu.memory_space<vmem>>
          %dma_wait3A_852 = tpu.memref_squeeze %dma_wait3A_851 : memref<1x2x3200xf32, #tpu.memory_space<vmem>> -> memref<2x3200xf32, #tpu.memory_space<vmem>>
          %dma_wait3A_853 = arith.constant 0 : i32
          %dma_wait3A_854 = tpu.memref_slice %arg2[%select_n3A_672, %dma_wait3A_853, %multiple_of3A_695] : memref<98x2x100000xf32, #tpu.memory_space<hbm>> -> memref<1x2x3200xf32, #tpu.memory_space<hbm>>
          %dma_wait3A_855 = tpu.memref_squeeze %dma_wait3A_854 : memref<1x2x3200xf32, #tpu.memory_space<hbm>> -> memref<2x3200xf32, #tpu.memory_space<hbm>>
          tpu.wait_dma2 semaphore(%arg22 : memref<!tpu.dma_semaphore, #tpu.memory_space<semaphore_mem>>) src(%dma_wait3A_855 : memref<2x3200xf32, #tpu.memory_space<hbm>>) dst(%dma_wait3A_852 : memref<2x3200xf32, #tpu.memory_space<vmem>>)
        } else {
        }
        %eq3A_702 = arith.constant 31 : i32
        %eq3A_703 = arith.cmpi eq, %select_n3A_688, %eq3A_702 : i32
        %convert_element_type3A_704 = arith.extui %eq3A_703 : i1 to i32
        %cond3A_705 = arith.constant 2 : i32
        %cond3A_706 = arith.constant 0 : i32
        %cond3A_707 = arith.cmpi ne, %convert_element_type3A_704, %cond3A_706 : i32
        scf.if %cond3A_707 {
          %dma_wait3A = arith.constant 0 : i32
          %dma_wait3A_843 = arith.constant 0 : i32
          %dma_wait3A_844 = tpu.memref_slice %arg18[%cond3A_705, %dma_wait3A, %dma_wait3A_843] : memref<4x2x800xf32, #tpu.memory_space<vmem>> -> memref<1x2x800xf32, #tpu.memory_space<vmem>>
          %dma_wait3A_845 = tpu.memref_squeeze %dma_wait3A_844 : memref<1x2x800xf32, #tpu.memory_space<vmem>> -> memref<2x800xf32, #tpu.memory_space<vmem>>
          %dma_wait3A_846 = arith.constant 0 : i32
          %dma_wait3A_847 = arith.constant 99200 : i32
          %dma_wait3A_848 = tpu.memref_slice %arg2[%select_n3A_672, %dma_wait3A_846, %dma_wait3A_847] : memref<98x2x100000xf32, #tpu.memory_space<hbm>> -> memref<1x2x800xf32, #tpu.memory_space<hbm>>
          %dma_wait3A_849 = tpu.memref_squeeze %dma_wait3A_848 : memref<1x2x800xf32, #tpu.memory_space<hbm>> -> memref<2x800xf32, #tpu.memory_space<hbm>>
          %dma_wait3A_850 = arith.constant 0 : i32
          %dma_wait3A_851 = arith.constant 0 : i32
          %dma_wait3A_852 = tpu.memref_slice %arg18[%cond3A_705, %dma_wait3A_850, %dma_wait3A_851] : memref<4x2x800xf32, #tpu.memory_space<vmem>> -> memref<1x2x800xf32, #tpu.memory_space<vmem>>
          %dma_wait3A_853 = tpu.memref_squeeze %dma_wait3A_852 : memref<1x2x800xf32, #tpu.memory_space<vmem>> -> memref<2x800xf32, #tpu.memory_space<vmem>>
          %dma_wait3A_854 = arith.constant 0 : i32
          %dma_wait3A_855 = arith.constant 99200 : i32
          %dma_wait3A_856 = tpu.memref_slice %arg2[%select_n3A_672, %dma_wait3A_854, %dma_wait3A_855] : memref<98x2x100000xf32, #tpu.memory_space<hbm>> -> memref<1x2x800xf32, #tpu.memory_space<hbm>>
          %dma_wait3A_857 = tpu.memref_squeeze %dma_wait3A_856 : memref<1x2x800xf32, #tpu.memory_space<hbm>> -> memref<2x800xf32, #tpu.memory_space<hbm>>
          tpu.wait_dma2 semaphore(%arg22 : memref<!tpu.dma_semaphore, #tpu.memory_space<semaphore_mem>>) src(%dma_wait3A_857 : memref<2x800xf32, #tpu.memory_space<hbm>>) dst(%dma_wait3A_853 : memref<2x800xf32, #tpu.memory_space<vmem>>)
        } else {
        }
        %gt3A = arith.constant 0 : i32
        %gt3A_708 = arith.cmpi sgt, %scan3A_609, %gt3A : i32
        %convert_element_type3A_709 = arith.extui %gt3A_708 : i1 to i32
        %cond3A_710 = arith.constant 0 : i32
        %cond3A_711 = arith.cmpi ne, %convert_element_type3A_709, %cond3A_710 : i32
        scf.if %cond3A_711 {
          %sub3A_843 = arith.constant 4 : i32
          %sub3A_844 = arith.subi %add3A_631, %sub3A_843 : i32
          %mul3A_845 = arith.constant 32 : i32
          %mul3A_846 = arith.muli %sub3A_844, %mul3A_845 : i32
          %add3A_847 = arith.addi %mul3A_846, %add3A : i32
          %jit3A_848 = arith.constant 32 : i32
          %div3A_849 = arith.divsi %add3A_847, %jit3A_848 : i32
          %sign3A_850 = arith.constant 0 : i32
          %sign3A_851 = arith.cmpi sgt, %add3A_847, %sign3A_850 : i32
          %sign3A_852 = arith.extui %sign3A_851 : i1 to i32
          %sign3A_853 = arith.constant 0 : i32
          %sign3A_854 = arith.cmpi slt, %add3A_847, %sign3A_853 : i32
          %sign3A_855 = arith.extui %sign3A_854 : i1 to i32
          %sign3A_856 = arith.subi %sign3A_852, %sign3A_855 : i32
          %sign3A_857 = arith.constant 0 : i32
          %sign3A_858 = arith.cmpi sgt, %jit3A_848, %sign3A_857 : i32
          %sign3A_859 = arith.extui %sign3A_858 : i1 to i32
          %sign3A_860 = arith.constant 0 : i32
          %sign3A_861 = arith.cmpi slt, %jit3A_848, %sign3A_860 : i32
          %sign3A_862 = arith.extui %sign3A_861 : i1 to i32
          %sign3A_863 = arith.subi %sign3A_859, %sign3A_862 : i32
          %ne3A_864 = arith.cmpi ne, %sign3A_856, %sign3A_863 : i32
          %rem3A_865 = arith.remsi %add3A_847, %jit3A_848 : i32
          %ne3A_866 = arith.constant 0 : i32
          %ne3A_867 = arith.cmpi ne, %rem3A_865, %ne3A_866 : i32
          %and3A_868 = arith.andi %ne3A_864, %ne3A_867 : i1
          %sub3A_869 = arith.constant 1 : i32
          %sub3A_870 = arith.subi %div3A_849, %sub3A_869 : i32
          %select_n3A_871 = arith.select %and3A_868, %sub3A_870, %div3A_849 : i32
          %jit3A_872 = arith.constant 32 : i32
          %eq3A_873 = arith.constant 0 : i32
          %eq3A_874 = arith.cmpi eq, %jit3A_872, %eq3A_873 : i32
          %jit3A_875 = arith.constant 1 : i32
          %select_n3A_876 = arith.select %eq3A_874, %jit3A_875, %jit3A_872 : i32
          %rem3A_877 = arith.remsi %add3A_847, %select_n3A_876 : i32
          %ne3A_878 = arith.constant 0 : i32
          %ne3A_879 = arith.cmpi ne, %rem3A_877, %ne3A_878 : i32
          %lt3A_880 = arith.constant 0 : i32
          %lt3A_881 = arith.cmpi slt, %rem3A_877, %lt3A_880 : i32
          %lt3A_882 = arith.constant 0 : i32
          %lt3A_883 = arith.cmpi slt, %select_n3A_876, %lt3A_882 : i32
          %ne3A_884 = arith.xori %lt3A_881, %lt3A_883 : i1
          %and3A_885 = arith.andi %ne3A_884, %ne3A_879 : i1
          %add3A_886 = arith.addi %rem3A_877, %select_n3A_876 : i32
          %select_n3A_887 = arith.select %and3A_885, %add3A_886, %rem3A_877 : i32
          %jit3A_888 = arith.constant 0 : i32
          %jit3A_889 = arith.constant 30 : i32
          %max3A_890 = arith.maxsi %jit3A_888, %select_n3A_887 : i32
          %min3A_891 = arith.minsi %jit3A_889, %max3A_890 : i32
          %mul3A_892 = arith.constant 3200 : i32
          %mul3A_893 = arith.muli %min3A_891, %mul3A_892 : i32
          %multiple_of3A_894 = tpu.assume_multiple %mul3A_893, 128 : i32
          %lt3A_895 = arith.constant 31 : i32
          %lt3A_896 = arith.cmpi slt, %select_n3A_887, %lt3A_895 : i32
          %convert_element_type3A_897 = arith.extui %lt3A_896 : i1 to i32
          %cond3A_898 = arith.constant 2 : i32
          %cond3A_899 = arith.constant 0 : i32
          %cond3A_900 = arith.cmpi ne, %convert_element_type3A_897, %cond3A_899 : i32
          scf.if %cond3A_900 {
            %dma_wait3A = arith.constant 0 : i32
            %dma_wait3A_907 = arith.constant 0 : i32
            %dma_wait3A_908 = tpu.memref_slice %arg17[%cond3A_898, %dma_wait3A, %dma_wait3A_907] : memref<4x2x3200xf32, #tpu.memory_space<vmem>> -> memref<1x2x3200xf32, #tpu.memory_space<vmem>>
            %dma_wait3A_909 = tpu.memref_squeeze %dma_wait3A_908 : memref<1x2x3200xf32, #tpu.memory_space<vmem>> -> memref<2x3200xf32, #tpu.memory_space<vmem>>
            %dma_wait3A_910 = arith.constant 0 : i32
            %dma_wait3A_911 = tpu.memref_slice %arg8[%select_n3A_871, %dma_wait3A_910, %multiple_of3A_894] : memref<98x2x100000xf32, #tpu.memory_space<hbm>> -> memref<1x2x3200xf32, #tpu.memory_space<hbm>>
            %dma_wait3A_912 = tpu.memref_squeeze %dma_wait3A_911 : memref<1x2x3200xf32, #tpu.memory_space<hbm>> -> memref<2x3200xf32, #tpu.memory_space<hbm>>
            %dma_wait3A_913 = arith.constant 0 : i32
            %dma_wait3A_914 = tpu.memref_slice %arg8[%select_n3A_871, %dma_wait3A_913, %multiple_of3A_894] : memref<98x2x100000xf32, #tpu.memory_space<hbm>> -> memref<1x2x3200xf32, #tpu.memory_space<hbm>>
            %dma_wait3A_915 = tpu.memref_squeeze %dma_wait3A_914 : memref<1x2x3200xf32, #tpu.memory_space<hbm>> -> memref<2x3200xf32, #tpu.memory_space<hbm>>
            %dma_wait3A_916 = arith.constant 0 : i32
            %dma_wait3A_917 = arith.constant 0 : i32
            %dma_wait3A_918 = tpu.memref_slice %arg17[%cond3A_898, %dma_wait3A_916, %dma_wait3A_917] : memref<4x2x3200xf32, #tpu.memory_space<vmem>> -> memref<1x2x3200xf32, #tpu.memory_space<vmem>>
            %dma_wait3A_919 = tpu.memref_squeeze %dma_wait3A_918 : memref<1x2x3200xf32, #tpu.memory_space<vmem>> -> memref<2x3200xf32, #tpu.memory_space<vmem>>
            tpu.wait_dma2 semaphore(%arg26 : memref<!tpu.dma_semaphore, #tpu.memory_space<semaphore_mem>>) src(%dma_wait3A_919 : memref<2x3200xf32, #tpu.memory_space<vmem>>) dst(%dma_wait3A_915 : memref<2x3200xf32, #tpu.memory_space<hbm>>)
          } else {
          }
          %eq3A_901 = arith.constant 31 : i32
          %eq3A_902 = arith.cmpi eq, %select_n3A_887, %eq3A_901 : i32
          %convert_element_type3A_903 = arith.extui %eq3A_902 : i1 to i32
          %cond3A_904 = arith.constant 2 : i32
          %cond3A_905 = arith.constant 0 : i32
          %cond3A_906 = arith.cmpi ne, %convert_element_type3A_903, %cond3A_905 : i32
          scf.if %cond3A_906 {
            %dma_wait3A = arith.constant 0 : i32
            %dma_wait3A_907 = arith.constant 0 : i32
            %dma_wait3A_908 = tpu.memref_slice %arg19[%cond3A_904, %dma_wait3A, %dma_wait3A_907] : memref<4x2x800xf32, #tpu.memory_space<vmem>> -> memref<1x2x800xf32, #tpu.memory_space<vmem>>
            %dma_wait3A_909 = tpu.memref_squeeze %dma_wait3A_908 : memref<1x2x800xf32, #tpu.memory_space<vmem>> -> memref<2x800xf32, #tpu.memory_space<vmem>>
            %dma_wait3A_910 = arith.constant 0 : i32
            %dma_wait3A_911 = arith.constant 99200 : i32
            %dma_wait3A_912 = tpu.memref_slice %arg8[%select_n3A_871, %dma_wait3A_910, %dma_wait3A_911] : memref<98x2x100000xf32, #tpu.memory_space<hbm>> -> memref<1x2x800xf32, #tpu.memory_space<hbm>>
            %dma_wait3A_913 = tpu.memref_squeeze %dma_wait3A_912 : memref<1x2x800xf32, #tpu.memory_space<hbm>> -> memref<2x800xf32, #tpu.memory_space<hbm>>
            %dma_wait3A_914 = arith.constant 0 : i32
            %dma_wait3A_915 = arith.constant 99200 : i32
            %dma_wait3A_916 = tpu.memref_slice %arg8[%select_n3A_871, %dma_wait3A_914, %dma_wait3A_915] : memref<98x2x100000xf32, #tpu.memory_space<hbm>> -> memref<1x2x800xf32, #tpu.memory_space<hbm>>
            %dma_wait3A_917 = tpu.memref_squeeze %dma_wait3A_916 : memref<1x2x800xf32, #tpu.memory_space<hbm>> -> memref<2x800xf32, #tpu.memory_space<hbm>>
            %dma_wait3A_918 = arith.constant 0 : i32
            %dma_wait3A_919 = arith.constant 0 : i32
            %dma_wait3A_920 = tpu.memref_slice %arg19[%cond3A_904, %dma_wait3A_918, %dma_wait3A_919] : memref<4x2x800xf32, #tpu.memory_space<vmem>> -> memref<1x2x800xf32, #tpu.memory_space<vmem>>
            %dma_wait3A_921 = tpu.memref_squeeze %dma_wait3A_920 : memref<1x2x800xf32, #tpu.memory_space<vmem>> -> memref<2x800xf32, #tpu.memory_space<vmem>>
            tpu.wait_dma2 semaphore(%arg26 : memref<!tpu.dma_semaphore, #tpu.memory_space<semaphore_mem>>) src(%dma_wait3A_921 : memref<2x800xf32, #tpu.memory_space<vmem>>) dst(%dma_wait3A_917 : memref<2x800xf32, #tpu.memory_space<hbm>>)
          } else {
          }
        } else {
        }
        %mul3A_712 = arith.constant 32 : i32
        %mul3A_713 = arith.muli %add3A_631, %mul3A_712 : i32
        %add3A_714 = arith.addi %mul3A_713, %add3A : i32
        %jit3A_715 = arith.constant 32 : i32
        %div3A_716 = arith.divsi %add3A_714, %jit3A_715 : i32
        %sign3A_717 = arith.constant 0 : i32
        %sign3A_718 = arith.cmpi sgt, %add3A_714, %sign3A_717 : i32
        %sign3A_719 = arith.extui %sign3A_718 : i1 to i32
        %sign3A_720 = arith.constant 0 : i32
        %sign3A_721 = arith.cmpi slt, %add3A_714, %sign3A_720 : i32
        %sign3A_722 = arith.extui %sign3A_721 : i1 to i32
        %sign3A_723 = arith.subi %sign3A_719, %sign3A_722 : i32
        %sign3A_724 = arith.constant 0 : i32
        %sign3A_725 = arith.cmpi sgt, %jit3A_715, %sign3A_724 : i32
        %sign3A_726 = arith.extui %sign3A_725 : i1 to i32
        %sign3A_727 = arith.constant 0 : i32
        %sign3A_728 = arith.cmpi slt, %jit3A_715, %sign3A_727 : i32
        %sign3A_729 = arith.extui %sign3A_728 : i1 to i32
        %sign3A_730 = arith.subi %sign3A_726, %sign3A_729 : i32
        %ne3A_731 = arith.cmpi ne, %sign3A_723, %sign3A_730 : i32
        %rem3A_732 = arith.remsi %add3A_714, %jit3A_715 : i32
        %ne3A_733 = arith.constant 0 : i32
        %ne3A_734 = arith.cmpi ne, %rem3A_732, %ne3A_733 : i32
        %and3A_735 = arith.andi %ne3A_731, %ne3A_734 : i1
        %sub3A_736 = arith.constant 1 : i32
        %sub3A_737 = arith.subi %div3A_716, %sub3A_736 : i32
        %select_n3A_738 = arith.select %and3A_735, %sub3A_737, %div3A_716 : i32
        %jit3A_739 = arith.constant 32 : i32
        %eq3A_740 = arith.constant 0 : i32
        %eq3A_741 = arith.cmpi eq, %jit3A_739, %eq3A_740 : i32
        %jit3A_742 = arith.constant 1 : i32
        %select_n3A_743 = arith.select %eq3A_741, %jit3A_742, %jit3A_739 : i32
        %rem3A_744 = arith.remsi %add3A_714, %select_n3A_743 : i32
        %ne3A_745 = arith.constant 0 : i32
        %ne3A_746 = arith.cmpi ne, %rem3A_744, %ne3A_745 : i32
        %lt3A_747 = arith.constant 0 : i32
        %lt3A_748 = arith.cmpi slt, %rem3A_744, %lt3A_747 : i32
        %lt3A_749 = arith.constant 0 : i32
        %lt3A_750 = arith.cmpi slt, %select_n3A_743, %lt3A_749 : i32
        %ne3A_751 = arith.xori %lt3A_748, %lt3A_750 : i1
        %and3A_752 = arith.andi %ne3A_751, %ne3A_746 : i1
        %add3A_753 = arith.addi %rem3A_744, %select_n3A_743 : i32
        %select_n3A_754 = arith.select %and3A_752, %add3A_753, %rem3A_744 : i32
        %broadcast_in_dim3A_755 = arith.constant 0 : i32
        %broadcast_in_dim3A_756 = vector.broadcast %broadcast_in_dim3A_755 : i32 to vector<16xi32>
        %add3A_757 = vector.broadcast %select_n3A_738 : i32 to vector<16xi32>
        %add3A_758 = arith.addi %broadcast_in_dim3A_756, %add3A_757 : vector<16xi32>
        %gather3A = tpu.vector_load_idx %arg9[%add3A_758] : memref<112xf32, #tpu.memory_space<vmem>>[vector<16xi32>], vector<16xf32>,
        %gather3A_759 = tpu.vector_load_idx %arg10[%add3A_758] : memref<112xf32, #tpu.memory_space<vmem>>[vector<16xi32>], vector<16xf32>,
        %lt3A_760 = arith.constant 31 : i32
        %lt3A_761 = arith.cmpi slt, %select_n3A_754, %lt3A_760 : i32
        %convert_element_type3A_762 = arith.extui %lt3A_761 : i1 to i32
        %cond3A_763 = arith.constant 2 : i32
        %cond3A_764 = arith.constant 2 : i32
        %cond3A_765 = arith.constant 0 : i32
        %cond3A_766 = arith.cmpi ne, %convert_element_type3A_762, %cond3A_765 : i32
        scf.if %cond3A_766 {
          %scan3A_843 = arith.constant 0 : i32
          %scan3A_844 = arith.constant 0 : i32
          %scan3A_845 = arith.constant 25 : i32
          %scan3A_846 = arith.addi %scan3A_844, %scan3A_845 : i32
          %scan3A_847 = arith.constant 1 : i32
          scf.for %scan3A_849 = %scan3A_844 to %scan3A_846 step %scan3A_847  : i32 {
            %mul3A_850 = arith.constant 128 : i32
            %mul3A_851 = arith.muli %scan3A_849, %mul3A_850 : i32
            %multiple_of3A_852 = tpu.assume_multiple %mul3A_851, 128 : i32
            %add3A_853 = arith.constant 0 : i32
            %add3A_854 = arith.addi %multiple_of3A_852, %add3A_853 : i32
            %get3A_855 = arith.constant 0 : i32
            %get3A_856 = arith.constant 0 : i32
            %get3A_857 = arith.constant 0 : i32
            %get3A_858 = tpu.memref_slice %arg16[%cond3A_763, %get3A_856, %get3A_857] : memref<4x2x3200xf32, #tpu.memory_space<vmem>> -> memref<1x2x3200xf32, #tpu.memory_space<vmem>>
            %get3A_859 = tpu.memref_squeeze %get3A_858 : memref<1x2x3200xf32, #tpu.memory_space<vmem>> -> memref<2x3200xf32, #tpu.memory_space<vmem>>
            %get3A_860 = arith.index_cast %get3A_855 : i32 to index
            %get3A_861 = arith.index_cast %add3A_854 : i32 to index
            %get3A_862 = tpu.vector_load %get3A_859[%get3A_860, %get3A_861] {strides = array<i32>} : memref<2x3200xf32, #tpu.memory_space<vmem>>, vector<16xf32>,
            %mul3A_863 = arith.mulf %get3A_862, %gather3A : vector<16xf32>
            %add3A_864 = arith.addf %mul3A_863, %gather3A_759 : vector<16xf32>
            %swap3A_865 = arith.constant 0 : i32
            %swap3A_866 = arith.constant 0 : i32
            %swap3A_867 = arith.constant 0 : i32
            %swap3A_868 = tpu.memref_slice %arg17[%cond3A_764, %swap3A_866, %swap3A_867] : memref<4x2x3200xf32, #tpu.memory_space<vmem>> -> memref<1x2x3200xf32, #tpu.memory_space<vmem>>
            %swap3A_869 = tpu.memref_squeeze %swap3A_868 : memref<1x2x3200xf32, #tpu.memory_space<vmem>> -> memref<2x3200xf32, #tpu.memory_space<vmem>>
            %swap3A_870 = arith.index_cast %swap3A_865 : i32 to index
            %swap3A_871 = arith.index_cast %add3A_854 : i32 to index
            %swap3A_872 = tpu.vector_load %swap3A_869[%swap3A_870, %swap3A_871] {strides = array<i32>} : memref<2x3200xf32, #tpu.memory_space<vmem>>, vector<16xf32>,
            tpu.vector_store %swap3A_869[%swap3A_870, %swap3A_871], %add3A_864 {strides = array<i32>} : memref<2x3200xf32, #tpu.memory_space<vmem>>, vector<16xf32>,
            %add3A_873 = arith.constant 16 : i32
            %add3A_874 = arith.addi %multiple_of3A_852, %add3A_873 : i32
            %get3A_875 = arith.constant 0 : i32
            %get3A_876 = arith.constant 0 : i32
            %get3A_877 = arith.constant 0 : i32
            %get3A_878 = tpu.memref_slice %arg16[%cond3A_763, %get3A_876, %get3A_877] : memref<4x2x3200xf32, #tpu.memory_space<vmem>> -> memref<1x2x3200xf32, #tpu.memory_space<vmem>>
            %get3A_879 = tpu.memref_squeeze %get3A_878 : memref<1x2x3200xf32, #tpu.memory_space<vmem>> -> memref<2x3200xf32, #tpu.memory_space<vmem>>
            %get3A_880 = arith.index_cast %get3A_875 : i32 to index
            %get3A_881 = arith.index_cast %add3A_874 : i32 to index
            %get3A_882 = tpu.vector_load %get3A_879[%get3A_880, %get3A_881] {strides = array<i32>} : memref<2x3200xf32, #tpu.memory_space<vmem>>, vector<16xf32>,
            %mul3A_883 = arith.mulf %get3A_882, %gather3A : vector<16xf32>
            %add3A_884 = arith.addf %mul3A_883, %gather3A_759 : vector<16xf32>
            %swap3A_885 = arith.constant 0 : i32
            %swap3A_886 = arith.constant 0 : i32
            %swap3A_887 = arith.constant 0 : i32
            %swap3A_888 = tpu.memref_slice %arg17[%cond3A_764, %swap3A_886, %swap3A_887] : memref<4x2x3200xf32, #tpu.memory_space<vmem>> -> memref<1x2x3200xf32, #tpu.memory_space<vmem>>
            %swap3A_889 = tpu.memref_squeeze %swap3A_888 : memref<1x2x3200xf32, #tpu.memory_space<vmem>> -> memref<2x3200xf32, #tpu.memory_space<vmem>>
            %swap3A_890 = arith.index_cast %swap3A_885 : i32 to index
            %swap3A_891 = arith.index_cast %add3A_874 : i32 to index
            %swap3A_892 = tpu.vector_load %swap3A_889[%swap3A_890, %swap3A_891] {strides = array<i32>} : memref<2x3200xf32, #tpu.memory_space<vmem>>, vector<16xf32>,
            tpu.vector_store %swap3A_889[%swap3A_890, %swap3A_891], %add3A_884 {strides = array<i32>} : memref<2x3200xf32, #tpu.memory_space<vmem>>, vector<16xf32>,
            %add3A_893 = arith.constant 32 : i32
            %add3A_894 = arith.addi %multiple_of3A_852, %add3A_893 : i32
            %get3A_895 = arith.constant 0 : i32
            %get3A_896 = arith.constant 0 : i32
            %get3A_897 = arith.constant 0 : i32
            %get3A_898 = tpu.memref_slice %arg16[%cond3A_763, %get3A_896, %get3A_897] : memref<4x2x3200xf32, #tpu.memory_space<vmem>> -> memref<1x2x3200xf32, #tpu.memory_space<vmem>>
            %get3A_899 = tpu.memref_squeeze %get3A_898 : memref<1x2x3200xf32, #tpu.memory_space<vmem>> -> memref<2x3200xf32, #tpu.memory_space<vmem>>
            %get3A_900 = arith.index_cast %get3A_895 : i32 to index
            %get3A_901 = arith.index_cast %add3A_894 : i32 to index
            %get3A_902 = tpu.vector_load %get3A_899[%get3A_900, %get3A_901] {strides = array<i32>} : memref<2x3200xf32, #tpu.memory_space<vmem>>, vector<16xf32>,
            %mul3A_903 = arith.mulf %get3A_902, %gather3A : vector<16xf32>
            %add3A_904 = arith.addf %mul3A_903, %gather3A_759 : vector<16xf32>
            %swap3A_905 = arith.constant 0 : i32
            %swap3A_906 = arith.constant 0 : i32
            %swap3A_907 = arith.constant 0 : i32
            %swap3A_908 = tpu.memref_slice %arg17[%cond3A_764, %swap3A_906, %swap3A_907] : memref<4x2x3200xf32, #tpu.memory_space<vmem>> -> memref<1x2x3200xf32, #tpu.memory_space<vmem>>
            %swap3A_909 = tpu.memref_squeeze %swap3A_908 : memref<1x2x3200xf32, #tpu.memory_space<vmem>> -> memref<2x3200xf32, #tpu.memory_space<vmem>>
            %swap3A_910 = arith.index_cast %swap3A_905 : i32 to index
            %swap3A_911 = arith.index_cast %add3A_894 : i32 to index
            %swap3A_912 = tpu.vector_load %swap3A_909[%swap3A_910, %swap3A_911] {strides = array<i32>} : memref<2x3200xf32, #tpu.memory_space<vmem>>, vector<16xf32>,
            tpu.vector_store %swap3A_909[%swap3A_910, %swap3A_911], %add3A_904 {strides = array<i32>} : memref<2x3200xf32, #tpu.memory_space<vmem>>, vector<16xf32>,
            %add3A_913 = arith.constant 48 : i32
            %add3A_914 = arith.addi %multiple_of3A_852, %add3A_913 : i32
            %get3A_915 = arith.constant 0 : i32
            %get3A_916 = arith.constant 0 : i32
            %get3A_917 = arith.constant 0 : i32
            %get3A_918 = tpu.memref_slice %arg16[%cond3A_763, %get3A_916, %get3A_917] : memref<4x2x3200xf32, #tpu.memory_space<vmem>> -> memref<1x2x3200xf32, #tpu.memory_space<vmem>>
            %get3A_919 = tpu.memref_squeeze %get3A_918 : memref<1x2x3200xf32, #tpu.memory_space<vmem>> -> memref<2x3200xf32, #tpu.memory_space<vmem>>
            %get3A_920 = arith.index_cast %get3A_915 : i32 to index
            %get3A_921 = arith.index_cast %add3A_914 : i32 to index
            %get3A_922 = tpu.vector_load %get3A_919[%get3A_920, %get3A_921] {strides = array<i32>} : memref<2x3200xf32, #tpu.memory_space<vmem>>, vector<16xf32>,
            %mul3A_923 = arith.mulf %get3A_922, %gather3A : vector<16xf32>
            %add3A_924 = arith.addf %mul3A_923, %gather3A_759 : vector<16xf32>
            %swap3A_925 = arith.constant 0 : i32
            %swap3A_926 = arith.constant 0 : i32
            %swap3A_927 = arith.constant 0 : i32
            %swap3A_928 = tpu.memref_slice %arg17[%cond3A_764, %swap3A_926, %swap3A_927] : memref<4x2x3200xf32, #tpu.memory_space<vmem>> -> memref<1x2x3200xf32, #tpu.memory_space<vmem>>
            %swap3A_929 = tpu.memref_squeeze %swap3A_928 : memref<1x2x3200xf32, #tpu.memory_space<vmem>> -> memref<2x3200xf32, #tpu.memory_space<vmem>>
            %swap3A_930 = arith.index_cast %swap3A_925 : i32 to index
            %swap3A_931 = arith.index_cast %add3A_914 : i32 to index
            %swap3A_932 = tpu.vector_load %swap3A_929[%swap3A_930, %swap3A_931] {strides = array<i32>} : memref<2x3200xf32, #tpu.memory_space<vmem>>, vector<16xf32>,
            tpu.vector_store %swap3A_929[%swap3A_930, %swap3A_931], %add3A_924 {strides = array<i32>} : memref<2x3200xf32, #tpu.memory_space<vmem>>, vector<16xf32>,
            %add3A_933 = arith.constant 64 : i32
            %add3A_934 = arith.addi %multiple_of3A_852, %add3A_933 : i32
            %get3A_935 = arith.constant 0 : i32
            %get3A_936 = arith.constant 0 : i32
            %get3A_937 = arith.constant 0 : i32
            %get3A_938 = tpu.memref_slice %arg16[%cond3A_763, %get3A_936, %get3A_937] : memref<4x2x3200xf32, #tpu.memory_space<vmem>> -> memref<1x2x3200xf32, #tpu.memory_space<vmem>>
            %get3A_939 = tpu.memref_squeeze %get3A_938 : memref<1x2x3200xf32, #tpu.memory_space<vmem>> -> memref<2x3200xf32, #tpu.memory_space<vmem>>
            %get3A_940 = arith.index_cast %get3A_935 : i32 to index
            %get3A_941 = arith.index_cast %add3A_934 : i32 to index
            %get3A_942 = tpu.vector_load %get3A_939[%get3A_940, %get3A_941] {strides = array<i32>} : memref<2x3200xf32, #tpu.memory_space<vmem>>, vector<16xf32>,
            %mul3A_943 = arith.mulf %get3A_942, %gather3A : vector<16xf32>
            %add3A_944 = arith.addf %mul3A_943, %gather3A_759 : vector<16xf32>
            %swap3A_945 = arith.constant 0 : i32
            %swap3A_946 = arith.constant 0 : i32
            %swap3A_947 = arith.constant 0 : i32
            %swap3A_948 = tpu.memref_slice %arg17[%cond3A_764, %swap3A_946, %swap3A_947] : memref<4x2x3200xf32, #tpu.memory_space<vmem>> -> memref<1x2x3200xf32, #tpu.memory_space<vmem>>
            %swap3A_949 = tpu.memref_squeeze %swap3A_948 : memref<1x2x3200xf32, #tpu.memory_space<vmem>> -> memref<2x3200xf32, #tpu.memory_space<vmem>>
            %swap3A_950 = arith.index_cast %swap3A_945 : i32 to index
            %swap3A_951 = arith.index_cast %add3A_934 : i32 to index
            %swap3A_952 = tpu.vector_load %swap3A_949[%swap3A_950, %swap3A_951] {strides = array<i32>} : memref<2x3200xf32, #tpu.memory_space<vmem>>, vector<16xf32>,
            tpu.vector_store %swap3A_949[%swap3A_950, %swap3A_951], %add3A_944 {strides = array<i32>} : memref<2x3200xf32, #tpu.memory_space<vmem>>, vector<16xf32>,
            %add3A_953 = arith.constant 80 : i32
            %add3A_954 = arith.addi %multiple_of3A_852, %add3A_953 : i32
            %get3A_955 = arith.constant 0 : i32
            %get3A_956 = arith.constant 0 : i32
            %get3A_957 = arith.constant 0 : i32
            %get3A_958 = tpu.memref_slice %arg16[%cond3A_763, %get3A_956, %get3A_957] : memref<4x2x3200xf32, #tpu.memory_space<vmem>> -> memref<1x2x3200xf32, #tpu.memory_space<vmem>>
            %get3A_959 = tpu.memref_squeeze %get3A_958 : memref<1x2x3200xf32, #tpu.memory_space<vmem>> -> memref<2x3200xf32, #tpu.memory_space<vmem>>
            %get3A_960 = arith.index_cast %get3A_955 : i32 to index
            %get3A_961 = arith.index_cast %add3A_954 : i32 to index
            %get3A_962 = tpu.vector_load %get3A_959[%get3A_960, %get3A_961] {strides = array<i32>} : memref<2x3200xf32, #tpu.memory_space<vmem>>, vector<16xf32>,
            %mul3A_963 = arith.mulf %get3A_962, %gather3A : vector<16xf32>
            %add3A_964 = arith.addf %mul3A_963, %gather3A_759 : vector<16xf32>
            %swap3A_965 = arith.constant 0 : i32
            %swap3A_966 = arith.constant 0 : i32
            %swap3A_967 = arith.constant 0 : i32
            %swap3A_968 = tpu.memref_slice %arg17[%cond3A_764, %swap3A_966, %swap3A_967] : memref<4x2x3200xf32, #tpu.memory_space<vmem>> -> memref<1x2x3200xf32, #tpu.memory_space<vmem>>
            %swap3A_969 = tpu.memref_squeeze %swap3A_968 : memref<1x2x3200xf32, #tpu.memory_space<vmem>> -> memref<2x3200xf32, #tpu.memory_space<vmem>>
            %swap3A_970 = arith.index_cast %swap3A_965 : i32 to index
            %swap3A_971 = arith.index_cast %add3A_954 : i32 to index
            %swap3A_972 = tpu.vector_load %swap3A_969[%swap3A_970, %swap3A_971] {strides = array<i32>} : memref<2x3200xf32, #tpu.memory_space<vmem>>, vector<16xf32>,
            tpu.vector_store %swap3A_969[%swap3A_970, %swap3A_971], %add3A_964 {strides = array<i32>} : memref<2x3200xf32, #tpu.memory_space<vmem>>, vector<16xf32>,
            %add3A_973 = arith.constant 96 : i32
            %add3A_974 = arith.addi %multiple_of3A_852, %add3A_973 : i32
            %get3A_975 = arith.constant 0 : i32
            %get3A_976 = arith.constant 0 : i32
            %get3A_977 = arith.constant 0 : i32
            %get3A_978 = tpu.memref_slice %arg16[%cond3A_763, %get3A_976, %get3A_977] : memref<4x2x3200xf32, #tpu.memory_space<vmem>> -> memref<1x2x3200xf32, #tpu.memory_space<vmem>>
            %get3A_979 = tpu.memref_squeeze %get3A_978 : memref<1x2x3200xf32, #tpu.memory_space<vmem>> -> memref<2x3200xf32, #tpu.memory_space<vmem>>
            %get3A_980 = arith.index_cast %get3A_975 : i32 to index
            %get3A_981 = arith.index_cast %add3A_974 : i32 to index
            %get3A_982 = tpu.vector_load %get3A_979[%get3A_980, %get3A_981] {strides = array<i32>} : memref<2x3200xf32, #tpu.memory_space<vmem>>, vector<16xf32>,
            %mul3A_983 = arith.mulf %get3A_982, %gather3A : vector<16xf32>
            %add3A_984 = arith.addf %mul3A_983, %gather3A_759 : vector<16xf32>
            %swap3A_985 = arith.constant 0 : i32
            %swap3A_986 = arith.constant 0 : i32
            %swap3A_987 = arith.constant 0 : i32
            %swap3A_988 = tpu.memref_slice %arg17[%cond3A_764, %swap3A_986, %swap3A_987] : memref<4x2x3200xf32, #tpu.memory_space<vmem>> -> memref<1x2x3200xf32, #tpu.memory_space<vmem>>
            %swap3A_989 = tpu.memref_squeeze %swap3A_988 : memref<1x2x3200xf32, #tpu.memory_space<vmem>> -> memref<2x3200xf32, #tpu.memory_space<vmem>>
            %swap3A_990 = arith.index_cast %swap3A_985 : i32 to index
            %swap3A_991 = arith.index_cast %add3A_974 : i32 to index
            %swap3A_992 = tpu.vector_load %swap3A_989[%swap3A_990, %swap3A_991] {strides = array<i32>} : memref<2x3200xf32, #tpu.memory_space<vmem>>, vector<16xf32>,
            tpu.vector_store %swap3A_989[%swap3A_990, %swap3A_991], %add3A_984 {strides = array<i32>} : memref<2x3200xf32, #tpu.memory_space<vmem>>, vector<16xf32>,
            %add3A_993 = arith.constant 112 : i32
            %add3A_994 = arith.addi %multiple_of3A_852, %add3A_993 : i32
            %get3A_995 = arith.constant 0 : i32
            %get3A_996 = arith.constant 0 : i32
            %get3A_997 = arith.constant 0 : i32
            %get3A_998 = tpu.memref_slice %arg16[%cond3A_763, %get3A_996, %get3A_997] : memref<4x2x3200xf32, #tpu.memory_space<vmem>> -> memref<1x2x3200xf32, #tpu.memory_space<vmem>>
            %get3A_999 = tpu.memref_squeeze %get3A_998 : memref<1x2x3200xf32, #tpu.memory_space<vmem>> -> memref<2x3200xf32, #tpu.memory_space<vmem>>
            %get3A_1000 = arith.index_cast %get3A_995 : i32 to index
            %get3A_1001 = arith.index_cast %add3A_994 : i32 to index
            %get3A_1002 = tpu.vector_load %get3A_999[%get3A_1000, %get3A_1001] {strides = array<i32>} : memref<2x3200xf32, #tpu.memory_space<vmem>>, vector<16xf32>,
            %mul3A_1003 = arith.mulf %get3A_1002, %gather3A : vector<16xf32>
            %add3A_1004 = arith.addf %mul3A_1003, %gather3A_759 : vector<16xf32>
            %swap3A_1005 = arith.constant 0 : i32
            %swap3A_1006 = arith.constant 0 : i32
            %swap3A_1007 = arith.constant 0 : i32
            %swap3A_1008 = tpu.memref_slice %arg17[%cond3A_764, %swap3A_1006, %swap3A_1007] : memref<4x2x3200xf32, #tpu.memory_space<vmem>> -> memref<1x2x3200xf32, #tpu.memory_space<vmem>>
            %swap3A_1009 = tpu.memref_squeeze %swap3A_1008 : memref<1x2x3200xf32, #tpu.memory_space<vmem>> -> memref<2x3200xf32, #tpu.memory_space<vmem>>
            %swap3A_1010 = arith.index_cast %swap3A_1005 : i32 to index
            %swap3A_1011 = arith.index_cast %add3A_994 : i32 to index
            %swap3A_1012 = tpu.vector_load %swap3A_1009[%swap3A_1010, %swap3A_1011] {strides = array<i32>} : memref<2x3200xf32, #tpu.memory_space<vmem>>, vector<16xf32>,
            tpu.vector_store %swap3A_1009[%swap3A_1010, %swap3A_1011], %add3A_1004 {strides = array<i32>} : memref<2x3200xf32, #tpu.memory_space<vmem>>, vector<16xf32>,
            %add3A_1013 = arith.constant 0 : i32
            %add3A_1014 = arith.addi %multiple_of3A_852, %add3A_1013 : i32
            %get3A_1015 = arith.constant 1 : i32
            %get3A_1016 = arith.constant 0 : i32
            %get3A_1017 = arith.constant 0 : i32
            %get3A_1018 = tpu.memref_slice %arg16[%cond3A_763, %get3A_1016, %get3A_1017] : memref<4x2x3200xf32, #tpu.memory_space<vmem>> -> memref<1x2x3200xf32, #tpu.memory_space<vmem>>
            %get3A_1019 = tpu.memref_squeeze %get3A_1018 : memref<1x2x3200xf32, #tpu.memory_space<vmem>> -> memref<2x3200xf32, #tpu.memory_space<vmem>>
            %get3A_1020 = arith.index_cast %get3A_1015 : i32 to index
            %get3A_1021 = arith.index_cast %add3A_1014 : i32 to index
            %get3A_1022 = tpu.vector_load %get3A_1019[%get3A_1020, %get3A_1021] {strides = array<i32>} : memref<2x3200xf32, #tpu.memory_space<vmem>>, vector<16xf32>,
            %mul3A_1023 = arith.mulf %get3A_1022, %gather3A : vector<16xf32>
            %add3A_1024 = arith.addf %mul3A_1023, %gather3A_759 : vector<16xf32>
            %swap3A_1025 = arith.constant 1 : i32
            %swap3A_1026 = arith.constant 0 : i32
            %swap3A_1027 = arith.constant 0 : i32
            %swap3A_1028 = tpu.memref_slice %arg17[%cond3A_764, %swap3A_1026, %swap3A_1027] : memref<4x2x3200xf32, #tpu.memory_space<vmem>> -> memref<1x2x3200xf32, #tpu.memory_space<vmem>>
            %swap3A_1029 = tpu.memref_squeeze %swap3A_1028 : memref<1x2x3200xf32, #tpu.memory_space<vmem>> -> memref<2x3200xf32, #tpu.memory_space<vmem>>
            %swap3A_1030 = arith.index_cast %swap3A_1025 : i32 to index
            %swap3A_1031 = arith.index_cast %add3A_1014 : i32 to index
            %swap3A_1032 = tpu.vector_load %swap3A_1029[%swap3A_1030, %swap3A_1031] {strides = array<i32>} : memref<2x3200xf32, #tpu.memory_space<vmem>>, vector<16xf32>,
            tpu.vector_store %swap3A_1029[%swap3A_1030, %swap3A_1031], %add3A_1024 {strides = array<i32>} : memref<2x3200xf32, #tpu.memory_space<vmem>>, vector<16xf32>,
            %add3A_1033 = arith.constant 16 : i32
            %add3A_1034 = arith.addi %multiple_of3A_852, %add3A_1033 : i32
            %get3A_1035 = arith.constant 1 : i32
            %get3A_1036 = arith.constant 0 : i32
            %get3A_1037 = arith.constant 0 : i32
            %get3A_1038 = tpu.memref_slice %arg16[%cond3A_763, %get3A_1036, %get3A_1037] : memref<4x2x3200xf32, #tpu.memory_space<vmem>> -> memref<1x2x3200xf32, #tpu.memory_space<vmem>>
            %get3A_1039 = tpu.memref_squeeze %get3A_1038 : memref<1x2x3200xf32, #tpu.memory_space<vmem>> -> memref<2x3200xf32, #tpu.memory_space<vmem>>
            %get3A_1040 = arith.index_cast %get3A_1035 : i32 to index
            %get3A_1041 = arith.index_cast %add3A_1034 : i32 to index
            %get3A_1042 = tpu.vector_load %get3A_1039[%get3A_1040, %get3A_1041] {strides = array<i32>} : memref<2x3200xf32, #tpu.memory_space<vmem>>, vector<16xf32>,
            %mul3A_1043 = arith.mulf %get3A_1042, %gather3A : vector<16xf32>
            %add3A_1044 = arith.addf %mul3A_1043, %gather3A_759 : vector<16xf32>
            %swap3A_1045 = arith.constant 1 : i32
            %swap3A_1046 = arith.constant 0 : i32
            %swap3A_1047 = arith.constant 0 : i32
            %swap3A_1048 = tpu.memref_slice %arg17[%cond3A_764, %swap3A_1046, %swap3A_1047] : memref<4x2x3200xf32, #tpu.memory_space<vmem>> -> memref<1x2x3200xf32, #tpu.memory_space<vmem>>
            %swap3A_1049 = tpu.memref_squeeze %swap3A_1048 : memref<1x2x3200xf32, #tpu.memory_space<vmem>> -> memref<2x3200xf32, #tpu.memory_space<vmem>>
            %swap3A_1050 = arith.index_cast %swap3A_1045 : i32 to index
            %swap3A_1051 = arith.index_cast %add3A_1034 : i32 to index
            %swap3A_1052 = tpu.vector_load %swap3A_1049[%swap3A_1050, %swap3A_1051] {strides = array<i32>} : memref<2x3200xf32, #tpu.memory_space<vmem>>, vector<16xf32>,
            tpu.vector_store %swap3A_1049[%swap3A_1050, %swap3A_1051], %add3A_1044 {strides = array<i32>} : memref<2x3200xf32, #tpu.memory_space<vmem>>, vector<16xf32>,
            %add3A_1053 = arith.constant 32 : i32
            %add3A_1054 = arith.addi %multiple_of3A_852, %add3A_1053 : i32
            %get3A_1055 = arith.constant 1 : i32
            %get3A_1056 = arith.constant 0 : i32
            %get3A_1057 = arith.constant 0 : i32
            %get3A_1058 = tpu.memref_slice %arg16[%cond3A_763, %get3A_1056, %get3A_1057] : memref<4x2x3200xf32, #tpu.memory_space<vmem>> -> memref<1x2x3200xf32, #tpu.memory_space<vmem>>
            %get3A_1059 = tpu.memref_squeeze %get3A_1058 : memref<1x2x3200xf32, #tpu.memory_space<vmem>> -> memref<2x3200xf32, #tpu.memory_space<vmem>>
            %get3A_1060 = arith.index_cast %get3A_1055 : i32 to index
            %get3A_1061 = arith.index_cast %add3A_1054 : i32 to index
            %get3A_1062 = tpu.vector_load %get3A_1059[%get3A_1060, %get3A_1061] {strides = array<i32>} : memref<2x3200xf32, #tpu.memory_space<vmem>>, vector<16xf32>,
            %mul3A_1063 = arith.mulf %get3A_1062, %gather3A : vector<16xf32>
            %add3A_1064 = arith.addf %mul3A_1063, %gather3A_759 : vector<16xf32>
            %swap3A_1065 = arith.constant 1 : i32
            %swap3A_1066 = arith.constant 0 : i32
            %swap3A_1067 = arith.constant 0 : i32
            %swap3A_1068 = tpu.memref_slice %arg17[%cond3A_764, %swap3A_1066, %swap3A_1067] : memref<4x2x3200xf32, #tpu.memory_space<vmem>> -> memref<1x2x3200xf32, #tpu.memory_space<vmem>>
            %swap3A_1069 = tpu.memref_squeeze %swap3A_1068 : memref<1x2x3200xf32, #tpu.memory_space<vmem>> -> memref<2x3200xf32, #tpu.memory_space<vmem>>
            %swap3A_1070 = arith.index_cast %swap3A_1065 : i32 to index
            %swap3A_1071 = arith.index_cast %add3A_1054 : i32 to index
            %swap3A_1072 = tpu.vector_load %swap3A_1069[%swap3A_1070, %swap3A_1071] {strides = array<i32>} : memref<2x3200xf32, #tpu.memory_space<vmem>>, vector<16xf32>,
            tpu.vector_store %swap3A_1069[%swap3A_1070, %swap3A_1071], %add3A_1064 {strides = array<i32>} : memref<2x3200xf32, #tpu.memory_space<vmem>>, vector<16xf32>,
            %add3A_1073 = arith.constant 48 : i32
            %add3A_1074 = arith.addi %multiple_of3A_852, %add3A_1073 : i32
            %get3A_1075 = arith.constant 1 : i32
            %get3A_1076 = arith.constant 0 : i32
            %get3A_1077 = arith.constant 0 : i32
            %get3A_1078 = tpu.memref_slice %arg16[%cond3A_763, %get3A_1076, %get3A_1077] : memref<4x2x3200xf32, #tpu.memory_space<vmem>> -> memref<1x2x3200xf32, #tpu.memory_space<vmem>>
            %get3A_1079 = tpu.memref_squeeze %get3A_1078 : memref<1x2x3200xf32, #tpu.memory_space<vmem>> -> memref<2x3200xf32, #tpu.memory_space<vmem>>
            %get3A_1080 = arith.index_cast %get3A_1075 : i32 to index
            %get3A_1081 = arith.index_cast %add3A_1074 : i32 to index
            %get3A_1082 = tpu.vector_load %get3A_1079[%get3A_1080, %get3A_1081] {strides = array<i32>} : memref<2x3200xf32, #tpu.memory_space<vmem>>, vector<16xf32>,
            %mul3A_1083 = arith.mulf %get3A_1082, %gather3A : vector<16xf32>
            %add3A_1084 = arith.addf %mul3A_1083, %gather3A_759 : vector<16xf32>
            %swap3A_1085 = arith.constant 1 : i32
            %swap3A_1086 = arith.constant 0 : i32
            %swap3A_1087 = arith.constant 0 : i32
            %swap3A_1088 = tpu.memref_slice %arg17[%cond3A_764, %swap3A_1086, %swap3A_1087] : memref<4x2x3200xf32, #tpu.memory_space<vmem>> -> memref<1x2x3200xf32, #tpu.memory_space<vmem>>
            %swap3A_1089 = tpu.memref_squeeze %swap3A_1088 : memref<1x2x3200xf32, #tpu.memory_space<vmem>> -> memref<2x3200xf32, #tpu.memory_space<vmem>>
            %swap3A_1090 = arith.index_cast %swap3A_1085 : i32 to index
            %swap3A_1091 = arith.index_cast %add3A_1074 : i32 to index
            %swap3A_1092 = tpu.vector_load %swap3A_1089[%swap3A_1090, %swap3A_1091] {strides = array<i32>} : memref<2x3200xf32, #tpu.memory_space<vmem>>, vector<16xf32>,
            tpu.vector_store %swap3A_1089[%swap3A_1090, %swap3A_1091], %add3A_1084 {strides = array<i32>} : memref<2x3200xf32, #tpu.memory_space<vmem>>, vector<16xf32>,
            %add3A_1093 = arith.constant 64 : i32
            %add3A_1094 = arith.addi %multiple_of3A_852, %add3A_1093 : i32
            %get3A_1095 = arith.constant 1 : i32
            %get3A_1096 = arith.constant 0 : i32
            %get3A_1097 = arith.constant 0 : i32
            %get3A_1098 = tpu.memref_slice %arg16[%cond3A_763, %get3A_1096, %get3A_1097] : memref<4x2x3200xf32, #tpu.memory_space<vmem>> -> memref<1x2x3200xf32, #tpu.memory_space<vmem>>
            %get3A_1099 = tpu.memref_squeeze %get3A_1098 : memref<1x2x3200xf32, #tpu.memory_space<vmem>> -> memref<2x3200xf32, #tpu.memory_space<vmem>>
            %get3A_1100 = arith.index_cast %get3A_1095 : i32 to index
            %get3A_1101 = arith.index_cast %add3A_1094 : i32 to index
            %get3A_1102 = tpu.vector_load %get3A_1099[%get3A_1100, %get3A_1101] {strides = array<i32>} : memref<2x3200xf32, #tpu.memory_space<vmem>>, vector<16xf32>,
            %mul3A_1103 = arith.mulf %get3A_1102, %gather3A : vector<16xf32>
            %add3A_1104 = arith.addf %mul3A_1103, %gather3A_759 : vector<16xf32>
            %swap3A_1105 = arith.constant 1 : i32
            %swap3A_1106 = arith.constant 0 : i32
            %swap3A_1107 = arith.constant 0 : i32
            %swap3A_1108 = tpu.memref_slice %arg17[%cond3A_764, %swap3A_1106, %swap3A_1107] : memref<4x2x3200xf32, #tpu.memory_space<vmem>> -> memref<1x2x3200xf32, #tpu.memory_space<vmem>>
            %swap3A_1109 = tpu.memref_squeeze %swap3A_1108 : memref<1x2x3200xf32, #tpu.memory_space<vmem>> -> memref<2x3200xf32, #tpu.memory_space<vmem>>
            %swap3A_1110 = arith.index_cast %swap3A_1105 : i32 to index
            %swap3A_1111 = arith.index_cast %add3A_1094 : i32 to index
            %swap3A_1112 = tpu.vector_load %swap3A_1109[%swap3A_1110, %swap3A_1111] {strides = array<i32>} : memref<2x3200xf32, #tpu.memory_space<vmem>>, vector<16xf32>,
            tpu.vector_store %swap3A_1109[%swap3A_1110, %swap3A_1111], %add3A_1104 {strides = array<i32>} : memref<2x3200xf32, #tpu.memory_space<vmem>>, vector<16xf32>,
            %add3A_1113 = arith.constant 80 : i32
            %add3A_1114 = arith.addi %multiple_of3A_852, %add3A_1113 : i32
            %get3A_1115 = arith.constant 1 : i32
            %get3A_1116 = arith.constant 0 : i32
            %get3A_1117 = arith.constant 0 : i32
            %get3A_1118 = tpu.memref_slice %arg16[%cond3A_763, %get3A_1116, %get3A_1117] : memref<4x2x3200xf32, #tpu.memory_space<vmem>> -> memref<1x2x3200xf32, #tpu.memory_space<vmem>>
            %get3A_1119 = tpu.memref_squeeze %get3A_1118 : memref<1x2x3200xf32, #tpu.memory_space<vmem>> -> memref<2x3200xf32, #tpu.memory_space<vmem>>
            %get3A_1120 = arith.index_cast %get3A_1115 : i32 to index
            %get3A_1121 = arith.index_cast %add3A_1114 : i32 to index
            %get3A_1122 = tpu.vector_load %get3A_1119[%get3A_1120, %get3A_1121] {strides = array<i32>} : memref<2x3200xf32, #tpu.memory_space<vmem>>, vector<16xf32>,
            %mul3A_1123 = arith.mulf %get3A_1122, %gather3A : vector<16xf32>
            %add3A_1124 = arith.addf %mul3A_1123, %gather3A_759 : vector<16xf32>
            %swap3A_1125 = arith.constant 1 : i32
            %swap3A_1126 = arith.constant 0 : i32
            %swap3A_1127 = arith.constant 0 : i32
            %swap3A_1128 = tpu.memref_slice %arg17[%cond3A_764, %swap3A_1126, %swap3A_1127] : memref<4x2x3200xf32, #tpu.memory_space<vmem>> -> memref<1x2x3200xf32, #tpu.memory_space<vmem>>
            %swap3A_1129 = tpu.memref_squeeze %swap3A_1128 : memref<1x2x3200xf32, #tpu.memory_space<vmem>> -> memref<2x3200xf32, #tpu.memory_space<vmem>>
            %swap3A_1130 = arith.index_cast %swap3A_1125 : i32 to index
            %swap3A_1131 = arith.index_cast %add3A_1114 : i32 to index
            %swap3A_1132 = tpu.vector_load %swap3A_1129[%swap3A_1130, %swap3A_1131] {strides = array<i32>} : memref<2x3200xf32, #tpu.memory_space<vmem>>, vector<16xf32>,
            tpu.vector_store %swap3A_1129[%swap3A_1130, %swap3A_1131], %add3A_1124 {strides = array<i32>} : memref<2x3200xf32, #tpu.memory_space<vmem>>, vector<16xf32>,
            %add3A_1133 = arith.constant 96 : i32
            %add3A_1134 = arith.addi %multiple_of3A_852, %add3A_1133 : i32
            %get3A_1135 = arith.constant 1 : i32
            %get3A_1136 = arith.constant 0 : i32
            %get3A_1137 = arith.constant 0 : i32
            %get3A_1138 = tpu.memref_slice %arg16[%cond3A_763, %get3A_1136, %get3A_1137] : memref<4x2x3200xf32, #tpu.memory_space<vmem>> -> memref<1x2x3200xf32, #tpu.memory_space<vmem>>
            %get3A_1139 = tpu.memref_squeeze %get3A_1138 : memref<1x2x3200xf32, #tpu.memory_space<vmem>> -> memref<2x3200xf32, #tpu.memory_space<vmem>>
            %get3A_1140 = arith.index_cast %get3A_1135 : i32 to index
            %get3A_1141 = arith.index_cast %add3A_1134 : i32 to index
            %get3A_1142 = tpu.vector_load %get3A_1139[%get3A_1140, %get3A_1141] {strides = array<i32>} : memref<2x3200xf32, #tpu.memory_space<vmem>>, vector<16xf32>,
            %mul3A_1143 = arith.mulf %get3A_1142, %gather3A : vector<16xf32>
            %add3A_1144 = arith.addf %mul3A_1143, %gather3A_759 : vector<16xf32>
            %swap3A_1145 = arith.constant 1 : i32
            %swap3A_1146 = arith.constant 0 : i32
            %swap3A_1147 = arith.constant 0 : i32
            %swap3A_1148 = tpu.memref_slice %arg17[%cond3A_764, %swap3A_1146, %swap3A_1147] : memref<4x2x3200xf32, #tpu.memory_space<vmem>> -> memref<1x2x3200xf32, #tpu.memory_space<vmem>>
            %swap3A_1149 = tpu.memref_squeeze %swap3A_1148 : memref<1x2x3200xf32, #tpu.memory_space<vmem>> -> memref<2x3200xf32, #tpu.memory_space<vmem>>
            %swap3A_1150 = arith.index_cast %swap3A_1145 : i32 to index
            %swap3A_1151 = arith.index_cast %add3A_1134 : i32 to index
            %swap3A_1152 = tpu.vector_load %swap3A_1149[%swap3A_1150, %swap3A_1151] {strides = array<i32>} : memref<2x3200xf32, #tpu.memory_space<vmem>>, vector<16xf32>,
            tpu.vector_store %swap3A_1149[%swap3A_1150, %swap3A_1151], %add3A_1144 {strides = array<i32>} : memref<2x3200xf32, #tpu.memory_space<vmem>>, vector<16xf32>,
            %add3A_1153 = arith.constant 112 : i32
            %add3A_1154 = arith.addi %multiple_of3A_852, %add3A_1153 : i32
            %get3A_1155 = arith.constant 1 : i32
            %get3A_1156 = arith.constant 0 : i32
            %get3A_1157 = arith.constant 0 : i32
            %get3A_1158 = tpu.memref_slice %arg16[%cond3A_763, %get3A_1156, %get3A_1157] : memref<4x2x3200xf32, #tpu.memory_space<vmem>> -> memref<1x2x3200xf32, #tpu.memory_space<vmem>>
            %get3A_1159 = tpu.memref_squeeze %get3A_1158 : memref<1x2x3200xf32, #tpu.memory_space<vmem>> -> memref<2x3200xf32, #tpu.memory_space<vmem>>
            %get3A_1160 = arith.index_cast %get3A_1155 : i32 to index
            %get3A_1161 = arith.index_cast %add3A_1154 : i32 to index
            %get3A_1162 = tpu.vector_load %get3A_1159[%get3A_1160, %get3A_1161] {strides = array<i32>} : memref<2x3200xf32, #tpu.memory_space<vmem>>, vector<16xf32>,
            %mul3A_1163 = arith.mulf %get3A_1162, %gather3A : vector<16xf32>
            %add3A_1164 = arith.addf %mul3A_1163, %gather3A_759 : vector<16xf32>
            %swap3A_1165 = arith.constant 1 : i32
            %swap3A_1166 = arith.constant 0 : i32
            %swap3A_1167 = arith.constant 0 : i32
            %swap3A_1168 = tpu.memref_slice %arg17[%cond3A_764, %swap3A_1166, %swap3A_1167] : memref<4x2x3200xf32, #tpu.memory_space<vmem>> -> memref<1x2x3200xf32, #tpu.memory_space<vmem>>
            %swap3A_1169 = tpu.memref_squeeze %swap3A_1168 : memref<1x2x3200xf32, #tpu.memory_space<vmem>> -> memref<2x3200xf32, #tpu.memory_space<vmem>>
            %swap3A_1170 = arith.index_cast %swap3A_1165 : i32 to index
            %swap3A_1171 = arith.index_cast %add3A_1154 : i32 to index
            %swap3A_1172 = tpu.vector_load %swap3A_1169[%swap3A_1170, %swap3A_1171] {strides = array<i32>} : memref<2x3200xf32, #tpu.memory_space<vmem>>, vector<16xf32>,
            tpu.vector_store %swap3A_1169[%swap3A_1170, %swap3A_1171], %add3A_1164 {strides = array<i32>} : memref<2x3200xf32, #tpu.memory_space<vmem>>, vector<16xf32>,
          }
          %scan3A_848 = arith.constant 25 : i32
        } else {
        }
        %eq3A_767 = arith.constant 31 : i32
        %eq3A_768 = arith.cmpi eq, %select_n3A_754, %eq3A_767 : i32
        %convert_element_type3A_769 = arith.extui %eq3A_768 : i1 to i32
        %cond3A_770 = arith.constant 2 : i32
        %cond3A_771 = arith.constant 2 : i32
        %cond3A_772 = arith.constant 0 : i32
        %cond3A_773 = arith.cmpi ne, %convert_element_type3A_769, %cond3A_772 : i32
        scf.if %cond3A_773 {
          %scan3A_843 = arith.constant 0 : i32
          %scan3A_844 = arith.constant 0 : i32
          %scan3A_845 = arith.constant 50 : i32
          %scan3A_846 = arith.addi %scan3A_844, %scan3A_845 : i32
          %scan3A_847 = arith.constant 1 : i32
          scf.for %scan3A_849 = %scan3A_844 to %scan3A_846 step %scan3A_847  : i32 {
            %mul3A_850 = arith.constant 16 : i32
            %mul3A_851 = arith.muli %scan3A_849, %mul3A_850 : i32
            %multiple_of3A_852 = tpu.assume_multiple %mul3A_851, 16 : i32
            %get3A_853 = arith.constant 0 : i32
            %get3A_854 = arith.constant 0 : i32
            %get3A_855 = arith.constant 0 : i32
            %get3A_856 = tpu.memref_slice %arg18[%cond3A_770, %get3A_854, %get3A_855] : memref<4x2x800xf32, #tpu.memory_space<vmem>> -> memref<1x2x800xf32, #tpu.memory_space<vmem>>
            %get3A_857 = tpu.memref_squeeze %get3A_856 : memref<1x2x800xf32, #tpu.memory_space<vmem>> -> memref<2x800xf32, #tpu.memory_space<vmem>>
            %get3A_858 = arith.index_cast %get3A_853 : i32 to index
            %get3A_859 = arith.index_cast %multiple_of3A_852 : i32 to index
            %get3A_860 = tpu.vector_load %get3A_857[%get3A_858, %get3A_859] {strides = array<i32>} : memref<2x800xf32, #tpu.memory_space<vmem>>, vector<16xf32>,
            %mul3A_861 = arith.mulf %get3A_860, %gather3A : vector<16xf32>
            %add3A_862 = arith.addf %mul3A_861, %gather3A_759 : vector<16xf32>
            %swap3A_863 = arith.constant 0 : i32
            %swap3A_864 = arith.constant 0 : i32
            %swap3A_865 = arith.constant 0 : i32
            %swap3A_866 = tpu.memref_slice %arg19[%cond3A_771, %swap3A_864, %swap3A_865] : memref<4x2x800xf32, #tpu.memory_space<vmem>> -> memref<1x2x800xf32, #tpu.memory_space<vmem>>
            %swap3A_867 = tpu.memref_squeeze %swap3A_866 : memref<1x2x800xf32, #tpu.memory_space<vmem>> -> memref<2x800xf32, #tpu.memory_space<vmem>>
            %swap3A_868 = arith.index_cast %swap3A_863 : i32 to index
            %swap3A_869 = arith.index_cast %multiple_of3A_852 : i32 to index
            %swap3A_870 = tpu.vector_load %swap3A_867[%swap3A_868, %swap3A_869] {strides = array<i32>} : memref<2x800xf32, #tpu.memory_space<vmem>>, vector<16xf32>,
            tpu.vector_store %swap3A_867[%swap3A_868, %swap3A_869], %add3A_862 {strides = array<i32>} : memref<2x800xf32, #tpu.memory_space<vmem>>, vector<16xf32>,
            %get3A_871 = arith.constant 1 : i32
            %get3A_872 = arith.constant 0 : i32
            %get3A_873 = arith.constant 0 : i32
            %get3A_874 = tpu.memref_slice %arg18[%cond3A_770, %get3A_872, %get3A_873] : memref<4x2x800xf32, #tpu.memory_space<vmem>> -> memref<1x2x800xf32, #tpu.memory_space<vmem>>
            %get3A_875 = tpu.memref_squeeze %get3A_874 : memref<1x2x800xf32, #tpu.memory_space<vmem>> -> memref<2x800xf32, #tpu.memory_space<vmem>>
            %get3A_876 = arith.index_cast %get3A_871 : i32 to index
            %get3A_877 = arith.index_cast %multiple_of3A_852 : i32 to index
            %get3A_878 = tpu.vector_load %get3A_875[%get3A_876, %get3A_877] {strides = array<i32>} : memref<2x800xf32, #tpu.memory_space<vmem>>, vector<16xf32>,
            %mul3A_879 = arith.mulf %get3A_878, %gather3A : vector<16xf32>
            %add3A_880 = arith.addf %mul3A_879, %gather3A_759 : vector<16xf32>
            %swap3A_881 = arith.constant 1 : i32
            %swap3A_882 = arith.constant 0 : i32
            %swap3A_883 = arith.constant 0 : i32
            %swap3A_884 = tpu.memref_slice %arg19[%cond3A_771, %swap3A_882, %swap3A_883] : memref<4x2x800xf32, #tpu.memory_space<vmem>> -> memref<1x2x800xf32, #tpu.memory_space<vmem>>
            %swap3A_885 = tpu.memref_squeeze %swap3A_884 : memref<1x2x800xf32, #tpu.memory_space<vmem>> -> memref<2x800xf32, #tpu.memory_space<vmem>>
            %swap3A_886 = arith.index_cast %swap3A_881 : i32 to index
            %swap3A_887 = arith.index_cast %multiple_of3A_852 : i32 to index
            %swap3A_888 = tpu.vector_load %swap3A_885[%swap3A_886, %swap3A_887] {strides = array<i32>} : memref<2x800xf32, #tpu.memory_space<vmem>>, vector<16xf32>,
            tpu.vector_store %swap3A_885[%swap3A_886, %swap3A_887], %add3A_880 {strides = array<i32>} : memref<2x800xf32, #tpu.memory_space<vmem>>, vector<16xf32>,
          }
          %scan3A_848 = arith.constant 50 : i32
        } else {
        }
        %mul3A_774 = arith.constant 32 : i32
        %mul3A_775 = arith.muli %add3A_631, %mul3A_774 : i32
        %add3A_776 = arith.addi %mul3A_775, %add3A : i32
        %jit3A_777 = arith.constant 32 : i32
        %div3A_778 = arith.divsi %add3A_776, %jit3A_777 : i32
        %sign3A_779 = arith.constant 0 : i32
        %sign3A_780 = arith.cmpi sgt, %add3A_776, %sign3A_779 : i32
        %sign3A_781 = arith.extui %sign3A_780 : i1 to i32
        %sign3A_782 = arith.constant 0 : i32
        %sign3A_783 = arith.cmpi slt, %add3A_776, %sign3A_782 : i32
        %sign3A_784 = arith.extui %sign3A_783 : i1 to i32
        %sign3A_785 = arith.subi %sign3A_781, %sign3A_784 : i32
        %sign3A_786 = arith.constant 0 : i32
        %sign3A_787 = arith.cmpi sgt, %jit3A_777, %sign3A_786 : i32
        %sign3A_788 = arith.extui %sign3A_787 : i1 to i32
        %sign3A_789 = arith.constant 0 : i32
        %sign3A_790 = arith.cmpi slt, %jit3A_777, %sign3A_789 : i32
        %sign3A_791 = arith.extui %sign3A_790 : i1 to i32
        %sign3A_792 = arith.subi %sign3A_788, %sign3A_791 : i32
        %ne3A_793 = arith.cmpi ne, %sign3A_785, %sign3A_792 : i32
        %rem3A_794 = arith.remsi %add3A_776, %jit3A_777 : i32
        %ne3A_795 = arith.constant 0 : i32
        %ne3A_796 = arith.cmpi ne, %rem3A_794, %ne3A_795 : i32
        %and3A_797 = arith.andi %ne3A_793, %ne3A_796 : i1
        %sub3A_798 = arith.constant 1 : i32
        %sub3A_799 = arith.subi %div3A_778, %sub3A_798 : i32
        %select_n3A_800 = arith.select %and3A_797, %sub3A_799, %div3A_778 : i32
        %jit3A_801 = arith.constant 32 : i32
        %eq3A_802 = arith.constant 0 : i32
        %eq3A_803 = arith.cmpi eq, %jit3A_801, %eq3A_802 : i32
        %jit3A_804 = arith.constant 1 : i32
        %select_n3A_805 = arith.select %eq3A_803, %jit3A_804, %jit3A_801 : i32
        %rem3A_806 = arith.remsi %add3A_776, %select_n3A_805 : i32
        %ne3A_807 = arith.constant 0 : i32
        %ne3A_808 = arith.cmpi ne, %rem3A_806, %ne3A_807 : i32
        %lt3A_809 = arith.constant 0 : i32
        %lt3A_810 = arith.cmpi slt, %rem3A_806, %lt3A_809 : i32
        %lt3A_811 = arith.constant 0 : i32
        %lt3A_812 = arith.cmpi slt, %select_n3A_805, %lt3A_811 : i32
        %ne3A_813 = arith.xori %lt3A_810, %lt3A_812 : i1
        %and3A_814 = arith.andi %ne3A_813, %ne3A_808 : i1
        %add3A_815 = arith.addi %rem3A_806, %select_n3A_805 : i32
        %select_n3A_816 = arith.select %and3A_814, %add3A_815, %rem3A_806 : i32
        %jit3A_817 = arith.constant 0 : i32
        %jit3A_818 = arith.constant 30 : i32
        %max3A_819 = arith.maxsi %jit3A_817, %select_n3A_816 : i32
        %min3A_820 = arith.minsi %jit3A_818, %max3A_819 : i32
        %mul3A_821 = arith.constant 3200 : i32
        %mul3A_822 = arith.muli %min3A_820, %mul3A_821 : i32
        %multiple_of3A_823 = tpu.assume_multiple %mul3A_822, 128 : i32
        %lt3A_824 = arith.constant 31 : i32
        %lt3A_825 = arith.cmpi slt, %select_n3A_816, %lt3A_824 : i32
        %convert_element_type3A_826 = arith.extui %lt3A_825 : i1 to i32
        %cond3A_827 = arith.constant 2 : i32
        %cond3A_828 = arith.constant 0 : i32
        %cond3A_829 = arith.cmpi ne, %convert_element_type3A_826, %cond3A_828 : i32
        scf.if %cond3A_829 {
          %dma_start3A = arith.constant 0 : i32
          %dma_start3A_843 = arith.constant 0 : i32
          %dma_start3A_844 = tpu.memref_slice %arg17[%cond3A_827, %dma_start3A, %dma_start3A_843] : memref<4x2x3200xf32, #tpu.memory_space<vmem>> -> memref<1x2x3200xf32, #tpu.memory_space<vmem>>
          %dma_start3A_845 = tpu.memref_squeeze %dma_start3A_844 : memref<1x2x3200xf32, #tpu.memory_space<vmem>> -> memref<2x3200xf32, #tpu.memory_space<vmem>>
          %dma_start3A_846 = arith.constant 0 : i32
          %dma_start3A_847 = tpu.memref_slice %arg8[%select_n3A_800, %dma_start3A_846, %multiple_of3A_823] : memref<98x2x100000xf32, #tpu.memory_space<hbm>> -> memref<1x2x3200xf32, #tpu.memory_space<hbm>>
          %dma_start3A_848 = tpu.memref_squeeze %dma_start3A_847 : memref<1x2x3200xf32, #tpu.memory_space<hbm>> -> memref<2x3200xf32, #tpu.memory_space<hbm>>
          %dma_start3A_849 = arith.constant 0 : i32
          %dma_start3A_850 = tpu.memref_slice %arg8[%select_n3A_800, %dma_start3A_849, %multiple_of3A_823] : memref<98x2x100000xf32, #tpu.memory_space<hbm>> -> memref<1x2x3200xf32, #tpu.memory_space<hbm>>
          %dma_start3A_851 = tpu.memref_squeeze %dma_start3A_850 : memref<1x2x3200xf32, #tpu.memory_space<hbm>> -> memref<2x3200xf32, #tpu.memory_space<hbm>>
          %dma_start3A_852 = arith.constant 0 : i32
          %dma_start3A_853 = arith.constant 0 : i32
          %dma_start3A_854 = tpu.memref_slice %arg17[%cond3A_827, %dma_start3A_852, %dma_start3A_853] : memref<4x2x3200xf32, #tpu.memory_space<vmem>> -> memref<1x2x3200xf32, #tpu.memory_space<vmem>>
          %dma_start3A_855 = tpu.memref_squeeze %dma_start3A_854 : memref<1x2x3200xf32, #tpu.memory_space<vmem>> -> memref<2x3200xf32, #tpu.memory_space<vmem>>
          tpu.enqueue_dma source(%dma_start3A_855 : memref<2x3200xf32, #tpu.memory_space<vmem>>) target(%dma_start3A_851 : memref<2x3200xf32, #tpu.memory_space<hbm>>) target_semaphore(%arg26 : memref<!tpu.dma_semaphore, #tpu.memory_space<semaphore_mem>>)
        } else {
        }
        %eq3A_830 = arith.constant 31 : i32
        %eq3A_831 = arith.cmpi eq, %select_n3A_816, %eq3A_830 : i32
        %convert_element_type3A_832 = arith.extui %eq3A_831 : i1 to i32
        %cond3A_833 = arith.constant 2 : i32
        %cond3A_834 = arith.constant 0 : i32
        %cond3A_835 = arith.cmpi ne, %convert_element_type3A_832, %cond3A_834 : i32
        scf.if %cond3A_835 {
          %dma_start3A = arith.constant 0 : i32
          %dma_start3A_843 = arith.constant 0 : i32
          %dma_start3A_844 = tpu.memref_slice %arg19[%cond3A_833, %dma_start3A, %dma_start3A_843] : memref<4x2x800xf32, #tpu.memory_space<vmem>> -> memref<1x2x800xf32, #tpu.memory_space<vmem>>
          %dma_start3A_845 = tpu.memref_squeeze %dma_start3A_844 : memref<1x2x800xf32, #tpu.memory_space<vmem>> -> memref<2x800xf32, #tpu.memory_space<vmem>>
          %dma_start3A_846 = arith.constant 0 : i32
          %dma_start3A_847 = arith.constant 99200 : i32
          %dma_start3A_848 = tpu.memref_slice %arg8[%select_n3A_800, %dma_start3A_846, %dma_start3A_847] : memref<98x2x100000xf32, #tpu.memory_space<hbm>> -> memref<1x2x800xf32, #tpu.memory_space<hbm>>
          %dma_start3A_849 = tpu.memref_squeeze %dma_start3A_848 : memref<1x2x800xf32, #tpu.memory_space<hbm>> -> memref<2x800xf32, #tpu.memory_space<hbm>>
          %dma_start3A_850 = arith.constant 0 : i32
          %dma_start3A_851 = arith.constant 99200 : i32
          %dma_start3A_852 = tpu.memref_slice %arg8[%select_n3A_800, %dma_start3A_850, %dma_start3A_851] : memref<98x2x100000xf32, #tpu.memory_space<hbm>> -> memref<1x2x800xf32, #tpu.memory_space<hbm>>
          %dma_start3A_853 = tpu.memref_squeeze %dma_start3A_852 : memref<1x2x800xf32, #tpu.memory_space<hbm>> -> memref<2x800xf32, #tpu.memory_space<hbm>>
          %dma_start3A_854 = arith.constant 0 : i32
          %dma_start3A_855 = arith.constant 0 : i32
          %dma_start3A_856 = tpu.memref_slice %arg19[%cond3A_833, %dma_start3A_854, %dma_start3A_855] : memref<4x2x800xf32, #tpu.memory_space<vmem>> -> memref<1x2x800xf32, #tpu.memory_space<vmem>>
          %dma_start3A_857 = tpu.memref_squeeze %dma_start3A_856 : memref<1x2x800xf32, #tpu.memory_space<vmem>> -> memref<2x800xf32, #tpu.memory_space<vmem>>
          tpu.enqueue_dma source(%dma_start3A_857 : memref<2x800xf32, #tpu.memory_space<vmem>>) target(%dma_start3A_853 : memref<2x800xf32, #tpu.memory_space<hbm>>) target_semaphore(%arg26 : memref<!tpu.dma_semaphore, #tpu.memory_space<semaphore_mem>>)
        } else {
        }
        %add3A_836 = arith.constant 4 : i32
        %add3A_837 = arith.addi %add3A_631, %add3A_836 : i32
        %lt3A_838 = arith.constant 98 : i32
        %lt3A_839 = arith.cmpi slt, %add3A_837, %lt3A_838 : i32
        %convert_element_type3A_840 = arith.extui %lt3A_839 : i1 to i32
        %cond3A_841 = arith.constant 0 : i32
        %cond3A_842 = arith.cmpi ne, %convert_element_type3A_840, %cond3A_841 : i32
        scf.if %cond3A_842 {
          %add3A_843 = arith.constant 4 : i32
          %add3A_844 = arith.addi %add3A_631, %add3A_843 : i32
          %mul3A_845 = arith.constant 32 : i32
          %mul3A_846 = arith.muli %add3A_844, %mul3A_845 : i32
          %add3A_847 = arith.addi %mul3A_846, %add3A : i32
          %jit3A_848 = arith.constant 32 : i32
          %div3A_849 = arith.divsi %add3A_847, %jit3A_848 : i32
          %sign3A_850 = arith.constant 0 : i32
          %sign3A_851 = arith.cmpi sgt, %add3A_847, %sign3A_850 : i32
          %sign3A_852 = arith.extui %sign3A_851 : i1 to i32
          %sign3A_853 = arith.constant 0 : i32
          %sign3A_854 = arith.cmpi slt, %add3A_847, %sign3A_853 : i32
          %sign3A_855 = arith.extui %sign3A_854 : i1 to i32
          %sign3A_856 = arith.subi %sign3A_852, %sign3A_855 : i32
          %sign3A_857 = arith.constant 0 : i32
          %sign3A_858 = arith.cmpi sgt, %jit3A_848, %sign3A_857 : i32
          %sign3A_859 = arith.extui %sign3A_858 : i1 to i32
          %sign3A_860 = arith.constant 0 : i32
          %sign3A_861 = arith.cmpi slt, %jit3A_848, %sign3A_860 : i32
          %sign3A_862 = arith.extui %sign3A_861 : i1 to i32
          %sign3A_863 = arith.subi %sign3A_859, %sign3A_862 : i32
          %ne3A_864 = arith.cmpi ne, %sign3A_856, %sign3A_863 : i32
          %rem3A_865 = arith.remsi %add3A_847, %jit3A_848 : i32
          %ne3A_866 = arith.constant 0 : i32
          %ne3A_867 = arith.cmpi ne, %rem3A_865, %ne3A_866 : i32
          %and3A_868 = arith.andi %ne3A_864, %ne3A_867 : i1
          %sub3A_869 = arith.constant 1 : i32
          %sub3A_870 = arith.subi %div3A_849, %sub3A_869 : i32
          %select_n3A_871 = arith.select %and3A_868, %sub3A_870, %div3A_849 : i32
          %jit3A_872 = arith.constant 32 : i32
          %eq3A_873 = arith.constant 0 : i32
          %eq3A_874 = arith.cmpi eq, %jit3A_872, %eq3A_873 : i32
          %jit3A_875 = arith.constant 1 : i32
          %select_n3A_876 = arith.select %eq3A_874, %jit3A_875, %jit3A_872 : i32
          %rem3A_877 = arith.remsi %add3A_847, %select_n3A_876 : i32
          %ne3A_878 = arith.constant 0 : i32
          %ne3A_879 = arith.cmpi ne, %rem3A_877, %ne3A_878 : i32
          %lt3A_880 = arith.constant 0 : i32
          %lt3A_881 = arith.cmpi slt, %rem3A_877, %lt3A_880 : i32
          %lt3A_882 = arith.constant 0 : i32
          %lt3A_883 = arith.cmpi slt, %select_n3A_876, %lt3A_882 : i32
          %ne3A_884 = arith.xori %lt3A_881, %lt3A_883 : i1
          %and3A_885 = arith.andi %ne3A_884, %ne3A_879 : i1
          %add3A_886 = arith.addi %rem3A_877, %select_n3A_876 : i32
          %select_n3A_887 = arith.select %and3A_885, %add3A_886, %rem3A_877 : i32
          %jit3A_888 = arith.constant 0 : i32
          %jit3A_889 = arith.constant 30 : i32
          %max3A_890 = arith.maxsi %jit3A_888, %select_n3A_887 : i32
          %min3A_891 = arith.minsi %jit3A_889, %max3A_890 : i32
          %mul3A_892 = arith.constant 3200 : i32
          %mul3A_893 = arith.muli %min3A_891, %mul3A_892 : i32
          %multiple_of3A_894 = tpu.assume_multiple %mul3A_893, 128 : i32
          %lt3A_895 = arith.constant 31 : i32
          %lt3A_896 = arith.cmpi slt, %select_n3A_887, %lt3A_895 : i32
          %convert_element_type3A_897 = arith.extui %lt3A_896 : i1 to i32
          %cond3A_898 = arith.constant 2 : i32
          %cond3A_899 = arith.constant 0 : i32
          %cond3A_900 = arith.cmpi ne, %convert_element_type3A_897, %cond3A_899 : i32
          scf.if %cond3A_900 {
            %dma_start3A = arith.constant 0 : i32
            %dma_start3A_907 = arith.constant 0 : i32
            %dma_start3A_908 = tpu.memref_slice %arg16[%cond3A_898, %dma_start3A, %dma_start3A_907] : memref<4x2x3200xf32, #tpu.memory_space<vmem>> -> memref<1x2x3200xf32, #tpu.memory_space<vmem>>
            %dma_start3A_909 = tpu.memref_squeeze %dma_start3A_908 : memref<1x2x3200xf32, #tpu.memory_space<vmem>> -> memref<2x3200xf32, #tpu.memory_space<vmem>>
            %dma_start3A_910 = arith.constant 0 : i32
            %dma_start3A_911 = tpu.memref_slice %arg2[%select_n3A_871, %dma_start3A_910, %multiple_of3A_894] : memref<98x2x100000xf32, #tpu.memory_space<hbm>> -> memref<1x2x3200xf32, #tpu.memory_space<hbm>>
            %dma_start3A_912 = tpu.memref_squeeze %dma_start3A_911 : memref<1x2x3200xf32, #tpu.memory_space<hbm>> -> memref<2x3200xf32, #tpu.memory_space<hbm>>
            %dma_start3A_913 = arith.constant 0 : i32
            %dma_start3A_914 = arith.constant 0 : i32
            %dma_start3A_915 = tpu.memref_slice %arg16[%cond3A_898, %dma_start3A_913, %dma_start3A_914] : memref<4x2x3200xf32, #tpu.memory_space<vmem>> -> memref<1x2x3200xf32, #tpu.memory_space<vmem>>
            %dma_start3A_916 = tpu.memref_squeeze %dma_start3A_915 : memref<1x2x3200xf32, #tpu.memory_space<vmem>> -> memref<2x3200xf32, #tpu.memory_space<vmem>>
            %dma_start3A_917 = arith.constant 0 : i32
            %dma_start3A_918 = tpu.memref_slice %arg2[%select_n3A_871, %dma_start3A_917, %multiple_of3A_894] : memref<98x2x100000xf32, #tpu.memory_space<hbm>> -> memref<1x2x3200xf32, #tpu.memory_space<hbm>>
            %dma_start3A_919 = tpu.memref_squeeze %dma_start3A_918 : memref<1x2x3200xf32, #tpu.memory_space<hbm>> -> memref<2x3200xf32, #tpu.memory_space<hbm>>
            tpu.enqueue_dma source(%dma_start3A_919 : memref<2x3200xf32, #tpu.memory_space<hbm>>) target(%dma_start3A_916 : memref<2x3200xf32, #tpu.memory_space<vmem>>) target_semaphore(%arg22 : memref<!tpu.dma_semaphore, #tpu.memory_space<semaphore_mem>>)
          } else {
          }
          %eq3A_901 = arith.constant 31 : i32
          %eq3A_902 = arith.cmpi eq, %select_n3A_887, %eq3A_901 : i32
          %convert_element_type3A_903 = arith.extui %eq3A_902 : i1 to i32
          %cond3A_904 = arith.constant 2 : i32
          %cond3A_905 = arith.constant 0 : i32
          %cond3A_906 = arith.cmpi ne, %convert_element_type3A_903, %cond3A_905 : i32
          scf.if %cond3A_906 {
            %dma_start3A = arith.constant 0 : i32
            %dma_start3A_907 = arith.constant 0 : i32
            %dma_start3A_908 = tpu.memref_slice %arg18[%cond3A_904, %dma_start3A, %dma_start3A_907] : memref<4x2x800xf32, #tpu.memory_space<vmem>> -> memref<1x2x800xf32, #tpu.memory_space<vmem>>
            %dma_start3A_909 = tpu.memref_squeeze %dma_start3A_908 : memref<1x2x800xf32, #tpu.memory_space<vmem>> -> memref<2x800xf32, #tpu.memory_space<vmem>>
            %dma_start3A_910 = arith.constant 0 : i32
            %dma_start3A_911 = arith.constant 99200 : i32
            %dma_start3A_912 = tpu.memref_slice %arg2[%select_n3A_871, %dma_start3A_910, %dma_start3A_911] : memref<98x2x100000xf32, #tpu.memory_space<hbm>> -> memref<1x2x800xf32, #tpu.memory_space<hbm>>
            %dma_start3A_913 = tpu.memref_squeeze %dma_start3A_912 : memref<1x2x800xf32, #tpu.memory_space<hbm>> -> memref<2x800xf32, #tpu.memory_space<hbm>>
            %dma_start3A_914 = arith.constant 0 : i32
            %dma_start3A_915 = arith.constant 0 : i32
            %dma_start3A_916 = tpu.memref_slice %arg18[%cond3A_904, %dma_start3A_914, %dma_start3A_915] : memref<4x2x800xf32, #tpu.memory_space<vmem>> -> memref<1x2x800xf32, #tpu.memory_space<vmem>>
            %dma_start3A_917 = tpu.memref_squeeze %dma_start3A_916 : memref<1x2x800xf32, #tpu.memory_space<vmem>> -> memref<2x800xf32, #tpu.memory_space<vmem>>
            %dma_start3A_918 = arith.constant 0 : i32
            %dma_start3A_919 = arith.constant 99200 : i32
            %dma_start3A_920 = tpu.memref_slice %arg2[%select_n3A_871, %dma_start3A_918, %dma_start3A_919] : memref<98x2x100000xf32, #tpu.memory_space<hbm>> -> memref<1x2x800xf32, #tpu.memory_space<hbm>>
            %dma_start3A_921 = tpu.memref_squeeze %dma_start3A_920 : memref<1x2x800xf32, #tpu.memory_space<hbm>> -> memref<2x800xf32, #tpu.memory_space<hbm>>
            tpu.enqueue_dma source(%dma_start3A_921 : memref<2x800xf32, #tpu.memory_space<hbm>>) target(%dma_start3A_917 : memref<2x800xf32, #tpu.memory_space<vmem>>) target_semaphore(%arg22 : memref<!tpu.dma_semaphore, #tpu.memory_space<semaphore_mem>>)
          } else {
          }
        } else {
        }
      } else {
      }
      %mul3A_637 = arith.constant 4 : i32
      %mul3A_638 = arith.muli %scan3A_609, %mul3A_637 : i32
      %add3A_639 = arith.constant 3 : i32
      %add3A_640 = arith.addi %mul3A_638, %add3A_639 : i32
      %lt3A_641 = arith.constant 98 : i32
      %lt3A_642 = arith.cmpi slt, %add3A_640, %lt3A_641 : i32
      %convert_element_type3A_643 = arith.extui %lt3A_642 : i1 to i32
      %cond3A_644 = arith.constant 0 : i32
      %cond3A_645 = arith.cmpi ne, %convert_element_type3A_643, %cond3A_644 : i32
      scf.if %cond3A_645 {
        %mul3A_646 = arith.constant 32 : i32
        %mul3A_647 = arith.muli %add3A_640, %mul3A_646 : i32
        %add3A_648 = arith.addi %mul3A_647, %add3A : i32
        %jit3A_649 = arith.constant 32 : i32
        %div3A_650 = arith.divsi %add3A_648, %jit3A_649 : i32
        %sign3A_651 = arith.constant 0 : i32
        %sign3A_652 = arith.cmpi sgt, %add3A_648, %sign3A_651 : i32
        %sign3A_653 = arith.extui %sign3A_652 : i1 to i32
        %sign3A_654 = arith.constant 0 : i32
        %sign3A_655 = arith.cmpi slt, %add3A_648, %sign3A_654 : i32
        %sign3A_656 = arith.extui %sign3A_655 : i1 to i32
        %sign3A_657 = arith.subi %sign3A_653, %sign3A_656 : i32
        %sign3A_658 = arith.constant 0 : i32
        %sign3A_659 = arith.cmpi sgt, %jit3A_649, %sign3A_658 : i32
        %sign3A_660 = arith.extui %sign3A_659 : i1 to i32
        %sign3A_661 = arith.constant 0 : i32
        %sign3A_662 = arith.cmpi slt, %jit3A_649, %sign3A_661 : i32
        %sign3A_663 = arith.extui %sign3A_662 : i1 to i32
        %sign3A_664 = arith.subi %sign3A_660, %sign3A_663 : i32
        %ne3A_665 = arith.cmpi ne, %sign3A_657, %sign3A_664 : i32
        %rem3A_666 = arith.remsi %add3A_648, %jit3A_649 : i32
        %ne3A_667 = arith.constant 0 : i32
        %ne3A_668 = arith.cmpi ne, %rem3A_666, %ne3A_667 : i32
        %and3A_669 = arith.andi %ne3A_665, %ne3A_668 : i1
        %sub3A_670 = arith.constant 1 : i32
        %sub3A_671 = arith.subi %div3A_650, %sub3A_670 : i32
        %select_n3A_672 = arith.select %and3A_669, %sub3A_671, %div3A_650 : i32
        %jit3A_673 = arith.constant 32 : i32
        %eq3A_674 = arith.constant 0 : i32
        %eq3A_675 = arith.cmpi eq, %jit3A_673, %eq3A_674 : i32
        %jit3A_676 = arith.constant 1 : i32
        %select_n3A_677 = arith.select %eq3A_675, %jit3A_676, %jit3A_673 : i32
        %rem3A_678 = arith.remsi %add3A_648, %select_n3A_677 : i32
        %ne3A_679 = arith.constant 0 : i32
        %ne3A_680 = arith.cmpi ne, %rem3A_678, %ne3A_679 : i32
        %lt3A_681 = arith.constant 0 : i32
        %lt3A_682 = arith.cmpi slt, %rem3A_678, %lt3A_681 : i32
        %lt3A_683 = arith.constant 0 : i32
        %lt3A_684 = arith.cmpi slt, %select_n3A_677, %lt3A_683 : i32
        %ne3A_685 = arith.xori %lt3A_682, %lt3A_684 : i1
        %and3A_686 = arith.andi %ne3A_685, %ne3A_680 : i1
        %add3A_687 = arith.addi %rem3A_678, %select_n3A_677 : i32
        %select_n3A_688 = arith.select %and3A_686, %add3A_687, %rem3A_678 : i32
        %jit3A_689 = arith.constant 0 : i32
        %jit3A_690 = arith.constant 30 : i32
        %max3A_691 = arith.maxsi %jit3A_689, %select_n3A_688 : i32
        %min3A_692 = arith.minsi %jit3A_690, %max3A_691 : i32
        %mul3A_693 = arith.constant 3200 : i32
        %mul3A_694 = arith.muli %min3A_692, %mul3A_693 : i32
        %multiple_of3A_695 = tpu.assume_multiple %mul3A_694, 128 : i32
        %lt3A_696 = arith.constant 31 : i32
        %lt3A_697 = arith.cmpi slt, %select_n3A_688, %lt3A_696 : i32
        %convert_element_type3A_698 = arith.extui %lt3A_697 : i1 to i32
        %cond3A_699 = arith.constant 3 : i32
        %cond3A_700 = arith.constant 0 : i32
        %cond3A_701 = arith.cmpi ne, %convert_element_type3A_698, %cond3A_700 : i32
        scf.if %cond3A_701 {
          %dma_wait3A = arith.constant 0 : i32
          %dma_wait3A_843 = arith.constant 0 : i32
          %dma_wait3A_844 = tpu.memref_slice %arg16[%cond3A_699, %dma_wait3A, %dma_wait3A_843] : memref<4x2x3200xf32, #tpu.memory_space<vmem>> -> memref<1x2x3200xf32, #tpu.memory_space<vmem>>
          %dma_wait3A_845 = tpu.memref_squeeze %dma_wait3A_844 : memref<1x2x3200xf32, #tpu.memory_space<vmem>> -> memref<2x3200xf32, #tpu.memory_space<vmem>>
          %dma_wait3A_846 = arith.constant 0 : i32
          %dma_wait3A_847 = tpu.memref_slice %arg2[%select_n3A_672, %dma_wait3A_846, %multiple_of3A_695] : memref<98x2x100000xf32, #tpu.memory_space<hbm>> -> memref<1x2x3200xf32, #tpu.memory_space<hbm>>
          %dma_wait3A_848 = tpu.memref_squeeze %dma_wait3A_847 : memref<1x2x3200xf32, #tpu.memory_space<hbm>> -> memref<2x3200xf32, #tpu.memory_space<hbm>>
          %dma_wait3A_849 = arith.constant 0 : i32
          %dma_wait3A_850 = arith.constant 0 : i32
          %dma_wait3A_851 = tpu.memref_slice %arg16[%cond3A_699, %dma_wait3A_849, %dma_wait3A_850] : memref<4x2x3200xf32, #tpu.memory_space<vmem>> -> memref<1x2x3200xf32, #tpu.memory_space<vmem>>
          %dma_wait3A_852 = tpu.memref_squeeze %dma_wait3A_851 : memref<1x2x3200xf32, #tpu.memory_space<vmem>> -> memref<2x3200xf32, #tpu.memory_space<vmem>>
          %dma_wait3A_853 = arith.constant 0 : i32
          %dma_wait3A_854 = tpu.memref_slice %arg2[%select_n3A_672, %dma_wait3A_853, %multiple_of3A_695] : memref<98x2x100000xf32, #tpu.memory_space<hbm>> -> memref<1x2x3200xf32, #tpu.memory_space<hbm>>
          %dma_wait3A_855 = tpu.memref_squeeze %dma_wait3A_854 : memref<1x2x3200xf32, #tpu.memory_space<hbm>> -> memref<2x3200xf32, #tpu.memory_space<hbm>>
          tpu.wait_dma2 semaphore(%arg23 : memref<!tpu.dma_semaphore, #tpu.memory_space<semaphore_mem>>) src(%dma_wait3A_855 : memref<2x3200xf32, #tpu.memory_space<hbm>>) dst(%dma_wait3A_852 : memref<2x3200xf32, #tpu.memory_space<vmem>>)
        } else {
        }
        %eq3A_702 = arith.constant 31 : i32
        %eq3A_703 = arith.cmpi eq, %select_n3A_688, %eq3A_702 : i32
        %convert_element_type3A_704 = arith.extui %eq3A_703 : i1 to i32
        %cond3A_705 = arith.constant 3 : i32
        %cond3A_706 = arith.constant 0 : i32
        %cond3A_707 = arith.cmpi ne, %convert_element_type3A_704, %cond3A_706 : i32
        scf.if %cond3A_707 {
          %dma_wait3A = arith.constant 0 : i32
          %dma_wait3A_843 = arith.constant 0 : i32
          %dma_wait3A_844 = tpu.memref_slice %arg18[%cond3A_705, %dma_wait3A, %dma_wait3A_843] : memref<4x2x800xf32, #tpu.memory_space<vmem>> -> memref<1x2x800xf32, #tpu.memory_space<vmem>>
          %dma_wait3A_845 = tpu.memref_squeeze %dma_wait3A_844 : memref<1x2x800xf32, #tpu.memory_space<vmem>> -> memref<2x800xf32, #tpu.memory_space<vmem>>
          %dma_wait3A_846 = arith.constant 0 : i32
          %dma_wait3A_847 = arith.constant 99200 : i32
          %dma_wait3A_848 = tpu.memref_slice %arg2[%select_n3A_672, %dma_wait3A_846, %dma_wait3A_847] : memref<98x2x100000xf32, #tpu.memory_space<hbm>> -> memref<1x2x800xf32, #tpu.memory_space<hbm>>
          %dma_wait3A_849 = tpu.memref_squeeze %dma_wait3A_848 : memref<1x2x800xf32, #tpu.memory_space<hbm>> -> memref<2x800xf32, #tpu.memory_space<hbm>>
          %dma_wait3A_850 = arith.constant 0 : i32
          %dma_wait3A_851 = arith.constant 0 : i32
          %dma_wait3A_852 = tpu.memref_slice %arg18[%cond3A_705, %dma_wait3A_850, %dma_wait3A_851] : memref<4x2x800xf32, #tpu.memory_space<vmem>> -> memref<1x2x800xf32, #tpu.memory_space<vmem>>
          %dma_wait3A_853 = tpu.memref_squeeze %dma_wait3A_852 : memref<1x2x800xf32, #tpu.memory_space<vmem>> -> memref<2x800xf32, #tpu.memory_space<vmem>>
          %dma_wait3A_854 = arith.constant 0 : i32
          %dma_wait3A_855 = arith.constant 99200 : i32
          %dma_wait3A_856 = tpu.memref_slice %arg2[%select_n3A_672, %dma_wait3A_854, %dma_wait3A_855] : memref<98x2x100000xf32, #tpu.memory_space<hbm>> -> memref<1x2x800xf32, #tpu.memory_space<hbm>>
          %dma_wait3A_857 = tpu.memref_squeeze %dma_wait3A_856 : memref<1x2x800xf32, #tpu.memory_space<hbm>> -> memref<2x800xf32, #tpu.memory_space<hbm>>
          tpu.wait_dma2 semaphore(%arg23 : memref<!tpu.dma_semaphore, #tpu.memory_space<semaphore_mem>>) src(%dma_wait3A_857 : memref<2x800xf32, #tpu.memory_space<hbm>>) dst(%dma_wait3A_853 : memref<2x800xf32, #tpu.memory_space<vmem>>)
        } else {
        }
        %gt3A = arith.constant 0 : i32
        %gt3A_708 = arith.cmpi sgt, %scan3A_609, %gt3A : i32
        %convert_element_type3A_709 = arith.extui %gt3A_708 : i1 to i32
        %cond3A_710 = arith.constant 0 : i32
        %cond3A_711 = arith.cmpi ne, %convert_element_type3A_709, %cond3A_710 : i32
        scf.if %cond3A_711 {
          %sub3A_843 = arith.constant 4 : i32
          %sub3A_844 = arith.subi %add3A_640, %sub3A_843 : i32
          %mul3A_845 = arith.constant 32 : i32
          %mul3A_846 = arith.muli %sub3A_844, %mul3A_845 : i32
          %add3A_847 = arith.addi %mul3A_846, %add3A : i32
          %jit3A_848 = arith.constant 32 : i32
          %div3A_849 = arith.divsi %add3A_847, %jit3A_848 : i32
          %sign3A_850 = arith.constant 0 : i32
          %sign3A_851 = arith.cmpi sgt, %add3A_847, %sign3A_850 : i32
          %sign3A_852 = arith.extui %sign3A_851 : i1 to i32
          %sign3A_853 = arith.constant 0 : i32
          %sign3A_854 = arith.cmpi slt, %add3A_847, %sign3A_853 : i32
          %sign3A_855 = arith.extui %sign3A_854 : i1 to i32
          %sign3A_856 = arith.subi %sign3A_852, %sign3A_855 : i32
          %sign3A_857 = arith.constant 0 : i32
          %sign3A_858 = arith.cmpi sgt, %jit3A_848, %sign3A_857 : i32
          %sign3A_859 = arith.extui %sign3A_858 : i1 to i32
          %sign3A_860 = arith.constant 0 : i32
          %sign3A_861 = arith.cmpi slt, %jit3A_848, %sign3A_860 : i32
          %sign3A_862 = arith.extui %sign3A_861 : i1 to i32
          %sign3A_863 = arith.subi %sign3A_859, %sign3A_862 : i32
          %ne3A_864 = arith.cmpi ne, %sign3A_856, %sign3A_863 : i32
          %rem3A_865 = arith.remsi %add3A_847, %jit3A_848 : i32
          %ne3A_866 = arith.constant 0 : i32
          %ne3A_867 = arith.cmpi ne, %rem3A_865, %ne3A_866 : i32
          %and3A_868 = arith.andi %ne3A_864, %ne3A_867 : i1
          %sub3A_869 = arith.constant 1 : i32
          %sub3A_870 = arith.subi %div3A_849, %sub3A_869 : i32
          %select_n3A_871 = arith.select %and3A_868, %sub3A_870, %div3A_849 : i32
          %jit3A_872 = arith.constant 32 : i32
          %eq3A_873 = arith.constant 0 : i32
          %eq3A_874 = arith.cmpi eq, %jit3A_872, %eq3A_873 : i32
          %jit3A_875 = arith.constant 1 : i32
          %select_n3A_876 = arith.select %eq3A_874, %jit3A_875, %jit3A_872 : i32
          %rem3A_877 = arith.remsi %add3A_847, %select_n3A_876 : i32
          %ne3A_878 = arith.constant 0 : i32
          %ne3A_879 = arith.cmpi ne, %rem3A_877, %ne3A_878 : i32
          %lt3A_880 = arith.constant 0 : i32
          %lt3A_881 = arith.cmpi slt, %rem3A_877, %lt3A_880 : i32
          %lt3A_882 = arith.constant 0 : i32
          %lt3A_883 = arith.cmpi slt, %select_n3A_876, %lt3A_882 : i32
          %ne3A_884 = arith.xori %lt3A_881, %lt3A_883 : i1
          %and3A_885 = arith.andi %ne3A_884, %ne3A_879 : i1
          %add3A_886 = arith.addi %rem3A_877, %select_n3A_876 : i32
          %select_n3A_887 = arith.select %and3A_885, %add3A_886, %rem3A_877 : i32
          %jit3A_888 = arith.constant 0 : i32
          %jit3A_889 = arith.constant 30 : i32
          %max3A_890 = arith.maxsi %jit3A_888, %select_n3A_887 : i32
          %min3A_891 = arith.minsi %jit3A_889, %max3A_890 : i32
          %mul3A_892 = arith.constant 3200 : i32
          %mul3A_893 = arith.muli %min3A_891, %mul3A_892 : i32
          %multiple_of3A_894 = tpu.assume_multiple %mul3A_893, 128 : i32
          %lt3A_895 = arith.constant 31 : i32
          %lt3A_896 = arith.cmpi slt, %select_n3A_887, %lt3A_895 : i32
          %convert_element_type3A_897 = arith.extui %lt3A_896 : i1 to i32
          %cond3A_898 = arith.constant 3 : i32
          %cond3A_899 = arith.constant 0 : i32
          %cond3A_900 = arith.cmpi ne, %convert_element_type3A_897, %cond3A_899 : i32
          scf.if %cond3A_900 {
            %dma_wait3A = arith.constant 0 : i32
            %dma_wait3A_907 = arith.constant 0 : i32
            %dma_wait3A_908 = tpu.memref_slice %arg17[%cond3A_898, %dma_wait3A, %dma_wait3A_907] : memref<4x2x3200xf32, #tpu.memory_space<vmem>> -> memref<1x2x3200xf32, #tpu.memory_space<vmem>>
            %dma_wait3A_909 = tpu.memref_squeeze %dma_wait3A_908 : memref<1x2x3200xf32, #tpu.memory_space<vmem>> -> memref<2x3200xf32, #tpu.memory_space<vmem>>
            %dma_wait3A_910 = arith.constant 0 : i32
            %dma_wait3A_911 = tpu.memref_slice %arg8[%select_n3A_871, %dma_wait3A_910, %multiple_of3A_894] : memref<98x2x100000xf32, #tpu.memory_space<hbm>> -> memref<1x2x3200xf32, #tpu.memory_space<hbm>>
            %dma_wait3A_912 = tpu.memref_squeeze %dma_wait3A_911 : memref<1x2x3200xf32, #tpu.memory_space<hbm>> -> memref<2x3200xf32, #tpu.memory_space<hbm>>
            %dma_wait3A_913 = arith.constant 0 : i32
            %dma_wait3A_914 = tpu.memref_slice %arg8[%select_n3A_871, %dma_wait3A_913, %multiple_of3A_894] : memref<98x2x100000xf32, #tpu.memory_space<hbm>> -> memref<1x2x3200xf32, #tpu.memory_space<hbm>>
            %dma_wait3A_915 = tpu.memref_squeeze %dma_wait3A_914 : memref<1x2x3200xf32, #tpu.memory_space<hbm>> -> memref<2x3200xf32, #tpu.memory_space<hbm>>
            %dma_wait3A_916 = arith.constant 0 : i32
            %dma_wait3A_917 = arith.constant 0 : i32
            %dma_wait3A_918 = tpu.memref_slice %arg17[%cond3A_898, %dma_wait3A_916, %dma_wait3A_917] : memref<4x2x3200xf32, #tpu.memory_space<vmem>> -> memref<1x2x3200xf32, #tpu.memory_space<vmem>>
            %dma_wait3A_919 = tpu.memref_squeeze %dma_wait3A_918 : memref<1x2x3200xf32, #tpu.memory_space<vmem>> -> memref<2x3200xf32, #tpu.memory_space<vmem>>
            tpu.wait_dma2 semaphore(%arg27 : memref<!tpu.dma_semaphore, #tpu.memory_space<semaphore_mem>>) src(%dma_wait3A_919 : memref<2x3200xf32, #tpu.memory_space<vmem>>) dst(%dma_wait3A_915 : memref<2x3200xf32, #tpu.memory_space<hbm>>)
          } else {
          }
          %eq3A_901 = arith.constant 31 : i32
          %eq3A_902 = arith.cmpi eq, %select_n3A_887, %eq3A_901 : i32
          %convert_element_type3A_903 = arith.extui %eq3A_902 : i1 to i32
          %cond3A_904 = arith.constant 3 : i32
          %cond3A_905 = arith.constant 0 : i32
          %cond3A_906 = arith.cmpi ne, %convert_element_type3A_903, %cond3A_905 : i32
          scf.if %cond3A_906 {
            %dma_wait3A = arith.constant 0 : i32
            %dma_wait3A_907 = arith.constant 0 : i32
            %dma_wait3A_908 = tpu.memref_slice %arg19[%cond3A_904, %dma_wait3A, %dma_wait3A_907] : memref<4x2x800xf32, #tpu.memory_space<vmem>> -> memref<1x2x800xf32, #tpu.memory_space<vmem>>
            %dma_wait3A_909 = tpu.memref_squeeze %dma_wait3A_908 : memref<1x2x800xf32, #tpu.memory_space<vmem>> -> memref<2x800xf32, #tpu.memory_space<vmem>>
            %dma_wait3A_910 = arith.constant 0 : i32
            %dma_wait3A_911 = arith.constant 99200 : i32
            %dma_wait3A_912 = tpu.memref_slice %arg8[%select_n3A_871, %dma_wait3A_910, %dma_wait3A_911] : memref<98x2x100000xf32, #tpu.memory_space<hbm>> -> memref<1x2x800xf32, #tpu.memory_space<hbm>>
            %dma_wait3A_913 = tpu.memref_squeeze %dma_wait3A_912 : memref<1x2x800xf32, #tpu.memory_space<hbm>> -> memref<2x800xf32, #tpu.memory_space<hbm>>
            %dma_wait3A_914 = arith.constant 0 : i32
            %dma_wait3A_915 = arith.constant 99200 : i32
            %dma_wait3A_916 = tpu.memref_slice %arg8[%select_n3A_871, %dma_wait3A_914, %dma_wait3A_915] : memref<98x2x100000xf32, #tpu.memory_space<hbm>> -> memref<1x2x800xf32, #tpu.memory_space<hbm>>
            %dma_wait3A_917 = tpu.memref_squeeze %dma_wait3A_916 : memref<1x2x800xf32, #tpu.memory_space<hbm>> -> memref<2x800xf32, #tpu.memory_space<hbm>>
            %dma_wait3A_918 = arith.constant 0 : i32
            %dma_wait3A_919 = arith.constant 0 : i32
            %dma_wait3A_920 = tpu.memref_slice %arg19[%cond3A_904, %dma_wait3A_918, %dma_wait3A_919] : memref<4x2x800xf32, #tpu.memory_space<vmem>> -> memref<1x2x800xf32, #tpu.memory_space<vmem>>
            %dma_wait3A_921 = tpu.memref_squeeze %dma_wait3A_920 : memref<1x2x800xf32, #tpu.memory_space<vmem>> -> memref<2x800xf32, #tpu.memory_space<vmem>>
            tpu.wait_dma2 semaphore(%arg27 : memref<!tpu.dma_semaphore, #tpu.memory_space<semaphore_mem>>) src(%dma_wait3A_921 : memref<2x800xf32, #tpu.memory_space<vmem>>) dst(%dma_wait3A_917 : memref<2x800xf32, #tpu.memory_space<hbm>>)
          } else {
          }
        } else {
        }
        %mul3A_712 = arith.constant 32 : i32
        %mul3A_713 = arith.muli %add3A_640, %mul3A_712 : i32
        %add3A_714 = arith.addi %mul3A_713, %add3A : i32
        %jit3A_715 = arith.constant 32 : i32
        %div3A_716 = arith.divsi %add3A_714, %jit3A_715 : i32
        %sign3A_717 = arith.constant 0 : i32
        %sign3A_718 = arith.cmpi sgt, %add3A_714, %sign3A_717 : i32
        %sign3A_719 = arith.extui %sign3A_718 : i1 to i32
        %sign3A_720 = arith.constant 0 : i32
        %sign3A_721 = arith.cmpi slt, %add3A_714, %sign3A_720 : i32
        %sign3A_722 = arith.extui %sign3A_721 : i1 to i32
        %sign3A_723 = arith.subi %sign3A_719, %sign3A_722 : i32
        %sign3A_724 = arith.constant 0 : i32
        %sign3A_725 = arith.cmpi sgt, %jit3A_715, %sign3A_724 : i32
        %sign3A_726 = arith.extui %sign3A_725 : i1 to i32
        %sign3A_727 = arith.constant 0 : i32
        %sign3A_728 = arith.cmpi slt, %jit3A_715, %sign3A_727 : i32
        %sign3A_729 = arith.extui %sign3A_728 : i1 to i32
        %sign3A_730 = arith.subi %sign3A_726, %sign3A_729 : i32
        %ne3A_731 = arith.cmpi ne, %sign3A_723, %sign3A_730 : i32
        %rem3A_732 = arith.remsi %add3A_714, %jit3A_715 : i32
        %ne3A_733 = arith.constant 0 : i32
        %ne3A_734 = arith.cmpi ne, %rem3A_732, %ne3A_733 : i32
        %and3A_735 = arith.andi %ne3A_731, %ne3A_734 : i1
        %sub3A_736 = arith.constant 1 : i32
        %sub3A_737 = arith.subi %div3A_716, %sub3A_736 : i32
        %select_n3A_738 = arith.select %and3A_735, %sub3A_737, %div3A_716 : i32
        %jit3A_739 = arith.constant 32 : i32
        %eq3A_740 = arith.constant 0 : i32
        %eq3A_741 = arith.cmpi eq, %jit3A_739, %eq3A_740 : i32
        %jit3A_742 = arith.constant 1 : i32
        %select_n3A_743 = arith.select %eq3A_741, %jit3A_742, %jit3A_739 : i32
        %rem3A_744 = arith.remsi %add3A_714, %select_n3A_743 : i32
        %ne3A_745 = arith.constant 0 : i32
        %ne3A_746 = arith.cmpi ne, %rem3A_744, %ne3A_745 : i32
        %lt3A_747 = arith.constant 0 : i32
        %lt3A_748 = arith.cmpi slt, %rem3A_744, %lt3A_747 : i32
        %lt3A_749 = arith.constant 0 : i32
        %lt3A_750 = arith.cmpi slt, %select_n3A_743, %lt3A_749 : i32
        %ne3A_751 = arith.xori %lt3A_748, %lt3A_750 : i1
        %and3A_752 = arith.andi %ne3A_751, %ne3A_746 : i1
        %add3A_753 = arith.addi %rem3A_744, %select_n3A_743 : i32
        %select_n3A_754 = arith.select %and3A_752, %add3A_753, %rem3A_744 : i32
        %broadcast_in_dim3A_755 = arith.constant 0 : i32
        %broadcast_in_dim3A_756 = vector.broadcast %broadcast_in_dim3A_755 : i32 to vector<16xi32>
        %add3A_757 = vector.broadcast %select_n3A_738 : i32 to vector<16xi32>
        %add3A_758 = arith.addi %broadcast_in_dim3A_756, %add3A_757 : vector<16xi32>
        %gather3A = tpu.vector_load_idx %arg9[%add3A_758] : memref<112xf32, #tpu.memory_space<vmem>>[vector<16xi32>], vector<16xf32>,
        %gather3A_759 = tpu.vector_load_idx %arg10[%add3A_758] : memref<112xf32, #tpu.memory_space<vmem>>[vector<16xi32>], vector<16xf32>,
        %lt3A_760 = arith.constant 31 : i32
        %lt3A_761 = arith.cmpi slt, %select_n3A_754, %lt3A_760 : i32
        %convert_element_type3A_762 = arith.extui %lt3A_761 : i1 to i32
        %cond3A_763 = arith.constant 3 : i32
        %cond3A_764 = arith.constant 3 : i32
        %cond3A_765 = arith.constant 0 : i32
        %cond3A_766 = arith.cmpi ne, %convert_element_type3A_762, %cond3A_765 : i32
        scf.if %cond3A_766 {
          %scan3A_843 = arith.constant 0 : i32
          %scan3A_844 = arith.constant 0 : i32
          %scan3A_845 = arith.constant 25 : i32
          %scan3A_846 = arith.addi %scan3A_844, %scan3A_845 : i32
          %scan3A_847 = arith.constant 1 : i32
          scf.for %scan3A_849 = %scan3A_844 to %scan3A_846 step %scan3A_847  : i32 {
            %mul3A_850 = arith.constant 128 : i32
            %mul3A_851 = arith.muli %scan3A_849, %mul3A_850 : i32
            %multiple_of3A_852 = tpu.assume_multiple %mul3A_851, 128 : i32
            %add3A_853 = arith.constant 0 : i32
            %add3A_854 = arith.addi %multiple_of3A_852, %add3A_853 : i32
            %get3A_855 = arith.constant 0 : i32
            %get3A_856 = arith.constant 0 : i32
            %get3A_857 = arith.constant 0 : i32
            %get3A_858 = tpu.memref_slice %arg16[%cond3A_763, %get3A_856, %get3A_857] : memref<4x2x3200xf32, #tpu.memory_space<vmem>> -> memref<1x2x3200xf32, #tpu.memory_space<vmem>>
            %get3A_859 = tpu.memref_squeeze %get3A_858 : memref<1x2x3200xf32, #tpu.memory_space<vmem>> -> memref<2x3200xf32, #tpu.memory_space<vmem>>
            %get3A_860 = arith.index_cast %get3A_855 : i32 to index
            %get3A_861 = arith.index_cast %add3A_854 : i32 to index
            %get3A_862 = tpu.vector_load %get3A_859[%get3A_860, %get3A_861] {strides = array<i32>} : memref<2x3200xf32, #tpu.memory_space<vmem>>, vector<16xf32>,
            %mul3A_863 = arith.mulf %get3A_862, %gather3A : vector<16xf32>
            %add3A_864 = arith.addf %mul3A_863, %gather3A_759 : vector<16xf32>
            %swap3A_865 = arith.constant 0 : i32
            %swap3A_866 = arith.constant 0 : i32
            %swap3A_867 = arith.constant 0 : i32
            %swap3A_868 = tpu.memref_slice %arg17[%cond3A_764, %swap3A_866, %swap3A_867] : memref<4x2x3200xf32, #tpu.memory_space<vmem>> -> memref<1x2x3200xf32, #tpu.memory_space<vmem>>
            %swap3A_869 = tpu.memref_squeeze %swap3A_868 : memref<1x2x3200xf32, #tpu.memory_space<vmem>> -> memref<2x3200xf32, #tpu.memory_space<vmem>>
            %swap3A_870 = arith.index_cast %swap3A_865 : i32 to index
            %swap3A_871 = arith.index_cast %add3A_854 : i32 to index
            %swap3A_872 = tpu.vector_load %swap3A_869[%swap3A_870, %swap3A_871] {strides = array<i32>} : memref<2x3200xf32, #tpu.memory_space<vmem>>, vector<16xf32>,
            tpu.vector_store %swap3A_869[%swap3A_870, %swap3A_871], %add3A_864 {strides = array<i32>} : memref<2x3200xf32, #tpu.memory_space<vmem>>, vector<16xf32>,
            %add3A_873 = arith.constant 16 : i32
            %add3A_874 = arith.addi %multiple_of3A_852, %add3A_873 : i32
            %get3A_875 = arith.constant 0 : i32
            %get3A_876 = arith.constant 0 : i32
            %get3A_877 = arith.constant 0 : i32
            %get3A_878 = tpu.memref_slice %arg16[%cond3A_763, %get3A_876, %get3A_877] : memref<4x2x3200xf32, #tpu.memory_space<vmem>> -> memref<1x2x3200xf32, #tpu.memory_space<vmem>>
            %get3A_879 = tpu.memref_squeeze %get3A_878 : memref<1x2x3200xf32, #tpu.memory_space<vmem>> -> memref<2x3200xf32, #tpu.memory_space<vmem>>
            %get3A_880 = arith.index_cast %get3A_875 : i32 to index
            %get3A_881 = arith.index_cast %add3A_874 : i32 to index
            %get3A_882 = tpu.vector_load %get3A_879[%get3A_880, %get3A_881] {strides = array<i32>} : memref<2x3200xf32, #tpu.memory_space<vmem>>, vector<16xf32>,
            %mul3A_883 = arith.mulf %get3A_882, %gather3A : vector<16xf32>
            %add3A_884 = arith.addf %mul3A_883, %gather3A_759 : vector<16xf32>
            %swap3A_885 = arith.constant 0 : i32
            %swap3A_886 = arith.constant 0 : i32
            %swap3A_887 = arith.constant 0 : i32
            %swap3A_888 = tpu.memref_slice %arg17[%cond3A_764, %swap3A_886, %swap3A_887] : memref<4x2x3200xf32, #tpu.memory_space<vmem>> -> memref<1x2x3200xf32, #tpu.memory_space<vmem>>
            %swap3A_889 = tpu.memref_squeeze %swap3A_888 : memref<1x2x3200xf32, #tpu.memory_space<vmem>> -> memref<2x3200xf32, #tpu.memory_space<vmem>>
            %swap3A_890 = arith.index_cast %swap3A_885 : i32 to index
            %swap3A_891 = arith.index_cast %add3A_874 : i32 to index
            %swap3A_892 = tpu.vector_load %swap3A_889[%swap3A_890, %swap3A_891] {strides = array<i32>} : memref<2x3200xf32, #tpu.memory_space<vmem>>, vector<16xf32>,
            tpu.vector_store %swap3A_889[%swap3A_890, %swap3A_891], %add3A_884 {strides = array<i32>} : memref<2x3200xf32, #tpu.memory_space<vmem>>, vector<16xf32>,
            %add3A_893 = arith.constant 32 : i32
            %add3A_894 = arith.addi %multiple_of3A_852, %add3A_893 : i32
            %get3A_895 = arith.constant 0 : i32
            %get3A_896 = arith.constant 0 : i32
            %get3A_897 = arith.constant 0 : i32
            %get3A_898 = tpu.memref_slice %arg16[%cond3A_763, %get3A_896, %get3A_897] : memref<4x2x3200xf32, #tpu.memory_space<vmem>> -> memref<1x2x3200xf32, #tpu.memory_space<vmem>>
            %get3A_899 = tpu.memref_squeeze %get3A_898 : memref<1x2x3200xf32, #tpu.memory_space<vmem>> -> memref<2x3200xf32, #tpu.memory_space<vmem>>
            %get3A_900 = arith.index_cast %get3A_895 : i32 to index
            %get3A_901 = arith.index_cast %add3A_894 : i32 to index
            %get3A_902 = tpu.vector_load %get3A_899[%get3A_900, %get3A_901] {strides = array<i32>} : memref<2x3200xf32, #tpu.memory_space<vmem>>, vector<16xf32>,
            %mul3A_903 = arith.mulf %get3A_902, %gather3A : vector<16xf32>
            %add3A_904 = arith.addf %mul3A_903, %gather3A_759 : vector<16xf32>
            %swap3A_905 = arith.constant 0 : i32
            %swap3A_906 = arith.constant 0 : i32
            %swap3A_907 = arith.constant 0 : i32
            %swap3A_908 = tpu.memref_slice %arg17[%cond3A_764, %swap3A_906, %swap3A_907] : memref<4x2x3200xf32, #tpu.memory_space<vmem>> -> memref<1x2x3200xf32, #tpu.memory_space<vmem>>
            %swap3A_909 = tpu.memref_squeeze %swap3A_908 : memref<1x2x3200xf32, #tpu.memory_space<vmem>> -> memref<2x3200xf32, #tpu.memory_space<vmem>>
            %swap3A_910 = arith.index_cast %swap3A_905 : i32 to index
            %swap3A_911 = arith.index_cast %add3A_894 : i32 to index
            %swap3A_912 = tpu.vector_load %swap3A_909[%swap3A_910, %swap3A_911] {strides = array<i32>} : memref<2x3200xf32, #tpu.memory_space<vmem>>, vector<16xf32>,
            tpu.vector_store %swap3A_909[%swap3A_910, %swap3A_911], %add3A_904 {strides = array<i32>} : memref<2x3200xf32, #tpu.memory_space<vmem>>, vector<16xf32>,
            %add3A_913 = arith.constant 48 : i32
            %add3A_914 = arith.addi %multiple_of3A_852, %add3A_913 : i32
            %get3A_915 = arith.constant 0 : i32
            %get3A_916 = arith.constant 0 : i32
            %get3A_917 = arith.constant 0 : i32
            %get3A_918 = tpu.memref_slice %arg16[%cond3A_763, %get3A_916, %get3A_917] : memref<4x2x3200xf32, #tpu.memory_space<vmem>> -> memref<1x2x3200xf32, #tpu.memory_space<vmem>>
            %get3A_919 = tpu.memref_squeeze %get3A_918 : memref<1x2x3200xf32, #tpu.memory_space<vmem>> -> memref<2x3200xf32, #tpu.memory_space<vmem>>
            %get3A_920 = arith.index_cast %get3A_915 : i32 to index
            %get3A_921 = arith.index_cast %add3A_914 : i32 to index
            %get3A_922 = tpu.vector_load %get3A_919[%get3A_920, %get3A_921] {strides = array<i32>} : memref<2x3200xf32, #tpu.memory_space<vmem>>, vector<16xf32>,
            %mul3A_923 = arith.mulf %get3A_922, %gather3A : vector<16xf32>
            %add3A_924 = arith.addf %mul3A_923, %gather3A_759 : vector<16xf32>
            %swap3A_925 = arith.constant 0 : i32
            %swap3A_926 = arith.constant 0 : i32
            %swap3A_927 = arith.constant 0 : i32
            %swap3A_928 = tpu.memref_slice %arg17[%cond3A_764, %swap3A_926, %swap3A_927] : memref<4x2x3200xf32, #tpu.memory_space<vmem>> -> memref<1x2x3200xf32, #tpu.memory_space<vmem>>
            %swap3A_929 = tpu.memref_squeeze %swap3A_928 : memref<1x2x3200xf32, #tpu.memory_space<vmem>> -> memref<2x3200xf32, #tpu.memory_space<vmem>>
            %swap3A_930 = arith.index_cast %swap3A_925 : i32 to index
            %swap3A_931 = arith.index_cast %add3A_914 : i32 to index
            %swap3A_932 = tpu.vector_load %swap3A_929[%swap3A_930, %swap3A_931] {strides = array<i32>} : memref<2x3200xf32, #tpu.memory_space<vmem>>, vector<16xf32>,
            tpu.vector_store %swap3A_929[%swap3A_930, %swap3A_931], %add3A_924 {strides = array<i32>} : memref<2x3200xf32, #tpu.memory_space<vmem>>, vector<16xf32>,
            %add3A_933 = arith.constant 64 : i32
            %add3A_934 = arith.addi %multiple_of3A_852, %add3A_933 : i32
            %get3A_935 = arith.constant 0 : i32
            %get3A_936 = arith.constant 0 : i32
            %get3A_937 = arith.constant 0 : i32
            %get3A_938 = tpu.memref_slice %arg16[%cond3A_763, %get3A_936, %get3A_937] : memref<4x2x3200xf32, #tpu.memory_space<vmem>> -> memref<1x2x3200xf32, #tpu.memory_space<vmem>>
            %get3A_939 = tpu.memref_squeeze %get3A_938 : memref<1x2x3200xf32, #tpu.memory_space<vmem>> -> memref<2x3200xf32, #tpu.memory_space<vmem>>
            %get3A_940 = arith.index_cast %get3A_935 : i32 to index
            %get3A_941 = arith.index_cast %add3A_934 : i32 to index
            %get3A_942 = tpu.vector_load %get3A_939[%get3A_940, %get3A_941] {strides = array<i32>} : memref<2x3200xf32, #tpu.memory_space<vmem>>, vector<16xf32>,
            %mul3A_943 = arith.mulf %get3A_942, %gather3A : vector<16xf32>
            %add3A_944 = arith.addf %mul3A_943, %gather3A_759 : vector<16xf32>
            %swap3A_945 = arith.constant 0 : i32
            %swap3A_946 = arith.constant 0 : i32
            %swap3A_947 = arith.constant 0 : i32
            %swap3A_948 = tpu.memref_slice %arg17[%cond3A_764, %swap3A_946, %swap3A_947] : memref<4x2x3200xf32, #tpu.memory_space<vmem>> -> memref<1x2x3200xf32, #tpu.memory_space<vmem>>
            %swap3A_949 = tpu.memref_squeeze %swap3A_948 : memref<1x2x3200xf32, #tpu.memory_space<vmem>> -> memref<2x3200xf32, #tpu.memory_space<vmem>>
            %swap3A_950 = arith.index_cast %swap3A_945 : i32 to index
            %swap3A_951 = arith.index_cast %add3A_934 : i32 to index
            %swap3A_952 = tpu.vector_load %swap3A_949[%swap3A_950, %swap3A_951] {strides = array<i32>} : memref<2x3200xf32, #tpu.memory_space<vmem>>, vector<16xf32>,
            tpu.vector_store %swap3A_949[%swap3A_950, %swap3A_951], %add3A_944 {strides = array<i32>} : memref<2x3200xf32, #tpu.memory_space<vmem>>, vector<16xf32>,
            %add3A_953 = arith.constant 80 : i32
            %add3A_954 = arith.addi %multiple_of3A_852, %add3A_953 : i32
            %get3A_955 = arith.constant 0 : i32
            %get3A_956 = arith.constant 0 : i32
            %get3A_957 = arith.constant 0 : i32
            %get3A_958 = tpu.memref_slice %arg16[%cond3A_763, %get3A_956, %get3A_957] : memref<4x2x3200xf32, #tpu.memory_space<vmem>> -> memref<1x2x3200xf32, #tpu.memory_space<vmem>>
            %get3A_959 = tpu.memref_squeeze %get3A_958 : memref<1x2x3200xf32, #tpu.memory_space<vmem>> -> memref<2x3200xf32, #tpu.memory_space<vmem>>
            %get3A_960 = arith.index_cast %get3A_955 : i32 to index
            %get3A_961 = arith.index_cast %add3A_954 : i32 to index
            %get3A_962 = tpu.vector_load %get3A_959[%get3A_960, %get3A_961] {strides = array<i32>} : memref<2x3200xf32, #tpu.memory_space<vmem>>, vector<16xf32>,
            %mul3A_963 = arith.mulf %get3A_962, %gather3A : vector<16xf32>
            %add3A_964 = arith.addf %mul3A_963, %gather3A_759 : vector<16xf32>
            %swap3A_965 = arith.constant 0 : i32
            %swap3A_966 = arith.constant 0 : i32
            %swap3A_967 = arith.constant 0 : i32
            %swap3A_968 = tpu.memref_slice %arg17[%cond3A_764, %swap3A_966, %swap3A_967] : memref<4x2x3200xf32, #tpu.memory_space<vmem>> -> memref<1x2x3200xf32, #tpu.memory_space<vmem>>
            %swap3A_969 = tpu.memref_squeeze %swap3A_968 : memref<1x2x3200xf32, #tpu.memory_space<vmem>> -> memref<2x3200xf32, #tpu.memory_space<vmem>>
            %swap3A_970 = arith.index_cast %swap3A_965 : i32 to index
            %swap3A_971 = arith.index_cast %add3A_954 : i32 to index
            %swap3A_972 = tpu.vector_load %swap3A_969[%swap3A_970, %swap3A_971] {strides = array<i32>} : memref<2x3200xf32, #tpu.memory_space<vmem>>, vector<16xf32>,
            tpu.vector_store %swap3A_969[%swap3A_970, %swap3A_971], %add3A_964 {strides = array<i32>} : memref<2x3200xf32, #tpu.memory_space<vmem>>, vector<16xf32>,
            %add3A_973 = arith.constant 96 : i32
            %add3A_974 = arith.addi %multiple_of3A_852, %add3A_973 : i32
            %get3A_975 = arith.constant 0 : i32
            %get3A_976 = arith.constant 0 : i32
            %get3A_977 = arith.constant 0 : i32
            %get3A_978 = tpu.memref_slice %arg16[%cond3A_763, %get3A_976, %get3A_977] : memref<4x2x3200xf32, #tpu.memory_space<vmem>> -> memref<1x2x3200xf32, #tpu.memory_space<vmem>>
            %get3A_979 = tpu.memref_squeeze %get3A_978 : memref<1x2x3200xf32, #tpu.memory_space<vmem>> -> memref<2x3200xf32, #tpu.memory_space<vmem>>
            %get3A_980 = arith.index_cast %get3A_975 : i32 to index
            %get3A_981 = arith.index_cast %add3A_974 : i32 to index
            %get3A_982 = tpu.vector_load %get3A_979[%get3A_980, %get3A_981] {strides = array<i32>} : memref<2x3200xf32, #tpu.memory_space<vmem>>, vector<16xf32>,
            %mul3A_983 = arith.mulf %get3A_982, %gather3A : vector<16xf32>
            %add3A_984 = arith.addf %mul3A_983, %gather3A_759 : vector<16xf32>
            %swap3A_985 = arith.constant 0 : i32
            %swap3A_986 = arith.constant 0 : i32
            %swap3A_987 = arith.constant 0 : i32
            %swap3A_988 = tpu.memref_slice %arg17[%cond3A_764, %swap3A_986, %swap3A_987] : memref<4x2x3200xf32, #tpu.memory_space<vmem>> -> memref<1x2x3200xf32, #tpu.memory_space<vmem>>
            %swap3A_989 = tpu.memref_squeeze %swap3A_988 : memref<1x2x3200xf32, #tpu.memory_space<vmem>> -> memref<2x3200xf32, #tpu.memory_space<vmem>>
            %swap3A_990 = arith.index_cast %swap3A_985 : i32 to index
            %swap3A_991 = arith.index_cast %add3A_974 : i32 to index
            %swap3A_992 = tpu.vector_load %swap3A_989[%swap3A_990, %swap3A_991] {strides = array<i32>} : memref<2x3200xf32, #tpu.memory_space<vmem>>, vector<16xf32>,
            tpu.vector_store %swap3A_989[%swap3A_990, %swap3A_991], %add3A_984 {strides = array<i32>} : memref<2x3200xf32, #tpu.memory_space<vmem>>, vector<16xf32>,
            %add3A_993 = arith.constant 112 : i32
            %add3A_994 = arith.addi %multiple_of3A_852, %add3A_993 : i32
            %get3A_995 = arith.constant 0 : i32
            %get3A_996 = arith.constant 0 : i32
            %get3A_997 = arith.constant 0 : i32
            %get3A_998 = tpu.memref_slice %arg16[%cond3A_763, %get3A_996, %get3A_997] : memref<4x2x3200xf32, #tpu.memory_space<vmem>> -> memref<1x2x3200xf32, #tpu.memory_space<vmem>>
            %get3A_999 = tpu.memref_squeeze %get3A_998 : memref<1x2x3200xf32, #tpu.memory_space<vmem>> -> memref<2x3200xf32, #tpu.memory_space<vmem>>
            %get3A_1000 = arith.index_cast %get3A_995 : i32 to index
            %get3A_1001 = arith.index_cast %add3A_994 : i32 to index
            %get3A_1002 = tpu.vector_load %get3A_999[%get3A_1000, %get3A_1001] {strides = array<i32>} : memref<2x3200xf32, #tpu.memory_space<vmem>>, vector<16xf32>,
            %mul3A_1003 = arith.mulf %get3A_1002, %gather3A : vector<16xf32>
            %add3A_1004 = arith.addf %mul3A_1003, %gather3A_759 : vector<16xf32>
            %swap3A_1005 = arith.constant 0 : i32
            %swap3A_1006 = arith.constant 0 : i32
            %swap3A_1007 = arith.constant 0 : i32
            %swap3A_1008 = tpu.memref_slice %arg17[%cond3A_764, %swap3A_1006, %swap3A_1007] : memref<4x2x3200xf32, #tpu.memory_space<vmem>> -> memref<1x2x3200xf32, #tpu.memory_space<vmem>>
            %swap3A_1009 = tpu.memref_squeeze %swap3A_1008 : memref<1x2x3200xf32, #tpu.memory_space<vmem>> -> memref<2x3200xf32, #tpu.memory_space<vmem>>
            %swap3A_1010 = arith.index_cast %swap3A_1005 : i32 to index
            %swap3A_1011 = arith.index_cast %add3A_994 : i32 to index
            %swap3A_1012 = tpu.vector_load %swap3A_1009[%swap3A_1010, %swap3A_1011] {strides = array<i32>} : memref<2x3200xf32, #tpu.memory_space<vmem>>, vector<16xf32>,
            tpu.vector_store %swap3A_1009[%swap3A_1010, %swap3A_1011], %add3A_1004 {strides = array<i32>} : memref<2x3200xf32, #tpu.memory_space<vmem>>, vector<16xf32>,
            %add3A_1013 = arith.constant 0 : i32
            %add3A_1014 = arith.addi %multiple_of3A_852, %add3A_1013 : i32
            %get3A_1015 = arith.constant 1 : i32
            %get3A_1016 = arith.constant 0 : i32
            %get3A_1017 = arith.constant 0 : i32
            %get3A_1018 = tpu.memref_slice %arg16[%cond3A_763, %get3A_1016, %get3A_1017] : memref<4x2x3200xf32, #tpu.memory_space<vmem>> -> memref<1x2x3200xf32, #tpu.memory_space<vmem>>
            %get3A_1019 = tpu.memref_squeeze %get3A_1018 : memref<1x2x3200xf32, #tpu.memory_space<vmem>> -> memref<2x3200xf32, #tpu.memory_space<vmem>>
            %get3A_1020 = arith.index_cast %get3A_1015 : i32 to index
            %get3A_1021 = arith.index_cast %add3A_1014 : i32 to index
            %get3A_1022 = tpu.vector_load %get3A_1019[%get3A_1020, %get3A_1021] {strides = array<i32>} : memref<2x3200xf32, #tpu.memory_space<vmem>>, vector<16xf32>,
            %mul3A_1023 = arith.mulf %get3A_1022, %gather3A : vector<16xf32>
            %add3A_1024 = arith.addf %mul3A_1023, %gather3A_759 : vector<16xf32>
            %swap3A_1025 = arith.constant 1 : i32
            %swap3A_1026 = arith.constant 0 : i32
            %swap3A_1027 = arith.constant 0 : i32
            %swap3A_1028 = tpu.memref_slice %arg17[%cond3A_764, %swap3A_1026, %swap3A_1027] : memref<4x2x3200xf32, #tpu.memory_space<vmem>> -> memref<1x2x3200xf32, #tpu.memory_space<vmem>>
            %swap3A_1029 = tpu.memref_squeeze %swap3A_1028 : memref<1x2x3200xf32, #tpu.memory_space<vmem>> -> memref<2x3200xf32, #tpu.memory_space<vmem>>
            %swap3A_1030 = arith.index_cast %swap3A_1025 : i32 to index
            %swap3A_1031 = arith.index_cast %add3A_1014 : i32 to index
            %swap3A_1032 = tpu.vector_load %swap3A_1029[%swap3A_1030, %swap3A_1031] {strides = array<i32>} : memref<2x3200xf32, #tpu.memory_space<vmem>>, vector<16xf32>,
            tpu.vector_store %swap3A_1029[%swap3A_1030, %swap3A_1031], %add3A_1024 {strides = array<i32>} : memref<2x3200xf32, #tpu.memory_space<vmem>>, vector<16xf32>,
            %add3A_1033 = arith.constant 16 : i32
            %add3A_1034 = arith.addi %multiple_of3A_852, %add3A_1033 : i32
            %get3A_1035 = arith.constant 1 : i32
            %get3A_1036 = arith.constant 0 : i32
            %get3A_1037 = arith.constant 0 : i32
            %get3A_1038 = tpu.memref_slice %arg16[%cond3A_763, %get3A_1036, %get3A_1037] : memref<4x2x3200xf32, #tpu.memory_space<vmem>> -> memref<1x2x3200xf32, #tpu.memory_space<vmem>>
            %get3A_1039 = tpu.memref_squeeze %get3A_1038 : memref<1x2x3200xf32, #tpu.memory_space<vmem>> -> memref<2x3200xf32, #tpu.memory_space<vmem>>
            %get3A_1040 = arith.index_cast %get3A_1035 : i32 to index
            %get3A_1041 = arith.index_cast %add3A_1034 : i32 to index
            %get3A_1042 = tpu.vector_load %get3A_1039[%get3A_1040, %get3A_1041] {strides = array<i32>} : memref<2x3200xf32, #tpu.memory_space<vmem>>, vector<16xf32>,
            %mul3A_1043 = arith.mulf %get3A_1042, %gather3A : vector<16xf32>
            %add3A_1044 = arith.addf %mul3A_1043, %gather3A_759 : vector<16xf32>
            %swap3A_1045 = arith.constant 1 : i32
            %swap3A_1046 = arith.constant 0 : i32
            %swap3A_1047 = arith.constant 0 : i32
            %swap3A_1048 = tpu.memref_slice %arg17[%cond3A_764, %swap3A_1046, %swap3A_1047] : memref<4x2x3200xf32, #tpu.memory_space<vmem>> -> memref<1x2x3200xf32, #tpu.memory_space<vmem>>
            %swap3A_1049 = tpu.memref_squeeze %swap3A_1048 : memref<1x2x3200xf32, #tpu.memory_space<vmem>> -> memref<2x3200xf32, #tpu.memory_space<vmem>>
            %swap3A_1050 = arith.index_cast %swap3A_1045 : i32 to index
            %swap3A_1051 = arith.index_cast %add3A_1034 : i32 to index
            %swap3A_1052 = tpu.vector_load %swap3A_1049[%swap3A_1050, %swap3A_1051] {strides = array<i32>} : memref<2x3200xf32, #tpu.memory_space<vmem>>, vector<16xf32>,
            tpu.vector_store %swap3A_1049[%swap3A_1050, %swap3A_1051], %add3A_1044 {strides = array<i32>} : memref<2x3200xf32, #tpu.memory_space<vmem>>, vector<16xf32>,
            %add3A_1053 = arith.constant 32 : i32
            %add3A_1054 = arith.addi %multiple_of3A_852, %add3A_1053 : i32
            %get3A_1055 = arith.constant 1 : i32
            %get3A_1056 = arith.constant 0 : i32
            %get3A_1057 = arith.constant 0 : i32
            %get3A_1058 = tpu.memref_slice %arg16[%cond3A_763, %get3A_1056, %get3A_1057] : memref<4x2x3200xf32, #tpu.memory_space<vmem>> -> memref<1x2x3200xf32, #tpu.memory_space<vmem>>
            %get3A_1059 = tpu.memref_squeeze %get3A_1058 : memref<1x2x3200xf32, #tpu.memory_space<vmem>> -> memref<2x3200xf32, #tpu.memory_space<vmem>>
            %get3A_1060 = arith.index_cast %get3A_1055 : i32 to index
            %get3A_1061 = arith.index_cast %add3A_1054 : i32 to index
            %get3A_1062 = tpu.vector_load %get3A_1059[%get3A_1060, %get3A_1061] {strides = array<i32>} : memref<2x3200xf32, #tpu.memory_space<vmem>>, vector<16xf32>,
            %mul3A_1063 = arith.mulf %get3A_1062, %gather3A : vector<16xf32>
            %add3A_1064 = arith.addf %mul3A_1063, %gather3A_759 : vector<16xf32>
            %swap3A_1065 = arith.constant 1 : i32
            %swap3A_1066 = arith.constant 0 : i32
            %swap3A_1067 = arith.constant 0 : i32
            %swap3A_1068 = tpu.memref_slice %arg17[%cond3A_764, %swap3A_1066, %swap3A_1067] : memref<4x2x3200xf32, #tpu.memory_space<vmem>> -> memref<1x2x3200xf32, #tpu.memory_space<vmem>>
            %swap3A_1069 = tpu.memref_squeeze %swap3A_1068 : memref<1x2x3200xf32, #tpu.memory_space<vmem>> -> memref<2x3200xf32, #tpu.memory_space<vmem>>
            %swap3A_1070 = arith.index_cast %swap3A_1065 : i32 to index
            %swap3A_1071 = arith.index_cast %add3A_1054 : i32 to index
            %swap3A_1072 = tpu.vector_load %swap3A_1069[%swap3A_1070, %swap3A_1071] {strides = array<i32>} : memref<2x3200xf32, #tpu.memory_space<vmem>>, vector<16xf32>,
            tpu.vector_store %swap3A_1069[%swap3A_1070, %swap3A_1071], %add3A_1064 {strides = array<i32>} : memref<2x3200xf32, #tpu.memory_space<vmem>>, vector<16xf32>,
            %add3A_1073 = arith.constant 48 : i32
            %add3A_1074 = arith.addi %multiple_of3A_852, %add3A_1073 : i32
            %get3A_1075 = arith.constant 1 : i32
            %get3A_1076 = arith.constant 0 : i32
            %get3A_1077 = arith.constant 0 : i32
            %get3A_1078 = tpu.memref_slice %arg16[%cond3A_763, %get3A_1076, %get3A_1077] : memref<4x2x3200xf32, #tpu.memory_space<vmem>> -> memref<1x2x3200xf32, #tpu.memory_space<vmem>>
            %get3A_1079 = tpu.memref_squeeze %get3A_1078 : memref<1x2x3200xf32, #tpu.memory_space<vmem>> -> memref<2x3200xf32, #tpu.memory_space<vmem>>
            %get3A_1080 = arith.index_cast %get3A_1075 : i32 to index
            %get3A_1081 = arith.index_cast %add3A_1074 : i32 to index
            %get3A_1082 = tpu.vector_load %get3A_1079[%get3A_1080, %get3A_1081] {strides = array<i32>} : memref<2x3200xf32, #tpu.memory_space<vmem>>, vector<16xf32>,
            %mul3A_1083 = arith.mulf %get3A_1082, %gather3A : vector<16xf32>
            %add3A_1084 = arith.addf %mul3A_1083, %gather3A_759 : vector<16xf32>
            %swap3A_1085 = arith.constant 1 : i32
            %swap3A_1086 = arith.constant 0 : i32
            %swap3A_1087 = arith.constant 0 : i32
            %swap3A_1088 = tpu.memref_slice %arg17[%cond3A_764, %swap3A_1086, %swap3A_1087] : memref<4x2x3200xf32, #tpu.memory_space<vmem>> -> memref<1x2x3200xf32, #tpu.memory_space<vmem>>
            %swap3A_1089 = tpu.memref_squeeze %swap3A_1088 : memref<1x2x3200xf32, #tpu.memory_space<vmem>> -> memref<2x3200xf32, #tpu.memory_space<vmem>>
            %swap3A_1090 = arith.index_cast %swap3A_1085 : i32 to index
            %swap3A_1091 = arith.index_cast %add3A_1074 : i32 to index
            %swap3A_1092 = tpu.vector_load %swap3A_1089[%swap3A_1090, %swap3A_1091] {strides = array<i32>} : memref<2x3200xf32, #tpu.memory_space<vmem>>, vector<16xf32>,
            tpu.vector_store %swap3A_1089[%swap3A_1090, %swap3A_1091], %add3A_1084 {strides = array<i32>} : memref<2x3200xf32, #tpu.memory_space<vmem>>, vector<16xf32>,
            %add3A_1093 = arith.constant 64 : i32
            %add3A_1094 = arith.addi %multiple_of3A_852, %add3A_1093 : i32
            %get3A_1095 = arith.constant 1 : i32
            %get3A_1096 = arith.constant 0 : i32
            %get3A_1097 = arith.constant 0 : i32
            %get3A_1098 = tpu.memref_slice %arg16[%cond3A_763, %get3A_1096, %get3A_1097] : memref<4x2x3200xf32, #tpu.memory_space<vmem>> -> memref<1x2x3200xf32, #tpu.memory_space<vmem>>
            %get3A_1099 = tpu.memref_squeeze %get3A_1098 : memref<1x2x3200xf32, #tpu.memory_space<vmem>> -> memref<2x3200xf32, #tpu.memory_space<vmem>>
            %get3A_1100 = arith.index_cast %get3A_1095 : i32 to index
            %get3A_1101 = arith.index_cast %add3A_1094 : i32 to index
            %get3A_1102 = tpu.vector_load %get3A_1099[%get3A_1100, %get3A_1101] {strides = array<i32>} : memref<2x3200xf32, #tpu.memory_space<vmem>>, vector<16xf32>,
            %mul3A_1103 = arith.mulf %get3A_1102, %gather3A : vector<16xf32>
            %add3A_1104 = arith.addf %mul3A_1103, %gather3A_759 : vector<16xf32>
            %swap3A_1105 = arith.constant 1 : i32
            %swap3A_1106 = arith.constant 0 : i32
            %swap3A_1107 = arith.constant 0 : i32
            %swap3A_1108 = tpu.memref_slice %arg17[%cond3A_764, %swap3A_1106, %swap3A_1107] : memref<4x2x3200xf32, #tpu.memory_space<vmem>> -> memref<1x2x3200xf32, #tpu.memory_space<vmem>>
            %swap3A_1109 = tpu.memref_squeeze %swap3A_1108 : memref<1x2x3200xf32, #tpu.memory_space<vmem>> -> memref<2x3200xf32, #tpu.memory_space<vmem>>
            %swap3A_1110 = arith.index_cast %swap3A_1105 : i32 to index
            %swap3A_1111 = arith.index_cast %add3A_1094 : i32 to index
            %swap3A_1112 = tpu.vector_load %swap3A_1109[%swap3A_1110, %swap3A_1111] {strides = array<i32>} : memref<2x3200xf32, #tpu.memory_space<vmem>>, vector<16xf32>,
            tpu.vector_store %swap3A_1109[%swap3A_1110, %swap3A_1111], %add3A_1104 {strides = array<i32>} : memref<2x3200xf32, #tpu.memory_space<vmem>>, vector<16xf32>,
            %add3A_1113 = arith.constant 80 : i32
            %add3A_1114 = arith.addi %multiple_of3A_852, %add3A_1113 : i32
            %get3A_1115 = arith.constant 1 : i32
            %get3A_1116 = arith.constant 0 : i32
            %get3A_1117 = arith.constant 0 : i32
            %get3A_1118 = tpu.memref_slice %arg16[%cond3A_763, %get3A_1116, %get3A_1117] : memref<4x2x3200xf32, #tpu.memory_space<vmem>> -> memref<1x2x3200xf32, #tpu.memory_space<vmem>>
            %get3A_1119 = tpu.memref_squeeze %get3A_1118 : memref<1x2x3200xf32, #tpu.memory_space<vmem>> -> memref<2x3200xf32, #tpu.memory_space<vmem>>
            %get3A_1120 = arith.index_cast %get3A_1115 : i32 to index
            %get3A_1121 = arith.index_cast %add3A_1114 : i32 to index
            %get3A_1122 = tpu.vector_load %get3A_1119[%get3A_1120, %get3A_1121] {strides = array<i32>} : memref<2x3200xf32, #tpu.memory_space<vmem>>, vector<16xf32>,
            %mul3A_1123 = arith.mulf %get3A_1122, %gather3A : vector<16xf32>
            %add3A_1124 = arith.addf %mul3A_1123, %gather3A_759 : vector<16xf32>
            %swap3A_1125 = arith.constant 1 : i32
            %swap3A_1126 = arith.constant 0 : i32
            %swap3A_1127 = arith.constant 0 : i32
            %swap3A_1128 = tpu.memref_slice %arg17[%cond3A_764, %swap3A_1126, %swap3A_1127] : memref<4x2x3200xf32, #tpu.memory_space<vmem>> -> memref<1x2x3200xf32, #tpu.memory_space<vmem>>
            %swap3A_1129 = tpu.memref_squeeze %swap3A_1128 : memref<1x2x3200xf32, #tpu.memory_space<vmem>> -> memref<2x3200xf32, #tpu.memory_space<vmem>>
            %swap3A_1130 = arith.index_cast %swap3A_1125 : i32 to index
            %swap3A_1131 = arith.index_cast %add3A_1114 : i32 to index
            %swap3A_1132 = tpu.vector_load %swap3A_1129[%swap3A_1130, %swap3A_1131] {strides = array<i32>} : memref<2x3200xf32, #tpu.memory_space<vmem>>, vector<16xf32>,
            tpu.vector_store %swap3A_1129[%swap3A_1130, %swap3A_1131], %add3A_1124 {strides = array<i32>} : memref<2x3200xf32, #tpu.memory_space<vmem>>, vector<16xf32>,
            %add3A_1133 = arith.constant 96 : i32
            %add3A_1134 = arith.addi %multiple_of3A_852, %add3A_1133 : i32
            %get3A_1135 = arith.constant 1 : i32
            %get3A_1136 = arith.constant 0 : i32
            %get3A_1137 = arith.constant 0 : i32
            %get3A_1138 = tpu.memref_slice %arg16[%cond3A_763, %get3A_1136, %get3A_1137] : memref<4x2x3200xf32, #tpu.memory_space<vmem>> -> memref<1x2x3200xf32, #tpu.memory_space<vmem>>
            %get3A_1139 = tpu.memref_squeeze %get3A_1138 : memref<1x2x3200xf32, #tpu.memory_space<vmem>> -> memref<2x3200xf32, #tpu.memory_space<vmem>>
            %get3A_1140 = arith.index_cast %get3A_1135 : i32 to index
            %get3A_1141 = arith.index_cast %add3A_1134 : i32 to index
            %get3A_1142 = tpu.vector_load %get3A_1139[%get3A_1140, %get3A_1141] {strides = array<i32>} : memref<2x3200xf32, #tpu.memory_space<vmem>>, vector<16xf32>,
            %mul3A_1143 = arith.mulf %get3A_1142, %gather3A : vector<16xf32>
            %add3A_1144 = arith.addf %mul3A_1143, %gather3A_759 : vector<16xf32>
            %swap3A_1145 = arith.constant 1 : i32
            %swap3A_1146 = arith.constant 0 : i32
            %swap3A_1147 = arith.constant 0 : i32
            %swap3A_1148 = tpu.memref_slice %arg17[%cond3A_764, %swap3A_1146, %swap3A_1147] : memref<4x2x3200xf32, #tpu.memory_space<vmem>> -> memref<1x2x3200xf32, #tpu.memory_space<vmem>>
            %swap3A_1149 = tpu.memref_squeeze %swap3A_1148 : memref<1x2x3200xf32, #tpu.memory_space<vmem>> -> memref<2x3200xf32, #tpu.memory_space<vmem>>
            %swap3A_1150 = arith.index_cast %swap3A_1145 : i32 to index
            %swap3A_1151 = arith.index_cast %add3A_1134 : i32 to index
            %swap3A_1152 = tpu.vector_load %swap3A_1149[%swap3A_1150, %swap3A_1151] {strides = array<i32>} : memref<2x3200xf32, #tpu.memory_space<vmem>>, vector<16xf32>,
            tpu.vector_store %swap3A_1149[%swap3A_1150, %swap3A_1151], %add3A_1144 {strides = array<i32>} : memref<2x3200xf32, #tpu.memory_space<vmem>>, vector<16xf32>,
            %add3A_1153 = arith.constant 112 : i32
            %add3A_1154 = arith.addi %multiple_of3A_852, %add3A_1153 : i32
            %get3A_1155 = arith.constant 1 : i32
            %get3A_1156 = arith.constant 0 : i32
            %get3A_1157 = arith.constant 0 : i32
            %get3A_1158 = tpu.memref_slice %arg16[%cond3A_763, %get3A_1156, %get3A_1157] : memref<4x2x3200xf32, #tpu.memory_space<vmem>> -> memref<1x2x3200xf32, #tpu.memory_space<vmem>>
            %get3A_1159 = tpu.memref_squeeze %get3A_1158 : memref<1x2x3200xf32, #tpu.memory_space<vmem>> -> memref<2x3200xf32, #tpu.memory_space<vmem>>
            %get3A_1160 = arith.index_cast %get3A_1155 : i32 to index
            %get3A_1161 = arith.index_cast %add3A_1154 : i32 to index
            %get3A_1162 = tpu.vector_load %get3A_1159[%get3A_1160, %get3A_1161] {strides = array<i32>} : memref<2x3200xf32, #tpu.memory_space<vmem>>, vector<16xf32>,
            %mul3A_1163 = arith.mulf %get3A_1162, %gather3A : vector<16xf32>
            %add3A_1164 = arith.addf %mul3A_1163, %gather3A_759 : vector<16xf32>
            %swap3A_1165 = arith.constant 1 : i32
            %swap3A_1166 = arith.constant 0 : i32
            %swap3A_1167 = arith.constant 0 : i32
            %swap3A_1168 = tpu.memref_slice %arg17[%cond3A_764, %swap3A_1166, %swap3A_1167] : memref<4x2x3200xf32, #tpu.memory_space<vmem>> -> memref<1x2x3200xf32, #tpu.memory_space<vmem>>
            %swap3A_1169 = tpu.memref_squeeze %swap3A_1168 : memref<1x2x3200xf32, #tpu.memory_space<vmem>> -> memref<2x3200xf32, #tpu.memory_space<vmem>>
            %swap3A_1170 = arith.index_cast %swap3A_1165 : i32 to index
            %swap3A_1171 = arith.index_cast %add3A_1154 : i32 to index
            %swap3A_1172 = tpu.vector_load %swap3A_1169[%swap3A_1170, %swap3A_1171] {strides = array<i32>} : memref<2x3200xf32, #tpu.memory_space<vmem>>, vector<16xf32>,
            tpu.vector_store %swap3A_1169[%swap3A_1170, %swap3A_1171], %add3A_1164 {strides = array<i32>} : memref<2x3200xf32, #tpu.memory_space<vmem>>, vector<16xf32>,
          }
          %scan3A_848 = arith.constant 25 : i32
        } else {
        }
        %eq3A_767 = arith.constant 31 : i32
        %eq3A_768 = arith.cmpi eq, %select_n3A_754, %eq3A_767 : i32
        %convert_element_type3A_769 = arith.extui %eq3A_768 : i1 to i32
        %cond3A_770 = arith.constant 3 : i32
        %cond3A_771 = arith.constant 3 : i32
        %cond3A_772 = arith.constant 0 : i32
        %cond3A_773 = arith.cmpi ne, %convert_element_type3A_769, %cond3A_772 : i32
        scf.if %cond3A_773 {
          %scan3A_843 = arith.constant 0 : i32
          %scan3A_844 = arith.constant 0 : i32
          %scan3A_845 = arith.constant 50 : i32
          %scan3A_846 = arith.addi %scan3A_844, %scan3A_845 : i32
          %scan3A_847 = arith.constant 1 : i32
          scf.for %scan3A_849 = %scan3A_844 to %scan3A_846 step %scan3A_847  : i32 {
            %mul3A_850 = arith.constant 16 : i32
            %mul3A_851 = arith.muli %scan3A_849, %mul3A_850 : i32
            %multiple_of3A_852 = tpu.assume_multiple %mul3A_851, 16 : i32
            %get3A_853 = arith.constant 0 : i32
            %get3A_854 = arith.constant 0 : i32
            %get3A_855 = arith.constant 0 : i32
            %get3A_856 = tpu.memref_slice %arg18[%cond3A_770, %get3A_854, %get3A_855] : memref<4x2x800xf32, #tpu.memory_space<vmem>> -> memref<1x2x800xf32, #tpu.memory_space<vmem>>
            %get3A_857 = tpu.memref_squeeze %get3A_856 : memref<1x2x800xf32, #tpu.memory_space<vmem>> -> memref<2x800xf32, #tpu.memory_space<vmem>>
            %get3A_858 = arith.index_cast %get3A_853 : i32 to index
            %get3A_859 = arith.index_cast %multiple_of3A_852 : i32 to index
            %get3A_860 = tpu.vector_load %get3A_857[%get3A_858, %get3A_859] {strides = array<i32>} : memref<2x800xf32, #tpu.memory_space<vmem>>, vector<16xf32>,
            %mul3A_861 = arith.mulf %get3A_860, %gather3A : vector<16xf32>
            %add3A_862 = arith.addf %mul3A_861, %gather3A_759 : vector<16xf32>
            %swap3A_863 = arith.constant 0 : i32
            %swap3A_864 = arith.constant 0 : i32
            %swap3A_865 = arith.constant 0 : i32
            %swap3A_866 = tpu.memref_slice %arg19[%cond3A_771, %swap3A_864, %swap3A_865] : memref<4x2x800xf32, #tpu.memory_space<vmem>> -> memref<1x2x800xf32, #tpu.memory_space<vmem>>
            %swap3A_867 = tpu.memref_squeeze %swap3A_866 : memref<1x2x800xf32, #tpu.memory_space<vmem>> -> memref<2x800xf32, #tpu.memory_space<vmem>>
            %swap3A_868 = arith.index_cast %swap3A_863 : i32 to index
            %swap3A_869 = arith.index_cast %multiple_of3A_852 : i32 to index
            %swap3A_870 = tpu.vector_load %swap3A_867[%swap3A_868, %swap3A_869] {strides = array<i32>} : memref<2x800xf32, #tpu.memory_space<vmem>>, vector<16xf32>,
            tpu.vector_store %swap3A_867[%swap3A_868, %swap3A_869], %add3A_862 {strides = array<i32>} : memref<2x800xf32, #tpu.memory_space<vmem>>, vector<16xf32>,
            %get3A_871 = arith.constant 1 : i32
            %get3A_872 = arith.constant 0 : i32
            %get3A_873 = arith.constant 0 : i32
            %get3A_874 = tpu.memref_slice %arg18[%cond3A_770, %get3A_872, %get3A_873] : memref<4x2x800xf32, #tpu.memory_space<vmem>> -> memref<1x2x800xf32, #tpu.memory_space<vmem>>
            %get3A_875 = tpu.memref_squeeze %get3A_874 : memref<1x2x800xf32, #tpu.memory_space<vmem>> -> memref<2x800xf32, #tpu.memory_space<vmem>>
            %get3A_876 = arith.index_cast %get3A_871 : i32 to index
            %get3A_877 = arith.index_cast %multiple_of3A_852 : i32 to index
            %get3A_878 = tpu.vector_load %get3A_875[%get3A_876, %get3A_877] {strides = array<i32>} : memref<2x800xf32, #tpu.memory_space<vmem>>, vector<16xf32>,
            %mul3A_879 = arith.mulf %get3A_878, %gather3A : vector<16xf32>
            %add3A_880 = arith.addf %mul3A_879, %gather3A_759 : vector<16xf32>
            %swap3A_881 = arith.constant 1 : i32
            %swap3A_882 = arith.constant 0 : i32
            %swap3A_883 = arith.constant 0 : i32
            %swap3A_884 = tpu.memref_slice %arg19[%cond3A_771, %swap3A_882, %swap3A_883] : memref<4x2x800xf32, #tpu.memory_space<vmem>> -> memref<1x2x800xf32, #tpu.memory_space<vmem>>
            %swap3A_885 = tpu.memref_squeeze %swap3A_884 : memref<1x2x800xf32, #tpu.memory_space<vmem>> -> memref<2x800xf32, #tpu.memory_space<vmem>>
            %swap3A_886 = arith.index_cast %swap3A_881 : i32 to index
            %swap3A_887 = arith.index_cast %multiple_of3A_852 : i32 to index
            %swap3A_888 = tpu.vector_load %swap3A_885[%swap3A_886, %swap3A_887] {strides = array<i32>} : memref<2x800xf32, #tpu.memory_space<vmem>>, vector<16xf32>,
            tpu.vector_store %swap3A_885[%swap3A_886, %swap3A_887], %add3A_880 {strides = array<i32>} : memref<2x800xf32, #tpu.memory_space<vmem>>, vector<16xf32>,
          }
          %scan3A_848 = arith.constant 50 : i32
        } else {
        }
        %mul3A_774 = arith.constant 32 : i32
        %mul3A_775 = arith.muli %add3A_640, %mul3A_774 : i32
        %add3A_776 = arith.addi %mul3A_775, %add3A : i32
        %jit3A_777 = arith.constant 32 : i32
        %div3A_778 = arith.divsi %add3A_776, %jit3A_777 : i32
        %sign3A_779 = arith.constant 0 : i32
        %sign3A_780 = arith.cmpi sgt, %add3A_776, %sign3A_779 : i32
        %sign3A_781 = arith.extui %sign3A_780 : i1 to i32
        %sign3A_782 = arith.constant 0 : i32
        %sign3A_783 = arith.cmpi slt, %add3A_776, %sign3A_782 : i32
        %sign3A_784 = arith.extui %sign3A_783 : i1 to i32
        %sign3A_785 = arith.subi %sign3A_781, %sign3A_784 : i32
        %sign3A_786 = arith.constant 0 : i32
        %sign3A_787 = arith.cmpi sgt, %jit3A_777, %sign3A_786 : i32
        %sign3A_788 = arith.extui %sign3A_787 : i1 to i32
        %sign3A_789 = arith.constant 0 : i32
        %sign3A_790 = arith.cmpi slt, %jit3A_777, %sign3A_789 : i32
        %sign3A_791 = arith.extui %sign3A_790 : i1 to i32
        %sign3A_792 = arith.subi %sign3A_788, %sign3A_791 : i32
        %ne3A_793 = arith.cmpi ne, %sign3A_785, %sign3A_792 : i32
        %rem3A_794 = arith.remsi %add3A_776, %jit3A_777 : i32
        %ne3A_795 = arith.constant 0 : i32
        %ne3A_796 = arith.cmpi ne, %rem3A_794, %ne3A_795 : i32
        %and3A_797 = arith.andi %ne3A_793, %ne3A_796 : i1
        %sub3A_798 = arith.constant 1 : i32
        %sub3A_799 = arith.subi %div3A_778, %sub3A_798 : i32
        %select_n3A_800 = arith.select %and3A_797, %sub3A_799, %div3A_778 : i32
        %jit3A_801 = arith.constant 32 : i32
        %eq3A_802 = arith.constant 0 : i32
        %eq3A_803 = arith.cmpi eq, %jit3A_801, %eq3A_802 : i32
        %jit3A_804 = arith.constant 1 : i32
        %select_n3A_805 = arith.select %eq3A_803, %jit3A_804, %jit3A_801 : i32
        %rem3A_806 = arith.remsi %add3A_776, %select_n3A_805 : i32
        %ne3A_807 = arith.constant 0 : i32
        %ne3A_808 = arith.cmpi ne, %rem3A_806, %ne3A_807 : i32
        %lt3A_809 = arith.constant 0 : i32
        %lt3A_810 = arith.cmpi slt, %rem3A_806, %lt3A_809 : i32
        %lt3A_811 = arith.constant 0 : i32
        %lt3A_812 = arith.cmpi slt, %select_n3A_805, %lt3A_811 : i32
        %ne3A_813 = arith.xori %lt3A_810, %lt3A_812 : i1
        %and3A_814 = arith.andi %ne3A_813, %ne3A_808 : i1
        %add3A_815 = arith.addi %rem3A_806, %select_n3A_805 : i32
        %select_n3A_816 = arith.select %and3A_814, %add3A_815, %rem3A_806 : i32
        %jit3A_817 = arith.constant 0 : i32
        %jit3A_818 = arith.constant 30 : i32
        %max3A_819 = arith.maxsi %jit3A_817, %select_n3A_816 : i32
        %min3A_820 = arith.minsi %jit3A_818, %max3A_819 : i32
        %mul3A_821 = arith.constant 3200 : i32
        %mul3A_822 = arith.muli %min3A_820, %mul3A_821 : i32
        %multiple_of3A_823 = tpu.assume_multiple %mul3A_822, 128 : i32
        %lt3A_824 = arith.constant 31 : i32
        %lt3A_825 = arith.cmpi slt, %select_n3A_816, %lt3A_824 : i32
        %convert_element_type3A_826 = arith.extui %lt3A_825 : i1 to i32
        %cond3A_827 = arith.constant 3 : i32
        %cond3A_828 = arith.constant 0 : i32
        %cond3A_829 = arith.cmpi ne, %convert_element_type3A_826, %cond3A_828 : i32
        scf.if %cond3A_829 {
          %dma_start3A = arith.constant 0 : i32
          %dma_start3A_843 = arith.constant 0 : i32
          %dma_start3A_844 = tpu.memref_slice %arg17[%cond3A_827, %dma_start3A, %dma_start3A_843] : memref<4x2x3200xf32, #tpu.memory_space<vmem>> -> memref<1x2x3200xf32, #tpu.memory_space<vmem>>
          %dma_start3A_845 = tpu.memref_squeeze %dma_start3A_844 : memref<1x2x3200xf32, #tpu.memory_space<vmem>> -> memref<2x3200xf32, #tpu.memory_space<vmem>>
          %dma_start3A_846 = arith.constant 0 : i32
          %dma_start3A_847 = tpu.memref_slice %arg8[%select_n3A_800, %dma_start3A_846, %multiple_of3A_823] : memref<98x2x100000xf32, #tpu.memory_space<hbm>> -> memref<1x2x3200xf32, #tpu.memory_space<hbm>>
          %dma_start3A_848 = tpu.memref_squeeze %dma_start3A_847 : memref<1x2x3200xf32, #tpu.memory_space<hbm>> -> memref<2x3200xf32, #tpu.memory_space<hbm>>
          %dma_start3A_849 = arith.constant 0 : i32
          %dma_start3A_850 = tpu.memref_slice %arg8[%select_n3A_800, %dma_start3A_849, %multiple_of3A_823] : memref<98x2x100000xf32, #tpu.memory_space<hbm>> -> memref<1x2x3200xf32, #tpu.memory_space<hbm>>
          %dma_start3A_851 = tpu.memref_squeeze %dma_start3A_850 : memref<1x2x3200xf32, #tpu.memory_space<hbm>> -> memref<2x3200xf32, #tpu.memory_space<hbm>>
          %dma_start3A_852 = arith.constant 0 : i32
          %dma_start3A_853 = arith.constant 0 : i32
          %dma_start3A_854 = tpu.memref_slice %arg17[%cond3A_827, %dma_start3A_852, %dma_start3A_853] : memref<4x2x3200xf32, #tpu.memory_space<vmem>> -> memref<1x2x3200xf32, #tpu.memory_space<vmem>>
          %dma_start3A_855 = tpu.memref_squeeze %dma_start3A_854 : memref<1x2x3200xf32, #tpu.memory_space<vmem>> -> memref<2x3200xf32, #tpu.memory_space<vmem>>
          tpu.enqueue_dma source(%dma_start3A_855 : memref<2x3200xf32, #tpu.memory_space<vmem>>) target(%dma_start3A_851 : memref<2x3200xf32, #tpu.memory_space<hbm>>) target_semaphore(%arg27 : memref<!tpu.dma_semaphore, #tpu.memory_space<semaphore_mem>>)
        } else {
        }
        %eq3A_830 = arith.constant 31 : i32
        %eq3A_831 = arith.cmpi eq, %select_n3A_816, %eq3A_830 : i32
        %convert_element_type3A_832 = arith.extui %eq3A_831 : i1 to i32
        %cond3A_833 = arith.constant 3 : i32
        %cond3A_834 = arith.constant 0 : i32
        %cond3A_835 = arith.cmpi ne, %convert_element_type3A_832, %cond3A_834 : i32
        scf.if %cond3A_835 {
          %dma_start3A = arith.constant 0 : i32
          %dma_start3A_843 = arith.constant 0 : i32
          %dma_start3A_844 = tpu.memref_slice %arg19[%cond3A_833, %dma_start3A, %dma_start3A_843] : memref<4x2x800xf32, #tpu.memory_space<vmem>> -> memref<1x2x800xf32, #tpu.memory_space<vmem>>
          %dma_start3A_845 = tpu.memref_squeeze %dma_start3A_844 : memref<1x2x800xf32, #tpu.memory_space<vmem>> -> memref<2x800xf32, #tpu.memory_space<vmem>>
          %dma_start3A_846 = arith.constant 0 : i32
          %dma_start3A_847 = arith.constant 99200 : i32
          %dma_start3A_848 = tpu.memref_slice %arg8[%select_n3A_800, %dma_start3A_846, %dma_start3A_847] : memref<98x2x100000xf32, #tpu.memory_space<hbm>> -> memref<1x2x800xf32, #tpu.memory_space<hbm>>
          %dma_start3A_849 = tpu.memref_squeeze %dma_start3A_848 : memref<1x2x800xf32, #tpu.memory_space<hbm>> -> memref<2x800xf32, #tpu.memory_space<hbm>>
          %dma_start3A_850 = arith.constant 0 : i32
          %dma_start3A_851 = arith.constant 99200 : i32
          %dma_start3A_852 = tpu.memref_slice %arg8[%select_n3A_800, %dma_start3A_850, %dma_start3A_851] : memref<98x2x100000xf32, #tpu.memory_space<hbm>> -> memref<1x2x800xf32, #tpu.memory_space<hbm>>
          %dma_start3A_853 = tpu.memref_squeeze %dma_start3A_852 : memref<1x2x800xf32, #tpu.memory_space<hbm>> -> memref<2x800xf32, #tpu.memory_space<hbm>>
          %dma_start3A_854 = arith.constant 0 : i32
          %dma_start3A_855 = arith.constant 0 : i32
          %dma_start3A_856 = tpu.memref_slice %arg19[%cond3A_833, %dma_start3A_854, %dma_start3A_855] : memref<4x2x800xf32, #tpu.memory_space<vmem>> -> memref<1x2x800xf32, #tpu.memory_space<vmem>>
          %dma_start3A_857 = tpu.memref_squeeze %dma_start3A_856 : memref<1x2x800xf32, #tpu.memory_space<vmem>> -> memref<2x800xf32, #tpu.memory_space<vmem>>
          tpu.enqueue_dma source(%dma_start3A_857 : memref<2x800xf32, #tpu.memory_space<vmem>>) target(%dma_start3A_853 : memref<2x800xf32, #tpu.memory_space<hbm>>) target_semaphore(%arg27 : memref<!tpu.dma_semaphore, #tpu.memory_space<semaphore_mem>>)
        } else {
        }
        %add3A_836 = arith.constant 4 : i32
        %add3A_837 = arith.addi %add3A_640, %add3A_836 : i32
        %lt3A_838 = arith.constant 98 : i32
        %lt3A_839 = arith.cmpi slt, %add3A_837, %lt3A_838 : i32
        %convert_element_type3A_840 = arith.extui %lt3A_839 : i1 to i32
        %cond3A_841 = arith.constant 0 : i32
        %cond3A_842 = arith.cmpi ne, %convert_element_type3A_840, %cond3A_841 : i32
        scf.if %cond3A_842 {
          %add3A_843 = arith.constant 4 : i32
          %add3A_844 = arith.addi %add3A_640, %add3A_843 : i32
          %mul3A_845 = arith.constant 32 : i32
          %mul3A_846 = arith.muli %add3A_844, %mul3A_845 : i32
          %add3A_847 = arith.addi %mul3A_846, %add3A : i32
          %jit3A_848 = arith.constant 32 : i32
          %div3A_849 = arith.divsi %add3A_847, %jit3A_848 : i32
          %sign3A_850 = arith.constant 0 : i32
          %sign3A_851 = arith.cmpi sgt, %add3A_847, %sign3A_850 : i32
          %sign3A_852 = arith.extui %sign3A_851 : i1 to i32
          %sign3A_853 = arith.constant 0 : i32
          %sign3A_854 = arith.cmpi slt, %add3A_847, %sign3A_853 : i32
          %sign3A_855 = arith.extui %sign3A_854 : i1 to i32
          %sign3A_856 = arith.subi %sign3A_852, %sign3A_855 : i32
          %sign3A_857 = arith.constant 0 : i32
          %sign3A_858 = arith.cmpi sgt, %jit3A_848, %sign3A_857 : i32
          %sign3A_859 = arith.extui %sign3A_858 : i1 to i32
          %sign3A_860 = arith.constant 0 : i32
          %sign3A_861 = arith.cmpi slt, %jit3A_848, %sign3A_860 : i32
          %sign3A_862 = arith.extui %sign3A_861 : i1 to i32
          %sign3A_863 = arith.subi %sign3A_859, %sign3A_862 : i32
          %ne3A_864 = arith.cmpi ne, %sign3A_856, %sign3A_863 : i32
          %rem3A_865 = arith.remsi %add3A_847, %jit3A_848 : i32
          %ne3A_866 = arith.constant 0 : i32
          %ne3A_867 = arith.cmpi ne, %rem3A_865, %ne3A_866 : i32
          %and3A_868 = arith.andi %ne3A_864, %ne3A_867 : i1
          %sub3A_869 = arith.constant 1 : i32
          %sub3A_870 = arith.subi %div3A_849, %sub3A_869 : i32
          %select_n3A_871 = arith.select %and3A_868, %sub3A_870, %div3A_849 : i32
          %jit3A_872 = arith.constant 32 : i32
          %eq3A_873 = arith.constant 0 : i32
          %eq3A_874 = arith.cmpi eq, %jit3A_872, %eq3A_873 : i32
          %jit3A_875 = arith.constant 1 : i32
          %select_n3A_876 = arith.select %eq3A_874, %jit3A_875, %jit3A_872 : i32
          %rem3A_877 = arith.remsi %add3A_847, %select_n3A_876 : i32
          %ne3A_878 = arith.constant 0 : i32
          %ne3A_879 = arith.cmpi ne, %rem3A_877, %ne3A_878 : i32
          %lt3A_880 = arith.constant 0 : i32
          %lt3A_881 = arith.cmpi slt, %rem3A_877, %lt3A_880 : i32
          %lt3A_882 = arith.constant 0 : i32
          %lt3A_883 = arith.cmpi slt, %select_n3A_876, %lt3A_882 : i32
          %ne3A_884 = arith.xori %lt3A_881, %lt3A_883 : i1
          %and3A_885 = arith.andi %ne3A_884, %ne3A_879 : i1
          %add3A_886 = arith.addi %rem3A_877, %select_n3A_876 : i32
          %select_n3A_887 = arith.select %and3A_885, %add3A_886, %rem3A_877 : i32
          %jit3A_888 = arith.constant 0 : i32
          %jit3A_889 = arith.constant 30 : i32
          %max3A_890 = arith.maxsi %jit3A_888, %select_n3A_887 : i32
          %min3A_891 = arith.minsi %jit3A_889, %max3A_890 : i32
          %mul3A_892 = arith.constant 3200 : i32
          %mul3A_893 = arith.muli %min3A_891, %mul3A_892 : i32
          %multiple_of3A_894 = tpu.assume_multiple %mul3A_893, 128 : i32
          %lt3A_895 = arith.constant 31 : i32
          %lt3A_896 = arith.cmpi slt, %select_n3A_887, %lt3A_895 : i32
          %convert_element_type3A_897 = arith.extui %lt3A_896 : i1 to i32
          %cond3A_898 = arith.constant 3 : i32
          %cond3A_899 = arith.constant 0 : i32
          %cond3A_900 = arith.cmpi ne, %convert_element_type3A_897, %cond3A_899 : i32
          scf.if %cond3A_900 {
            %dma_start3A = arith.constant 0 : i32
            %dma_start3A_907 = arith.constant 0 : i32
            %dma_start3A_908 = tpu.memref_slice %arg16[%cond3A_898, %dma_start3A, %dma_start3A_907] : memref<4x2x3200xf32, #tpu.memory_space<vmem>> -> memref<1x2x3200xf32, #tpu.memory_space<vmem>>
            %dma_start3A_909 = tpu.memref_squeeze %dma_start3A_908 : memref<1x2x3200xf32, #tpu.memory_space<vmem>> -> memref<2x3200xf32, #tpu.memory_space<vmem>>
            %dma_start3A_910 = arith.constant 0 : i32
            %dma_start3A_911 = tpu.memref_slice %arg2[%select_n3A_871, %dma_start3A_910, %multiple_of3A_894] : memref<98x2x100000xf32, #tpu.memory_space<hbm>> -> memref<1x2x3200xf32, #tpu.memory_space<hbm>>
            %dma_start3A_912 = tpu.memref_squeeze %dma_start3A_911 : memref<1x2x3200xf32, #tpu.memory_space<hbm>> -> memref<2x3200xf32, #tpu.memory_space<hbm>>
            %dma_start3A_913 = arith.constant 0 : i32
            %dma_start3A_914 = arith.constant 0 : i32
            %dma_start3A_915 = tpu.memref_slice %arg16[%cond3A_898, %dma_start3A_913, %dma_start3A_914] : memref<4x2x3200xf32, #tpu.memory_space<vmem>> -> memref<1x2x3200xf32, #tpu.memory_space<vmem>>
            %dma_start3A_916 = tpu.memref_squeeze %dma_start3A_915 : memref<1x2x3200xf32, #tpu.memory_space<vmem>> -> memref<2x3200xf32, #tpu.memory_space<vmem>>
            %dma_start3A_917 = arith.constant 0 : i32
            %dma_start3A_918 = tpu.memref_slice %arg2[%select_n3A_871, %dma_start3A_917, %multiple_of3A_894] : memref<98x2x100000xf32, #tpu.memory_space<hbm>> -> memref<1x2x3200xf32, #tpu.memory_space<hbm>>
            %dma_start3A_919 = tpu.memref_squeeze %dma_start3A_918 : memref<1x2x3200xf32, #tpu.memory_space<hbm>> -> memref<2x3200xf32, #tpu.memory_space<hbm>>
            tpu.enqueue_dma source(%dma_start3A_919 : memref<2x3200xf32, #tpu.memory_space<hbm>>) target(%dma_start3A_916 : memref<2x3200xf32, #tpu.memory_space<vmem>>) target_semaphore(%arg23 : memref<!tpu.dma_semaphore, #tpu.memory_space<semaphore_mem>>)
          } else {
          }
          %eq3A_901 = arith.constant 31 : i32
          %eq3A_902 = arith.cmpi eq, %select_n3A_887, %eq3A_901 : i32
          %convert_element_type3A_903 = arith.extui %eq3A_902 : i1 to i32
          %cond3A_904 = arith.constant 3 : i32
          %cond3A_905 = arith.constant 0 : i32
          %cond3A_906 = arith.cmpi ne, %convert_element_type3A_903, %cond3A_905 : i32
          scf.if %cond3A_906 {
            %dma_start3A = arith.constant 0 : i32
            %dma_start3A_907 = arith.constant 0 : i32
            %dma_start3A_908 = tpu.memref_slice %arg18[%cond3A_904, %dma_start3A, %dma_start3A_907] : memref<4x2x800xf32, #tpu.memory_space<vmem>> -> memref<1x2x800xf32, #tpu.memory_space<vmem>>
            %dma_start3A_909 = tpu.memref_squeeze %dma_start3A_908 : memref<1x2x800xf32, #tpu.memory_space<vmem>> -> memref<2x800xf32, #tpu.memory_space<vmem>>
            %dma_start3A_910 = arith.constant 0 : i32
            %dma_start3A_911 = arith.constant 99200 : i32
            %dma_start3A_912 = tpu.memref_slice %arg2[%select_n3A_871, %dma_start3A_910, %dma_start3A_911] : memref<98x2x100000xf32, #tpu.memory_space<hbm>> -> memref<1x2x800xf32, #tpu.memory_space<hbm>>
            %dma_start3A_913 = tpu.memref_squeeze %dma_start3A_912 : memref<1x2x800xf32, #tpu.memory_space<hbm>> -> memref<2x800xf32, #tpu.memory_space<hbm>>
            %dma_start3A_914 = arith.constant 0 : i32
            %dma_start3A_915 = arith.constant 0 : i32
            %dma_start3A_916 = tpu.memref_slice %arg18[%cond3A_904, %dma_start3A_914, %dma_start3A_915] : memref<4x2x800xf32, #tpu.memory_space<vmem>> -> memref<1x2x800xf32, #tpu.memory_space<vmem>>
            %dma_start3A_917 = tpu.memref_squeeze %dma_start3A_916 : memref<1x2x800xf32, #tpu.memory_space<vmem>> -> memref<2x800xf32, #tpu.memory_space<vmem>>
            %dma_start3A_918 = arith.constant 0 : i32
            %dma_start3A_919 = arith.constant 99200 : i32
            %dma_start3A_920 = tpu.memref_slice %arg2[%select_n3A_871, %dma_start3A_918, %dma_start3A_919] : memref<98x2x100000xf32, #tpu.memory_space<hbm>> -> memref<1x2x800xf32, #tpu.memory_space<hbm>>
            %dma_start3A_921 = tpu.memref_squeeze %dma_start3A_920 : memref<1x2x800xf32, #tpu.memory_space<hbm>> -> memref<2x800xf32, #tpu.memory_space<hbm>>
            tpu.enqueue_dma source(%dma_start3A_921 : memref<2x800xf32, #tpu.memory_space<hbm>>) target(%dma_start3A_917 : memref<2x800xf32, #tpu.memory_space<vmem>>) target_semaphore(%arg23 : memref<!tpu.dma_semaphore, #tpu.memory_space<semaphore_mem>>)
          } else {
          }
        } else {
        }
      } else {
      }
    }
    %scan3A_364 = arith.constant 25 : i32
    %add3A_365 = arith.constant 3072 : i32
    %add3A_366 = arith.addi %add3A_365, %add3A : i32
    %jit3A_367 = arith.constant 32 : i32
    %div3A_368 = arith.divsi %add3A_366, %jit3A_367 : i32
    %sign3A_369 = arith.constant 0 : i32
    %sign3A_370 = arith.cmpi sgt, %add3A_366, %sign3A_369 : i32
    %sign3A_371 = arith.extui %sign3A_370 : i1 to i32
    %sign3A_372 = arith.constant 0 : i32
    %sign3A_373 = arith.cmpi slt, %add3A_366, %sign3A_372 : i32
    %sign3A_374 = arith.extui %sign3A_373 : i1 to i32
    %sign3A_375 = arith.subi %sign3A_371, %sign3A_374 : i32
    %sign3A_376 = arith.constant 0 : i32
    %sign3A_377 = arith.cmpi sgt, %jit3A_367, %sign3A_376 : i32
    %sign3A_378 = arith.extui %sign3A_377 : i1 to i32
    %sign3A_379 = arith.constant 0 : i32
    %sign3A_380 = arith.cmpi slt, %jit3A_367, %sign3A_379 : i32
    %sign3A_381 = arith.extui %sign3A_380 : i1 to i32
    %sign3A_382 = arith.subi %sign3A_378, %sign3A_381 : i32
    %ne3A_383 = arith.cmpi ne, %sign3A_375, %sign3A_382 : i32
    %rem3A_384 = arith.remsi %add3A_366, %jit3A_367 : i32
    %ne3A_385 = arith.constant 0 : i32
    %ne3A_386 = arith.cmpi ne, %rem3A_384, %ne3A_385 : i32
    %and3A_387 = arith.andi %ne3A_383, %ne3A_386 : i1
    %sub3A_388 = arith.constant 1 : i32
    %sub3A_389 = arith.subi %div3A_368, %sub3A_388 : i32
    %select_n3A_390 = arith.select %and3A_387, %sub3A_389, %div3A_368 : i32
    %jit3A_391 = arith.constant 32 : i32
    %eq3A_392 = arith.constant 0 : i32
    %eq3A_393 = arith.cmpi eq, %jit3A_391, %eq3A_392 : i32
    %jit3A_394 = arith.constant 1 : i32
    %select_n3A_395 = arith.select %eq3A_393, %jit3A_394, %jit3A_391 : i32
    %rem3A_396 = arith.remsi %add3A_366, %select_n3A_395 : i32
    %ne3A_397 = arith.constant 0 : i32
    %ne3A_398 = arith.cmpi ne, %rem3A_396, %ne3A_397 : i32
    %lt3A_399 = arith.constant 0 : i32
    %lt3A_400 = arith.cmpi slt, %rem3A_396, %lt3A_399 : i32
    %lt3A_401 = arith.constant 0 : i32
    %lt3A_402 = arith.cmpi slt, %select_n3A_395, %lt3A_401 : i32
    %ne3A_403 = arith.xori %lt3A_400, %lt3A_402 : i1
    %and3A_404 = arith.andi %ne3A_403, %ne3A_398 : i1
    %add3A_405 = arith.addi %rem3A_396, %select_n3A_395 : i32
    %select_n3A_406 = arith.select %and3A_404, %add3A_405, %rem3A_396 : i32
    %jit3A_407 = arith.constant 0 : i32
    %jit3A_408 = arith.constant 30 : i32
    %max3A_409 = arith.maxsi %jit3A_407, %select_n3A_406 : i32
    %min3A_410 = arith.minsi %jit3A_408, %max3A_409 : i32
    %mul3A_411 = arith.constant 3200 : i32
    %mul3A_412 = arith.muli %min3A_410, %mul3A_411 : i32
    %multiple_of3A_413 = tpu.assume_multiple %mul3A_412, 128 : i32
    %lt3A_414 = arith.constant 31 : i32
    %lt3A_415 = arith.cmpi slt, %select_n3A_406, %lt3A_414 : i32
    %convert_element_type3A_416 = arith.extui %lt3A_415 : i1 to i32
    %cond3A_417 = arith.constant 0 : i32
    %cond3A_418 = arith.constant 0 : i32
    %cond3A_419 = arith.cmpi ne, %convert_element_type3A_416, %cond3A_418 : i32
    scf.if %cond3A_419 {
      %dma_wait3A = arith.constant 0 : i32
      %dma_wait3A_609 = arith.constant 0 : i32
      %dma_wait3A_610 = tpu.memref_slice %arg17[%cond3A_417, %dma_wait3A, %dma_wait3A_609] : memref<4x2x3200xf32, #tpu.memory_space<vmem>> -> memref<1x2x3200xf32, #tpu.memory_space<vmem>>
      %dma_wait3A_611 = tpu.memref_squeeze %dma_wait3A_610 : memref<1x2x3200xf32, #tpu.memory_space<vmem>> -> memref<2x3200xf32, #tpu.memory_space<vmem>>
      %dma_wait3A_612 = arith.constant 0 : i32
      %dma_wait3A_613 = tpu.memref_slice %arg8[%select_n3A_390, %dma_wait3A_612, %multiple_of3A_413] : memref<98x2x100000xf32, #tpu.memory_space<hbm>> -> memref<1x2x3200xf32, #tpu.memory_space<hbm>>
      %dma_wait3A_614 = tpu.memref_squeeze %dma_wait3A_613 : memref<1x2x3200xf32, #tpu.memory_space<hbm>> -> memref<2x3200xf32, #tpu.memory_space<hbm>>
      %dma_wait3A_615 = arith.constant 0 : i32
      %dma_wait3A_616 = tpu.memref_slice %arg8[%select_n3A_390, %dma_wait3A_615, %multiple_of3A_413] : memref<98x2x100000xf32, #tpu.memory_space<hbm>> -> memref<1x2x3200xf32, #tpu.memory_space<hbm>>
      %dma_wait3A_617 = tpu.memref_squeeze %dma_wait3A_616 : memref<1x2x3200xf32, #tpu.memory_space<hbm>> -> memref<2x3200xf32, #tpu.memory_space<hbm>>
      %dma_wait3A_618 = arith.constant 0 : i32
      %dma_wait3A_619 = arith.constant 0 : i32
      %dma_wait3A_620 = tpu.memref_slice %arg17[%cond3A_417, %dma_wait3A_618, %dma_wait3A_619] : memref<4x2x3200xf32, #tpu.memory_space<vmem>> -> memref<1x2x3200xf32, #tpu.memory_space<vmem>>
      %dma_wait3A_621 = tpu.memref_squeeze %dma_wait3A_620 : memref<1x2x3200xf32, #tpu.memory_space<vmem>> -> memref<2x3200xf32, #tpu.memory_space<vmem>>
      tpu.wait_dma2 semaphore(%arg24 : memref<!tpu.dma_semaphore, #tpu.memory_space<semaphore_mem>>) src(%dma_wait3A_621 : memref<2x3200xf32, #tpu.memory_space<vmem>>) dst(%dma_wait3A_617 : memref<2x3200xf32, #tpu.memory_space<hbm>>)
    } else {
    }
    %eq3A_420 = arith.constant 31 : i32
    %eq3A_421 = arith.cmpi eq, %select_n3A_406, %eq3A_420 : i32
    %convert_element_type3A_422 = arith.extui %eq3A_421 : i1 to i32
    %cond3A_423 = arith.constant 0 : i32
    %cond3A_424 = arith.constant 0 : i32
    %cond3A_425 = arith.cmpi ne, %convert_element_type3A_422, %cond3A_424 : i32
    scf.if %cond3A_425 {
      %dma_wait3A = arith.constant 0 : i32
      %dma_wait3A_609 = arith.constant 0 : i32
      %dma_wait3A_610 = tpu.memref_slice %arg19[%cond3A_423, %dma_wait3A, %dma_wait3A_609] : memref<4x2x800xf32, #tpu.memory_space<vmem>> -> memref<1x2x800xf32, #tpu.memory_space<vmem>>
      %dma_wait3A_611 = tpu.memref_squeeze %dma_wait3A_610 : memref<1x2x800xf32, #tpu.memory_space<vmem>> -> memref<2x800xf32, #tpu.memory_space<vmem>>
      %dma_wait3A_612 = arith.constant 0 : i32
      %dma_wait3A_613 = arith.constant 99200 : i32
      %dma_wait3A_614 = tpu.memref_slice %arg8[%select_n3A_390, %dma_wait3A_612, %dma_wait3A_613] : memref<98x2x100000xf32, #tpu.memory_space<hbm>> -> memref<1x2x800xf32, #tpu.memory_space<hbm>>
      %dma_wait3A_615 = tpu.memref_squeeze %dma_wait3A_614 : memref<1x2x800xf32, #tpu.memory_space<hbm>> -> memref<2x800xf32, #tpu.memory_space<hbm>>
      %dma_wait3A_616 = arith.constant 0 : i32
      %dma_wait3A_617 = arith.constant 99200 : i32
      %dma_wait3A_618 = tpu.memref_slice %arg8[%select_n3A_390, %dma_wait3A_616, %dma_wait3A_617] : memref<98x2x100000xf32, #tpu.memory_space<hbm>> -> memref<1x2x800xf32, #tpu.memory_space<hbm>>
      %dma_wait3A_619 = tpu.memref_squeeze %dma_wait3A_618 : memref<1x2x800xf32, #tpu.memory_space<hbm>> -> memref<2x800xf32, #tpu.memory_space<hbm>>
      %dma_wait3A_620 = arith.constant 0 : i32
      %dma_wait3A_621 = arith.constant 0 : i32
      %dma_wait3A_622 = tpu.memref_slice %arg19[%cond3A_423, %dma_wait3A_620, %dma_wait3A_621] : memref<4x2x800xf32, #tpu.memory_space<vmem>> -> memref<1x2x800xf32, #tpu.memory_space<vmem>>
      %dma_wait3A_623 = tpu.memref_squeeze %dma_wait3A_622 : memref<1x2x800xf32, #tpu.memory_space<vmem>> -> memref<2x800xf32, #tpu.memory_space<vmem>>
      tpu.wait_dma2 semaphore(%arg24 : memref<!tpu.dma_semaphore, #tpu.memory_space<semaphore_mem>>) src(%dma_wait3A_623 : memref<2x800xf32, #tpu.memory_space<vmem>>) dst(%dma_wait3A_619 : memref<2x800xf32, #tpu.memory_space<hbm>>)
    } else {
    }
    %add3A_426 = arith.constant 3104 : i32
    %add3A_427 = arith.addi %add3A_426, %add3A : i32
    %jit3A_428 = arith.constant 32 : i32
    %div3A_429 = arith.divsi %add3A_427, %jit3A_428 : i32
    %sign3A_430 = arith.constant 0 : i32
    %sign3A_431 = arith.cmpi sgt, %add3A_427, %sign3A_430 : i32
    %sign3A_432 = arith.extui %sign3A_431 : i1 to i32
    %sign3A_433 = arith.constant 0 : i32
    %sign3A_434 = arith.cmpi slt, %add3A_427, %sign3A_433 : i32
    %sign3A_435 = arith.extui %sign3A_434 : i1 to i32
    %sign3A_436 = arith.subi %sign3A_432, %sign3A_435 : i32
    %sign3A_437 = arith.constant 0 : i32
    %sign3A_438 = arith.cmpi sgt, %jit3A_428, %sign3A_437 : i32
    %sign3A_439 = arith.extui %sign3A_438 : i1 to i32
    %sign3A_440 = arith.constant 0 : i32
    %sign3A_441 = arith.cmpi slt, %jit3A_428, %sign3A_440 : i32
    %sign3A_442 = arith.extui %sign3A_441 : i1 to i32
    %sign3A_443 = arith.subi %sign3A_439, %sign3A_442 : i32
    %ne3A_444 = arith.cmpi ne, %sign3A_436, %sign3A_443 : i32
    %rem3A_445 = arith.remsi %add3A_427, %jit3A_428 : i32
    %ne3A_446 = arith.constant 0 : i32
    %ne3A_447 = arith.cmpi ne, %rem3A_445, %ne3A_446 : i32
    %and3A_448 = arith.andi %ne3A_444, %ne3A_447 : i1
    %sub3A_449 = arith.constant 1 : i32
    %sub3A_450 = arith.subi %div3A_429, %sub3A_449 : i32
    %select_n3A_451 = arith.select %and3A_448, %sub3A_450, %div3A_429 : i32
    %jit3A_452 = arith.constant 32 : i32
    %eq3A_453 = arith.constant 0 : i32
    %eq3A_454 = arith.cmpi eq, %jit3A_452, %eq3A_453 : i32
    %jit3A_455 = arith.constant 1 : i32
    %select_n3A_456 = arith.select %eq3A_454, %jit3A_455, %jit3A_452 : i32
    %rem3A_457 = arith.remsi %add3A_427, %select_n3A_456 : i32
    %ne3A_458 = arith.constant 0 : i32
    %ne3A_459 = arith.cmpi ne, %rem3A_457, %ne3A_458 : i32
    %lt3A_460 = arith.constant 0 : i32
    %lt3A_461 = arith.cmpi slt, %rem3A_457, %lt3A_460 : i32
    %lt3A_462 = arith.constant 0 : i32
    %lt3A_463 = arith.cmpi slt, %select_n3A_456, %lt3A_462 : i32
    %ne3A_464 = arith.xori %lt3A_461, %lt3A_463 : i1
    %and3A_465 = arith.andi %ne3A_464, %ne3A_459 : i1
    %add3A_466 = arith.addi %rem3A_457, %select_n3A_456 : i32
    %select_n3A_467 = arith.select %and3A_465, %add3A_466, %rem3A_457 : i32
    %jit3A_468 = arith.constant 0 : i32
    %jit3A_469 = arith.constant 30 : i32
    %max3A_470 = arith.maxsi %jit3A_468, %select_n3A_467 : i32
    %min3A_471 = arith.minsi %jit3A_469, %max3A_470 : i32
    %mul3A_472 = arith.constant 3200 : i32
    %mul3A_473 = arith.muli %min3A_471, %mul3A_472 : i32
    %multiple_of3A_474 = tpu.assume_multiple %mul3A_473, 128 : i32
    %lt3A_475 = arith.constant 31 : i32
    %lt3A_476 = arith.cmpi slt, %select_n3A_467, %lt3A_475 : i32
    %convert_element_type3A_477 = arith.extui %lt3A_476 : i1 to i32
    %cond3A_478 = arith.constant 1 : i32
    %cond3A_479 = arith.constant 0 : i32
    %cond3A_480 = arith.cmpi ne, %convert_element_type3A_477, %cond3A_479 : i32
    scf.if %cond3A_480 {
      %dma_wait3A = arith.constant 0 : i32
      %dma_wait3A_609 = arith.constant 0 : i32
      %dma_wait3A_610 = tpu.memref_slice %arg17[%cond3A_478, %dma_wait3A, %dma_wait3A_609] : memref<4x2x3200xf32, #tpu.memory_space<vmem>> -> memref<1x2x3200xf32, #tpu.memory_space<vmem>>
      %dma_wait3A_611 = tpu.memref_squeeze %dma_wait3A_610 : memref<1x2x3200xf32, #tpu.memory_space<vmem>> -> memref<2x3200xf32, #tpu.memory_space<vmem>>
      %dma_wait3A_612 = arith.constant 0 : i32
      %dma_wait3A_613 = tpu.memref_slice %arg8[%select_n3A_451, %dma_wait3A_612, %multiple_of3A_474] : memref<98x2x100000xf32, #tpu.memory_space<hbm>> -> memref<1x2x3200xf32, #tpu.memory_space<hbm>>
      %dma_wait3A_614 = tpu.memref_squeeze %dma_wait3A_613 : memref<1x2x3200xf32, #tpu.memory_space<hbm>> -> memref<2x3200xf32, #tpu.memory_space<hbm>>
      %dma_wait3A_615 = arith.constant 0 : i32
      %dma_wait3A_616 = tpu.memref_slice %arg8[%select_n3A_451, %dma_wait3A_615, %multiple_of3A_474] : memref<98x2x100000xf32, #tpu.memory_space<hbm>> -> memref<1x2x3200xf32, #tpu.memory_space<hbm>>
      %dma_wait3A_617 = tpu.memref_squeeze %dma_wait3A_616 : memref<1x2x3200xf32, #tpu.memory_space<hbm>> -> memref<2x3200xf32, #tpu.memory_space<hbm>>
      %dma_wait3A_618 = arith.constant 0 : i32
      %dma_wait3A_619 = arith.constant 0 : i32
      %dma_wait3A_620 = tpu.memref_slice %arg17[%cond3A_478, %dma_wait3A_618, %dma_wait3A_619] : memref<4x2x3200xf32, #tpu.memory_space<vmem>> -> memref<1x2x3200xf32, #tpu.memory_space<vmem>>
      %dma_wait3A_621 = tpu.memref_squeeze %dma_wait3A_620 : memref<1x2x3200xf32, #tpu.memory_space<vmem>> -> memref<2x3200xf32, #tpu.memory_space<vmem>>
      tpu.wait_dma2 semaphore(%arg25 : memref<!tpu.dma_semaphore, #tpu.memory_space<semaphore_mem>>) src(%dma_wait3A_621 : memref<2x3200xf32, #tpu.memory_space<vmem>>) dst(%dma_wait3A_617 : memref<2x3200xf32, #tpu.memory_space<hbm>>)
    } else {
    }
    %eq3A_481 = arith.constant 31 : i32
    %eq3A_482 = arith.cmpi eq, %select_n3A_467, %eq3A_481 : i32
    %convert_element_type3A_483 = arith.extui %eq3A_482 : i1 to i32
    %cond3A_484 = arith.constant 1 : i32
    %cond3A_485 = arith.constant 0 : i32
    %cond3A_486 = arith.cmpi ne, %convert_element_type3A_483, %cond3A_485 : i32
    scf.if %cond3A_486 {
      %dma_wait3A = arith.constant 0 : i32
      %dma_wait3A_609 = arith.constant 0 : i32
      %dma_wait3A_610 = tpu.memref_slice %arg19[%cond3A_484, %dma_wait3A, %dma_wait3A_609] : memref<4x2x800xf32, #tpu.memory_space<vmem>> -> memref<1x2x800xf32, #tpu.memory_space<vmem>>
      %dma_wait3A_611 = tpu.memref_squeeze %dma_wait3A_610 : memref<1x2x800xf32, #tpu.memory_space<vmem>> -> memref<2x800xf32, #tpu.memory_space<vmem>>
      %dma_wait3A_612 = arith.constant 0 : i32
      %dma_wait3A_613 = arith.constant 99200 : i32
      %dma_wait3A_614 = tpu.memref_slice %arg8[%select_n3A_451, %dma_wait3A_612, %dma_wait3A_613] : memref<98x2x100000xf32, #tpu.memory_space<hbm>> -> memref<1x2x800xf32, #tpu.memory_space<hbm>>
      %dma_wait3A_615 = tpu.memref_squeeze %dma_wait3A_614 : memref<1x2x800xf32, #tpu.memory_space<hbm>> -> memref<2x800xf32, #tpu.memory_space<hbm>>
      %dma_wait3A_616 = arith.constant 0 : i32
      %dma_wait3A_617 = arith.constant 99200 : i32
      %dma_wait3A_618 = tpu.memref_slice %arg8[%select_n3A_451, %dma_wait3A_616, %dma_wait3A_617] : memref<98x2x100000xf32, #tpu.memory_space<hbm>> -> memref<1x2x800xf32, #tpu.memory_space<hbm>>
      %dma_wait3A_619 = tpu.memref_squeeze %dma_wait3A_618 : memref<1x2x800xf32, #tpu.memory_space<hbm>> -> memref<2x800xf32, #tpu.memory_space<hbm>>
      %dma_wait3A_620 = arith.constant 0 : i32
      %dma_wait3A_621 = arith.constant 0 : i32
      %dma_wait3A_622 = tpu.memref_slice %arg19[%cond3A_484, %dma_wait3A_620, %dma_wait3A_621] : memref<4x2x800xf32, #tpu.memory_space<vmem>> -> memref<1x2x800xf32, #tpu.memory_space<vmem>>
      %dma_wait3A_623 = tpu.memref_squeeze %dma_wait3A_622 : memref<1x2x800xf32, #tpu.memory_space<vmem>> -> memref<2x800xf32, #tpu.memory_space<vmem>>
      tpu.wait_dma2 semaphore(%arg25 : memref<!tpu.dma_semaphore, #tpu.memory_space<semaphore_mem>>) src(%dma_wait3A_623 : memref<2x800xf32, #tpu.memory_space<vmem>>) dst(%dma_wait3A_619 : memref<2x800xf32, #tpu.memory_space<hbm>>)
    } else {
    }
    %add3A_487 = arith.constant 3008 : i32
    %add3A_488 = arith.addi %add3A_487, %add3A : i32
    %jit3A_489 = arith.constant 32 : i32
    %div3A_490 = arith.divsi %add3A_488, %jit3A_489 : i32
    %sign3A_491 = arith.constant 0 : i32
    %sign3A_492 = arith.cmpi sgt, %add3A_488, %sign3A_491 : i32
    %sign3A_493 = arith.extui %sign3A_492 : i1 to i32
    %sign3A_494 = arith.constant 0 : i32
    %sign3A_495 = arith.cmpi slt, %add3A_488, %sign3A_494 : i32
    %sign3A_496 = arith.extui %sign3A_495 : i1 to i32
    %sign3A_497 = arith.subi %sign3A_493, %sign3A_496 : i32
    %sign3A_498 = arith.constant 0 : i32
    %sign3A_499 = arith.cmpi sgt, %jit3A_489, %sign3A_498 : i32
    %sign3A_500 = arith.extui %sign3A_499 : i1 to i32
    %sign3A_501 = arith.constant 0 : i32
    %sign3A_502 = arith.cmpi slt, %jit3A_489, %sign3A_501 : i32
    %sign3A_503 = arith.extui %sign3A_502 : i1 to i32
    %sign3A_504 = arith.subi %sign3A_500, %sign3A_503 : i32
    %ne3A_505 = arith.cmpi ne, %sign3A_497, %sign3A_504 : i32
    %rem3A_506 = arith.remsi %add3A_488, %jit3A_489 : i32
    %ne3A_507 = arith.constant 0 : i32
    %ne3A_508 = arith.cmpi ne, %rem3A_506, %ne3A_507 : i32
    %and3A_509 = arith.andi %ne3A_505, %ne3A_508 : i1
    %sub3A_510 = arith.constant 1 : i32
    %sub3A_511 = arith.subi %div3A_490, %sub3A_510 : i32
    %select_n3A_512 = arith.select %and3A_509, %sub3A_511, %div3A_490 : i32
    %jit3A_513 = arith.constant 32 : i32
    %eq3A_514 = arith.constant 0 : i32
    %eq3A_515 = arith.cmpi eq, %jit3A_513, %eq3A_514 : i32
    %jit3A_516 = arith.constant 1 : i32
    %select_n3A_517 = arith.select %eq3A_515, %jit3A_516, %jit3A_513 : i32
    %rem3A_518 = arith.remsi %add3A_488, %select_n3A_517 : i32
    %ne3A_519 = arith.constant 0 : i32
    %ne3A_520 = arith.cmpi ne, %rem3A_518, %ne3A_519 : i32
    %lt3A_521 = arith.constant 0 : i32
    %lt3A_522 = arith.cmpi slt, %rem3A_518, %lt3A_521 : i32
    %lt3A_523 = arith.constant 0 : i32
    %lt3A_524 = arith.cmpi slt, %select_n3A_517, %lt3A_523 : i32
    %ne3A_525 = arith.xori %lt3A_522, %lt3A_524 : i1
    %and3A_526 = arith.andi %ne3A_525, %ne3A_520 : i1
    %add3A_527 = arith.addi %rem3A_518, %select_n3A_517 : i32
    %select_n3A_528 = arith.select %and3A_526, %add3A_527, %rem3A_518 : i32
    %jit3A_529 = arith.constant 0 : i32
    %jit3A_530 = arith.constant 30 : i32
    %max3A_531 = arith.maxsi %jit3A_529, %select_n3A_528 : i32
    %min3A_532 = arith.minsi %jit3A_530, %max3A_531 : i32
    %mul3A_533 = arith.constant 3200 : i32
    %mul3A_534 = arith.muli %min3A_532, %mul3A_533 : i32
    %multiple_of3A_535 = tpu.assume_multiple %mul3A_534, 128 : i32
    %lt3A_536 = arith.constant 31 : i32
    %lt3A_537 = arith.cmpi slt, %select_n3A_528, %lt3A_536 : i32
    %convert_element_type3A_538 = arith.extui %lt3A_537 : i1 to i32
    %cond3A_539 = arith.constant 2 : i32
    %cond3A_540 = arith.constant 0 : i32
    %cond3A_541 = arith.cmpi ne, %convert_element_type3A_538, %cond3A_540 : i32
    scf.if %cond3A_541 {
      %dma_wait3A = arith.constant 0 : i32
      %dma_wait3A_609 = arith.constant 0 : i32
      %dma_wait3A_610 = tpu.memref_slice %arg17[%cond3A_539, %dma_wait3A, %dma_wait3A_609] : memref<4x2x3200xf32, #tpu.memory_space<vmem>> -> memref<1x2x3200xf32, #tpu.memory_space<vmem>>
      %dma_wait3A_611 = tpu.memref_squeeze %dma_wait3A_610 : memref<1x2x3200xf32, #tpu.memory_space<vmem>> -> memref<2x3200xf32, #tpu.memory_space<vmem>>
      %dma_wait3A_612 = arith.constant 0 : i32
      %dma_wait3A_613 = tpu.memref_slice %arg8[%select_n3A_512, %dma_wait3A_612, %multiple_of3A_535] : memref<98x2x100000xf32, #tpu.memory_space<hbm>> -> memref<1x2x3200xf32, #tpu.memory_space<hbm>>
      %dma_wait3A_614 = tpu.memref_squeeze %dma_wait3A_613 : memref<1x2x3200xf32, #tpu.memory_space<hbm>> -> memref<2x3200xf32, #tpu.memory_space<hbm>>
      %dma_wait3A_615 = arith.constant 0 : i32
      %dma_wait3A_616 = tpu.memref_slice %arg8[%select_n3A_512, %dma_wait3A_615, %multiple_of3A_535] : memref<98x2x100000xf32, #tpu.memory_space<hbm>> -> memref<1x2x3200xf32, #tpu.memory_space<hbm>>
      %dma_wait3A_617 = tpu.memref_squeeze %dma_wait3A_616 : memref<1x2x3200xf32, #tpu.memory_space<hbm>> -> memref<2x3200xf32, #tpu.memory_space<hbm>>
      %dma_wait3A_618 = arith.constant 0 : i32
      %dma_wait3A_619 = arith.constant 0 : i32
      %dma_wait3A_620 = tpu.memref_slice %arg17[%cond3A_539, %dma_wait3A_618, %dma_wait3A_619] : memref<4x2x3200xf32, #tpu.memory_space<vmem>> -> memref<1x2x3200xf32, #tpu.memory_space<vmem>>
      %dma_wait3A_621 = tpu.memref_squeeze %dma_wait3A_620 : memref<1x2x3200xf32, #tpu.memory_space<vmem>> -> memref<2x3200xf32, #tpu.memory_space<vmem>>
      tpu.wait_dma2 semaphore(%arg26 : memref<!tpu.dma_semaphore, #tpu.memory_space<semaphore_mem>>) src(%dma_wait3A_621 : memref<2x3200xf32, #tpu.memory_space<vmem>>) dst(%dma_wait3A_617 : memref<2x3200xf32, #tpu.memory_space<hbm>>)
    } else {
    }
    %eq3A_542 = arith.constant 31 : i32
    %eq3A_543 = arith.cmpi eq, %select_n3A_528, %eq3A_542 : i32
    %convert_element_type3A_544 = arith.extui %eq3A_543 : i1 to i32
    %cond3A_545 = arith.constant 2 : i32
    %cond3A_546 = arith.constant 0 : i32
    %cond3A_547 = arith.cmpi ne, %convert_element_type3A_544, %cond3A_546 : i32
    scf.if %cond3A_547 {
      %dma_wait3A = arith.constant 0 : i32
      %dma_wait3A_609 = arith.constant 0 : i32
      %dma_wait3A_610 = tpu.memref_slice %arg19[%cond3A_545, %dma_wait3A, %dma_wait3A_609] : memref<4x2x800xf32, #tpu.memory_space<vmem>> -> memref<1x2x800xf32, #tpu.memory_space<vmem>>
      %dma_wait3A_611 = tpu.memref_squeeze %dma_wait3A_610 : memref<1x2x800xf32, #tpu.memory_space<vmem>> -> memref<2x800xf32, #tpu.memory_space<vmem>>
      %dma_wait3A_612 = arith.constant 0 : i32
      %dma_wait3A_613 = arith.constant 99200 : i32
      %dma_wait3A_614 = tpu.memref_slice %arg8[%select_n3A_512, %dma_wait3A_612, %dma_wait3A_613] : memref<98x2x100000xf32, #tpu.memory_space<hbm>> -> memref<1x2x800xf32, #tpu.memory_space<hbm>>
      %dma_wait3A_615 = tpu.memref_squeeze %dma_wait3A_614 : memref<1x2x800xf32, #tpu.memory_space<hbm>> -> memref<2x800xf32, #tpu.memory_space<hbm>>
      %dma_wait3A_616 = arith.constant 0 : i32
      %dma_wait3A_617 = arith.constant 99200 : i32
      %dma_wait3A_618 = tpu.memref_slice %arg8[%select_n3A_512, %dma_wait3A_616, %dma_wait3A_617] : memref<98x2x100000xf32, #tpu.memory_space<hbm>> -> memref<1x2x800xf32, #tpu.memory_space<hbm>>
      %dma_wait3A_619 = tpu.memref_squeeze %dma_wait3A_618 : memref<1x2x800xf32, #tpu.memory_space<hbm>> -> memref<2x800xf32, #tpu.memory_space<hbm>>
      %dma_wait3A_620 = arith.constant 0 : i32
      %dma_wait3A_621 = arith.constant 0 : i32
      %dma_wait3A_622 = tpu.memref_slice %arg19[%cond3A_545, %dma_wait3A_620, %dma_wait3A_621] : memref<4x2x800xf32, #tpu.memory_space<vmem>> -> memref<1x2x800xf32, #tpu.memory_space<vmem>>
      %dma_wait3A_623 = tpu.memref_squeeze %dma_wait3A_622 : memref<1x2x800xf32, #tpu.memory_space<vmem>> -> memref<2x800xf32, #tpu.memory_space<vmem>>
      tpu.wait_dma2 semaphore(%arg26 : memref<!tpu.dma_semaphore, #tpu.memory_space<semaphore_mem>>) src(%dma_wait3A_623 : memref<2x800xf32, #tpu.memory_space<vmem>>) dst(%dma_wait3A_619 : memref<2x800xf32, #tpu.memory_space<hbm>>)
    } else {
    }
    %add3A_548 = arith.constant 3040 : i32
    %add3A_549 = arith.addi %add3A_548, %add3A : i32
    %jit3A_550 = arith.constant 32 : i32
    %div3A_551 = arith.divsi %add3A_549, %jit3A_550 : i32
    %sign3A_552 = arith.constant 0 : i32
    %sign3A_553 = arith.cmpi sgt, %add3A_549, %sign3A_552 : i32
    %sign3A_554 = arith.extui %sign3A_553 : i1 to i32
    %sign3A_555 = arith.constant 0 : i32
    %sign3A_556 = arith.cmpi slt, %add3A_549, %sign3A_555 : i32
    %sign3A_557 = arith.extui %sign3A_556 : i1 to i32
    %sign3A_558 = arith.subi %sign3A_554, %sign3A_557 : i32
    %sign3A_559 = arith.constant 0 : i32
    %sign3A_560 = arith.cmpi sgt, %jit3A_550, %sign3A_559 : i32
    %sign3A_561 = arith.extui %sign3A_560 : i1 to i32
    %sign3A_562 = arith.constant 0 : i32
    %sign3A_563 = arith.cmpi slt, %jit3A_550, %sign3A_562 : i32
    %sign3A_564 = arith.extui %sign3A_563 : i1 to i32
    %sign3A_565 = arith.subi %sign3A_561, %sign3A_564 : i32
    %ne3A_566 = arith.cmpi ne, %sign3A_558, %sign3A_565 : i32
    %rem3A_567 = arith.remsi %add3A_549, %jit3A_550 : i32
    %ne3A_568 = arith.constant 0 : i32
    %ne3A_569 = arith.cmpi ne, %rem3A_567, %ne3A_568 : i32
    %and3A_570 = arith.andi %ne3A_566, %ne3A_569 : i1
    %sub3A_571 = arith.constant 1 : i32
    %sub3A_572 = arith.subi %div3A_551, %sub3A_571 : i32
    %select_n3A_573 = arith.select %and3A_570, %sub3A_572, %div3A_551 : i32
    %jit3A_574 = arith.constant 32 : i32
    %eq3A_575 = arith.constant 0 : i32
    %eq3A_576 = arith.cmpi eq, %jit3A_574, %eq3A_575 : i32
    %jit3A_577 = arith.constant 1 : i32
    %select_n3A_578 = arith.select %eq3A_576, %jit3A_577, %jit3A_574 : i32
    %rem3A_579 = arith.remsi %add3A_549, %select_n3A_578 : i32
    %ne3A_580 = arith.constant 0 : i32
    %ne3A_581 = arith.cmpi ne, %rem3A_579, %ne3A_580 : i32
    %lt3A_582 = arith.constant 0 : i32
    %lt3A_583 = arith.cmpi slt, %rem3A_579, %lt3A_582 : i32
    %lt3A_584 = arith.constant 0 : i32
    %lt3A_585 = arith.cmpi slt, %select_n3A_578, %lt3A_584 : i32
    %ne3A_586 = arith.xori %lt3A_583, %lt3A_585 : i1
    %and3A_587 = arith.andi %ne3A_586, %ne3A_581 : i1
    %add3A_588 = arith.addi %rem3A_579, %select_n3A_578 : i32
    %select_n3A_589 = arith.select %and3A_587, %add3A_588, %rem3A_579 : i32
    %jit3A_590 = arith.constant 0 : i32
    %jit3A_591 = arith.constant 30 : i32
    %max3A_592 = arith.maxsi %jit3A_590, %select_n3A_589 : i32
    %min3A_593 = arith.minsi %jit3A_591, %max3A_592 : i32
    %mul3A_594 = arith.constant 3200 : i32
    %mul3A_595 = arith.muli %min3A_593, %mul3A_594 : i32
    %multiple_of3A_596 = tpu.assume_multiple %mul3A_595, 128 : i32
    %lt3A_597 = arith.constant 31 : i32
    %lt3A_598 = arith.cmpi slt, %select_n3A_589, %lt3A_597 : i32
    %convert_element_type3A_599 = arith.extui %lt3A_598 : i1 to i32
    %cond3A_600 = arith.constant 3 : i32
    %cond3A_601 = arith.constant 0 : i32
    %cond3A_602 = arith.cmpi ne, %convert_element_type3A_599, %cond3A_601 : i32
    scf.if %cond3A_602 {
      %dma_wait3A = arith.constant 0 : i32
      %dma_wait3A_609 = arith.constant 0 : i32
      %dma_wait3A_610 = tpu.memref_slice %arg17[%cond3A_600, %dma_wait3A, %dma_wait3A_609] : memref<4x2x3200xf32, #tpu.memory_space<vmem>> -> memref<1x2x3200xf32, #tpu.memory_space<vmem>>
      %dma_wait3A_611 = tpu.memref_squeeze %dma_wait3A_610 : memref<1x2x3200xf32, #tpu.memory_space<vmem>> -> memref<2x3200xf32, #tpu.memory_space<vmem>>
      %dma_wait3A_612 = arith.constant 0 : i32
      %dma_wait3A_613 = tpu.memref_slice %arg8[%select_n3A_573, %dma_wait3A_612, %multiple_of3A_596] : memref<98x2x100000xf32, #tpu.memory_space<hbm>> -> memref<1x2x3200xf32, #tpu.memory_space<hbm>>
      %dma_wait3A_614 = tpu.memref_squeeze %dma_wait3A_613 : memref<1x2x3200xf32, #tpu.memory_space<hbm>> -> memref<2x3200xf32, #tpu.memory_space<hbm>>
      %dma_wait3A_615 = arith.constant 0 : i32
      %dma_wait3A_616 = tpu.memref_slice %arg8[%select_n3A_573, %dma_wait3A_615, %multiple_of3A_596] : memref<98x2x100000xf32, #tpu.memory_space<hbm>> -> memref<1x2x3200xf32, #tpu.memory_space<hbm>>
      %dma_wait3A_617 = tpu.memref_squeeze %dma_wait3A_616 : memref<1x2x3200xf32, #tpu.memory_space<hbm>> -> memref<2x3200xf32, #tpu.memory_space<hbm>>
      %dma_wait3A_618 = arith.constant 0 : i32
      %dma_wait3A_619 = arith.constant 0 : i32
      %dma_wait3A_620 = tpu.memref_slice %arg17[%cond3A_600, %dma_wait3A_618, %dma_wait3A_619] : memref<4x2x3200xf32, #tpu.memory_space<vmem>> -> memref<1x2x3200xf32, #tpu.memory_space<vmem>>
      %dma_wait3A_621 = tpu.memref_squeeze %dma_wait3A_620 : memref<1x2x3200xf32, #tpu.memory_space<vmem>> -> memref<2x3200xf32, #tpu.memory_space<vmem>>
      tpu.wait_dma2 semaphore(%arg27 : memref<!tpu.dma_semaphore, #tpu.memory_space<semaphore_mem>>) src(%dma_wait3A_621 : memref<2x3200xf32, #tpu.memory_space<vmem>>) dst(%dma_wait3A_617 : memref<2x3200xf32, #tpu.memory_space<hbm>>)
    } else {
    }
    %eq3A_603 = arith.constant 31 : i32
    %eq3A_604 = arith.cmpi eq, %select_n3A_589, %eq3A_603 : i32
    %convert_element_type3A_605 = arith.extui %eq3A_604 : i1 to i32
    %cond3A_606 = arith.constant 3 : i32
    %cond3A_607 = arith.constant 0 : i32
    %cond3A_608 = arith.cmpi ne, %convert_element_type3A_605, %cond3A_607 : i32
    scf.if %cond3A_608 {
      %dma_wait3A = arith.constant 0 : i32
      %dma_wait3A_609 = arith.constant 0 : i32
      %dma_wait3A_610 = tpu.memref_slice %arg19[%cond3A_606, %dma_wait3A, %dma_wait3A_609] : memref<4x2x800xf32, #tpu.memory_space<vmem>> -> memref<1x2x800xf32, #tpu.memory_space<vmem>>
      %dma_wait3A_611 = tpu.memref_squeeze %dma_wait3A_610 : memref<1x2x800xf32, #tpu.memory_space<vmem>> -> memref<2x800xf32, #tpu.memory_space<vmem>>
      %dma_wait3A_612 = arith.constant 0 : i32
      %dma_wait3A_613 = arith.constant 99200 : i32
      %dma_wait3A_614 = tpu.memref_slice %arg8[%select_n3A_573, %dma_wait3A_612, %dma_wait3A_613] : memref<98x2x100000xf32, #tpu.memory_space<hbm>> -> memref<1x2x800xf32, #tpu.memory_space<hbm>>
      %dma_wait3A_615 = tpu.memref_squeeze %dma_wait3A_614 : memref<1x2x800xf32, #tpu.memory_space<hbm>> -> memref<2x800xf32, #tpu.memory_space<hbm>>
      %dma_wait3A_616 = arith.constant 0 : i32
      %dma_wait3A_617 = arith.constant 99200 : i32
      %dma_wait3A_618 = tpu.memref_slice %arg8[%select_n3A_573, %dma_wait3A_616, %dma_wait3A_617] : memref<98x2x100000xf32, #tpu.memory_space<hbm>> -> memref<1x2x800xf32, #tpu.memory_space<hbm>>
      %dma_wait3A_619 = tpu.memref_squeeze %dma_wait3A_618 : memref<1x2x800xf32, #tpu.memory_space<hbm>> -> memref<2x800xf32, #tpu.memory_space<hbm>>
      %dma_wait3A_620 = arith.constant 0 : i32
      %dma_wait3A_621 = arith.constant 0 : i32
      %dma_wait3A_622 = tpu.memref_slice %arg19[%cond3A_606, %dma_wait3A_620, %dma_wait3A_621] : memref<4x2x800xf32, #tpu.memory_space<vmem>> -> memref<1x2x800xf32, #tpu.memory_space<vmem>>
      %dma_wait3A_623 = tpu.memref_squeeze %dma_wait3A_622 : memref<1x2x800xf32, #tpu.memory_space<vmem>> -> memref<2x800xf32, #tpu.memory_space<vmem>>
      tpu.wait_dma2 semaphore(%arg27 : memref<!tpu.dma_semaphore, #tpu.memory_space<semaphore_mem>>) src(%dma_wait3A_623 : memref<2x800xf32, #tpu.memory_space<vmem>>) dst(%dma_wait3A_619 : memref<2x800xf32, #tpu.memory_space<hbm>>)
    } else {
    }
    return
  }
}

</mosaic_0001>

<sc_bundles>
// kernel: kernel.3.cloned.1.call-start
scs
__scs_entry_jumppad:
0x0: {  	(pc) =	sbr.rel $0x88, $3  }
0x1: {  	(tag) =	ssettag $0x0;
	lr =	simm.s32 $0x1  }
0x2: {  	[smem:$0x3F9B] =	sst lr;
	_ =	strace $0xD0000000  }
0x3: {  	_ = 	snop  }
0x4: {  	_ = 	snop  }
0x5: {  	_ = 	snop  }
0x6: {  	_ = 	snop  }
0x7: {  	_ = 	snop  }
__scs_overlays_trampoline_lowered:
0x8: {  	[smem:$0x3FAA] =	sst s0  }
0x9: {  	[smem:$0x3FAB] =	sst s1  }
0xa: {  	[smem:$0x3FAC] =	sst s2  }
0xb: {  	[smem:$0x3FAD] =	sst s3  }
0xc: {  	[smem:$0x3FAE] =	sst s4  }
0xd: {  	[smem:$0x3FAF] =	sst s5  }
0xe: {  	[smem:$0x3FB0] =	sst s6  }
0xf: {  	[smem:$0x3FB1] =	sst s7  }
0x10: {  	[smem:$0x3FB2] =	sst s8  }
0x11: {  	[smem:$0x3FB3] =	sst s9;
	s0 =	simm.s32 @!p0 $0x0  }
0x12: {  	s1 =	sld [smem:$0x3F99];
	s0 =	simm.s32 @p0 $0x1  }
0x13: {  	[smem:$0x3FB4] =	sst s0;
	s0 =	simm.s32 @!p1 $0x0  }
0x14: {  	s2 =	sld [smem:$0x3F98];
	s0 =	simm.s32 @p1 $0x1  }
0x15: {  	[smem:$0x3FB5] =	sst s0;
	s0 =	simm.s32 @!p2 $0x0  }
0x16: {  	s3 =	sld [smem:$0x3FDB];
	s0 =	simm.s32 @p2 $0x1  }
0x17: {  	s4 =	simm.s32 $0x1BF5;
	[smem:$0x3FB7] =	sst s0  }
0x18: {  	s0 =	sld [smem:$0x3F9A];
	_ =	swait.ge [sflag:s4], $0x0  }
0x19: {  	s7 =	sld [smem:$0x3F9B]  }
0x1a: {  	s8 =	sadd.s32 $0xFFFFE003, lr  }
0x1b: {  	s9 =	sadd.s32 $0xFFFFFEF7, lr;
	s5 =	simm.s32 $0xFFFFFFFF;
	p2 =	slt.u32 s8, $0xFFFFF086  }
0x1c: {  	p1 =	slt.u32 s9, $0xF7A;
	s5 =	simm.s32 @!p2 $0x0  }
0x1d: {  	s5 =	simm.s32 @p1 $0x1;
	p0 =	seq.s32 s7, s2  }
0x1e: {  	s7 =	smul.u32 @!p0 $0xF7A, s2;
	p2 =	seq.s32 @!p0 s5, $0x0  }
0x1f: {  	s9 =	smul.u32 $0xF7A, s1;
	s8 =	simm.s32 @!p0 $0x1BF5;
	p2 =	por !p2, p0  }
0x20: {  	[sflag:s8] =	ssyncset.s32 @!p0 $0xFFFFF086;
	s6 =	sadd.s32 @!p0 s3, s7;
	s7 =	simm.s32 @!p0 $0x108  }
0x21: {  	s3 =	sadd.s32 s3, s9;
	s6 =	sadd.s32 @!p0 $0x88, s6;
	s7 =	simm.s32 @p2 $0x1082  }
0x22: {  	[simem:s7], [sflag:s8] =	dma.local @!p0 [hbm:s6], $0xF7A  }
0x23: {  	s9 =	sor.u32 $0xD0000000, s2;
	s6 =	simm.s32 $0x108;
	_ =	swait.ge @!p0 [sflag:s8], $0x0  }
0x24: {  	s3 =	sadd.s32 $0x88, s3;
	s6 =	simm.s32 @!p1 $0x1082;
	[sflag:s4] =	ssyncset.s32 $0xFFFFF086  }
0x25: {  	[simem:s6], [sflag:s4] =	dma.local [hbm:s3], $0xF7A  }
0x26: {  	[smem:$0x3F9B] =	sst s1;
	(tag) =	ssettag s2;
	_ =	strace s9  }
0x27: {  	s1 =	sld [smem:$0x3FAB]  }
0x28: {  	s2 =	sld [smem:$0x3FAC]  }
0x29: {  	s4 =	sld [smem:$0x3FAE]  }
0x2a: {  	p0 =	seq.s32 s5, $0x0;
	s5 =	sld [smem:$0x3FAF]  }
0x2b: {  	s6 =	sld [smem:$0x3FB0]  }
0x2c: {  	s7 =	sld [smem:$0x3FB1]  }
0x2d: {  	s3 =	simm.s32 $0x108;
	s8 =	sld [smem:$0x3FB2]  }
0x2e: {  	s3 =	simm.s32 @!p0 $0x1082;
	s9 =	sld [smem:$0x3FB3]  }
0x2f: {  	lr =	sadd.s32 s0, s3;
	s0 =	sld [smem:$0x3FAA]  }
0x30: {  	s3 =	sld [smem:$0x3FAD]  }
0x31: {  	[smem:$0x3FB6] =	sst s10  }
0x32: {  	s10 =	sld [smem:$0x3FB4];
	_ =	sdelay $0x3  }
0x33: {  	p0 =	seq.s32 s10, $0x1;
	s10 =	sld [smem:$0x3FB6];
	_ =	sdelay $0x3  }
0x34: {  	[smem:$0x3FB6] =	sst s10  }
0x35: {  	s10 =	sld [smem:$0x3FB5];
	_ =	sdelay $0x3  }
0x36: {  	p1 =	seq.s32 s10, $0x1;
	s10 =	sld [smem:$0x3FB6];
	_ =	sdelay $0x3  }
0x37: {  	[smem:$0x3FB6] =	sst s10  }
0x38: {  	s10 =	sld [smem:$0x3FB7]  }
0x39: {  	_ = 	snop;
	(pc) =	sbr.ind lr, $3  }
0x3a: {  	_ = 	snop  }
0x3b: {  	_ = 	snop  }
0x3c: {  	p2 =	seq.s32 s10, $0x1;
	s10 =	sld [smem:$0x3FB6]  }
0x3d: {  	_ =	shalt  }
0x3e: {  	_ =	shalt  }
0x3f: {  	_ =	shalt  }
0x40: {  	_ =	shalt  }
0x41: {  	_ =	shalt  }
0x42: {  	_ =	shalt  }
0x43: {  	_ =	shalt  }
0x44: {  	_ =	shalt  }
0x45: {  	_ =	shalt  }
0x46: {  	_ =	shalt  }
0x47: {  	_ =	shalt  }
0x48: {  	_ =	shalt  }
0x49: {  	_ =	shalt  }
0x4a: {  	_ =	shalt  }
0x4b: {  	_ =	shalt  }
0x4c: {  	_ =	shalt  }
0x4d: {  	_ =	shalt  }
0x4e: {  	_ =	shalt  }
0x4f: {  	_ =	shalt  }
0x50: {  	_ =	shalt  }
0x51: {  	_ =	shalt  }
0x52: {  	_ =	shalt  }
0x53: {  	_ =	shalt  }
0x54: {  	_ =	shalt  }
0x55: {  	_ =	shalt  }
0x56: {  	_ =	shalt  }
0x57: {  	_ =	shalt  }
0x58: {  	_ =	shalt  }
0x59: {  	_ =	shalt  }
0x5a: {  	_ =	shalt  }
0x5b: {  	_ =	shalt  }
0x5c: {  	_ =	shalt  }
0x5d: {  	_ =	shalt  }
0x5e: {  	_ =	shalt  }
0x5f: {  	_ =	shalt  }
0x60: {  	_ =	shalt  }
0x61: {  	_ =	shalt  }
0x62: {  	_ =	shalt  }
0x63: {  	_ =	shalt  }
0x64: {  	_ =	shalt  }
0x65: {  	_ =	shalt  }
0x66: {  	_ =	shalt  }
0x67: {  	_ =	shalt  }
0x68: {  	_ =	shalt  }
0x69: {  	_ =	shalt  }
0x6a: {  	_ =	shalt  }
0x6b: {  	_ =	shalt  }
0x6c: {  	_ =	shalt  }
0x6d: {  	_ =	shalt  }
0x6e: {  	_ =	shalt  }
0x6f: {  	_ =	shalt  }
0x70: {  	_ =	shalt  }
0x71: {  	_ =	shalt  }
0x72: {  	_ =	shalt  }
0x73: {  	_ =	shalt  }
0x74: {  	_ =	shalt  }
0x75: {  	_ =	shalt  }
0x76: {  	_ =	shalt  }
0x77: {  	_ =	shalt  }
0x78: {  	_ =	shalt  }
0x79: {  	_ =	shalt  }
0x7a: {  	_ =	shalt  }
0x7b: {  	_ =	shalt  }
0x7c: {  	_ =	shalt  }
0x7d: {  	_ =	shalt  }
0x7e: {  	_ =	shalt  }
0x7f: {  	_ =	shalt  }
0x80: {  	_ =	shalt  }
0x81: {  	_ =	shalt  }
0x82: {  	_ =	shalt  }
0x83: {  	_ =	shalt  }
0x84: {  	_ =	shalt  }
0x85: {  	_ =	shalt  }
0x86: {  	_ =	shalt  }
0x87: {  	_ =	shalt  }
.Lfunc_end0:
.L_simem_size_0:
called_computation_lowered:
.L_overlay_start_0:
0x88: {  	s2 =	sld [smem:$0x3FD9]  }
0x89: {  	s3 =	sld [smem:$0x3FFE];
	_ =	sdelay $0x1  }
0x8a: {  	s1 =	srdreg.scid  }
0x8b: {  	s0 =	sand.u32 $0x1, s1  }
0x8c: {  	s17 =	sshll.u32 s0, $0xA;
	s2 =	sadd.s32 s3, s2  }
0x8d: {  	s2 =	sadd.s32 s2, s17  }
0x8e: {  	[smem:$0x3FC2] =	sst s2  }
0x8f: {  	_ = 	snop  }
0x90: {  	s2 =	sld [smem:$0x3FC9]  }
0x91: {  	s18 =	sld [smem:$0x3FD0];
	(tm) =	ssettm $0x1  }
0x92: {  	s4 =	sld [smem:$0x3FFB];
	_ =	sdelay $0x3  }
0x93: {  	_ =	strace s4  }
0x94: {  	s4 =	sld [smem:$0x3FFC];
	_ =	sdelay $0x3  }
0x95: {  	_ =	strace s4  }
0x96: {  	s4 =	sld [smem:$0x3FFD];
	_ =	sdelay $0x3  }
0x97: {  	_ =	strace s4  }
0x98: {  	_ =	strace $0x8FFFFFFF  }
0x99: {  	s19 =	sld [smem:$0x3FDB];
	_ =	sdelay $0x1  }
0x9a: {  	s5 =	simm.s32 $_scs_section_size  }
0x9b: {  	s6 =	simm.s32 $_size__tile_overlayer_lowered;
	s7 =	simm.s32 $_tile_overlayer_lowered  }
0x9c: {  	s22 =	simm.s32 $0x1BFF;
	s21 =	sshll.u32 s7, $0x1;
	s4 =	sadd.s32 s5, s19  }
0x9d: {  	s8 =	simm.s32 $0x0;
	s20 =	sshll.u32 s6, $0x1;
	s6 =	sadd.s32 s21, s4  }
0x9e: {  	[timem:s8], [sflag:s22] =	dma.local [hbm:s6], s20  }
0x9f: {  	_ =	swait.ge [sflag:s22], s20  }
0xa0: {  	s5 =	ssub.s32 $0x0, s20;
	[sflag:s22] =	ssyncset.done $0x0  }
0xa1: {  	[sflag:s22] =	ssyncadd.s32 s5;
	_ =	sdelay $0x1  }
0xa2: {  	s23 =	simm.s32 $0x1B8B  }
0xa3: {  	_ =	swait.ge [sflag:s23], $0x1  }
0xa4: {  	[sflag:s23] =	ssyncset.done $0x0  }
0xa5: {  	s25 =	simm.s32 $0x1B8E;
	s24 =	sld [smem:$0x3FFE];
	[sflag:s23] =	ssyncadd.s32 $0xFFFFFFFF  }
0xa6: {  	s26 =	simm.s32 $execute0_lowered;
	[smem:$0x3FD2] =	sst s25  }
0xa7: {  	s6 =	sshll.u32 s26, $0x1;
	_ =	strace $0x80000046;
	[dreg:$0x1] =	wrdreg $0xFFFFFFFF  }
0xa8: {  	s28 =	simm.s32 $_size_execute0_lowered;
	s4 =	sadd.s32 s4, s6;
	[dreg:$0x0] =	wrdreg $0x0  }
0xa9: {  	s6 =	sshll.u32 s28, $0x1;
	[dreg:$0x2] =	wrdreg s4  }
0xaa: {  	[dreg:$0x3] =	wrdreg s6  }
0xab: {  	[dreg:$0x4] =	wrdreg $0xC0  }
0xac: {  	_ =	task [dreg:s8], $0x5FFFF  }
0xad: {  	[dreg:$0x1] =	wrdreg $0xFFFFFFFF  }
0xae: {  	[dreg:$0x0] =	wrdreg $0x60  }
0xaf: {  	[dreg:$0x2] =	wrdreg s2  }
0xb0: {  	[dreg:$0x3] =	wrdreg s24  }
0xb1: {  	[dreg:$0x4] =	wrdreg s18  }
0xb2: {  	[dreg:$0x5] =	wrdreg $0x9  }
0xb3: {  	_ =	task.clear_ibuf [dreg:s8], $0x6FFFF;
	_ =	strace $0x90000046  }
0xb4: {  	s29 =	simm.s32 $0x9;
	_ =	strace $0x80000048  }
0xb5: {  	_ =	swait.ge [sflag:s29], $0x1  }
0xb6: {  	[sflag:s29] =	ssyncadd.s32 $0xFFFFFFFF  }
0xb7: {  	_ =	strace $0x90000048  }
0xb8: {  	_ =	sfence  }
0xb9: {  	s30 =	sld [smem:$0x0];
	_ =	sdelay $0x2  }
0xba: {  	s31 =	sshll.u32 s1, $0xD;
	s1 =	sshrl.u32 s1, $0x2  }
0xbb: {  	s3 =	sand.u32 $0x4000, s31;
	s1 =	sadd.s32 s1, s30  }
0xbc: {  	s0 =	sor.u32 s3, s0;
	s1 =	sshll.u32 s1, $0x11  }
0xbd: {  	s0 =	sor.u32 s1, s0  }
0xbe: {  	s0 =	sadd.s32 $0x8F2B, s0  }
0xbf: {  	[sflag:s0] =	ssyncadd.remote.s32 $0x1  }
0xc0: {  	_ =	sfence.sel $0xFFFF  }
0xc1: {  	[dreg:$0x0] =	wrdreg $0xFFFFFFFF;
	(pc) =	sbr.abs _section_cstart, $3  }
0xc2: {  	[dreg:$0x1] =	wrdreg $0xFFFFFFFF  }
0xc3: {  	_ =	task.clear_ibuf [dreg:s8], $0x2FFFF;
	_ =	strace $0x9FFFFFFF  }
0xc4: {  	(tm) =	ssettm $0x7FFFFFFF  }
0xc5: {  	_ =	shalt  }
tec
execute0_lowered:
.L_overlay_start_1:
0x0: {  	(tag) =	ssettag $0x1  }
0x1: {  	s1 =	rddreg [dreg:$0x0]  }
0x2: {  	s0 =	rddreg [dreg:$0x1]  }
0x3: {  	s3 =	rddreg [dreg:$0x2];
	s4 =	simm.s32 $0x0;
	s2 =	srdreg.scid  }
0x4: {  	s5 =	stileid.u32;
	[smem:$0x7FF] =	sst s4;
	s6 =	sadd.s32 $0x400, s0  }
0x5: {  	s13 =	sadd.s32 $0xC00, s0;
	_ =	strace $0x80000047;
	[dreg:$0x4] =	wrdreg s6  }
0x6: {  	s31 =	simm.s32 $0x9;
	s14 =	sadd.s32 $0x600, s0;
	[dreg:$0x5] =	wrdreg s13  }
0x7: {  	s28 =	simm.s32 $0xEE80;
	s7 =	sadd.s32 $0x800, s0;
	[dreg:$0x6] =	wrdreg s14  }
0x8: {  	s29 =	simm.s32 $0xD280;
	s0 =	sadd.s32 $0xA00, s0;
	[dreg:$0x7] =	wrdreg s7  }
0x9: {  	s30 =	simm.s32 $0x3;
	s22 =	sadd.s32 $0x60E0, s1;
	[dreg:$0x8] =	wrdreg s0  }
0xa: {  	s11 =	simm.s32 $0x4;
	s23 =	sadd.s32 $0xC2A0, s1;
	[dreg:$0xd] =	wrdreg s22  }
0xb: {  	s2 =	sand.u32 $0x1, s2;
	s25 =	sadd.s32 $0x12460, s1;
	[dreg:$0xe] =	wrdreg s23  }
0xc: {  	s5 =	sshll.u32 s5, $0x1;
	s26 =	sadd.s32 $0x18620, s1;
	[dreg:$0xf] =	wrdreg s25  }
0xd: {  	s6 =	sor.u32 s2, s5;
	s2 =	ssub.s32 $0x2, s2;
	[dreg:$0x10] =	wrdreg s26  }
0xe: {  	s25 =	simm.s32 $0xE780;
	s26 =	simm.s32 $0x2;
	s15 =	smul.u32 $0x1900, s6  }
0xf: {  	s14 =	simm.s32 $0x6780;
	s16 =	smul.u32 $0x320, s6;
	s17 =	sshrl.u32 s2, $0x1  }
0x10: {  	s24 =	smin.u32 s6, $0x1E;
	p0 =	seq.s32 s6, $0x1F;
	p1 =	sne.s32 s6, $0x0  }
0x11: {  	p2 =	sne.s32 s6, $0x1F;
	s0 =	ssub.s32 s2, s17;
	s17 =	simm.s32 $0x0  }
0x12: {  	s8 =	sshrl.u32 s15, $0x3;
	s18 =	sadd.s32 s1, s16;
	s22 =	sadd.s32 $0x125400, s15  }
0x13: {  	s0 =	smax.u32 s0, $0x1;
	[dreg:$0x9] =	wrdreg s18;
	s19 =	sadd.s32 s1, s8  }
.Ltmp0:
0x14: {  	[dreg:$0x11] =	wrdreg s0;
	s20 =	sadd.s32 $0x61C0, s19;
	(pc) =	sbr.rel .LBB2_1-.Ltmp0, $4  }
0x15: {  	s23 =	sadd.s32 $0x156200, s15;
	s21 =	sadd.s32 $0xC380, s19;
	[dreg:$0xa] =	wrdreg s20  }
0x16: {  	s0 =	simm.s32 $0x80;
	s2 =	sadd.s32 $0x12540, s19;
	[dreg:$0xb] =	wrdreg s21  }
0x17: {  	s19 =	smul.u32 $0x1900, s24;
	[dreg:$0xc] =	wrdreg s2;
	s20 =	sadd.s32 $0xC3800, s15  }
0x18: {  	v0 =	vimm.f32 $1.000000000e+00;
	v1 =	vimm.f32 $0.0e+00;
	s21 =	sadd.s32 $0xF4600, s15;
	s2 =	simm.s32 $0x1;
	s15 =	simm.s32 $0x8080  }
.LBB2_31:
0x19: {  	s5 =	simm.s32 $0x5  }
0x1a: {  	_ =	swait.ge [sflag:s5], $0x700  }
0x1b: {  	[sflag:s5] =	ssyncset.done $0x0  }
0x1c: {  	s16 =	simm.s32 $0x6;
	[sflag:s5] =	ssyncadd.s32 $0xFFFFF900  }
0x1d: {  	_ =	swait.ge [sflag:s16], $0x700  }
0x1e: {  	[sflag:s16] =	ssyncset.done $0x0  }
0x1f: {  	s18 =	simm.s32 $0x7;
	[sflag:s16] =	ssyncadd.s32 $0xFFFFF900  }
0x20: {  	_ =	swait.ge [sflag:s18], $0x700  }
0x21: {  	[sflag:s18] =	ssyncset.done $0x0  }
0x22: {  	s24 =	simm.s32 $0x8;
	[sflag:s18] =	ssyncadd.s32 $0xFFFFF900  }
0x23: {  	_ =	swait.ge [sflag:s24], $0x700  }
0x24: {  	[sflag:s24] =	ssyncset.done $0x0  }
0x25: {  	[sflag:s24] =	ssyncadd.s32 $0xFFFFF900  }
.LBB2_32:
0x26: {  	s17 =	sadd.s32 $0x1, s17;
	s5 =	rddreg [dreg:$0x11]  }
0x27: {  	p3 =	sne.s32 s17, s5  }
.Ltmp1:
0x28: {  	_ = 	snop;
	(pc) =	sbr.rel @!p3 .LBB2_33-.Ltmp1, $1  }
0x29: {  	_ =	sdelay $0x3  }
.LBB2_1:
0x2a: {  	s5 =	simm.s32 @p0 $0x0;
	s7 =	simm.s32 @p0 $0xCB80;
	s8 =	rddreg [dreg:$0xd]  }
0x2b: {  	[tilespmem:s7], [sflag:$0x1] =	stream.linear.gather @p0 [hbm4b:s8+s5], $0x700, $0x38;
	[tilespmem:$0x10380] =	vst v63  }
0x2c: {  	s7 =	simm.s32 @p0 $0xD280;
	s8 =	rddreg [dreg:$0xe]  }
0x2d: {  	[tilespmem:s7], [sflag:$0x2] =	stream.linear.gather @p0 [hbm4b:s8+s5], $0x700, $0x38;
	[tilespmem:$0x10380] =	vst v63  }
0x2e: {  	s7 =	simm.s32 @p0 $0xD980;
	s8 =	rddreg [dreg:$0xf]  }
0x2f: {  	[tilespmem:s7], [sflag:$0x3] =	stream.linear.gather @p0 [hbm4b:s8+s5], $0x700, $0x38;
	[tilespmem:$0x10380] =	vst v63  }
0x30: {  	s7 =	simm.s32 @p0 $0xE080;
	s8 =	rddreg [dreg:$0x10]  }
0x31: {  	[tilespmem:s7], [sflag:$0x4] =	stream.linear.gather @p0 [hbm4b:s8+s5], $0x700, $0x38;
	[tilespmem:$0x10380] =	vst v63  }
0x32: {  	s5 =	simm.s32 @!p0 $0x0;
	s7 =	simm.s32 @!p0 $0x380;
	s8 =	rddreg [dreg:$0x9]  }
0x33: {  	[tilespmem:s7], [sflag:$0x1] =	stream.linear.gather @!p0 [hbm4b:s8+s5], $0x1900, $0x38;
	[tilespmem:$0x10380] =	vst v63  }
0x34: {  	s7 =	simm.s32 @!p0 $0x1C80;
	s8 =	rddreg [dreg:$0xa]  }
0x35: {  	[tilespmem:s7], [sflag:$0x2] =	stream.linear.gather @!p0 [hbm4b:s8+s5], $0x1900, $0x38;
	[tilespmem:$0x10380] =	vst v63  }
0x36: {  	s7 =	simm.s32 @!p0 $0x3580;
	s8 =	rddreg [dreg:$0xb]  }
0x37: {  	[tilespmem:s7], [sflag:$0x3] =	stream.linear.gather @!p0 [hbm4b:s8+s5], $0x1900, $0x38;
	[tilespmem:$0x10380] =	vst v63  }
0x38: {  	s7 =	simm.s32 @!p0 $0x4E80;
	s8 =	rddreg [dreg:$0xc]  }
0x39: {  	[tilespmem:s7], [sflag:$0x4] =	stream.linear.gather @!p0 [hbm4b:s8+s5], $0x1900, $0x38;
	[tilespmem:$0x10380] =	vst v63  }
0x3a: {  	s18 =	rddreg [dreg:$0x4];
	s24 =	simm.s32 $0x100  }
0x3b: {  	[tilespmem:s24], [sflag:$0x9] =	stream.linear.gather [hbm4b:s18+s4], $0x80, $0x38;
	[tilespmem:$0x10380] =	vst v63  }
0x3c: {  	s9 =	simm.s32 $0x180;
	s8 =	rddreg [dreg:$0x5]  }
0x3d: {  	[tilespmem:s9], [sflag:$0x9] =	stream.linear.gather [hbm4b:s8+s4], $0x80, $0x38;
	[tilespmem:$0x10380] =	vst v63  }
0x3e: {  	s10 =	rddreg [dreg:$0x6];
	s12 =	simm.s32 $0x200  }
0x3f: {  	[tilespmem:s12], [sflag:$0x9] =	stream.linear.gather [hbm4b:s10+s4], $0x80, $0x38;
	[tilespmem:$0x10380] =	vst v63  }
0x40: {  	s13 =	rddreg [dreg:$0x7];
	s16 =	simm.s32 $0x280  }
0x41: {  	[tilespmem:s16], [sflag:$0x9] =	stream.linear.gather [hbm4b:s13+s4], $0x80, $0x38;
	[tilespmem:$0x10380] =	vst v63  }
0x42: {  	s18 =	rddreg [dreg:$0x8];
	s24 =	simm.s32 $0x300  }
0x43: {  	[tilespmem:s24], [sflag:$0x9] =	stream.linear.gather [hbm4b:s18+s4], $0x80, $0x38;
	[tilespmem:$0x10380] =	vst v63  }
0x44: {  	_ =	swait.ge [sflag:s31], $0x80  }
0x45: {  	[sflag:s31] =	ssyncset.done $0x0  }
0x46: {  	[sflag:s31] =	ssyncadd.s32 $0xFFFFFF80  }
0x47: {  	_ =	swait.ge [sflag:s31], $0x80  }
0x48: {  	[sflag:s31] =	ssyncset.done $0x0  }
0x49: {  	[sflag:s31] =	ssyncadd.s32 $0xFFFFFF80  }
0x4a: {  	_ =	swait.ge [sflag:s31], $0x80  }
0x4b: {  	[sflag:s31] =	ssyncset.done $0x0  }
0x4c: {  	[sflag:s31] =	ssyncadd.s32 $0xFFFFFF80  }
0x4d: {  	_ =	swait.ge [sflag:s31], $0x80  }
0x4e: {  	[sflag:s31] =	ssyncset.done $0x0  }
0x4f: {  	[sflag:s31] =	ssyncadd.s32 $0xFFFFFF80  }
0x50: {  	_ =	swait.ge [sflag:s31], $0x80  }
0x51: {  	[sflag:s31] =	ssyncset.done $0x0  }
0x52: {  	[sflag:s31] =	ssyncadd.s32 $0xFFFFFF80  }
0x53: {  	v2 =	vld [tilespmem:$0x100]  }
0x54: {  	[tilespmem:$0x0] =	vst v0  }
0x55: {  	[tilespmem:$0x80] =	vst v1  }
0x56: {  	[tilespmem:$0x10] =	vst v0  }
0x57: {  	[tilespmem:$0x90] =	vst v1  }
0x58: {  	[tilespmem:$0x20] =	vst v0;
	(erf) = vrcp.f32 v2  }
0x59: {  	[tilespmem:$0xA0] =	vst v1  }
0x5a: {  	[tilespmem:$0x30] =	vst v0;
	v2 =	vld [tilespmem:$0x280]  }
0x5b: {  	[tilespmem:$0xB0] =	vst v1  }
0x5c: {  	[tilespmem:$0x40] =	vst v0  }
0x5d: {  	[tilespmem:$0xC0] =	vst v1  }
0x5e: {  	[tilespmem:$0x50] =	vst v0  }
0x5f: {  	[tilespmem:$0xD0] =	vst v1  }
0x60: {  	[tilespmem:$0x60] =	vst v0  }
0x61: {  	[tilespmem:$0xE0] =	vst v1;
	v3 =	vpop (erf)  }
0x62: {  	[tilespmem:v2+s4+$0x0] =	vst.idx.msk $0xf, v3  }
0x63: {  	v2 =	vld [tilespmem:$0x200];
	_ =	sdelay $0x4  }
0x64: {  	(erf) = vrcp.f32 v2;
	_ =	sdelay $0x1  }
0x65: {  	v3 =	vld [tilespmem:$0x180]  }
0x66: {  	v2 =	vld [tilespmem:$0x300];
	_ =	sdelay $0x4  }
0x67: {  	v3 =	vsub.f32 $0.0e+00, v3  }
0x68: {  	v4 =	vpop (erf)  }
0x69: {  	v3 =	vmul.f32 v3, v4  }
0x6a: {  	[tilespmem:v2+s4+$0x0] =	vst.idx.msk $0xffff, v4  }
0x6b: {  	[tilespmem:v2+s0+$0x0] =	vst.idx.msk $0xffff, v3  }
0x6c: {  	v2 =	vld [tilespmem:$0x210];
	_ =	sdelay $0x4  }
0x6d: {  	(erf) = vrcp.f32 v2;
	_ =	sdelay $0x1  }
0x6e: {  	v3 =	vld [tilespmem:$0x190]  }
0x6f: {  	v2 =	vld [tilespmem:$0x310];
	_ =	sdelay $0x4  }
0x70: {  	v3 =	vsub.f32 $0.0e+00, v3  }
0x71: {  	v59 =	vpop (erf)  }
0x72: {  	v3 =	vmul.f32 v3, v59  }
0x73: {  	[tilespmem:v2+s4+$0x0] =	vst.idx.msk $0xffff, v59  }
0x74: {  	[tilespmem:v2+s0+$0x0] =	vst.idx.msk $0xffff, v3  }
0x75: {  	v2 =	vld [tilespmem:$0x220];
	_ =	sdelay $0x4  }
0x76: {  	(erf) = vrcp.f32 v2;
	_ =	sdelay $0x1  }
0x77: {  	v3 =	vld [tilespmem:$0x1A0]  }
0x78: {  	v2 =	vld [tilespmem:$0x320];
	_ =	sdelay $0x4  }
0x79: {  	v3 =	vsub.f32 $0.0e+00, v3  }
0x7a: {  	v60 =	vpop (erf)  }
0x7b: {  	v3 =	vmul.f32 v3, v60  }
0x7c: {  	[tilespmem:v2+s4+$0x0] =	vst.idx.msk $0xffff, v60  }
0x7d: {  	[tilespmem:v2+s0+$0x0] =	vst.idx.msk $0xffff, v3  }
0x7e: {  	v2 =	vld [tilespmem:$0x230];
	_ =	sdelay $0x4  }
0x7f: {  	(erf) = vrcp.f32 v2;
	_ =	sdelay $0x1  }
0x80: {  	v3 =	vld [tilespmem:$0x1B0]  }
0x81: {  	v2 =	vld [tilespmem:$0x330];
	_ =	sdelay $0x4  }
0x82: {  	v3 =	vsub.f32 $0.0e+00, v3  }
0x83: {  	v61 =	vpop (erf)  }
0x84: {  	v3 =	vmul.f32 v3, v61  }
0x85: {  	[tilespmem:v2+s4+$0x0] =	vst.idx.msk $0xffff, v61  }
0x86: {  	[tilespmem:v2+s0+$0x0] =	vst.idx.msk $0xffff, v3  }
0x87: {  	v2 =	vld [tilespmem:$0x240];
	_ =	sdelay $0x4  }
0x88: {  	(erf) = vrcp.f32 v2;
	_ =	sdelay $0x1  }
0x89: {  	v3 =	vld [tilespmem:$0x1C0]  }
0x8a: {  	v2 =	vld [tilespmem:$0x340];
	_ =	sdelay $0x4  }
0x8b: {  	v3 =	vsub.f32 $0.0e+00, v3  }
0x8c: {  	v62 =	vpop (erf)  }
0x8d: {  	v3 =	vmul.f32 v3, v62  }
0x8e: {  	[tilespmem:v2+s4+$0x0] =	vst.idx.msk $0xffff, v62  }
0x8f: {  	[tilespmem:v2+s0+$0x0] =	vst.idx.msk $0xffff, v3  }
0x90: {  	v2 =	vld [tilespmem:$0x250];
	_ =	sdelay $0x4  }
0x91: {  	(erf) = vrcp.f32 v2;
	_ =	sdelay $0x1  }
0x92: {  	v3 =	vld [tilespmem:$0x1D0]  }
0x93: {  	v2 =	vld [tilespmem:$0x350];
	_ =	sdelay $0x4  }
.Ltmp2:
0x94: {  	v3 =	vsub.f32 $0.0e+00, v3;
	(pc) =	sbr.rel .LBB2_2-.Ltmp2, $4  }
0x95: {  	v63 =	vpop (erf)  }
0x96: {  	v3 =	vmul.f32 v3, v63  }
0x97: {  	[tilespmem:v2+s4+$0x0] =	vst.idx.msk $0xf, v63  }
0x98: {  	s18 =	simm.s32 $0x0;
	[tilespmem:v2+s0+$0x0] =	vst.idx.msk $0xf, v3  }
.LBB2_27:
0x99: {  	v13 =	vld [tilespmem:s8+$0x4F70];
	[tilespmem:s7+$0xB2E0] =	vst v9;
	v10 =	vadd.f32 v10, v2;
	v4 =	vmul.f32 v4, v3  }
0x9a: {  	v11 =	vadd.f32 v11, v2;
	v5 =	vmul.f32 v5, v3;
	v9 =	vld [tilespmem:s8+$0x4E80];
	[tilespmem:s7+$0xB2F0] =	vst v12  }
0x9b: {  	v6 =	vmul.f32 v6, v3;
	v12 =	vld [tilespmem:s8+$0x4E90];
	[tilespmem:s7+$0xB300] =	vst v10;
	v4 =	vadd.f32 v4, v2  }
0x9c: {  	v7 =	vmul.f32 v7, v3;
	v5 =	vadd.f32 v5, v2;
	v10 =	vld [tilespmem:s8+$0x4EA0];
	[tilespmem:s7+$0xB310] =	vst v11  }
0x9d: {  	v8 =	vmul.f32 v8, v3;
	v6 =	vadd.f32 v6, v2;
	v11 =	vld [tilespmem:s8+$0x4EB0];
	[tilespmem:s7+$0xB320] =	vst v4  }
0x9e: {  	v7 =	vadd.f32 v7, v2;
	v4 =	vld [tilespmem:s8+$0x4EC0];
	[tilespmem:s7+$0xB330] =	vst v5;
	v13 =	vmul.f32 v13, v3  }
0x9f: {  	v8 =	vadd.f32 v8, v2;
	v5 =	vld [tilespmem:s8+$0x4ED0];
	[tilespmem:s7+$0xB340] =	vst v6;
	v43 =	vmul.f32 v9, v3  }
0xa0: {  	v6 =	vld [tilespmem:s8+$0x4EE0];
	[tilespmem:s7+$0xB350] =	vst v7;
	v13 =	vadd.f32 v13, v2;
	v45 =	vmul.f32 v12, v3  }
0xa1: {  	v44 =	vld [tilespmem:s8+$0x4EF0];
	[tilespmem:s7+$0xB360] =	vst v8;
	v7 =	vadd.f32 v43, v2;
	v10 =	vmul.f32 v10, v3  }
0xa2: {  	v46 =	vld [tilespmem:s8+$0x4F00];
	[tilespmem:s8+$0xB370] =	vst v13;
	v8 =	vadd.f32 v45, v2;
	v11 =	vmul.f32 v11, v3  }
0xa3: {  	v47 =	vld [tilespmem:s8+$0x4F10];
	[tilespmem:s8+$0xB280] =	vst v7;
	v10 =	vadd.f32 v10, v2;
	v4 =	vmul.f32 v4, v3  }
0xa4: {  	v48 =	vld [tilespmem:s8+$0x4F20];
	[tilespmem:s8+$0xB290] =	vst v8;
	v11 =	vadd.f32 v11, v2;
	v5 =	vmul.f32 v5, v3  }
0xa5: {  	v49 =	vld [tilespmem:s8+$0x4F30];
	[tilespmem:s8+$0xB2A0] =	vst v10;
	v4 =	vadd.f32 v4, v2;
	v6 =	vmul.f32 v6, v3  }
0xa6: {  	v50 =	vld [tilespmem:s8+$0x4F40];
	[tilespmem:s8+$0xB2B0] =	vst v11;
	v5 =	vadd.f32 v5, v2;
	v51 =	vmul.f32 v44, v3  }
0xa7: {  	v52 =	vld [tilespmem:s8+$0x4F50];
	[tilespmem:s8+$0xB2C0] =	vst v4;
	v6 =	vadd.f32 v6, v2;
	v12 =	vmul.f32 v46, v3  }
0xa8: {  	v54 =	vld [tilespmem:s8+$0x4F60];
	v53 =	vmul.f32 v47, v3;
	[tilespmem:s8+$0xB2D0] =	vst v5;
	v4 =	vadd.f32 v51, v2  }
0xa9: {  	v8 =	vmul.f32 v48, v3;
	[tilespmem:s8+$0xB2E0] =	vst v6;
	v55 =	vadd.f32 v12, v2  }
0xaa: {  	v57 =	vmul.f32 v49, v3;
	v56 =	vadd.f32 v53, v2;
	[tilespmem:s8+$0xB2F0] =	vst v4  }
0xab: {  	v59 =	vmul.f32 v50, v3;
	v58 =	vadd.f32 v8, v2;
	[tilespmem:s8+$0xB300] =	vst v55  }
0xac: {  	v61 =	vmul.f32 v52, v3;
	v60 =	vadd.f32 v57, v2;
	[tilespmem:s8+$0xB310] =	vst v56  }
0xad: {  	s5 =	smul.u32 $0x30E00, s24;
	v3 =	vmul.f32 v54, v3;
	v62 =	vadd.f32 v59, v2;
	[tilespmem:s8+$0xB320] =	vst v58  }
0xae: {  	v63 =	vadd.f32 v61, v2;
	[tilespmem:s8+$0xB330] =	vst v60  }
0xaf: {  	s5 =	sadd.s32 s19, s5;
	v2 =	vadd.f32 v3, v2;
	[tilespmem:s8+$0xB340] =	vst v62  }
0xb0: {  	p3 =	sgt.u32 s18, $0x16;
	s5 =	sshrl.u32 s5, $0x3;
	[tilespmem:s8+$0xB350] =	vst v63  }
0xb1: {  	s24 =	simm.s32 $0xB280;
	s5 =	sadd.s32 s3, s5;
	s7 =	smul.u32 @!p3 $0xC3800, s18;
	[tilespmem:s8+$0xB360] =	vst v2  }
0xb2: {  	[hbm4b:s5+s4] =	stream.linear.scatter [tilespmem:s24], [sflag:$0x8], $0x1900, $0x38;
	[tilespmem:$0x10380] =	vst v63  }
0xb3: {  	s5 =	sadd.s32 @!p3 s7, s23  }
0xb4: {  	s5 =	sshrl.u32 @!p3 s5, $0x3  }
0xb5: {  	s8 =	simm.s32 @!p3 $0x4E80;
	s7 =	simm.s32 @!p3 $0x0;
	s5 =	sadd.s32 @!p3 s1, s5  }
0xb6: {  	[tilespmem:s8], [sflag:$0x4] =	stream.linear.gather @!p3 [hbm4b:s5+s7], $0x1900, $0x38;
	[tilespmem:$0x10380] =	vst v63  }
.LBB2_28:
0xb7: {  	s18 =	sadd.s32 $0x1, s18  }
0xb8: {  	p3 =	sne.s32 s18, $0x19  }
.Ltmp3:
0xb9: {  	_ = 	snop;
	(pc) =	sbr.rel @!p3 .LBB2_29-.Ltmp3, $1  }
0xba: {  	_ =	sdelay $0x3  }
.LBB2_2:
0xbb: {  	s5 =	sor.u32 s6, s18  }
.Ltmp4:
0xbc: {  	p3 =	seq.s32 s5, $0x0;
	(pc) =	sbr.rel @p2 .LBB2_12-.Ltmp4, $4  }
0xbd: {  	p3 =	por !p1, !p3  }
0xbe: {  	s5 =	simm.s32 $0x1;
	p3 =	por !p3, !p3  }
0xbf: {  	s24 =	sshll.u32 s18, $0x2;
	s5 =	simm.s32 @!p3 $0x0  }
0xc0: {  	p3 =	seq.s32 s18, $0x0;
	s7 =	ssub.s32 s24, s5  }
0xc1: {  	_ =	swait.ge [sflag:s2], $0x700  }
0xc2: {  	v2 =	vmov s7;
	[sflag:s2] =	ssyncset.done $0x0  }
0xc3: {  	s5 =	simm.s32 @!p3 $0x5;
	[sflag:s2] =	ssyncadd.s32 $0xFFFFF900  }
0xc4: {  	_ =	swait.ge @!p3 [sflag:s5], $0x700  }
0xc5: {  	s13 =	simm.s32 $0x0;
	[sflag:s5] =	ssyncset.done @!p3 $0x0  }
0xc6: {  	s8 =	sand.u32 $0x70, s13;
	s9 =	sand.u32 $0x700, s13;
	[sflag:s5] =	ssyncadd.s32 @!p3 $0xFFFFF900  }
0xc7: {  	s5 =	sor.u32 s8, s9;
	v3 =	vld.idx.msk [tilespmem:v2+s13+$0x0], $0xffff  }
0xc8: {  	v4 =	vld [tilespmem:s5+$0xCC00]  }
0xc9: {  	v5 =	vld [tilespmem:s5+$0xCB80]  }
0xca: {  	v2 =	vld.idx.msk [tilespmem:v2+s0+$0x0], $0xffff  }
0xcb: {  	s16 =	simm.s32 $0x10;
	s9 =	simm.s32 $0x20  }
0xcc: {  	s8 =	sand.u32 $0x70, s16;
	s10 =	sand.u32 $0x700, s9  }
0xcd: {  	s8 =	sor.u32 s8, s10;
	v6 =	vmul.f32 v4, v3  }
0xce: {  	v8 =	vmul.f32 v5, v3;
	v5 =	vld [tilespmem:s8+$0xCC00]  }
0xcf: {  	v4 =	vld [tilespmem:s8+$0xCB80];
	v7 =	vadd.f32 v6, v2  }
0xd0: {  	s10 =	simm.s32 $0x20;
	v6 =	vadd.f32 v8, v2  }
.LBB2_4:
0xd1: {  	s12 =	sand.u32 $0x70, s10;
	s9 =	sadd.s32 $0x20, s9;
	[tilespmem:s5+$0xE800] =	vst v7;
	p4 =	sne.s32 s10, $0x310  }
.Ltmp5:
0xd2: {  	s10 =	sadd.s32 $0x10, s10;
	s13 =	sand.u32 $0x700, s9;
	[tilespmem:s5+$0xE780] =	vst v6;
	(pc) =	sbr.rel @p4 .LBB2_4-.Ltmp5, $4  }
0xd3: {  	s5 =	smov.u32 s8;
	v6 =	vmul.f32 v5, v3;
	s8 =	sor.u32 s12, s13  }
0xd4: {  	v5 =	vld [tilespmem:s8+$0xCC00];
	v8 =	vmul.f32 v4, v3  }
0xd5: {  	v4 =	vld [tilespmem:s8+$0xCB80];
	v7 =	vadd.f32 v6, v2  }
0xd6: {  	v6 =	vadd.f32 v8, v2  }
0xd7: {  	_ =	sdelay $0x1  }
0xd8: {  	v5 =	vmul.f32 v5, v3  }
0xd9: {  	s7 =	smul.u32 $0x30E00, s7;
	v3 =	vmul.f32 v4, v3  }
0xda: {  	[tilespmem:s5+$0xE800] =	vst v7;
	v4 =	vadd.f32 v5, v2  }
0xdb: {  	[tilespmem:s5+$0xE780] =	vst v6;
	s10 =	sadd.s32 $0x30700, s7;
	v2 =	vadd.f32 v3, v2  }
0xdc: {  	p4 =	seq.s32 s18, $0x18;
	s5 =	sshrl.u32 s10, $0x3;
	[tilespmem:s8+$0xE800] =	vst v4  }
0xdd: {  	s7 =	smul.u32 @!p4 $0xC3800, s18;
	s5 =	sadd.s32 s3, s5;
	[tilespmem:s8+$0xE780] =	vst v2  }
0xde: {  	[hbm4b:s5+s4] =	stream.linear.scatter [tilespmem:s25], [sflag:$0x5], $0x700, $0x38;
	[tilespmem:$0x10380] =	vst v63  }
0xdf: {  	s5 =	sshrl.u32 @!p4 s7, $0x3  }
0xe0: {  	s5 =	sadd.s32 @!p4 s1, s5  }
0xe1: {  	s8 =	simm.s32 @!p4 $0xCB80;
	s7 =	simm.s32 @!p4 $0x0;
	s5 =	sadd.s32 @!p4 $0x1E7E0, s5  }
0xe2: {  	[tilespmem:s8], [sflag:$0x1] =	stream.linear.gather @!p4 [hbm4b:s5+s7], $0x700, $0x38;
	[tilespmem:$0x10380] =	vst v63  }
0xe3: {  	s5 =	sor.u32 @!p4 $0x1, s24  }
0xe4: {  	s5 =	simm.s32 @p4 $0x61;
	_ =	swait.ge [sflag:s26], $0x700  }
0xe5: {  	[sflag:s26] =	ssyncset.done $0x0;
	v2 =	vmov s5  }
0xe6: {  	s7 =	simm.s32 @!p3 $0x6;
	[sflag:s26] =	ssyncadd.s32 $0xFFFFF900  }
0xe7: {  	_ =	swait.ge @!p3 [sflag:s7], $0x700  }
0xe8: {  	s12 =	simm.s32 $0x0;
	[sflag:s7] =	ssyncset.done @!p3 $0x0  }
0xe9: {  	s13 =	sand.u32 $0x70, s12;
	s9 =	sand.u32 $0x700, s12;
	[sflag:s7] =	ssyncadd.s32 @!p3 $0xFFFFF900  }
0xea: {  	s7 =	sor.u32 s13, s9;
	v3 =	vld.idx.msk [tilespmem:v2+s12+$0x0], $0xffff  }
0xeb: {  	v4 =	vld [tilespmem:s7+$0xD300]  }
0xec: {  	v5 =	vld [tilespmem:s7+$0xD280]  }
0xed: {  	v2 =	vld.idx.msk [tilespmem:v2+s0+$0x0], $0xffff  }
0xee: {  	s16 =	simm.s32 $0x10;
	s9 =	simm.s32 $0x20  }
0xef: {  	s8 =	sand.u32 $0x70, s16;
	s10 =	sand.u32 $0x700, s9  }
0xf0: {  	s8 =	sor.u32 s8, s10;
	v6 =	vmul.f32 v4, v3  }
0xf1: {  	v8 =	vmul.f32 v5, v3;
	v5 =	vld [tilespmem:s8+$0xD300]  }
0xf2: {  	v4 =	vld [tilespmem:s8+$0xD280];
	v7 =	vadd.f32 v6, v2  }
0xf3: {  	s10 =	simm.s32 $0x20;
	v6 =	vadd.f32 v8, v2  }
.LBB2_6:
0xf4: {  	s12 =	sand.u32 $0x70, s10;
	s9 =	sadd.s32 $0x20, s9;
	[tilespmem:s7+$0xEF00] =	vst v7;
	p5 =	sne.s32 s10, $0x310  }
.Ltmp6:
0xf5: {  	s10 =	sadd.s32 $0x10, s10;
	s13 =	sand.u32 $0x700, s9;
	[tilespmem:s7+$0xEE80] =	vst v6;
	(pc) =	sbr.rel @p5 .LBB2_6-.Ltmp6, $4  }
0xf6: {  	s7 =	smov.u32 s8;
	v6 =	vmul.f32 v5, v3;
	s8 =	sor.u32 s12, s13  }
0xf7: {  	v5 =	vld [tilespmem:s8+$0xD300];
	v8 =	vmul.f32 v4, v3  }
0xf8: {  	v4 =	vld [tilespmem:s8+$0xD280];
	v7 =	vadd.f32 v6, v2  }
0xf9: {  	v6 =	vadd.f32 v8, v2  }
0xfa: {  	_ =	sdelay $0x1  }
0xfb: {  	v5 =	vmul.f32 v5, v3  }
0xfc: {  	s5 =	smul.u32 $0x30E00, s5;
	v3 =	vmul.f32 v4, v3  }
.Ltmp7:
0xfd: {  	[tilespmem:s7+$0xEF00] =	vst v7;
	v63 =	vadd.f32 v5, v2;
	(pc) =	sbr.rel @p4 .LBB2_31-.Ltmp7, $4  }
0xfe: {  	[tilespmem:s7+$0xEE80] =	vst v6;
	s5 =	sshrl.u32 s5, $0x3;
	v2 =	vadd.f32 v3, v2  }
0xff: {  	s5 =	sadd.s32 s3, s5;
	[tilespmem:s8+$0xEF00] =	vst v63  }
0x100: {  	s5 =	sadd.s32 $0x60E0, s5;
	[tilespmem:s8+$0xEE80] =	vst v2  }
0x101: {  	[hbm4b:s5+s4] =	stream.linear.scatter [tilespmem:s28], [sflag:$0x6], $0x700, $0x38;
	[tilespmem:$0x10380] =	vst v63  }
0x102: {  	s5 =	smul.u32 $0xC3800, s18;
	_ =	sdelay $0x1  }
0x103: {  	s7 =	sshrl.u32 s5, $0x3  }
0x104: {  	s7 =	sadd.s32 s1, s7  }
0x105: {  	s7 =	sadd.s32 $0x249A0, s7  }
0x106: {  	[tilespmem:s29], [sflag:$0x2] =	stream.linear.gather [hbm4b:s7+s4], $0x700, $0x38;
	[tilespmem:$0x10380] =	vst v63  }
0x107: {  	s7 =	sor.u32 $0x2, s24  }
0x108: {  	p4 =	sgt.u32 s7, $0x61  }
.Ltmp8:
0x109: {  	_ = 	snop;
	(pc) =	sbr.rel @p4 .LBB2_20-.Ltmp8, $1  }
0x10a: {  	_ =	sdelay $0x3  }
0x10b: {  	_ =	swait.ge [sflag:s30], $0x700  }
0x10c: {  	v2 =	vmov s7;
	[sflag:s30] =	ssyncset.done $0x0  }
0x10d: {  	s8 =	simm.s32 @!p3 $0x7;
	[sflag:s30] =	ssyncadd.s32 $0xFFFFF900  }
0x10e: {  	_ =	swait.ge @!p3 [sflag:s8], $0x700  }
0x10f: {  	s13 =	simm.s32 $0x0;
	[sflag:s8] =	ssyncset.done @!p3 $0x0  }
0x110: {  	s9 =	sand.u32 $0x70, s13;
	s10 =	sand.u32 $0x700, s13;
	[sflag:s8] =	ssyncadd.s32 @!p3 $0xFFFFF900  }
0x111: {  	s8 =	sor.u32 s9, s10;
	v3 =	vld.idx.msk [tilespmem:v2+s13+$0x0], $0xffff  }
0x112: {  	v4 =	vld [tilespmem:s8+$0xDA00]  }
0x113: {  	v5 =	vld [tilespmem:s8+$0xD980]  }
0x114: {  	v2 =	vld.idx.msk [tilespmem:v2+s0+$0x0], $0xffff  }
0x115: {  	s16 =	simm.s32 $0x10;
	s10 =	simm.s32 $0x20  }
0x116: {  	s9 =	sand.u32 $0x70, s16;
	s12 =	sand.u32 $0x700, s10  }
0x117: {  	s9 =	sor.u32 s9, s12;
	v6 =	vmul.f32 v4, v3  }
0x118: {  	v8 =	vmul.f32 v5, v3;
	v5 =	vld [tilespmem:s9+$0xDA00]  }
0x119: {  	v4 =	vld [tilespmem:s9+$0xD980];
	v7 =	vadd.f32 v6, v2  }
0x11a: {  	s12 =	simm.s32 $0x20;
	v6 =	vadd.f32 v8, v2  }
.LBB2_10:
0x11b: {  	s13 =	sand.u32 $0x70, s12;
	s10 =	sadd.s32 $0x20, s10;
	[tilespmem:s8+$0xF600] =	vst v7;
	p4 =	sne.s32 s12, $0x310  }
.Ltmp9:
0x11c: {  	s12 =	sadd.s32 $0x10, s12;
	s16 =	sand.u32 $0x700, s10;
	[tilespmem:s8+$0xF580] =	vst v6;
	(pc) =	sbr.rel @p4 .LBB2_10-.Ltmp9, $4  }
0x11d: {  	s8 =	smov.u32 s9;
	v6 =	vmul.f32 v5, v3;
	s9 =	sor.u32 s13, s16  }
0x11e: {  	v5 =	vld [tilespmem:s9+$0xDA00];
	v8 =	vmul.f32 v4, v3  }
0x11f: {  	v4 =	vld [tilespmem:s9+$0xD980];
	v7 =	vadd.f32 v6, v2  }
0x120: {  	v6 =	vadd.f32 v8, v2  }
0x121: {  	_ =	sdelay $0x1  }
0x122: {  	v5 =	vmul.f32 v5, v3  }
0x123: {  	s7 =	smul.u32 $0x30E00, s7;
	v3 =	vmul.f32 v4, v3  }
0x124: {  	[tilespmem:s8+$0xF600] =	vst v7;
	v63 =	vadd.f32 v5, v2  }
0x125: {  	p4 =	slt.u32 s18, $0x17;
	[tilespmem:s8+$0xF580] =	vst v6;
	s7 =	sshrl.u32 s7, $0x3;
	v2 =	vadd.f32 v3, v2  }
.Ltmp10:
0x126: {  	s5 =	sshrl.u32 @p4 s5, $0x3;
	s7 =	sadd.s32 s3, s7;
	[tilespmem:s9+$0xF600] =	vst v63;
	(pc) =	sbr.rel .LBB2_20-.Ltmp10, $4  }
0x127: {  	s16 =	simm.s32 $0xF580;
	s5 =	sadd.s32 @p4 s1, s5;
	s7 =	sadd.s32 $0x60E0, s7;
	[tilespmem:s9+$0xF580] =	vst v2  }
0x128: {  	[hbm4b:s7+s4] =	stream.linear.scatter [tilespmem:s16], [sflag:$0x7], $0x700, $0x38;
	[tilespmem:$0x10380] =	vst v63  }
0x129: {  	s8 =	simm.s32 @p4 $0xD980;
	s5 =	sadd.s32 @p4 $0x2AB60, s5;
	s7 =	simm.s32 @p4 $0x0  }
0x12a: {  	[tilespmem:s8], [sflag:$0x3] =	stream.linear.gather @p4 [hbm4b:s5+s7], $0x700, $0x38;
	[tilespmem:$0x10380] =	vst v63  }
.LBB2_12:
0x12b: {  	_ =	swait.ge [sflag:s2], $0x1900  }
0x12c: {  	v2 =	vmov s7;
	[sflag:s2] =	ssyncset.done $0x0  }
0x12d: {  	s5 =	simm.s32 @!p3 $0x5;
	[sflag:s2] =	ssyncadd.s32 $0xFFFFE700  }
0x12e: {  	_ =	swait.ge @!p3 [sflag:s5], $0x1900  }
0x12f: {  	[sflag:s5] =	ssyncset.done @!p3 $0x0  }
0x130: {  	[sflag:s5] =	ssyncadd.s32 @!p3 $0xFFFFE700  }
0x131: {  	s8 =	simm.s32 $0xF0;
	v3 =	vld.idx.msk [tilespmem:v2+s4+$0x0], $0xffff  }
0x132: {  	v4 =	vld [tilespmem:s8+$0x380]  }
0x133: {  	v2 =	vld.idx.msk [tilespmem:v2+s0+$0x0], $0xffff  }
0x134: {  	v5 =	vld [tilespmem:s8+$0x290]  }
0x135: {  	v6 =	vld [tilespmem:s8+$0x2A0]  }
0x136: {  	v7 =	vld [tilespmem:s8+$0x2B0]  }
0x137: {  	v4 =	vmul.f32 v4, v3  }
0x138: {  	v8 =	vld [tilespmem:s8+$0x2C0]  }
0x139: {  	v9 =	vld [tilespmem:s8+$0x2D0];
	v5 =	vmul.f32 v5, v3;
	v4 =	vadd.f32 v4, v2  }
0x13a: {  	v10 =	vld [tilespmem:s8+$0x2E0];
	v6 =	vmul.f32 v6, v3  }
0x13b: {  	v5 =	vadd.f32 v5, v2;
	[tilespmem:s8+$0x6780] =	vst v4;
	v4 =	vmul.f32 v7, v3  }
0x13c: {  	v11 =	vld [tilespmem:s8+$0x2F0];
	v6 =	vadd.f32 v6, v2  }
0x13d: {  	v12 =	vld [tilespmem:s8+$0x300];
	[tilespmem:s8+$0x6690] =	vst v5;
	v5 =	vmul.f32 v8, v3;
	v7 =	vadd.f32 v4, v2  }
0x13e: {  	v13 =	vld [tilespmem:s8+$0x310];
	[tilespmem:s8+$0x66A0] =	vst v6;
	v6 =	vmul.f32 v9, v3  }
0x13f: {  	v14 =	vld [tilespmem:s8+$0x320];
	v8 =	vadd.f32 v5, v2;
	[tilespmem:s8+$0x66B0] =	vst v7;
	v7 =	vmul.f32 v10, v3  }
0x140: {  	v4 =	vld [tilespmem:s8+$0x330];
	v9 =	vadd.f32 v6, v2  }
0x141: {  	v5 =	vld [tilespmem:s8+$0x340];
	[tilespmem:s8+$0x66C0] =	vst v8;
	v8 =	vmul.f32 v11, v3;
	v10 =	vadd.f32 v7, v2  }
0x142: {  	v6 =	vld [tilespmem:s8+$0x350];
	[tilespmem:s8+$0x66D0] =	vst v9;
	v11 =	vmul.f32 v12, v3  }
0x143: {  	v7 =	vld [tilespmem:s8+$0x360];
	v9 =	vadd.f32 v8, v2;
	[tilespmem:s8+$0x66E0] =	vst v10;
	v10 =	vmul.f32 v13, v3  }
0x144: {  	s9 =	simm.s32 $0x1F0;
	s10 =	simm.s32 $0xBC0;
	v12 =	vadd.f32 v11, v2;
	v11 =	vmul.f32 v14, v3;
	v8 =	vld [tilespmem:s8+$0x370]  }
.LBB2_13:
0x145: {  	p4 =	seq.s32 s10, $0x63C0;
	v13 =	vld [tilespmem:s9+$0x380];
	[tilespmem:s8+$0x66F0] =	vst v9;
	v9 =	vadd.f32 v10, v2;
	v4 =	vmul.f32 v4, v3  }
0x146: {  	v10 =	vld [tilespmem:s9+$0x290];
	[tilespmem:s8+$0x6700] =	vst v12;
	v11 =	vadd.f32 v11, v2;
	v5 =	vmul.f32 v5, v3  }
0x147: {  	v12 =	vld [tilespmem:s9+$0x2A0];
	[tilespmem:s8+$0x6710] =	vst v9;
	v4 =	vadd.f32 v4, v2;
	v6 =	vmul.f32 v6, v3  }
0x148: {  	v9 =	vld [tilespmem:s9+$0x2B0];
	[tilespmem:s8+$0x6720] =	vst v11;
	v5 =	vadd.f32 v5, v2;
	v7 =	vmul.f32 v7, v3  }
0x149: {  	v11 =	vld [tilespmem:s9+$0x2C0];
	[tilespmem:s8+$0x6730] =	vst v4;
	v4 =	vadd.f32 v6, v2;
	v6 =	vmul.f32 v8, v3  }
0x14a: {  	v8 =	vld [tilespmem:s9+$0x2D0];
	v13 =	vmul.f32 v13, v3;
	[tilespmem:s8+$0x6740] =	vst v5;
	v5 =	vadd.f32 v7, v2  }
0x14b: {  	v7 =	vmul.f32 v10, v3;
	v10 =	vld [tilespmem:s9+$0x2E0];
	[tilespmem:s8+$0x6750] =	vst v4;
	v4 =	vadd.f32 v6, v2  }
0x14c: {  	v6 =	vmul.f32 v12, v3;
	v12 =	vld [tilespmem:s9+$0x2F0];
	v13 =	vadd.f32 v13, v2;
	[tilespmem:s8+$0x6760] =	vst v5  }
0x14d: {  	v5 =	vadd.f32 v7, v2;
	v7 =	vmul.f32 v9, v3;
	v9 =	vld [tilespmem:s9+$0x300];
	[tilespmem:s8+$0x6770] =	vst v4;
	s8 =	smov.u32 s9  }
0x14e: {  	v4 =	vadd.f32 v6, v2;
	v6 =	vmul.f32 v11, v3;
	v11 =	vld [tilespmem:s8+$0x310];
	[tilespmem:s8+$0x6780] =	vst v13  }
0x14f: {  	[tilespmem:s8+$0x6690] =	vst v5;
	v5 =	vadd.f32 v7, v2;
	v7 =	vmul.f32 v8, v3;
	v8 =	vld [tilespmem:s8+$0x320]  }
.Ltmp11:
0x150: {  	[tilespmem:s8+$0x66A0] =	vst v4;
	v6 =	vadd.f32 v6, v2;
	v10 =	vmul.f32 v10, v3;
	v4 =	vld [tilespmem:s8+$0x330];
	(pc) =	sbr.rel @!p4 .LBB2_13-.Ltmp11, $4  }
0x151: {  	[tilespmem:s8+$0x66B0] =	vst v5;
	v7 =	vadd.f32 v7, v2;
	v12 =	vmul.f32 v12, v3;
	v5 =	vld [tilespmem:s8+$0x340]  }
0x152: {  	[tilespmem:s8+$0x66C0] =	vst v6;
	v13 =	vadd.f32 v10, v2;
	v14 =	vmul.f32 v9, v3;
	v6 =	vld [tilespmem:s8+$0x350]  }
0x153: {  	[tilespmem:s8+$0x66D0] =	vst v7;
	v9 =	vadd.f32 v12, v2;
	v10 =	vmul.f32 v11, v3;
	v7 =	vld [tilespmem:s8+$0x360]  }
0x154: {  	s9 =	sshra.s32 s10, $0x2;
	s10 =	sadd.s32 $0x400, s10;
	[tilespmem:s8+$0x66E0] =	vst v13;
	v12 =	vadd.f32 v14, v2;
	v11 =	vmul.f32 v8, v3;
	v8 =	vld [tilespmem:s8+$0x370]  }
0x155: {  	v13 =	vld [tilespmem:s9+$0x380];
	[tilespmem:s8+$0x66F0] =	vst v9;
	v10 =	vadd.f32 v10, v2;
	v4 =	vmul.f32 v4, v3  }
0x156: {  	v9 =	vld [tilespmem:s9+$0x290];
	[tilespmem:s8+$0x6700] =	vst v12;
	v11 =	vadd.f32 v11, v2;
	v5 =	vmul.f32 v5, v3  }
0x157: {  	v12 =	vld [tilespmem:s9+$0x2A0];
	[tilespmem:s8+$0x6710] =	vst v10;
	v4 =	vadd.f32 v4, v2;
	v6 =	vmul.f32 v6, v3  }
0x158: {  	v10 =	vld [tilespmem:s9+$0x2B0];
	[tilespmem:s8+$0x6720] =	vst v11;
	v5 =	vadd.f32 v5, v2;
	v7 =	vmul.f32 v7, v3  }
0x159: {  	v11 =	vld [tilespmem:s9+$0x2C0];
	[tilespmem:s8+$0x6730] =	vst v4;
	v6 =	vadd.f32 v6, v2;
	v8 =	vmul.f32 v8, v3  }
0x15a: {  	v4 =	vld [tilespmem:s9+$0x2D0];
	[tilespmem:s8+$0x6740] =	vst v5;
	v7 =	vadd.f32 v7, v2  }
0x15b: {  	v5 =	vld [tilespmem:s9+$0x2E0];
	[tilespmem:s8+$0x6750] =	vst v6;
	v8 =	vadd.f32 v8, v2  }
0x15c: {  	v6 =	vld [tilespmem:s9+$0x2F0];
	[tilespmem:s8+$0x6760] =	vst v7;
	v7 =	vmul.f32 v9, v3  }
0x15d: {  	v9 =	vld [tilespmem:s9+$0x300];
	[tilespmem:s8+$0x6770] =	vst v8;
	v8 =	vmul.f32 v12, v3  }
0x15e: {  	v10 =	vmul.f32 v10, v3;
	v7 =	vadd.f32 v7, v2  }
0x15f: {  	v11 =	vmul.f32 v11, v3;
	v8 =	vadd.f32 v8, v2  }
0x160: {  	v12 =	vld [tilespmem:s9+$0x310];
	v10 =	vadd.f32 v10, v2;
	v4 =	vmul.f32 v4, v3;
	[tilespmem:s9+$0x6690] =	vst v7  }
0x161: {  	v13 =	vmul.f32 v13, v3;
	v7 =	vld [tilespmem:s9+$0x320];
	v11 =	vadd.f32 v11, v2;
	[tilespmem:s9+$0x66A0] =	vst v8  }
0x162: {  	v5 =	vmul.f32 v5, v3;
	v8 =	vld [tilespmem:s9+$0x330];
	[tilespmem:s9+$0x66B0] =	vst v10;
	v4 =	vadd.f32 v4, v2  }
0x163: {  	v13 =	vadd.f32 v13, v2;
	v10 =	vld [tilespmem:s9+$0x340];
	v6 =	vmul.f32 v6, v3;
	[tilespmem:s9+$0x66C0] =	vst v11  }
0x164: {  	v11 =	vld [tilespmem:s9+$0x350];
	v5 =	vadd.f32 v5, v2;
	[tilespmem:s9+$0x66D0] =	vst v4;
	v4 =	vmul.f32 v9, v3  }
0x165: {  	[tilespmem:s9+$0x6780] =	vst v13;
	v9 =	vld [tilespmem:s9+$0x360];
	v6 =	vadd.f32 v6, v2;
	v12 =	vmul.f32 v12, v3  }
0x166: {  	[tilespmem:s9+$0x66E0] =	vst v5;
	v4 =	vadd.f32 v4, v2;
	v5 =	vmul.f32 v7, v3;
	v7 =	vld [tilespmem:s9+$0x370]  }
0x167: {  	[tilespmem:s9+$0x66F0] =	vst v6;
	v6 =	vadd.f32 v12, v2;
	v8 =	vmul.f32 v8, v3  }
0x168: {  	[tilespmem:s9+$0x6700] =	vst v4;
	v4 =	vadd.f32 v5, v2;
	v5 =	vmul.f32 v10, v3  }
0x169: {  	[tilespmem:s9+$0x6710] =	vst v6;
	v6 =	vadd.f32 v8, v2;
	v8 =	vmul.f32 v11, v3  }
0x16a: {  	[tilespmem:s9+$0x6720] =	vst v4;
	v4 =	vadd.f32 v5, v2;
	v5 =	vmul.f32 v9, v3  }
0x16b: {  	s5 =	smul.u32 $0x30E00, s7;
	[tilespmem:s9+$0x6730] =	vst v6;
	v6 =	vadd.f32 v8, v2;
	v3 =	vmul.f32 v7, v3  }
0x16c: {  	[tilespmem:s9+$0x6740] =	vst v4;
	v4 =	vadd.f32 v5, v2  }
0x16d: {  	s5 =	sadd.s32 s19, s5;
	[tilespmem:s9+$0x6750] =	vst v6;
	v2 =	vadd.f32 v3, v2  }
0x16e: {  	p4 =	seq.s32 s18, $0x18;
	s5 =	sshrl.u32 s5, $0x3;
	[tilespmem:s9+$0x6760] =	vst v4  }
0x16f: {  	s7 =	smul.u32 @!p4 $0xC3800, s18;
	s5 =	sadd.s32 s3, s5;
	[tilespmem:s9+$0x6770] =	vst v2  }
0x170: {  	[hbm4b:s5+s4] =	stream.linear.scatter [tilespmem:s14], [sflag:$0x5], $0x1900, $0x38;
	[tilespmem:$0x10380] =	vst v63  }
0x171: {  	s5 =	sadd.s32 @!p4 s7, s20  }
0x172: {  	s5 =	sshrl.u32 @!p4 s5, $0x3  }
0x173: {  	s8 =	simm.s32 @!p4 $0x0;
	s9 =	simm.s32 @!p4 $0x380;
	s5 =	sadd.s32 @!p4 s1, s5  }
0x174: {  	[tilespmem:s9], [sflag:$0x1] =	stream.linear.gather @!p4 [hbm4b:s5+s8], $0x1900, $0x38;
	[tilespmem:$0x10380] =	vst v63  }
0x175: {  	s8 =	sor.u32 $0x1, s24;
	_ =	swait.ge [sflag:s26], $0x1900  }
0x176: {  	v2 =	vmov s8;
	[sflag:s26] =	ssyncset.done $0x0  }
0x177: {  	s5 =	simm.s32 @!p3 $0x6;
	[sflag:s26] =	ssyncadd.s32 $0xFFFFE700  }
0x178: {  	_ =	swait.ge @!p3 [sflag:s5], $0x1900  }
0x179: {  	[sflag:s5] =	ssyncset.done @!p3 $0x0  }
0x17a: {  	s16 =	simm.s32 $0x0;
	[sflag:s5] =	ssyncadd.s32 @!p3 $0xFFFFE700  }
0x17b: {  	s9 =	simm.s32 $0x0;
	v3 =	vld.idx.msk [tilespmem:v2+s16+$0x0], $0xffff  }
0x17c: {  	v4 =	vld [tilespmem:s9+$0x1D70]  }
0x17d: {  	v2 =	vld.idx.msk [tilespmem:v2+s0+$0x0], $0xffff  }
0x17e: {  	v5 =	vld [tilespmem:s9+$0x1C80]  }
0x17f: {  	v6 =	vld [tilespmem:s9+$0x1C90]  }
0x180: {  	v7 =	vld [tilespmem:s9+$0x1CA0]  }
0x181: {  	v4 =	vmul.f32 v4, v3  }
0x182: {  	v8 =	vld [tilespmem:s9+$0x1CB0]  }
0x183: {  	v9 =	vld [tilespmem:s9+$0x1CC0];
	v5 =	vmul.f32 v5, v3;
	v4 =	vadd.f32 v4, v2  }
0x184: {  	v10 =	vld [tilespmem:s9+$0x1CD0];
	v6 =	vmul.f32 v6, v3  }
0x185: {  	v5 =	vadd.f32 v5, v2;
	[tilespmem:s9+$0x8170] =	vst v4;
	v4 =	vmul.f32 v7, v3  }
0x186: {  	v11 =	vld [tilespmem:s9+$0x1CE0];
	v6 =	vadd.f32 v6, v2  }
0x187: {  	v12 =	vld [tilespmem:s9+$0x1CF0];
	[tilespmem:s9+$0x8080] =	vst v5;
	v5 =	vmul.f32 v8, v3;
	v7 =	vadd.f32 v4, v2  }
0x188: {  	v13 =	vld [tilespmem:s9+$0x1D00];
	[tilespmem:s9+$0x8090] =	vst v6;
	v6 =	vmul.f32 v9, v3  }
0x189: {  	v14 =	vld [tilespmem:s9+$0x1D10];
	v8 =	vadd.f32 v5, v2;
	[tilespmem:s9+$0x80A0] =	vst v7;
	v7 =	vmul.f32 v10, v3  }
0x18a: {  	v4 =	vld [tilespmem:s9+$0x1D20];
	v9 =	vadd.f32 v6, v2  }
0x18b: {  	v5 =	vld [tilespmem:s9+$0x1D30];
	[tilespmem:s9+$0x80B0] =	vst v8;
	v8 =	vmul.f32 v11, v3;
	v10 =	vadd.f32 v7, v2  }
0x18c: {  	v6 =	vld [tilespmem:s9+$0x1D40];
	[tilespmem:s9+$0x80C0] =	vst v9;
	v11 =	vmul.f32 v12, v3  }
0x18d: {  	v7 =	vld [tilespmem:s9+$0x1D50];
	v9 =	vadd.f32 v8, v2;
	[tilespmem:s9+$0x80D0] =	vst v10;
	v10 =	vmul.f32 v13, v3  }
0x18e: {  	s10 =	simm.s32 $0x100;
	s5 =	simm.s32 $0x800;
	v12 =	vadd.f32 v11, v2;
	v11 =	vmul.f32 v14, v3;
	v8 =	vld [tilespmem:s9+$0x1D60]  }
.LBB2_15:
0x18f: {  	p5 =	seq.s32 s5, $0x6000;
	v13 =	vld [tilespmem:s10+$0x1D70];
	[tilespmem:s9+$0x80E0] =	vst v9;
	v9 =	vadd.f32 v10, v2;
	v4 =	vmul.f32 v4, v3  }
0x190: {  	v10 =	vld [tilespmem:s10+$0x1C80];
	[tilespmem:s9+$0x80F0] =	vst v12;
	v11 =	vadd.f32 v11, v2;
	v5 =	vmul.f32 v5, v3  }
0x191: {  	v12 =	vld [tilespmem:s10+$0x1C90];
	[tilespmem:s9+$0x8100] =	vst v9;
	v4 =	vadd.f32 v4, v2;
	v6 =	vmul.f32 v6, v3  }
0x192: {  	v9 =	vld [tilespmem:s10+$0x1CA0];
	[tilespmem:s9+$0x8110] =	vst v11;
	v5 =	vadd.f32 v5, v2;
	v7 =	vmul.f32 v7, v3  }
0x193: {  	v11 =	vld [tilespmem:s10+$0x1CB0];
	[tilespmem:s9+$0x8120] =	vst v4;
	v4 =	vadd.f32 v6, v2;
	v6 =	vmul.f32 v8, v3  }
0x194: {  	v8 =	vld [tilespmem:s10+$0x1CC0];
	v13 =	vmul.f32 v13, v3;
	[tilespmem:s9+$0x8130] =	vst v5;
	v5 =	vadd.f32 v7, v2  }
0x195: {  	v7 =	vmul.f32 v10, v3;
	v10 =	vld [tilespmem:s10+$0x1CD0];
	[tilespmem:s9+$0x8140] =	vst v4;
	v4 =	vadd.f32 v6, v2  }
0x196: {  	v6 =	vmul.f32 v12, v3;
	v12 =	vld [tilespmem:s10+$0x1CE0];
	v13 =	vadd.f32 v13, v2;
	[tilespmem:s9+$0x8150] =	vst v5  }
0x197: {  	v5 =	vadd.f32 v7, v2;
	v7 =	vmul.f32 v9, v3;
	v9 =	vld [tilespmem:s10+$0x1CF0];
	[tilespmem:s9+$0x8160] =	vst v4;
	s9 =	smov.u32 s10  }
0x198: {  	v4 =	vadd.f32 v6, v2;
	v6 =	vmul.f32 v11, v3;
	v11 =	vld [tilespmem:s9+$0x1D00];
	[tilespmem:s9+$0x8170] =	vst v13  }
0x199: {  	[tilespmem:s9+$0x8080] =	vst v5;
	v5 =	vadd.f32 v7, v2;
	v7 =	vmul.f32 v8, v3;
	v8 =	vld [tilespmem:s9+$0x1D10]  }
.Ltmp12:
0x19a: {  	[tilespmem:s9+$0x8090] =	vst v4;
	v6 =	vadd.f32 v6, v2;
	v10 =	vmul.f32 v10, v3;
	v4 =	vld [tilespmem:s9+$0x1D20];
	(pc) =	sbr.rel @!p5 .LBB2_15-.Ltmp12, $4  }
0x19b: {  	[tilespmem:s9+$0x80A0] =	vst v5;
	v7 =	vadd.f32 v7, v2;
	v12 =	vmul.f32 v12, v3;
	v5 =	vld [tilespmem:s9+$0x1D30]  }
0x19c: {  	[tilespmem:s9+$0x80B0] =	vst v6;
	v13 =	vadd.f32 v10, v2;
	v14 =	vmul.f32 v9, v3;
	v6 =	vld [tilespmem:s9+$0x1D40]  }
0x19d: {  	[tilespmem:s9+$0x80C0] =	vst v7;
	v9 =	vadd.f32 v12, v2;
	v10 =	vmul.f32 v11, v3;
	v7 =	vld [tilespmem:s9+$0x1D50]  }
0x19e: {  	s10 =	sshra.s32 s5, $0x2;
	s5 =	sadd.s32 $0x400, s5;
	[tilespmem:s9+$0x80D0] =	vst v13;
	v12 =	vadd.f32 v14, v2;
	v11 =	vmul.f32 v8, v3;
	v8 =	vld [tilespmem:s9+$0x1D60]  }
0x19f: {  	v13 =	vld [tilespmem:s10+$0x1D70];
	[tilespmem:s9+$0x80E0] =	vst v9;
	v10 =	vadd.f32 v10, v2;
	v4 =	vmul.f32 v4, v3  }
0x1a0: {  	v9 =	vld [tilespmem:s10+$0x1C80];
	[tilespmem:s9+$0x80F0] =	vst v12;
	v11 =	vadd.f32 v11, v2;
	v5 =	vmul.f32 v5, v3  }
0x1a1: {  	v12 =	vld [tilespmem:s10+$0x1C90];
	[tilespmem:s9+$0x8100] =	vst v10;
	v4 =	vadd.f32 v4, v2;
	v6 =	vmul.f32 v6, v3  }
0x1a2: {  	v10 =	vld [tilespmem:s10+$0x1CA0];
	[tilespmem:s9+$0x8110] =	vst v11;
	v5 =	vadd.f32 v5, v2;
	v7 =	vmul.f32 v7, v3  }
0x1a3: {  	v11 =	vld [tilespmem:s10+$0x1CB0];
	[tilespmem:s9+$0x8120] =	vst v4;
	v6 =	vadd.f32 v6, v2;
	v8 =	vmul.f32 v8, v3  }
0x1a4: {  	v4 =	vld [tilespmem:s10+$0x1CC0];
	[tilespmem:s9+$0x8130] =	vst v5;
	v7 =	vadd.f32 v7, v2;
	v13 =	vmul.f32 v13, v3  }
0x1a5: {  	v5 =	vld [tilespmem:s10+$0x1CD0];
	[tilespmem:s9+$0x8140] =	vst v6;
	v8 =	vadd.f32 v8, v2;
	v43 =	vmul.f32 v9, v3  }
0x1a6: {  	v6 =	vld [tilespmem:s10+$0x1CE0];
	[tilespmem:s9+$0x8150] =	vst v7;
	v13 =	vadd.f32 v13, v2;
	v45 =	vmul.f32 v12, v3  }
0x1a7: {  	v44 =	vld [tilespmem:s10+$0x1CF0];
	[tilespmem:s9+$0x8160] =	vst v8;
	v7 =	vadd.f32 v43, v2;
	v10 =	vmul.f32 v10, v3  }
0x1a8: {  	v46 =	vld [tilespmem:s10+$0x1D00];
	[tilespmem:s10+$0x8170] =	vst v13;
	v8 =	vadd.f32 v45, v2;
	v11 =	vmul.f32 v11, v3  }
0x1a9: {  	v47 =	vld [tilespmem:s10+$0x1D10];
	[tilespmem:s10+$0x8080] =	vst v7;
	v10 =	vadd.f32 v10, v2;
	v4 =	vmul.f32 v4, v3  }
0x1aa: {  	v48 =	vld [tilespmem:s10+$0x1D20];
	[tilespmem:s10+$0x8090] =	vst v8;
	v11 =	vadd.f32 v11, v2;
	v5 =	vmul.f32 v5, v3  }
0x1ab: {  	v49 =	vld [tilespmem:s10+$0x1D30];
	[tilespmem:s10+$0x80A0] =	vst v10;
	v4 =	vadd.f32 v4, v2;
	v6 =	vmul.f32 v6, v3  }
0x1ac: {  	v50 =	vld [tilespmem:s10+$0x1D40];
	[tilespmem:s10+$0x80B0] =	vst v11;
	v5 =	vadd.f32 v5, v2;
	v51 =	vmul.f32 v44, v3  }
0x1ad: {  	v52 =	vld [tilespmem:s10+$0x1D50];
	[tilespmem:s10+$0x80C0] =	vst v4;
	v6 =	vadd.f32 v6, v2;
	v12 =	vmul.f32 v46, v3  }
0x1ae: {  	v54 =	vld [tilespmem:s10+$0x1D60];
	v53 =	vmul.f32 v47, v3;
	[tilespmem:s10+$0x80D0] =	vst v5;
	v4 =	vadd.f32 v51, v2  }
0x1af: {  	v8 =	vmul.f32 v48, v3;
	[tilespmem:s10+$0x80E0] =	vst v6;
	v55 =	vadd.f32 v12, v2  }
0x1b0: {  	v57 =	vmul.f32 v49, v3;
	v56 =	vadd.f32 v53, v2;
	[tilespmem:s10+$0x80F0] =	vst v4  }
0x1b1: {  	v59 =	vmul.f32 v50, v3;
	v58 =	vadd.f32 v8, v2;
	[tilespmem:s10+$0x8100] =	vst v55  }
0x1b2: {  	v61 =	vmul.f32 v52, v3;
	v60 =	vadd.f32 v57, v2;
	[tilespmem:s10+$0x8110] =	vst v56  }
0x1b3: {  	s5 =	smul.u32 $0x30E00, s8;
	v3 =	vmul.f32 v54, v3;
	v62 =	vadd.f32 v59, v2;
	[tilespmem:s10+$0x8120] =	vst v58  }
0x1b4: {  	v63 =	vadd.f32 v61, v2;
	[tilespmem:s10+$0x8130] =	vst v60  }
0x1b5: {  	s5 =	sadd.s32 s19, s5;
	v2 =	vadd.f32 v3, v2;
	[tilespmem:s10+$0x8140] =	vst v62  }
0x1b6: {  	s5 =	sshrl.u32 s5, $0x3;
	[tilespmem:s10+$0x8150] =	vst v63  }
0x1b7: {  	s5 =	sadd.s32 s3, s5;
	[tilespmem:s10+$0x8160] =	vst v2  }
0x1b8: {  	[hbm4b:s5+s4] =	stream.linear.scatter [tilespmem:s15], [sflag:$0x6], $0x1900, $0x38;
	[tilespmem:$0x10380] =	vst v63  }
0x1b9: {  	s5 =	sadd.s32 @!p4 s7, s21  }
0x1ba: {  	s5 =	sshrl.u32 @!p4 s5, $0x3  }
0x1bb: {  	s8 =	simm.s32 @!p4 $0x1C80;
	s7 =	simm.s32 @!p4 $0x0;
	s5 =	sadd.s32 @!p4 s1, s5  }
0x1bc: {  	[tilespmem:s8], [sflag:$0x2] =	stream.linear.gather @!p4 [hbm4b:s5+s7], $0x1900, $0x38;
	[tilespmem:$0x10380] =	vst v63  }
0x1bd: {  	s7 =	sor.u32 $0x2, s24  }
0x1be: {  	p4 =	slt.u32 s7, $0x62  }
.Ltmp13:
0x1bf: {  	_ = 	snop;
	(pc) =	sbr.rel @!p4 .LBB2_20-.Ltmp13, $1  }
0x1c0: {  	_ =	sdelay $0x3  }
0x1c1: {  	_ =	swait.ge [sflag:s30], $0x1900  }
0x1c2: {  	v2 =	vmov s7;
	[sflag:s30] =	ssyncset.done $0x0  }
0x1c3: {  	s5 =	simm.s32 @!p3 $0x7;
	[sflag:s30] =	ssyncadd.s32 $0xFFFFE700  }
0x1c4: {  	_ =	swait.ge @!p3 [sflag:s5], $0x1900  }
0x1c5: {  	[sflag:s5] =	ssyncset.done @!p3 $0x0  }
0x1c6: {  	s16 =	simm.s32 $0x0;
	[sflag:s5] =	ssyncadd.s32 @!p3 $0xFFFFE700  }
0x1c7: {  	s8 =	simm.s32 $0x0;
	v3 =	vld.idx.msk [tilespmem:v2+s16+$0x0], $0xffff  }
0x1c8: {  	v4 =	vld [tilespmem:s8+$0x3670]  }
0x1c9: {  	v2 =	vld.idx.msk [tilespmem:v2+s0+$0x0], $0xffff  }
0x1ca: {  	v5 =	vld [tilespmem:s8+$0x3580]  }
0x1cb: {  	v6 =	vld [tilespmem:s8+$0x3590]  }
0x1cc: {  	v7 =	vld [tilespmem:s8+$0x35A0]  }
0x1cd: {  	v4 =	vmul.f32 v4, v3  }
0x1ce: {  	v8 =	vld [tilespmem:s8+$0x35B0]  }
0x1cf: {  	v9 =	vld [tilespmem:s8+$0x35C0];
	v5 =	vmul.f32 v5, v3;
	v4 =	vadd.f32 v4, v2  }
0x1d0: {  	v10 =	vld [tilespmem:s8+$0x35D0];
	v6 =	vmul.f32 v6, v3  }
0x1d1: {  	v5 =	vadd.f32 v5, v2;
	[tilespmem:s8+$0x9A70] =	vst v4;
	v4 =	vmul.f32 v7, v3  }
0x1d2: {  	v11 =	vld [tilespmem:s8+$0x35E0];
	v6 =	vadd.f32 v6, v2  }
0x1d3: {  	v12 =	vld [tilespmem:s8+$0x35F0];
	[tilespmem:s8+$0x9980] =	vst v5;
	v5 =	vmul.f32 v8, v3;
	v7 =	vadd.f32 v4, v2  }
0x1d4: {  	v13 =	vld [tilespmem:s8+$0x3600];
	[tilespmem:s8+$0x9990] =	vst v6;
	v6 =	vmul.f32 v9, v3  }
0x1d5: {  	v14 =	vld [tilespmem:s8+$0x3610];
	v8 =	vadd.f32 v5, v2;
	[tilespmem:s8+$0x99A0] =	vst v7;
	v7 =	vmul.f32 v10, v3  }
0x1d6: {  	v4 =	vld [tilespmem:s8+$0x3620];
	v9 =	vadd.f32 v6, v2  }
0x1d7: {  	v5 =	vld [tilespmem:s8+$0x3630];
	[tilespmem:s8+$0x99B0] =	vst v8;
	v8 =	vmul.f32 v11, v3;
	v10 =	vadd.f32 v7, v2  }
0x1d8: {  	v6 =	vld [tilespmem:s8+$0x3640];
	[tilespmem:s8+$0x99C0] =	vst v9;
	v11 =	vmul.f32 v12, v3  }
0x1d9: {  	v7 =	vld [tilespmem:s8+$0x3650];
	v9 =	vadd.f32 v8, v2;
	[tilespmem:s8+$0x99D0] =	vst v10;
	v10 =	vmul.f32 v13, v3  }
0x1da: {  	s9 =	simm.s32 $0x100;
	s5 =	simm.s32 $0x800;
	v12 =	vadd.f32 v11, v2;
	v11 =	vmul.f32 v14, v3;
	v8 =	vld [tilespmem:s8+$0x3660]  }
.LBB2_18:
0x1db: {  	p4 =	seq.s32 s5, $0x6000;
	v13 =	vld [tilespmem:s9+$0x3670];
	[tilespmem:s8+$0x99E0] =	vst v9;
	v9 =	vadd.f32 v10, v2;
	v4 =	vmul.f32 v4, v3  }
0x1dc: {  	v10 =	vld [tilespmem:s9+$0x3580];
	[tilespmem:s8+$0x99F0] =	vst v12;
	v11 =	vadd.f32 v11, v2;
	v5 =	vmul.f32 v5, v3  }
0x1dd: {  	v12 =	vld [tilespmem:s9+$0x3590];
	[tilespmem:s8+$0x9A00] =	vst v9;
	v4 =	vadd.f32 v4, v2;
	v6 =	vmul.f32 v6, v3  }
0x1de: {  	v9 =	vld [tilespmem:s9+$0x35A0];
	[tilespmem:s8+$0x9A10] =	vst v11;
	v5 =	vadd.f32 v5, v2;
	v7 =	vmul.f32 v7, v3  }
0x1df: {  	v11 =	vld [tilespmem:s9+$0x35B0];
	[tilespmem:s8+$0x9A20] =	vst v4;
	v4 =	vadd.f32 v6, v2;
	v6 =	vmul.f32 v8, v3  }
0x1e0: {  	v8 =	vld [tilespmem:s9+$0x35C0];
	v13 =	vmul.f32 v13, v3;
	[tilespmem:s8+$0x9A30] =	vst v5;
	v5 =	vadd.f32 v7, v2  }
0x1e1: {  	v7 =	vmul.f32 v10, v3;
	v10 =	vld [tilespmem:s9+$0x35D0];
	[tilespmem:s8+$0x9A40] =	vst v4;
	v4 =	vadd.f32 v6, v2  }
0x1e2: {  	v6 =	vmul.f32 v12, v3;
	v12 =	vld [tilespmem:s9+$0x35E0];
	v13 =	vadd.f32 v13, v2;
	[tilespmem:s8+$0x9A50] =	vst v5  }
0x1e3: {  	v5 =	vadd.f32 v7, v2;
	v7 =	vmul.f32 v9, v3;
	v9 =	vld [tilespmem:s9+$0x35F0];
	[tilespmem:s8+$0x9A60] =	vst v4;
	s8 =	smov.u32 s9  }
0x1e4: {  	v4 =	vadd.f32 v6, v2;
	v6 =	vmul.f32 v11, v3;
	v11 =	vld [tilespmem:s8+$0x3600];
	[tilespmem:s8+$0x9A70] =	vst v13  }
0x1e5: {  	[tilespmem:s8+$0x9980] =	vst v5;
	v5 =	vadd.f32 v7, v2;
	v7 =	vmul.f32 v8, v3;
	v8 =	vld [tilespmem:s8+$0x3610]  }
.Ltmp14:
0x1e6: {  	[tilespmem:s8+$0x9990] =	vst v4;
	v6 =	vadd.f32 v6, v2;
	v10 =	vmul.f32 v10, v3;
	v4 =	vld [tilespmem:s8+$0x3620];
	(pc) =	sbr.rel @!p4 .LBB2_18-.Ltmp14, $4  }
0x1e7: {  	[tilespmem:s8+$0x99A0] =	vst v5;
	v7 =	vadd.f32 v7, v2;
	v12 =	vmul.f32 v12, v3;
	v5 =	vld [tilespmem:s8+$0x3630]  }
0x1e8: {  	[tilespmem:s8+$0x99B0] =	vst v6;
	v13 =	vadd.f32 v10, v2;
	v14 =	vmul.f32 v9, v3;
	v6 =	vld [tilespmem:s8+$0x3640]  }
0x1e9: {  	[tilespmem:s8+$0x99C0] =	vst v7;
	v9 =	vadd.f32 v12, v2;
	v10 =	vmul.f32 v11, v3;
	v7 =	vld [tilespmem:s8+$0x3650]  }
0x1ea: {  	s9 =	sshra.s32 s5, $0x2;
	s5 =	sadd.s32 $0x400, s5;
	[tilespmem:s8+$0x99D0] =	vst v13;
	v12 =	vadd.f32 v14, v2;
	v11 =	vmul.f32 v8, v3;
	v8 =	vld [tilespmem:s8+$0x3660]  }
0x1eb: {  	v13 =	vld [tilespmem:s9+$0x3670];
	[tilespmem:s8+$0x99E0] =	vst v9;
	v10 =	vadd.f32 v10, v2;
	v4 =	vmul.f32 v4, v3  }
0x1ec: {  	v9 =	vld [tilespmem:s9+$0x3580];
	[tilespmem:s8+$0x99F0] =	vst v12;
	v11 =	vadd.f32 v11, v2;
	v5 =	vmul.f32 v5, v3  }
0x1ed: {  	v12 =	vld [tilespmem:s9+$0x3590];
	[tilespmem:s8+$0x9A00] =	vst v10;
	v4 =	vadd.f32 v4, v2;
	v6 =	vmul.f32 v6, v3  }
0x1ee: {  	v10 =	vld [tilespmem:s9+$0x35A0];
	[tilespmem:s8+$0x9A10] =	vst v11;
	v5 =	vadd.f32 v5, v2;
	v7 =	vmul.f32 v7, v3  }
0x1ef: {  	v11 =	vld [tilespmem:s9+$0x35B0];
	[tilespmem:s8+$0x9A20] =	vst v4;
	v6 =	vadd.f32 v6, v2;
	v8 =	vmul.f32 v8, v3  }
0x1f0: {  	v4 =	vld [tilespmem:s9+$0x35C0];
	[tilespmem:s8+$0x9A30] =	vst v5;
	v7 =	vadd.f32 v7, v2;
	v13 =	vmul.f32 v13, v3  }
0x1f1: {  	v5 =	vld [tilespmem:s9+$0x35D0];
	[tilespmem:s8+$0x9A40] =	vst v6;
	v8 =	vadd.f32 v8, v2;
	v43 =	vmul.f32 v9, v3  }
0x1f2: {  	v6 =	vld [tilespmem:s9+$0x35E0];
	[tilespmem:s8+$0x9A50] =	vst v7;
	v13 =	vadd.f32 v13, v2;
	v45 =	vmul.f32 v12, v3  }
0x1f3: {  	v44 =	vld [tilespmem:s9+$0x35F0];
	[tilespmem:s8+$0x9A60] =	vst v8;
	v7 =	vadd.f32 v43, v2;
	v10 =	vmul.f32 v10, v3  }
0x1f4: {  	v46 =	vld [tilespmem:s9+$0x3600];
	[tilespmem:s9+$0x9A70] =	vst v13;
	v8 =	vadd.f32 v45, v2;
	v11 =	vmul.f32 v11, v3  }
0x1f5: {  	v47 =	vld [tilespmem:s9+$0x3610];
	[tilespmem:s9+$0x9980] =	vst v7;
	v10 =	vadd.f32 v10, v2;
	v4 =	vmul.f32 v4, v3  }
0x1f6: {  	v48 =	vld [tilespmem:s9+$0x3620];
	[tilespmem:s9+$0x9990] =	vst v8;
	v11 =	vadd.f32 v11, v2;
	v5 =	vmul.f32 v5, v3  }
0x1f7: {  	v49 =	vld [tilespmem:s9+$0x3630];
	[tilespmem:s9+$0x99A0] =	vst v10;
	v4 =	vadd.f32 v4, v2;
	v6 =	vmul.f32 v6, v3  }
0x1f8: {  	v50 =	vld [tilespmem:s9+$0x3640];
	[tilespmem:s9+$0x99B0] =	vst v11;
	v5 =	vadd.f32 v5, v2;
	v51 =	vmul.f32 v44, v3  }
0x1f9: {  	v52 =	vld [tilespmem:s9+$0x3650];
	[tilespmem:s9+$0x99C0] =	vst v4;
	v6 =	vadd.f32 v6, v2;
	v12 =	vmul.f32 v46, v3  }
0x1fa: {  	v54 =	vld [tilespmem:s9+$0x3660];
	v53 =	vmul.f32 v47, v3;
	[tilespmem:s9+$0x99D0] =	vst v5;
	v4 =	vadd.f32 v51, v2  }
0x1fb: {  	v8 =	vmul.f32 v48, v3;
	[tilespmem:s9+$0x99E0] =	vst v6;
	v55 =	vadd.f32 v12, v2  }
0x1fc: {  	v57 =	vmul.f32 v49, v3;
	v56 =	vadd.f32 v53, v2;
	[tilespmem:s9+$0x99F0] =	vst v4  }
0x1fd: {  	v59 =	vmul.f32 v50, v3;
	v58 =	vadd.f32 v8, v2;
	[tilespmem:s9+$0x9A00] =	vst v55  }
0x1fe: {  	v61 =	vmul.f32 v52, v3;
	v60 =	vadd.f32 v57, v2;
	[tilespmem:s9+$0x9A10] =	vst v56  }
0x1ff: {  	s5 =	smul.u32 $0x30E00, s7;
	v3 =	vmul.f32 v54, v3;
	v62 =	vadd.f32 v59, v2;
	[tilespmem:s9+$0x9A20] =	vst v58  }
0x200: {  	v63 =	vadd.f32 v61, v2;
	[tilespmem:s9+$0x9A30] =	vst v60  }
0x201: {  	s5 =	sadd.s32 s19, s5;
	v2 =	vadd.f32 v3, v2;
	[tilespmem:s9+$0x9A40] =	vst v62  }
0x202: {  	p4 =	sgt.u32 s18, $0x16;
	s5 =	sshrl.u32 s5, $0x3;
	[tilespmem:s9+$0x9A50] =	vst v63  }
0x203: {  	s16 =	simm.s32 $0x9980;
	s7 =	smul.u32 @!p4 $0xC3800, s18;
	s5 =	sadd.s32 s3, s5;
	[tilespmem:s9+$0x9A60] =	vst v2  }
0x204: {  	[hbm4b:s5+s4] =	stream.linear.scatter [tilespmem:s16], [sflag:$0x7], $0x1900, $0x38;
	[tilespmem:$0x10380] =	vst v63  }
0x205: {  	s5 =	sadd.s32 @!p4 s7, s22  }
0x206: {  	s5 =	sshrl.u32 @!p4 s5, $0x3  }
0x207: {  	s8 =	simm.s32 @!p4 $0x3580;
	s7 =	simm.s32 @!p4 $0x0;
	s5 =	sadd.s32 @!p4 s1, s5  }
0x208: {  	[tilespmem:s8], [sflag:$0x3] =	stream.linear.gather @!p4 [hbm4b:s5+s7], $0x1900, $0x38;
	[tilespmem:$0x10380] =	vst v63  }
.LBB2_20:
0x209: {  	s24 =	sor.u32 $0x3, s24  }
0x20a: {  	p4 =	sgt.u32 s24, $0x61  }
.Ltmp15:
0x20b: {  	_ = 	snop;
	(pc) =	sbr.rel @p4 .LBB2_28-.Ltmp15, $1  }
0x20c: {  	_ =	sdelay $0x3  }
.Ltmp16:
0x20d: {  	(pc) =	sbr.rel @p2 .LBB2_25-.Ltmp16, $1  }
0x20e: {  	_ =	sdelay $0x3  }
0x20f: {  	_ =	swait.ge [sflag:s11], $0x700  }
0x210: {  	v2 =	vmov s24;
	[sflag:s11] =	ssyncset.done $0x0  }
0x211: {  	s5 =	simm.s32 @!p3 $0x8;
	[sflag:s11] =	ssyncadd.s32 $0xFFFFF900  }
0x212: {  	_ =	swait.ge @!p3 [sflag:s5], $0x700  }
0x213: {  	s13 =	simm.s32 $0x0;
	[sflag:s5] =	ssyncset.done @!p3 $0x0  }
0x214: {  	s7 =	sand.u32 $0x70, s13;
	s8 =	sand.u32 $0x700, s13;
	[sflag:s5] =	ssyncadd.s32 @!p3 $0xFFFFF900  }
0x215: {  	s5 =	sor.u32 s7, s8;
	v3 =	vld.idx.msk [tilespmem:v2+s13+$0x0], $0xffff  }
0x216: {  	v4 =	vld [tilespmem:s5+$0xE100]  }
0x217: {  	v5 =	vld [tilespmem:s5+$0xE080]  }
0x218: {  	v2 =	vld.idx.msk [tilespmem:v2+s0+$0x0], $0xffff  }
0x219: {  	s16 =	simm.s32 $0x10;
	s8 =	simm.s32 $0x20  }
0x21a: {  	s7 =	sand.u32 $0x70, s16;
	s9 =	sand.u32 $0x700, s8  }
0x21b: {  	s7 =	sor.u32 s7, s9;
	v6 =	vmul.f32 v4, v3  }
0x21c: {  	v8 =	vmul.f32 v5, v3;
	v5 =	vld [tilespmem:s7+$0xE100]  }
0x21d: {  	v4 =	vld [tilespmem:s7+$0xE080];
	v7 =	vadd.f32 v6, v2  }
0x21e: {  	s9 =	simm.s32 $0x20;
	v6 =	vadd.f32 v8, v2  }
.LBB2_23:
0x21f: {  	s10 =	sand.u32 $0x70, s9;
	s8 =	sadd.s32 $0x20, s8;
	[tilespmem:s5+$0xFD00] =	vst v7;
	p3 =	sne.s32 s9, $0x310  }
.Ltmp17:
0x220: {  	s9 =	sadd.s32 $0x10, s9;
	s12 =	sand.u32 $0x700, s8;
	[tilespmem:s5+$0xFC80] =	vst v6;
	(pc) =	sbr.rel @p3 .LBB2_23-.Ltmp17, $4  }
0x221: {  	s5 =	smov.u32 s7;
	v6 =	vmul.f32 v5, v3;
	s7 =	sor.u32 s10, s12  }
0x222: {  	v5 =	vld [tilespmem:s7+$0xE100];
	v8 =	vmul.f32 v4, v3  }
0x223: {  	v4 =	vld [tilespmem:s7+$0xE080];
	v7 =	vadd.f32 v6, v2  }
0x224: {  	v6 =	vadd.f32 v8, v2  }
0x225: {  	_ =	sdelay $0x1  }
0x226: {  	v5 =	vmul.f32 v5, v3  }
0x227: {  	s8 =	smul.u32 $0x30E00, s24;
	v3 =	vmul.f32 v4, v3  }
0x228: {  	[tilespmem:s5+$0xFD00] =	vst v7;
	v63 =	vadd.f32 v5, v2  }
0x229: {  	[tilespmem:s5+$0xFC80] =	vst v6;
	s16 =	sshrl.u32 s8, $0x3;
	v2 =	vadd.f32 v3, v2  }
0x22a: {  	p3 =	slt.u32 s18, $0x17;
	s5 =	sadd.s32 s3, s16;
	[tilespmem:s7+$0xFD00] =	vst v63  }
0x22b: {  	s24 =	simm.s32 $0xFC80;
	s5 =	sadd.s32 $0x60E0, s5;
	[tilespmem:s7+$0xFC80] =	vst v2;
	s7 =	smul.u32 @p3 $0xC3800, s18  }
0x22c: {  	[hbm4b:s5+s4] =	stream.linear.scatter [tilespmem:s24], [sflag:$0x8], $0x700, $0x38;
	[tilespmem:$0x10380] =	vst v63  }
.Ltmp18:
0x22d: {  	_ = 	snop;
	(pc) =	sbr.rel .LBB2_28-.Ltmp18, $4  }
0x22e: {  	s5 =	sshrl.u32 @p3 s7, $0x3  }
0x22f: {  	s5 =	sadd.s32 @p3 s1, s5  }
0x230: {  	s8 =	simm.s32 @p3 $0xE080;
	s7 =	simm.s32 @p3 $0x0;
	s5 =	sadd.s32 @p3 $0x30D20, s5  }
0x231: {  	[tilespmem:s8], [sflag:$0x4] =	stream.linear.gather @p3 [hbm4b:s5+s7], $0x700, $0x38;
	[tilespmem:$0x10380] =	vst v63  }
.LBB2_25:
0x232: {  	_ =	swait.ge [sflag:s11], $0x1900  }
0x233: {  	v2 =	vmov s24;
	[sflag:s11] =	ssyncset.done $0x0  }
0x234: {  	s5 =	simm.s32 @!p3 $0x8;
	[sflag:s11] =	ssyncadd.s32 $0xFFFFE700  }
0x235: {  	_ =	swait.ge @!p3 [sflag:s5], $0x1900  }
0x236: {  	[sflag:s5] =	ssyncset.done @!p3 $0x0  }
0x237: {  	s16 =	simm.s32 $0x0;
	[sflag:s5] =	ssyncadd.s32 @!p3 $0xFFFFE700  }
0x238: {  	s7 =	simm.s32 $0x0;
	v3 =	vld.idx.msk [tilespmem:v2+s16+$0x0], $0xffff  }
0x239: {  	v4 =	vld [tilespmem:s7+$0x4F70]  }
0x23a: {  	v2 =	vld.idx.msk [tilespmem:v2+s0+$0x0], $0xffff  }
0x23b: {  	v5 =	vld [tilespmem:s7+$0x4E80]  }
0x23c: {  	v6 =	vld [tilespmem:s7+$0x4E90]  }
0x23d: {  	v7 =	vld [tilespmem:s7+$0x4EA0]  }
0x23e: {  	v4 =	vmul.f32 v4, v3  }
0x23f: {  	v8 =	vld [tilespmem:s7+$0x4EB0]  }
0x240: {  	v9 =	vld [tilespmem:s7+$0x4EC0];
	v5 =	vmul.f32 v5, v3;
	v4 =	vadd.f32 v4, v2  }
0x241: {  	v10 =	vld [tilespmem:s7+$0x4ED0];
	v6 =	vmul.f32 v6, v3  }
0x242: {  	v5 =	vadd.f32 v5, v2;
	[tilespmem:s7+$0xB370] =	vst v4;
	v4 =	vmul.f32 v7, v3  }
0x243: {  	v11 =	vld [tilespmem:s7+$0x4EE0];
	v6 =	vadd.f32 v6, v2  }
0x244: {  	v12 =	vld [tilespmem:s7+$0x4EF0];
	[tilespmem:s7+$0xB280] =	vst v5;
	v5 =	vmul.f32 v8, v3;
	v7 =	vadd.f32 v4, v2  }
0x245: {  	v13 =	vld [tilespmem:s7+$0x4F00];
	[tilespmem:s7+$0xB290] =	vst v6;
	v6 =	vmul.f32 v9, v3  }
0x246: {  	v14 =	vld [tilespmem:s7+$0x4F10];
	v8 =	vadd.f32 v5, v2;
	[tilespmem:s7+$0xB2A0] =	vst v7;
	v7 =	vmul.f32 v10, v3  }
0x247: {  	v4 =	vld [tilespmem:s7+$0x4F20];
	v9 =	vadd.f32 v6, v2  }
0x248: {  	v5 =	vld [tilespmem:s7+$0x4F30];
	[tilespmem:s7+$0xB2B0] =	vst v8;
	v8 =	vmul.f32 v11, v3;
	v10 =	vadd.f32 v7, v2  }
0x249: {  	v6 =	vld [tilespmem:s7+$0x4F40];
	[tilespmem:s7+$0xB2C0] =	vst v9;
	v11 =	vmul.f32 v12, v3  }
0x24a: {  	v7 =	vld [tilespmem:s7+$0x4F50];
	v9 =	vadd.f32 v8, v2;
	[tilespmem:s7+$0xB2D0] =	vst v10;
	v10 =	vmul.f32 v13, v3  }
0x24b: {  	s8 =	simm.s32 $0x100;
	s5 =	simm.s32 $0x800;
	v12 =	vadd.f32 v11, v2;
	v11 =	vmul.f32 v14, v3;
	v8 =	vld [tilespmem:s7+$0x4F60]  }
.LBB2_26:
0x24c: {  	p3 =	seq.s32 s5, $0x6000;
	v13 =	vld [tilespmem:s8+$0x4F70];
	[tilespmem:s7+$0xB2E0] =	vst v9;
	v9 =	vadd.f32 v10, v2;
	v4 =	vmul.f32 v4, v3  }
0x24d: {  	v11 =	vadd.f32 v11, v2;
	v5 =	vmul.f32 v5, v3;
	v10 =	vld [tilespmem:s8+$0x4E80];
	[tilespmem:s7+$0xB2F0] =	vst v12  }
0x24e: {  	v6 =	vmul.f32 v6, v3;
	v12 =	vld [tilespmem:s8+$0x4E90];
	[tilespmem:s7+$0xB300] =	vst v9;
	v4 =	vadd.f32 v4, v2  }
0x24f: {  	v7 =	vmul.f32 v7, v3;
	v5 =	vadd.f32 v5, v2;
	v9 =	vld [tilespmem:s8+$0x4EA0];
	[tilespmem:s7+$0xB310] =	vst v11  }
0x250: {  	v11 =	vld [tilespmem:s8+$0x4EB0];
	[tilespmem:s7+$0xB320] =	vst v4;
	v4 =	vadd.f32 v6, v2;
	v6 =	vmul.f32 v8, v3  }
0x251: {  	v8 =	vld [tilespmem:s8+$0x4EC0];
	v13 =	vmul.f32 v13, v3;
	[tilespmem:s7+$0xB330] =	vst v5;
	v5 =	vadd.f32 v7, v2  }
0x252: {  	v7 =	vmul.f32 v10, v3;
	v10 =	vld [tilespmem:s8+$0x4ED0];
	[tilespmem:s7+$0xB340] =	vst v4;
	v4 =	vadd.f32 v6, v2  }
0x253: {  	v6 =	vmul.f32 v12, v3;
	v12 =	vld [tilespmem:s8+$0x4EE0];
	v13 =	vadd.f32 v13, v2;
	[tilespmem:s7+$0xB350] =	vst v5  }
0x254: {  	v5 =	vadd.f32 v7, v2;
	v7 =	vmul.f32 v9, v3;
	v9 =	vld [tilespmem:s8+$0x4EF0];
	[tilespmem:s7+$0xB360] =	vst v4;
	s7 =	smov.u32 s8  }
0x255: {  	v4 =	vadd.f32 v6, v2;
	v6 =	vmul.f32 v11, v3;
	v11 =	vld [tilespmem:s7+$0x4F00];
	[tilespmem:s7+$0xB370] =	vst v13  }
0x256: {  	[tilespmem:s7+$0xB280] =	vst v5;
	v5 =	vadd.f32 v7, v2;
	v7 =	vmul.f32 v8, v3;
	v8 =	vld [tilespmem:s7+$0x4F10]  }
.Ltmp19:
0x257: {  	[tilespmem:s7+$0xB290] =	vst v4;
	v6 =	vadd.f32 v6, v2;
	v10 =	vmul.f32 v10, v3;
	v4 =	vld [tilespmem:s7+$0x4F20];
	(pc) =	sbr.rel @!p3 .LBB2_26-.Ltmp19, $4  }
0x258: {  	[tilespmem:s7+$0xB2A0] =	vst v5;
	v7 =	vadd.f32 v7, v2;
	v12 =	vmul.f32 v12, v3;
	v5 =	vld [tilespmem:s7+$0x4F30]  }
0x259: {  	[tilespmem:s7+$0xB2B0] =	vst v6;
	v13 =	vadd.f32 v10, v2;
	v14 =	vmul.f32 v9, v3;
	v6 =	vld [tilespmem:s7+$0x4F40]  }
0x25a: {  	[tilespmem:s7+$0xB2C0] =	vst v7;
	v9 =	vadd.f32 v12, v2;
	v10 =	vmul.f32 v11, v3;
	v7 =	vld [tilespmem:s7+$0x4F50]  }
0x25b: {  	s8 =	sshra.s32 s5, $0x2;
	s5 =	sadd.s32 $0x400, s5;
	[tilespmem:s7+$0xB2D0] =	vst v13;
	v12 =	vadd.f32 v14, v2;
	v11 =	vmul.f32 v8, v3;
	v8 =	vld [tilespmem:s7+$0x4F60]  }
.Ltmp20:
0x25c: {  	_ = 	snop;
	(pc) =	sbr.rel .LBB2_27-.Ltmp20, $1  }
0x25d: {  	_ =	sdelay $0x3  }
.LBB2_29:
.Ltmp21:
0x25e: {  	(pc) =	sbr.rel @p0 .LBB2_31-.Ltmp21, $1  }
0x25f: {  	_ =	sdelay $0x3  }
0x260: {  	s5 =	simm.s32 $0x5  }
0x261: {  	_ =	swait.ge [sflag:s5], $0x1900  }
0x262: {  	[sflag:s5] =	ssyncset.done $0x0  }
0x263: {  	s16 =	simm.s32 $0x6;
	[sflag:s5] =	ssyncadd.s32 $0xFFFFE700  }
0x264: {  	_ =	swait.ge [sflag:s16], $0x1900  }
0x265: {  	[sflag:s16] =	ssyncset.done $0x0  }
0x266: {  	s18 =	simm.s32 $0x7;
	[sflag:s16] =	ssyncadd.s32 $0xFFFFE700  }
0x267: {  	_ =	swait.ge [sflag:s18], $0x1900  }
.Ltmp22:
0x268: {  	[sflag:s18] =	ssyncset.done $0x0;
	(pc) =	sbr.rel .LBB2_32-.Ltmp22, $4  }
0x269: {  	s24 =	simm.s32 $0x8;
	[sflag:s18] =	ssyncadd.s32 $0xFFFFE700  }
0x26a: {  	_ =	swait.ge [sflag:s24], $0x1900  }
0x26b: {  	[sflag:s24] =	ssyncset.done $0x0  }
0x26c: {  	[sflag:s24] =	ssyncadd.s32 $0xFFFFE700  }
.LBB2_33:
0x26d: {  	_ =	sfence.sel $0x180000  }
0x26e: {  	[bflag:$0x0] =	sbarrier.arrive $0xFFFF  }
0x26f: {  	_ =	strace $0x90000047  }
0x270: {  	s0 =	stileid.u32;
	[bflag:$0x2] =	sbarrier.arrive $0xFFFF  }
0x271: {  	p0 =	sne.s32 s0, $0x0;
	s0 =	rddreg [dreg:$0x3]  }
0x272: {  	s0 =	sadd.s32 @!p0 $0x100000, s0  }
0x273: {  	[sflag:s0] =	ssyncadd.tile.s32 @!p0 $0x1;
	_ =	shalt  }
.Lfunc_end2:
_tile_overlayer_lowered:
.L_overlay_start_2:
0x274: {  	(tag) =	ssettag $0x2  }
0x275: {  	s0 =	rddreg [dreg:$0x0];
	s2 =	stileid.u32  }
0x276: {  	s1 =	rddreg [dreg:$0x1];
	p0 =	sne.s32 s2, $0x0  }
0x277: {  	s3 =	rddreg [dreg:$0x2];
	[bflag:$0x3] =	sbarrier.arrive $0xFFFF;
	s2 =	simm.s32 @!p0 $0x1C0A  }
0x278: {  	[timem:s3], [sflag:s2] =	dma.local @!p0 [hbm:s0], s1  }
0x279: {  	s0 =	simm.s32 @!p0 $0xA  }
0x27a: {  	_ =	swait.ge @!p0 [sflag:s0], s1  }
0x27b: {  	s1 =	ssub.s32 @!p0 $0x0, s1;
	[sflag:s0] =	ssyncset.done @!p0 $0x0  }
0x27c: {  	[sflag:s0] =	ssyncadd.s32 @!p0 s1  }
0x27d: {  	[bflag:$0x3] =	sbarrier.arrive $0xFFFF  }
0x27e: {  	_ =	shalt  }

</sc_bundles>
